<compile_context>
chip_gen: v7x
topology: tpu7x:2x2x1
jax: 0.10.2.dev20260603
libtpu: 0.0.44.dev20260713+nightly
codegen_flags: <defaults>
</compile_context>

<pallas_src>
import functools

import jax
import jax.numpy as jnp
from jax import lax
from jax.experimental import pallas as pl
from jax.experimental.pallas import tpu as pltpu
from jax.experimental.pallas import tpu_sc as plsc

NUM_NODES = 50000
SEQ = 12
HID = 64
NC = 2
NS = 16
NW = NC * NS
CHUNK = 128
CPW = 208
EPW = CHUNK * CPW
EPAD = EPW * NW
NPAD = 51200
D = 16
ROWS_PS = NPAD // NS

_mesh = plsc.VectorSubcoreMesh(core_axis_name="c", subcore_axis_name="s")


@functools.partial(
    pl.kernel,
    mesh=_mesh,
    out_type=jax.ShapeDtypeStruct((NC, NPAD, D), jnp.float32),
    compiler_params=pltpu.CompilerParams(use_tc_tiling_on_sc=False),
    scratch_types=[
        pltpu.VMEM((CPW, CHUNK), jnp.int32),
        pltpu.VMEM((CHUNK, D), jnp.float32),
        pltpu.VMEM_SHARED((NPAD, D), jnp.float32),
        pltpu.SemaphoreType.DMA,
        pltpu.SemaphoreType.DMA,
        pltpu.SemaphoreType.DMA,
        pltpu.SemaphoreType.DMA,
    ],
)
def _deg_kernel(dst_hbm, ones_hbm, zeros_hbm, out_hbm, idx_v, ones_v, acc,
                s0, s1, s2, s3):
    cid = lax.axis_index("c")
    sid = lax.axis_index("s")
    wid = sid * NC + cid
    sems = (s0, s1, s2, s3)
    pltpu.sync_copy(ones_hbm, ones_v)
    pltpu.sync_copy(zeros_hbm.at[pl.ds(sid * ROWS_PS, ROWS_PS)],
                    acc.at[pl.ds(sid * ROWS_PS, ROWS_PS)])
    pltpu.sync_copy(dst_hbm.at[pl.ds(wid * CPW, CPW)], idx_v)
    plsc.subcore_barrier()

    def body(g, carry):
        base = g * 4
        handles = [
            pltpu.async_copy(ones_v, acc.at[idx_v.at[base + b]], sems[b],
                             add=True)
            for b in range(4)
        ]
        for h in handles:
            h.wait()
        return carry

    lax.fori_loop(0, CPW // 4, body, 0)
    plsc.subcore_barrier()
    pltpu.sync_copy(acc.at[pl.ds(sid * ROWS_PS, ROWS_PS)],
                    out_hbm.at[cid, pl.ds(sid * ROWS_PS, ROWS_PS)])


@functools.partial(
    pl.kernel,
    mesh=_mesh,
    out_type=jax.ShapeDtypeStruct((NC, NPAD, D), jnp.float32),
    compiler_params=pltpu.CompilerParams(use_tc_tiling_on_sc=False),
    scratch_types=[
        pltpu.VMEM((CPW, CHUNK), jnp.int32),
        pltpu.VMEM((CPW, CHUNK), jnp.int32),
        pltpu.VMEM((4, CHUNK, D), jnp.float32),
        pltpu.VMEM_SHARED((NPAD, D), jnp.float32),
        pltpu.SemaphoreType.DMA,
        pltpu.SemaphoreType.DMA,
        pltpu.SemaphoreType.DMA,
        pltpu.SemaphoreType.DMA,
    ],
)
def _agg_kernel(y_hbm, src_hbm, dst_hbm, zeros_hbm, out_hbm,
                src_v, dst_v, rows_v, acc, s0, s1, s2, s3):
    cid = lax.axis_index("c")
    sid = lax.axis_index("s")
    wid = sid * NC + cid
    sems = (s0, s1, s2, s3)
    pltpu.sync_copy(zeros_hbm.at[pl.ds(sid * ROWS_PS, ROWS_PS)],
                    acc.at[pl.ds(sid * ROWS_PS, ROWS_PS)])
    pltpu.sync_copy(src_hbm.at[pl.ds(wid * CPW, CPW)], src_v)
    pltpu.sync_copy(dst_hbm.at[pl.ds(wid * CPW, CPW)], dst_v)
    plsc.subcore_barrier()

    def body(g, carry):
        base = g * 4
        handles = [
            pltpu.async_copy(y_hbm.at[src_v.at[base + b]], rows_v.at[b], sems[b])
            for b in range(4)
        ]
        for b in range(4):
            handles[b].wait()
            pltpu.sync_copy(rows_v.at[b], acc.at[dst_v.at[base + b]], add=True)
        return carry

    lax.fori_loop(0, CPW // 4, body, 0)
    plsc.subcore_barrier()
    pltpu.sync_copy(acc.at[pl.ds(sid * ROWS_PS, ROWS_PS)],
                    out_hbm.at[cid, pl.ds(sid * ROWS_PS, ROWS_PS)])


BLK_MID = 2048
NBLK_MID = NPAD // BLK_MID
BLK_CONV = 2000
NBLK_CONV = NUM_NODES // BLK_CONV


def _mid_body(s1_ref, deg_ref, w1_ref, b1_ref, w2_ref, y2_ref):
    dinv = lax.rsqrt(jnp.maximum(deg_ref[:, :1], 1.0))
    a1 = s1_ref[:, :SEQ] * dinv
    h1 = jnp.maximum(jnp.dot(a1, w1_ref[...],
                             preferred_element_type=jnp.float32) + b1_ref[...], 0.0)
    g = jnp.dot(h1, w2_ref[...], preferred_element_type=jnp.float32)
    y2_ref[:, :SEQ] = g * dinv
    y2_ref[:, SEQ:] = jnp.zeros((BLK_MID, D - SEQ), jnp.float32)


_mid_call = pl.pallas_call(
    _mid_body,
    grid=(NBLK_MID,),
    in_specs=[
        pl.BlockSpec((BLK_MID, D), lambda i: (i, 0)),
        pl.BlockSpec((BLK_MID, D), lambda i: (i, 0)),
        pl.BlockSpec((SEQ, HID), lambda i: (0, 0)),
        pl.BlockSpec((1, HID), lambda i: (0, 0)),
        pl.BlockSpec((HID, SEQ), lambda i: (0, 0)),
    ],
    out_specs=pl.BlockSpec((BLK_MID, D), lambda i: (i, 0)),
    out_shape=jax.ShapeDtypeStruct((NPAD, D), jnp.float32),
)


def _conv_body(s2a_ref, s2b_ref, dega_ref, degb_ref, b2_ref,
               w0_ref, w1_ref, w2_ref, out_ref):
    dinva = lax.rsqrt(jnp.maximum(dega_ref[:, :1], 1.0))
    dinvb = lax.rsqrt(jnp.maximum(degb_ref[:, :1], 1.0))
    hta = s2a_ref[:, :SEQ] * dinva + b2_ref[...]
    htb = s2b_ref[:, :SEQ] * dinvb + b2_ref[...]
    ht = jnp.concatenate([hta, htb], axis=1)
    dn = (((0,), (0,)), ((), ()))
    m0 = lax.dot_general(ht, w0_ref[...], dn,
                         preferred_element_type=jnp.float32)
    m1 = lax.dot_general(ht, w1_ref[...], dn,
                         preferred_element_type=jnp.float32)
    m2 = lax.dot_general(ht, w2_ref[...], dn,
                         preferred_element_type=jnp.float32)

    def roll1(a):
        return jnp.concatenate([a[-1:], a[:-1]], axis=0)

    def rollm1(a):
        return jnp.concatenate([a[1:], a[:1]], axis=0)

    acc_halves = []
    for h in range(2):
        sl = slice(h * SEQ, (h + 1) * SEQ)
        acc_halves.append(roll1(m0[sl]) + m1[sl] + rollm1(m2[sl]))
    acc = jnp.concatenate(acc_halves, axis=0)

    @pl.when(pl.program_id(0) == 0)
    def _init():
        out_ref[...] = jnp.zeros_like(out_ref)

    out_ref[...] += acc


_conv_call = pl.pallas_call(
    _conv_body,
    grid=(NBLK_CONV,),
    in_specs=[
        pl.BlockSpec((BLK_CONV, D), lambda i: (i, 0)),
        pl.BlockSpec((BLK_CONV, D), lambda i: (i, 0)),
        pl.BlockSpec((BLK_CONV, D), lambda i: (i, 0)),
        pl.BlockSpec((BLK_CONV, D), lambda i: (i, 0)),
        pl.BlockSpec((1, SEQ), lambda i: (0, 0)),
        pl.BlockSpec((BLK_CONV, HID), lambda i: (i, 0)),
        pl.BlockSpec((BLK_CONV, HID), lambda i: (i, 0)),
        pl.BlockSpec((BLK_CONV, HID), lambda i: (i, 0)),
    ],
    out_specs=pl.BlockSpec((2 * SEQ, HID), lambda i: (0, 0)),
    out_shape=jax.ShapeDtypeStruct((2 * SEQ, HID), jnp.float32),
)


def _pad_edges(idx, pad_e, fill):
    flat = jnp.concatenate(
        [idx, jnp.full((pad_e,), fill, jnp.int32)])
    return flat.reshape(EPAD // CHUNK, CHUNK)


def kernel(x, edge_index_list, W1, b1, W2, b2, Wc):
    batch = x.shape[0]
    n_edges = edge_index_list.shape[2]
    loop = jnp.arange(NUM_NODES, dtype=jnp.int32)
    pad_e = EPAD - (n_edges + NUM_NODES)
    zeros_init = jnp.zeros((NPAD, D), jnp.float32)
    ones_rows = jnp.ones((CHUNK, D), jnp.float32)

    degsums = []
    ssum2s = []
    for bi in range(batch):
        src = _pad_edges(
            jnp.concatenate([edge_index_list[bi, 0], loop]), pad_e, NUM_NODES)
        dst = _pad_edges(
            jnp.concatenate([edge_index_list[bi, 1], loop]), pad_e, NUM_NODES)

        deg_part = _deg_kernel(dst, ones_rows, zeros_init)
        degsum = deg_part[0] + deg_part[1]
        dinv = lax.rsqrt(degsum[:NUM_NODES, :1])

        xb = x[bi].T
        y1 = jnp.zeros((NPAD, D), jnp.float32).at[:NUM_NODES, :SEQ].set(xb * dinv)
        s1 = _agg_kernel(y1, src, dst, zeros_init)
        y2 = _mid_call(s1[0] + s1[1], degsum, W1, b1.reshape(1, HID), W2)
        s2 = _agg_kernel(y2, src, dst, zeros_init)

        degsums.append(degsum[:NUM_NODES])
        ssum2s.append((s2[0] + s2[1])[:NUM_NODES])

    out_flat = _conv_call(ssum2s[0], ssum2s[1], degsums[0], degsums[1],
                          b2.reshape(1, SEQ), Wc[:, :, 0].T, Wc[:, :, 1].T,
                          Wc[:, :, 2].T)
    return jnp.stack([out_flat[:SEQ], out_flat[SEQ:]], axis=0)

# --- scband reference (transcript-rebuilt; emitter-appended) ---
"""Pipeline reference for scband-gcnwith-embeddings-91044716740867 (READ-ONLY COPY).

The authoritative reference and input builder live on the scoring server;
editing this copy changes nothing except your own understanding.
"""

import jax, jax.numpy as jnp
import numpy as np

N_NODES = 50000
SEQ_LEN = 12
HIDDEN = 64
BATCH = 2
N_EDGES = 800000


def gcn_conv(xn, src, dst, W, b, num_nodes):
    # PyG GCNConv: add self-loops (done by caller), symmetric normalization,
    # linear transform, scatter-add aggregation at dst, then bias.
    deg = jnp.zeros((num_nodes,), jnp.float32).at[dst].add(1.0)
    dinv = jnp.where(deg > 0, deg ** -0.5, 0.0)
    norm = dinv[src] * dinv[dst]
    h = xn @ W
    msgs = h[src] * norm[:, None]
    out = jnp.zeros((num_nodes, W.shape[1]), jnp.float32).at[dst].add(msgs)
    return out + b


def setup_inputs(seed: int = 0) -> dict:
    key = jax.random.key(seed)
    ks = jax.random.split(key, 8)
    x = jax.random.normal(ks[0], (BATCH, SEQ_LEN, N_NODES), jnp.float32)
    edge_index_list = jax.random.randint(ks[1], (BATCH, 2, N_EDGES), 0, N_NODES, dtype=jnp.int32)
    W1 = jax.random.normal(ks[2], (SEQ_LEN, HIDDEN), jnp.float32) * (1.0 / np.sqrt(SEQ_LEN))
    b1 = jnp.zeros((HIDDEN,), jnp.float32)
    W2 = jax.random.normal(ks[3], (HIDDEN, SEQ_LEN), jnp.float32) * (1.0 / np.sqrt(HIDDEN))
    b2 = jnp.zeros((SEQ_LEN,), jnp.float32)
    # TokenEmbedding Conv1d weight: [out_channels=HIDDEN, in_channels=N_NODES, kernel=3], no bias
    Wc = jax.random.normal(ks[4], (HIDDEN, N_NODES, 3), jnp.float32) * (1.0 / np.sqrt(N_NODES * 3))
    return {"x": x, "edge_index_list": edge_index_list, "W1": W1, "b1": b1, "W2": W2, "b2": b2, "Wc": Wc}


def reference(x, edge_index_list, W1, b1, W2, b2, Wc):
    outs = []
    loop = jnp.arange(N_NODES, dtype=edge_index_list.dtype)
    for bi in range(x.shape[0]):
        src = jnp.concatenate([edge_index_list[bi, 0], loop])
        dst = jnp.concatenate([edge_index_list[bi, 1], loop])
        xb = x[bi].T  # [N_NODES, SEQ_LEN]
        h = gcn_conv(xb, src, dst, W1, b1, N_NODES)
        h = jax.nn.relu(h)
        h = gcn_conv(h, src, dst, W2, b2, N_NODES).T  # [SEQ_LEN, N_NODES]
        z = h[None]  # [1, SEQ_LEN, N_NODES]
        # TokenEmbedding: permute to NCH, circular pad 1, valid conv, transpose back
        zt = jnp.transpose(z, (0, 2, 1))  # [1, N_NODES, SEQ_LEN]
        zp = jnp.pad(zt, ((0, 0), (0, 0), (1, 1)), mode='wrap')
        out = jax.lax.conv_general_dilated(zp, Wc, window_strides=(1,), padding='VALID', dimension_numbers=('NCH', 'OIH', 'NCH'))
        # dropout is identity in eval mode
        outs.append(jnp.transpose(out, (0, 2, 1)))  # [1, SEQ_LEN, HIDDEN]
    return jnp.concatenate(outs, axis=0)

if __name__ == "__main__":
    import jax
    _d = setup_inputs()
    print(jax.jit(kernel)(*tuple(_d.values())))

</pallas_src>

<mosaic_0001>
#map = affine_map<(d0, d1) -> (0, 0)>
#map1 = affine_map<(d0, d1) -> (0, 0, 0)>
module attributes {stable_mosaic.version = 14 : i64} {
  func.func @_agg_kernel(%arg0: i32, %arg1: i32, %arg2: memref<51200x16xf32, #tpu.memory_space<hbm>>, %arg3: memref<6656x128xi32, #tpu.memory_space<hbm>>, %arg4: memref<6656x128xi32, #tpu.memory_space<hbm>>, %arg5: memref<51200x16xf32, #tpu.memory_space<hbm>>, %arg6: memref<2x51200x16xf32, #tpu.memory_space<hbm>>, %arg7: memref<208x128xi32, #tpu.memory_space<vmem>>, %arg8: memref<208x128xi32, #tpu.memory_space<vmem>>, %arg9: memref<4x128x16xf32, #tpu.memory_space<vmem>>, %arg10: memref<51200x16xf32, #tpu.memory_space<vmem_shared>>, %arg11: memref<!tpu.dma_semaphore, #tpu.memory_space<semaphore_mem>>, %arg12: memref<!tpu.dma_semaphore, #tpu.memory_space<semaphore_mem>>, %arg13: memref<!tpu.dma_semaphore, #tpu.memory_space<semaphore_mem>>, %arg14: memref<!tpu.dma_semaphore, #tpu.memory_space<semaphore_mem>>) attributes {dimension_semantics = [#tpu.dimension_semantics<core_parallel>, #tpu.dimension_semantics<subcore_parallel>], iteration_bounds = array<i64: 2, 16>, scalar_prefetch = 0 : i64, scratch_operands = 8 : i64, tpu.core_type = #tpu.core_type<sc_vector_subcore>, window_params = [{transform_indices = #map}, {transform_indices = #map}, {transform_indices = #map}, {transform_indices = #map}, {transform_indices = #map1}]} {
    %mul3A = arith.constant 2 : i32
    %mul3A_0 = arith.muli %arg1, %mul3A : i32
    %add3A = arith.addi %mul3A_0, %arg0 : i32
    %mul3A_1 = arith.constant 3200 : i32
    %mul3A_2 = arith.muli %arg1, %mul3A_1 : i32
    %mul3A_3 = arith.constant 3200 : i32
    %mul3A_4 = arith.muli %arg1, %mul3A_3 : i32
    "tpu.region"() ({
      %run_scoped3A = tpu.sem_alloc : memref<!tpu.dma_semaphore, #tpu.memory_space<semaphore_mem>>
      %dma_start3A = arith.constant 0 : i32
      %dma_start3A_19 = tpu.memref_slice %arg10[%mul3A_4, %dma_start3A] : memref<51200x16xf32, #tpu.memory_space<vmem_shared>> -> memref<3200x16xf32, #tpu.memory_space<vmem_shared>>
      %dma_start3A_20 = arith.constant 0 : i32
      %dma_start3A_21 = tpu.memref_slice %arg5[%mul3A_2, %dma_start3A_20] : memref<51200x16xf32, #tpu.memory_space<hbm>> -> memref<3200x16xf32, #tpu.memory_space<hbm>>
      tpu.enqueue_dma source(%dma_start3A_21 : memref<3200x16xf32, #tpu.memory_space<hbm>>) target(%dma_start3A_19 : memref<3200x16xf32, #tpu.memory_space<vmem_shared>>) target_semaphore(%run_scoped3A : memref<!tpu.dma_semaphore, #tpu.memory_space<semaphore_mem>>)
      %dma_wait3A = arith.constant 0 : i32
      %dma_wait3A_22 = tpu.memref_slice %arg10[%mul3A_4, %dma_wait3A] : memref<51200x16xf32, #tpu.memory_space<vmem_shared>> -> memref<3200x16xf32, #tpu.memory_space<vmem_shared>>
      %dma_wait3A_23 = arith.constant 0 : i32
      %dma_wait3A_24 = tpu.memref_slice %arg5[%mul3A_2, %dma_wait3A_23] : memref<51200x16xf32, #tpu.memory_space<hbm>> -> memref<3200x16xf32, #tpu.memory_space<hbm>>
      tpu.wait_dma2 semaphore(%run_scoped3A : memref<!tpu.dma_semaphore, #tpu.memory_space<semaphore_mem>>) src(%dma_wait3A_24 : memref<3200x16xf32, #tpu.memory_space<hbm>>) dst(%dma_wait3A_22 : memref<3200x16xf32, #tpu.memory_space<vmem_shared>>)
      tpu.yield
    }) : () -> ()
    %mul3A_5 = arith.constant 208 : i32
    %mul3A_6 = arith.muli %add3A, %mul3A_5 : i32
    "tpu.region"() ({
      %run_scoped3A = tpu.sem_alloc : memref<!tpu.dma_semaphore, #tpu.memory_space<semaphore_mem>>
      %dma_start3A = arith.constant 0 : i32
      %dma_start3A_19 = tpu.memref_slice %arg3[%mul3A_6, %dma_start3A] : memref<6656x128xi32, #tpu.memory_space<hbm>> -> memref<208x128xi32, #tpu.memory_space<hbm>>
      %dma_start3A_20 = arith.constant 0 : i32
      %dma_start3A_21 = tpu.memref_slice %arg3[%mul3A_6, %dma_start3A_20] : memref<6656x128xi32, #tpu.memory_space<hbm>> -> memref<208x128xi32, #tpu.memory_space<hbm>>
      tpu.enqueue_dma source(%dma_start3A_21 : memref<208x128xi32, #tpu.memory_space<hbm>>) target(%arg7 : memref<208x128xi32, #tpu.memory_space<vmem>>) target_semaphore(%run_scoped3A : memref<!tpu.dma_semaphore, #tpu.memory_space<semaphore_mem>>)
      %dma_wait3A = arith.constant 0 : i32
      %dma_wait3A_22 = tpu.memref_slice %arg3[%mul3A_6, %dma_wait3A] : memref<6656x128xi32, #tpu.memory_space<hbm>> -> memref<208x128xi32, #tpu.memory_space<hbm>>
      %dma_wait3A_23 = arith.constant 0 : i32
      %dma_wait3A_24 = tpu.memref_slice %arg3[%mul3A_6, %dma_wait3A_23] : memref<6656x128xi32, #tpu.memory_space<hbm>> -> memref<208x128xi32, #tpu.memory_space<hbm>>
      tpu.wait_dma2 semaphore(%run_scoped3A : memref<!tpu.dma_semaphore, #tpu.memory_space<semaphore_mem>>) src(%dma_wait3A_24 : memref<208x128xi32, #tpu.memory_space<hbm>>) dst(%arg7 : memref<208x128xi32, #tpu.memory_space<vmem>>)
      tpu.yield
    }) : () -> ()
    %mul3A_7 = arith.constant 208 : i32
    %mul3A_8 = arith.muli %add3A, %mul3A_7 : i32
    "tpu.region"() ({
      %run_scoped3A = tpu.sem_alloc : memref<!tpu.dma_semaphore, #tpu.memory_space<semaphore_mem>>
      %dma_start3A = arith.constant 0 : i32
      %dma_start3A_19 = tpu.memref_slice %arg4[%mul3A_8, %dma_start3A] : memref<6656x128xi32, #tpu.memory_space<hbm>> -> memref<208x128xi32, #tpu.memory_space<hbm>>
      %dma_start3A_20 = arith.constant 0 : i32
      %dma_start3A_21 = tpu.memref_slice %arg4[%mul3A_8, %dma_start3A_20] : memref<6656x128xi32, #tpu.memory_space<hbm>> -> memref<208x128xi32, #tpu.memory_space<hbm>>
      tpu.enqueue_dma source(%dma_start3A_21 : memref<208x128xi32, #tpu.memory_space<hbm>>) target(%arg8 : memref<208x128xi32, #tpu.memory_space<vmem>>) target_semaphore(%run_scoped3A : memref<!tpu.dma_semaphore, #tpu.memory_space<semaphore_mem>>)
      %dma_wait3A = arith.constant 0 : i32
      %dma_wait3A_22 = tpu.memref_slice %arg4[%mul3A_8, %dma_wait3A] : memref<6656x128xi32, #tpu.memory_space<hbm>> -> memref<208x128xi32, #tpu.memory_space<hbm>>
      %dma_wait3A_23 = arith.constant 0 : i32
      %dma_wait3A_24 = tpu.memref_slice %arg4[%mul3A_8, %dma_wait3A_23] : memref<6656x128xi32, #tpu.memory_space<hbm>> -> memref<208x128xi32, #tpu.memory_space<hbm>>
      tpu.wait_dma2 semaphore(%run_scoped3A : memref<!tpu.dma_semaphore, #tpu.memory_space<semaphore_mem>>) src(%dma_wait3A_24 : memref<208x128xi32, #tpu.memory_space<hbm>>) dst(%arg8 : memref<208x128xi32, #tpu.memory_space<vmem>>)
      tpu.yield
    }) : () -> ()
    %barrier3A = arith.constant 0 : index
    tpu.barrier barrier_id(%barrier3A)
    %scan3A = arith.constant 0 : i32
    %scan3A_9 = arith.constant 0 : i32
    %scan3A_10 = arith.constant 52 : i32
    %scan3A_11 = arith.addi %scan3A_9, %scan3A_10 : i32
    %scan3A_12 = arith.constant 1 : i32
    scf.for %scan3A_19 = %scan3A_9 to %scan3A_11 step %scan3A_12  : i32 {
      %mul3A_20 = arith.constant 4 : i32
      %mul3A_21 = arith.muli %scan3A_19, %mul3A_20 : i32
      %add3A_22 = arith.constant 0 : i32
      %add3A_23 = arith.addi %mul3A_21, %add3A_22 : i32
      %dma_start3A = arith.constant 0 : i32
      %dma_start3A_24 = arith.constant 0 : i32
      %dma_start3A_25 = arith.constant 0 : i32
      %dma_start3A_26 = tpu.memref_slice %arg9[%dma_start3A, %dma_start3A_24, %dma_start3A_25] : memref<4x128x16xf32, #tpu.memory_space<vmem>> -> memref<1x128x16xf32, #tpu.memory_space<vmem>>
      %dma_start3A_27 = tpu.memref_squeeze %dma_start3A_26 : memref<1x128x16xf32, #tpu.memory_space<vmem>> -> memref<128x16xf32, #tpu.memory_space<vmem>>
      %dma_start3A_28 = arith.constant 0 : i32
      %dma_start3A_29 = tpu.memref_slice %arg7[%add3A_23, %dma_start3A_28] : memref<208x128xi32, #tpu.memory_space<vmem>> -> memref<1x128xi32, #tpu.memory_space<vmem>>
      %dma_start3A_30 = tpu.memref_squeeze %dma_start3A_29 : memref<1x128xi32, #tpu.memory_space<vmem>> -> memref<128xi32, #tpu.memory_space<vmem>>
      %dma_start3A_31 = arith.constant 0 : i32
      %dma_start3A_32 = arith.constant 0 : i32
      %dma_start3A_33 = tpu.memref_slice %arg2[%dma_start3A_31, %dma_start3A_32] : memref<51200x16xf32, #tpu.memory_space<hbm>> -> memref<51200x16xf32, #tpu.memory_space<hbm>>
      tpu.enqueue_indirect_dma source(%dma_start3A_33 : memref<51200x16xf32, #tpu.memory_space<hbm>>) target(%dma_start3A_27 : memref<128x16xf32, #tpu.memory_space<vmem>>) offsets(%dma_start3A_30 : memref<128xi32, #tpu.memory_space<vmem>>) semaphore(%arg11 : memref<!tpu.dma_semaphore, #tpu.memory_space<semaphore_mem>>)
      %add3A_34 = arith.constant 1 : i32
      %add3A_35 = arith.addi %mul3A_21, %add3A_34 : i32
      %dma_start3A_36 = arith.constant 1 : i32
      %dma_start3A_37 = arith.constant 0 : i32
      %dma_start3A_38 = arith.constant 0 : i32
      %dma_start3A_39 = tpu.memref_slice %arg9[%dma_start3A_36, %dma_start3A_37, %dma_start3A_38] : memref<4x128x16xf32, #tpu.memory_space<vmem>> -> memref<1x128x16xf32, #tpu.memory_space<vmem>>
      %dma_start3A_40 = tpu.memref_squeeze %dma_start3A_39 : memref<1x128x16xf32, #tpu.memory_space<vmem>> -> memref<128x16xf32, #tpu.memory_space<vmem>>
      %dma_start3A_41 = arith.constant 0 : i32
      %dma_start3A_42 = tpu.memref_slice %arg7[%add3A_35, %dma_start3A_41] : memref<208x128xi32, #tpu.memory_space<vmem>> -> memref<1x128xi32, #tpu.memory_space<vmem>>
      %dma_start3A_43 = tpu.memref_squeeze %dma_start3A_42 : memref<1x128xi32, #tpu.memory_space<vmem>> -> memref<128xi32, #tpu.memory_space<vmem>>
      %dma_start3A_44 = arith.constant 0 : i32
      %dma_start3A_45 = arith.constant 0 : i32
      %dma_start3A_46 = tpu.memref_slice %arg2[%dma_start3A_44, %dma_start3A_45] : memref<51200x16xf32, #tpu.memory_space<hbm>> -> memref<51200x16xf32, #tpu.memory_space<hbm>>
      tpu.enqueue_indirect_dma source(%dma_start3A_46 : memref<51200x16xf32, #tpu.memory_space<hbm>>) target(%dma_start3A_40 : memref<128x16xf32, #tpu.memory_space<vmem>>) offsets(%dma_start3A_43 : memref<128xi32, #tpu.memory_space<vmem>>) semaphore(%arg12 : memref<!tpu.dma_semaphore, #tpu.memory_space<semaphore_mem>>)
      %add3A_47 = arith.constant 2 : i32
      %add3A_48 = arith.addi %mul3A_21, %add3A_47 : i32
      %dma_start3A_49 = arith.constant 2 : i32
      %dma_start3A_50 = arith.constant 0 : i32
      %dma_start3A_51 = arith.constant 0 : i32
      %dma_start3A_52 = tpu.memref_slice %arg9[%dma_start3A_49, %dma_start3A_50, %dma_start3A_51] : memref<4x128x16xf32, #tpu.memory_space<vmem>> -> memref<1x128x16xf32, #tpu.memory_space<vmem>>
      %dma_start3A_53 = tpu.memref_squeeze %dma_start3A_52 : memref<1x128x16xf32, #tpu.memory_space<vmem>> -> memref<128x16xf32, #tpu.memory_space<vmem>>
      %dma_start3A_54 = arith.constant 0 : i32
      %dma_start3A_55 = tpu.memref_slice %arg7[%add3A_48, %dma_start3A_54] : memref<208x128xi32, #tpu.memory_space<vmem>> -> memref<1x128xi32, #tpu.memory_space<vmem>>
      %dma_start3A_56 = tpu.memref_squeeze %dma_start3A_55 : memref<1x128xi32, #tpu.memory_space<vmem>> -> memref<128xi32, #tpu.memory_space<vmem>>
      %dma_start3A_57 = arith.constant 0 : i32
      %dma_start3A_58 = arith.constant 0 : i32
      %dma_start3A_59 = tpu.memref_slice %arg2[%dma_start3A_57, %dma_start3A_58] : memref<51200x16xf32, #tpu.memory_space<hbm>> -> memref<51200x16xf32, #tpu.memory_space<hbm>>
      tpu.enqueue_indirect_dma source(%dma_start3A_59 : memref<51200x16xf32, #tpu.memory_space<hbm>>) target(%dma_start3A_53 : memref<128x16xf32, #tpu.memory_space<vmem>>) offsets(%dma_start3A_56 : memref<128xi32, #tpu.memory_space<vmem>>) semaphore(%arg13 : memref<!tpu.dma_semaphore, #tpu.memory_space<semaphore_mem>>)
      %add3A_60 = arith.constant 3 : i32
      %add3A_61 = arith.addi %mul3A_21, %add3A_60 : i32
      %dma_start3A_62 = arith.constant 3 : i32
      %dma_start3A_63 = arith.constant 0 : i32
      %dma_start3A_64 = arith.constant 0 : i32
      %dma_start3A_65 = tpu.memref_slice %arg9[%dma_start3A_62, %dma_start3A_63, %dma_start3A_64] : memref<4x128x16xf32, #tpu.memory_space<vmem>> -> memref<1x128x16xf32, #tpu.memory_space<vmem>>
      %dma_start3A_66 = tpu.memref_squeeze %dma_start3A_65 : memref<1x128x16xf32, #tpu.memory_space<vmem>> -> memref<128x16xf32, #tpu.memory_space<vmem>>
      %dma_start3A_67 = arith.constant 0 : i32
      %dma_start3A_68 = tpu.memref_slice %arg7[%add3A_61, %dma_start3A_67] : memref<208x128xi32, #tpu.memory_space<vmem>> -> memref<1x128xi32, #tpu.memory_space<vmem>>
      %dma_start3A_69 = tpu.memref_squeeze %dma_start3A_68 : memref<1x128xi32, #tpu.memory_space<vmem>> -> memref<128xi32, #tpu.memory_space<vmem>>
      %dma_start3A_70 = arith.constant 0 : i32
      %dma_start3A_71 = arith.constant 0 : i32
      %dma_start3A_72 = tpu.memref_slice %arg2[%dma_start3A_70, %dma_start3A_71] : memref<51200x16xf32, #tpu.memory_space<hbm>> -> memref<51200x16xf32, #tpu.memory_space<hbm>>
      tpu.enqueue_indirect_dma source(%dma_start3A_72 : memref<51200x16xf32, #tpu.memory_space<hbm>>) target(%dma_start3A_66 : memref<128x16xf32, #tpu.memory_space<vmem>>) offsets(%dma_start3A_69 : memref<128xi32, #tpu.memory_space<vmem>>) semaphore(%arg14 : memref<!tpu.dma_semaphore, #tpu.memory_space<semaphore_mem>>)
      %dma_wait3A = arith.constant 0 : i32
      %dma_wait3A_73 = arith.constant 0 : i32
      %dma_wait3A_74 = arith.constant 0 : i32
      %dma_wait3A_75 = tpu.memref_slice %arg9[%dma_wait3A, %dma_wait3A_73, %dma_wait3A_74] : memref<4x128x16xf32, #tpu.memory_space<vmem>> -> memref<1x128x16xf32, #tpu.memory_space<vmem>>
      %dma_wait3A_76 = tpu.memref_squeeze %dma_wait3A_75 : memref<1x128x16xf32, #tpu.memory_space<vmem>> -> memref<128x16xf32, #tpu.memory_space<vmem>>
      %dma_wait3A_77 = arith.constant 0 : i32
      %dma_wait3A_78 = tpu.memref_slice %arg7[%add3A_23, %dma_wait3A_77] : memref<208x128xi32, #tpu.memory_space<vmem>> -> memref<1x128xi32, #tpu.memory_space<vmem>>
      %dma_wait3A_79 = tpu.memref_squeeze %dma_wait3A_78 : memref<1x128xi32, #tpu.memory_space<vmem>> -> memref<128xi32, #tpu.memory_space<vmem>>
      %dma_wait3A_80 = arith.constant 0 : i32
      %dma_wait3A_81 = arith.constant 0 : i32
      %dma_wait3A_82 = tpu.memref_slice %arg2[%dma_wait3A_80, %dma_wait3A_81] : memref<51200x16xf32, #tpu.memory_space<hbm>> -> memref<51200x16xf32, #tpu.memory_space<hbm>>
      tpu.wait_indirect_dma semaphore(%arg11 : memref<!tpu.dma_semaphore, #tpu.memory_space<semaphore_mem>>) src(%dma_wait3A_82 : memref<51200x16xf32, #tpu.memory_space<hbm>>) dst(%dma_wait3A_76 : memref<128x16xf32, #tpu.memory_space<vmem>>)
      %add3A_83 = arith.constant 0 : i32
      %add3A_84 = arith.addi %mul3A_21, %add3A_83 : i32
      %run_scoped3A = arith.constant 0 : i32
      "tpu.region"() ({
        %run_scoped3A_127 = tpu.sem_alloc : memref<!tpu.dma_semaphore, #tpu.memory_space<semaphore_mem>>
        %dma_start3A_128 = arith.constant 0 : i32
        %dma_start3A_129 = arith.constant 0 : i32
        %dma_start3A_130 = tpu.memref_slice %arg9[%run_scoped3A, %dma_start3A_128, %dma_start3A_129] : memref<4x128x16xf32, #tpu.memory_space<vmem>> -> memref<1x128x16xf32, #tpu.memory_space<vmem>>
        %dma_start3A_131 = tpu.memref_squeeze %dma_start3A_130 : memref<1x128x16xf32, #tpu.memory_space<vmem>> -> memref<128x16xf32, #tpu.memory_space<vmem>>
        %dma_start3A_132 = arith.constant 0 : i32
        %dma_start3A_133 = tpu.memref_slice %arg8[%add3A_84, %dma_start3A_132] : memref<208x128xi32, #tpu.memory_space<vmem>> -> memref<1x128xi32, #tpu.memory_space<vmem>>
        %dma_start3A_134 = tpu.memref_squeeze %dma_start3A_133 : memref<1x128xi32, #tpu.memory_space<vmem>> -> memref<128xi32, #tpu.memory_space<vmem>>
        %dma_start3A_135 = arith.constant 0 : i32
        %dma_start3A_136 = arith.constant 0 : i32
        %dma_start3A_137 = tpu.memref_slice %arg10[%dma_start3A_135, %dma_start3A_136] : memref<51200x16xf32, #tpu.memory_space<vmem_shared>> -> memref<51200x16xf32, #tpu.memory_space<vmem_shared>>
        tpu.enqueue_indirect_dma source(%dma_start3A_131 : memref<128x16xf32, #tpu.memory_space<vmem>>) target(%dma_start3A_137 : memref<51200x16xf32, #tpu.memory_space<vmem_shared>>) offsets(%dma_start3A_134 : memref<128xi32, #tpu.memory_space<vmem>>) semaphore(%run_scoped3A_127 : memref<!tpu.dma_semaphore, #tpu.memory_space<semaphore_mem>>) {add = true}
        %dma_wait3A_138 = arith.constant 0 : i32
        %dma_wait3A_139 = arith.constant 0 : i32
        %dma_wait3A_140 = tpu.memref_slice %arg9[%run_scoped3A, %dma_wait3A_138, %dma_wait3A_139] : memref<4x128x16xf32, #tpu.memory_space<vmem>> -> memref<1x128x16xf32, #tpu.memory_space<vmem>>
        %dma_wait3A_141 = tpu.memref_squeeze %dma_wait3A_140 : memref<1x128x16xf32, #tpu.memory_space<vmem>> -> memref<128x16xf32, #tpu.memory_space<vmem>>
        %dma_wait3A_142 = arith.constant 0 : i32
        %dma_wait3A_143 = tpu.memref_slice %arg8[%add3A_84, %dma_wait3A_142] : memref<208x128xi32, #tpu.memory_space<vmem>> -> memref<1x128xi32, #tpu.memory_space<vmem>>
        %dma_wait3A_144 = tpu.memref_squeeze %dma_wait3A_143 : memref<1x128xi32, #tpu.memory_space<vmem>> -> memref<128xi32, #tpu.memory_space<vmem>>
        %dma_wait3A_145 = arith.constant 0 : i32
        %dma_wait3A_146 = arith.constant 0 : i32
        %dma_wait3A_147 = tpu.memref_slice %arg10[%dma_wait3A_145, %dma_wait3A_146] : memref<51200x16xf32, #tpu.memory_space<vmem_shared>> -> memref<51200x16xf32, #tpu.memory_space<vmem_shared>>
        tpu.wait_indirect_dma semaphore(%run_scoped3A_127 : memref<!tpu.dma_semaphore, #tpu.memory_space<semaphore_mem>>) src(%dma_wait3A_141 : memref<128x16xf32, #tpu.memory_space<vmem>>) dst(%dma_wait3A_147 : memref<51200x16xf32, #tpu.memory_space<vmem_shared>>)
        tpu.yield
      }) : () -> ()
      %dma_wait3A_85 = arith.constant 1 : i32
      %dma_wait3A_86 = arith.constant 0 : i32
      %dma_wait3A_87 = arith.constant 0 : i32
      %dma_wait3A_88 = tpu.memref_slice %arg9[%dma_wait3A_85, %dma_wait3A_86, %dma_wait3A_87] : memref<4x128x16xf32, #tpu.memory_space<vmem>> -> memref<1x128x16xf32, #tpu.memory_space<vmem>>
      %dma_wait3A_89 = tpu.memref_squeeze %dma_wait3A_88 : memref<1x128x16xf32, #tpu.memory_space<vmem>> -> memref<128x16xf32, #tpu.memory_space<vmem>>
      %dma_wait3A_90 = arith.constant 0 : i32
      %dma_wait3A_91 = tpu.memref_slice %arg7[%add3A_35, %dma_wait3A_90] : memref<208x128xi32, #tpu.memory_space<vmem>> -> memref<1x128xi32, #tpu.memory_space<vmem>>
      %dma_wait3A_92 = tpu.memref_squeeze %dma_wait3A_91 : memref<1x128xi32, #tpu.memory_space<vmem>> -> memref<128xi32, #tpu.memory_space<vmem>>
      %dma_wait3A_93 = arith.constant 0 : i32
      %dma_wait3A_94 = arith.constant 0 : i32
      %dma_wait3A_95 = tpu.memref_slice %arg2[%dma_wait3A_93, %dma_wait3A_94] : memref<51200x16xf32, #tpu.memory_space<hbm>> -> memref<51200x16xf32, #tpu.memory_space<hbm>>
      tpu.wait_indirect_dma semaphore(%arg12 : memref<!tpu.dma_semaphore, #tpu.memory_space<semaphore_mem>>) src(%dma_wait3A_95 : memref<51200x16xf32, #tpu.memory_space<hbm>>) dst(%dma_wait3A_89 : memref<128x16xf32, #tpu.memory_space<vmem>>)
      %add3A_96 = arith.constant 1 : i32
      %add3A_97 = arith.addi %mul3A_21, %add3A_96 : i32
      %run_scoped3A_98 = arith.constant 1 : i32
      "tpu.region"() ({
        %run_scoped3A_127 = tpu.sem_alloc : memref<!tpu.dma_semaphore, #tpu.memory_space<semaphore_mem>>
        %dma_start3A_128 = arith.constant 0 : i32
        %dma_start3A_129 = arith.constant 0 : i32
        %dma_start3A_130 = tpu.memref_slice %arg9[%run_scoped3A_98, %dma_start3A_128, %dma_start3A_129] : memref<4x128x16xf32, #tpu.memory_space<vmem>> -> memref<1x128x16xf32, #tpu.memory_space<vmem>>
        %dma_start3A_131 = tpu.memref_squeeze %dma_start3A_130 : memref<1x128x16xf32, #tpu.memory_space<vmem>> -> memref<128x16xf32, #tpu.memory_space<vmem>>
        %dma_start3A_132 = arith.constant 0 : i32
        %dma_start3A_133 = tpu.memref_slice %arg8[%add3A_97, %dma_start3A_132] : memref<208x128xi32, #tpu.memory_space<vmem>> -> memref<1x128xi32, #tpu.memory_space<vmem>>
        %dma_start3A_134 = tpu.memref_squeeze %dma_start3A_133 : memref<1x128xi32, #tpu.memory_space<vmem>> -> memref<128xi32, #tpu.memory_space<vmem>>
        %dma_start3A_135 = arith.constant 0 : i32
        %dma_start3A_136 = arith.constant 0 : i32
        %dma_start3A_137 = tpu.memref_slice %arg10[%dma_start3A_135, %dma_start3A_136] : memref<51200x16xf32, #tpu.memory_space<vmem_shared>> -> memref<51200x16xf32, #tpu.memory_space<vmem_shared>>
        tpu.enqueue_indirect_dma source(%dma_start3A_131 : memref<128x16xf32, #tpu.memory_space<vmem>>) target(%dma_start3A_137 : memref<51200x16xf32, #tpu.memory_space<vmem_shared>>) offsets(%dma_start3A_134 : memref<128xi32, #tpu.memory_space<vmem>>) semaphore(%run_scoped3A_127 : memref<!tpu.dma_semaphore, #tpu.memory_space<semaphore_mem>>) {add = true}
        %dma_wait3A_138 = arith.constant 0 : i32
        %dma_wait3A_139 = arith.constant 0 : i32
        %dma_wait3A_140 = tpu.memref_slice %arg9[%run_scoped3A_98, %dma_wait3A_138, %dma_wait3A_139] : memref<4x128x16xf32, #tpu.memory_space<vmem>> -> memref<1x128x16xf32, #tpu.memory_space<vmem>>
        %dma_wait3A_141 = tpu.memref_squeeze %dma_wait3A_140 : memref<1x128x16xf32, #tpu.memory_space<vmem>> -> memref<128x16xf32, #tpu.memory_space<vmem>>
        %dma_wait3A_142 = arith.constant 0 : i32
        %dma_wait3A_143 = tpu.memref_slice %arg8[%add3A_97, %dma_wait3A_142] : memref<208x128xi32, #tpu.memory_space<vmem>> -> memref<1x128xi32, #tpu.memory_space<vmem>>
        %dma_wait3A_144 = tpu.memref_squeeze %dma_wait3A_143 : memref<1x128xi32, #tpu.memory_space<vmem>> -> memref<128xi32, #tpu.memory_space<vmem>>
        %dma_wait3A_145 = arith.constant 0 : i32
        %dma_wait3A_146 = arith.constant 0 : i32
        %dma_wait3A_147 = tpu.memref_slice %arg10[%dma_wait3A_145, %dma_wait3A_146] : memref<51200x16xf32, #tpu.memory_space<vmem_shared>> -> memref<51200x16xf32, #tpu.memory_space<vmem_shared>>
        tpu.wait_indirect_dma semaphore(%run_scoped3A_127 : memref<!tpu.dma_semaphore, #tpu.memory_space<semaphore_mem>>) src(%dma_wait3A_141 : memref<128x16xf32, #tpu.memory_space<vmem>>) dst(%dma_wait3A_147 : memref<51200x16xf32, #tpu.memory_space<vmem_shared>>)
        tpu.yield
      }) : () -> ()
      %dma_wait3A_99 = arith.constant 2 : i32
      %dma_wait3A_100 = arith.constant 0 : i32
      %dma_wait3A_101 = arith.constant 0 : i32
      %dma_wait3A_102 = tpu.memref_slice %arg9[%dma_wait3A_99, %dma_wait3A_100, %dma_wait3A_101] : memref<4x128x16xf32, #tpu.memory_space<vmem>> -> memref<1x128x16xf32, #tpu.memory_space<vmem>>
      %dma_wait3A_103 = tpu.memref_squeeze %dma_wait3A_102 : memref<1x128x16xf32, #tpu.memory_space<vmem>> -> memref<128x16xf32, #tpu.memory_space<vmem>>
      %dma_wait3A_104 = arith.constant 0 : i32
      %dma_wait3A_105 = tpu.memref_slice %arg7[%add3A_48, %dma_wait3A_104] : memref<208x128xi32, #tpu.memory_space<vmem>> -> memref<1x128xi32, #tpu.memory_space<vmem>>
      %dma_wait3A_106 = tpu.memref_squeeze %dma_wait3A_105 : memref<1x128xi32, #tpu.memory_space<vmem>> -> memref<128xi32, #tpu.memory_space<vmem>>
      %dma_wait3A_107 = arith.constant 0 : i32
      %dma_wait3A_108 = arith.constant 0 : i32
      %dma_wait3A_109 = tpu.memref_slice %arg2[%dma_wait3A_107, %dma_wait3A_108] : memref<51200x16xf32, #tpu.memory_space<hbm>> -> memref<51200x16xf32, #tpu.memory_space<hbm>>
      tpu.wait_indirect_dma semaphore(%arg13 : memref<!tpu.dma_semaphore, #tpu.memory_space<semaphore_mem>>) src(%dma_wait3A_109 : memref<51200x16xf32, #tpu.memory_space<hbm>>) dst(%dma_wait3A_103 : memref<128x16xf32, #tpu.memory_space<vmem>>)
      %add3A_110 = arith.constant 2 : i32
      %add3A_111 = arith.addi %mul3A_21, %add3A_110 : i32
      %run_scoped3A_112 = arith.constant 2 : i32
      "tpu.region"() ({
        %run_scoped3A_127 = tpu.sem_alloc : memref<!tpu.dma_semaphore, #tpu.memory_space<semaphore_mem>>
        %dma_start3A_128 = arith.constant 0 : i32
        %dma_start3A_129 = arith.constant 0 : i32
        %dma_start3A_130 = tpu.memref_slice %arg9[%run_scoped3A_112, %dma_start3A_128, %dma_start3A_129] : memref<4x128x16xf32, #tpu.memory_space<vmem>> -> memref<1x128x16xf32, #tpu.memory_space<vmem>>
        %dma_start3A_131 = tpu.memref_squeeze %dma_start3A_130 : memref<1x128x16xf32, #tpu.memory_space<vmem>> -> memref<128x16xf32, #tpu.memory_space<vmem>>
        %dma_start3A_132 = arith.constant 0 : i32
        %dma_start3A_133 = tpu.memref_slice %arg8[%add3A_111, %dma_start3A_132] : memref<208x128xi32, #tpu.memory_space<vmem>> -> memref<1x128xi32, #tpu.memory_space<vmem>>
        %dma_start3A_134 = tpu.memref_squeeze %dma_start3A_133 : memref<1x128xi32, #tpu.memory_space<vmem>> -> memref<128xi32, #tpu.memory_space<vmem>>
        %dma_start3A_135 = arith.constant 0 : i32
        %dma_start3A_136 = arith.constant 0 : i32
        %dma_start3A_137 = tpu.memref_slice %arg10[%dma_start3A_135, %dma_start3A_136] : memref<51200x16xf32, #tpu.memory_space<vmem_shared>> -> memref<51200x16xf32, #tpu.memory_space<vmem_shared>>
        tpu.enqueue_indirect_dma source(%dma_start3A_131 : memref<128x16xf32, #tpu.memory_space<vmem>>) target(%dma_start3A_137 : memref<51200x16xf32, #tpu.memory_space<vmem_shared>>) offsets(%dma_start3A_134 : memref<128xi32, #tpu.memory_space<vmem>>) semaphore(%run_scoped3A_127 : memref<!tpu.dma_semaphore, #tpu.memory_space<semaphore_mem>>) {add = true}
        %dma_wait3A_138 = arith.constant 0 : i32
        %dma_wait3A_139 = arith.constant 0 : i32
        %dma_wait3A_140 = tpu.memref_slice %arg9[%run_scoped3A_112, %dma_wait3A_138, %dma_wait3A_139] : memref<4x128x16xf32, #tpu.memory_space<vmem>> -> memref<1x128x16xf32, #tpu.memory_space<vmem>>
        %dma_wait3A_141 = tpu.memref_squeeze %dma_wait3A_140 : memref<1x128x16xf32, #tpu.memory_space<vmem>> -> memref<128x16xf32, #tpu.memory_space<vmem>>
        %dma_wait3A_142 = arith.constant 0 : i32
        %dma_wait3A_143 = tpu.memref_slice %arg8[%add3A_111, %dma_wait3A_142] : memref<208x128xi32, #tpu.memory_space<vmem>> -> memref<1x128xi32, #tpu.memory_space<vmem>>
        %dma_wait3A_144 = tpu.memref_squeeze %dma_wait3A_143 : memref<1x128xi32, #tpu.memory_space<vmem>> -> memref<128xi32, #tpu.memory_space<vmem>>
        %dma_wait3A_145 = arith.constant 0 : i32
        %dma_wait3A_146 = arith.constant 0 : i32
        %dma_wait3A_147 = tpu.memref_slice %arg10[%dma_wait3A_145, %dma_wait3A_146] : memref<51200x16xf32, #tpu.memory_space<vmem_shared>> -> memref<51200x16xf32, #tpu.memory_space<vmem_shared>>
        tpu.wait_indirect_dma semaphore(%run_scoped3A_127 : memref<!tpu.dma_semaphore, #tpu.memory_space<semaphore_mem>>) src(%dma_wait3A_141 : memref<128x16xf32, #tpu.memory_space<vmem>>) dst(%dma_wait3A_147 : memref<51200x16xf32, #tpu.memory_space<vmem_shared>>)
        tpu.yield
      }) : () -> ()
      %dma_wait3A_113 = arith.constant 3 : i32
      %dma_wait3A_114 = arith.constant 0 : i32
      %dma_wait3A_115 = arith.constant 0 : i32
      %dma_wait3A_116 = tpu.memref_slice %arg9[%dma_wait3A_113, %dma_wait3A_114, %dma_wait3A_115] : memref<4x128x16xf32, #tpu.memory_space<vmem>> -> memref<1x128x16xf32, #tpu.memory_space<vmem>>
      %dma_wait3A_117 = tpu.memref_squeeze %dma_wait3A_116 : memref<1x128x16xf32, #tpu.memory_space<vmem>> -> memref<128x16xf32, #tpu.memory_space<vmem>>
      %dma_wait3A_118 = arith.constant 0 : i32
      %dma_wait3A_119 = tpu.memref_slice %arg7[%add3A_61, %dma_wait3A_118] : memref<208x128xi32, #tpu.memory_space<vmem>> -> memref<1x128xi32, #tpu.memory_space<vmem>>
      %dma_wait3A_120 = tpu.memref_squeeze %dma_wait3A_119 : memref<1x128xi32, #tpu.memory_space<vmem>> -> memref<128xi32, #tpu.memory_space<vmem>>
      %dma_wait3A_121 = arith.constant 0 : i32
      %dma_wait3A_122 = arith.constant 0 : i32
      %dma_wait3A_123 = tpu.memref_slice %arg2[%dma_wait3A_121, %dma_wait3A_122] : memref<51200x16xf32, #tpu.memory_space<hbm>> -> memref<51200x16xf32, #tpu.memory_space<hbm>>
      tpu.wait_indirect_dma semaphore(%arg14 : memref<!tpu.dma_semaphore, #tpu.memory_space<semaphore_mem>>) src(%dma_wait3A_123 : memref<51200x16xf32, #tpu.memory_space<hbm>>) dst(%dma_wait3A_117 : memref<128x16xf32, #tpu.memory_space<vmem>>)
      %add3A_124 = arith.constant 3 : i32
      %add3A_125 = arith.addi %mul3A_21, %add3A_124 : i32
      %run_scoped3A_126 = arith.constant 3 : i32
      "tpu.region"() ({
        %run_scoped3A_127 = tpu.sem_alloc : memref<!tpu.dma_semaphore, #tpu.memory_space<semaphore_mem>>
        %dma_start3A_128 = arith.constant 0 : i32
        %dma_start3A_129 = arith.constant 0 : i32
        %dma_start3A_130 = tpu.memref_slice %arg9[%run_scoped3A_126, %dma_start3A_128, %dma_start3A_129] : memref<4x128x16xf32, #tpu.memory_space<vmem>> -> memref<1x128x16xf32, #tpu.memory_space<vmem>>
        %dma_start3A_131 = tpu.memref_squeeze %dma_start3A_130 : memref<1x128x16xf32, #tpu.memory_space<vmem>> -> memref<128x16xf32, #tpu.memory_space<vmem>>
        %dma_start3A_132 = arith.constant 0 : i32
        %dma_start3A_133 = tpu.memref_slice %arg8[%add3A_125, %dma_start3A_132] : memref<208x128xi32, #tpu.memory_space<vmem>> -> memref<1x128xi32, #tpu.memory_space<vmem>>
        %dma_start3A_134 = tpu.memref_squeeze %dma_start3A_133 : memref<1x128xi32, #tpu.memory_space<vmem>> -> memref<128xi32, #tpu.memory_space<vmem>>
        %dma_start3A_135 = arith.constant 0 : i32
        %dma_start3A_136 = arith.constant 0 : i32
        %dma_start3A_137 = tpu.memref_slice %arg10[%dma_start3A_135, %dma_start3A_136] : memref<51200x16xf32, #tpu.memory_space<vmem_shared>> -> memref<51200x16xf32, #tpu.memory_space<vmem_shared>>
        tpu.enqueue_indirect_dma source(%dma_start3A_131 : memref<128x16xf32, #tpu.memory_space<vmem>>) target(%dma_start3A_137 : memref<51200x16xf32, #tpu.memory_space<vmem_shared>>) offsets(%dma_start3A_134 : memref<128xi32, #tpu.memory_space<vmem>>) semaphore(%run_scoped3A_127 : memref<!tpu.dma_semaphore, #tpu.memory_space<semaphore_mem>>) {add = true}
        %dma_wait3A_138 = arith.constant 0 : i32
        %dma_wait3A_139 = arith.constant 0 : i32
        %dma_wait3A_140 = tpu.memref_slice %arg9[%run_scoped3A_126, %dma_wait3A_138, %dma_wait3A_139] : memref<4x128x16xf32, #tpu.memory_space<vmem>> -> memref<1x128x16xf32, #tpu.memory_space<vmem>>
        %dma_wait3A_141 = tpu.memref_squeeze %dma_wait3A_140 : memref<1x128x16xf32, #tpu.memory_space<vmem>> -> memref<128x16xf32, #tpu.memory_space<vmem>>
        %dma_wait3A_142 = arith.constant 0 : i32
        %dma_wait3A_143 = tpu.memref_slice %arg8[%add3A_125, %dma_wait3A_142] : memref<208x128xi32, #tpu.memory_space<vmem>> -> memref<1x128xi32, #tpu.memory_space<vmem>>
        %dma_wait3A_144 = tpu.memref_squeeze %dma_wait3A_143 : memref<1x128xi32, #tpu.memory_space<vmem>> -> memref<128xi32, #tpu.memory_space<vmem>>
        %dma_wait3A_145 = arith.constant 0 : i32
        %dma_wait3A_146 = arith.constant 0 : i32
        %dma_wait3A_147 = tpu.memref_slice %arg10[%dma_wait3A_145, %dma_wait3A_146] : memref<51200x16xf32, #tpu.memory_space<vmem_shared>> -> memref<51200x16xf32, #tpu.memory_space<vmem_shared>>
        tpu.wait_indirect_dma semaphore(%run_scoped3A_127 : memref<!tpu.dma_semaphore, #tpu.memory_space<semaphore_mem>>) src(%dma_wait3A_141 : memref<128x16xf32, #tpu.memory_space<vmem>>) dst(%dma_wait3A_147 : memref<51200x16xf32, #tpu.memory_space<vmem_shared>>)
        tpu.yield
      }) : () -> ()
    }
    %scan3A_13 = arith.constant 52 : i32
    %barrier3A_14 = arith.constant 0 : index
    tpu.barrier barrier_id(%barrier3A_14)
    %mul3A_15 = arith.constant 3200 : i32
    %mul3A_16 = arith.muli %arg1, %mul3A_15 : i32
    %mul3A_17 = arith.constant 3200 : i32
    %mul3A_18 = arith.muli %arg1, %mul3A_17 : i32
    "tpu.region"() ({
      %run_scoped3A = tpu.sem_alloc : memref<!tpu.dma_semaphore, #tpu.memory_space<semaphore_mem>>
      %dma_start3A = arith.constant 0 : i32
      %dma_start3A_19 = tpu.memref_slice %arg6[%arg0, %mul3A_18, %dma_start3A] : memref<2x51200x16xf32, #tpu.memory_space<hbm>> -> memref<1x3200x16xf32, #tpu.memory_space<hbm>>
      %dma_start3A_20 = tpu.memref_squeeze %dma_start3A_19 : memref<1x3200x16xf32, #tpu.memory_space<hbm>> -> memref<3200x16xf32, #tpu.memory_space<hbm>>
      %dma_start3A_21 = arith.constant 0 : i32
      %dma_start3A_22 = tpu.memref_slice %arg10[%mul3A_16, %dma_start3A_21] : memref<51200x16xf32, #tpu.memory_space<vmem_shared>> -> memref<3200x16xf32, #tpu.memory_space<vmem_shared>>
      tpu.enqueue_dma source(%dma_start3A_22 : memref<3200x16xf32, #tpu.memory_space<vmem_shared>>) target(%dma_start3A_20 : memref<3200x16xf32, #tpu.memory_space<hbm>>) target_semaphore(%run_scoped3A : memref<!tpu.dma_semaphore, #tpu.memory_space<semaphore_mem>>)
      %dma_wait3A = arith.constant 0 : i32
      %dma_wait3A_23 = tpu.memref_slice %arg6[%arg0, %mul3A_18, %dma_wait3A] : memref<2x51200x16xf32, #tpu.memory_space<hbm>> -> memref<1x3200x16xf32, #tpu.memory_space<hbm>>
      %dma_wait3A_24 = tpu.memref_squeeze %dma_wait3A_23 : memref<1x3200x16xf32, #tpu.memory_space<hbm>> -> memref<3200x16xf32, #tpu.memory_space<hbm>>
      %dma_wait3A_25 = arith.constant 0 : i32
      %dma_wait3A_26 = tpu.memref_slice %arg10[%mul3A_16, %dma_wait3A_25] : memref<51200x16xf32, #tpu.memory_space<vmem_shared>> -> memref<3200x16xf32, #tpu.memory_space<vmem_shared>>
      tpu.wait_dma2 semaphore(%run_scoped3A : memref<!tpu.dma_semaphore, #tpu.memory_space<semaphore_mem>>) src(%dma_wait3A_26 : memref<3200x16xf32, #tpu.memory_space<vmem_shared>>) dst(%dma_wait3A_24 : memref<3200x16xf32, #tpu.memory_space<hbm>>)
      tpu.yield
    }) : () -> ()
    return
  }
}

#map = affine_map<(d0, d1) -> (0, 0)>
#map1 = affine_map<(d0, d1) -> (0, 0, 0)>
module attributes {stable_mosaic.version = 14 : i64} {
  func.func @_deg_kernel(%arg0: i32, %arg1: i32, %arg2: memref<6656x128xi32, #tpu.memory_space<hbm>>, %arg3: memref<128x16xf32, #tpu.memory_space<hbm>>, %arg4: memref<51200x16xf32, #tpu.memory_space<hbm>>, %arg5: memref<2x51200x16xf32, #tpu.memory_space<hbm>>, %arg6: memref<208x128xi32, #tpu.memory_space<vmem>>, %arg7: memref<128x16xf32, #tpu.memory_space<vmem>>, %arg8: memref<51200x16xf32, #tpu.memory_space<vmem_shared>>, %arg9: memref<!tpu.dma_semaphore, #tpu.memory_space<semaphore_mem>>, %arg10: memref<!tpu.dma_semaphore, #tpu.memory_space<semaphore_mem>>, %arg11: memref<!tpu.dma_semaphore, #tpu.memory_space<semaphore_mem>>, %arg12: memref<!tpu.dma_semaphore, #tpu.memory_space<semaphore_mem>>) attributes {dimension_semantics = [#tpu.dimension_semantics<core_parallel>, #tpu.dimension_semantics<subcore_parallel>], iteration_bounds = array<i64: 2, 16>, scalar_prefetch = 0 : i64, scratch_operands = 7 : i64, tpu.core_type = #tpu.core_type<sc_vector_subcore>, window_params = [{transform_indices = #map}, {transform_indices = #map}, {transform_indices = #map}, {transform_indices = #map1}]} {
    %mul3A = arith.constant 2 : i32
    %mul3A_0 = arith.muli %arg1, %mul3A : i32
    %add3A = arith.addi %mul3A_0, %arg0 : i32
    "tpu.region"() ({
      %run_scoped3A = tpu.sem_alloc : memref<!tpu.dma_semaphore, #tpu.memory_space<semaphore_mem>>
      tpu.enqueue_dma source(%arg3 : memref<128x16xf32, #tpu.memory_space<hbm>>) target(%arg7 : memref<128x16xf32, #tpu.memory_space<vmem>>) target_semaphore(%run_scoped3A : memref<!tpu.dma_semaphore, #tpu.memory_space<semaphore_mem>>)
      tpu.wait_dma2 semaphore(%run_scoped3A : memref<!tpu.dma_semaphore, #tpu.memory_space<semaphore_mem>>) src(%arg3 : memref<128x16xf32, #tpu.memory_space<hbm>>) dst(%arg7 : memref<128x16xf32, #tpu.memory_space<vmem>>)
      tpu.yield
    }) : () -> ()
    %mul3A_1 = arith.constant 3200 : i32
    %mul3A_2 = arith.muli %arg1, %mul3A_1 : i32
    %mul3A_3 = arith.constant 3200 : i32
    %mul3A_4 = arith.muli %arg1, %mul3A_3 : i32
    "tpu.region"() ({
      %run_scoped3A = tpu.sem_alloc : memref<!tpu.dma_semaphore, #tpu.memory_space<semaphore_mem>>
      %dma_start3A = arith.constant 0 : i32
      %dma_start3A_17 = tpu.memref_slice %arg8[%mul3A_4, %dma_start3A] : memref<51200x16xf32, #tpu.memory_space<vmem_shared>> -> memref<3200x16xf32, #tpu.memory_space<vmem_shared>>
      %dma_start3A_18 = arith.constant 0 : i32
      %dma_start3A_19 = tpu.memref_slice %arg4[%mul3A_2, %dma_start3A_18] : memref<51200x16xf32, #tpu.memory_space<hbm>> -> memref<3200x16xf32, #tpu.memory_space<hbm>>
      tpu.enqueue_dma source(%dma_start3A_19 : memref<3200x16xf32, #tpu.memory_space<hbm>>) target(%dma_start3A_17 : memref<3200x16xf32, #tpu.memory_space<vmem_shared>>) target_semaphore(%run_scoped3A : memref<!tpu.dma_semaphore, #tpu.memory_space<semaphore_mem>>)
      %dma_wait3A = arith.constant 0 : i32
      %dma_wait3A_20 = tpu.memref_slice %arg8[%mul3A_4, %dma_wait3A] : memref<51200x16xf32, #tpu.memory_space<vmem_shared>> -> memref<3200x16xf32, #tpu.memory_space<vmem_shared>>
      %dma_wait3A_21 = arith.constant 0 : i32
      %dma_wait3A_22 = tpu.memref_slice %arg4[%mul3A_2, %dma_wait3A_21] : memref<51200x16xf32, #tpu.memory_space<hbm>> -> memref<3200x16xf32, #tpu.memory_space<hbm>>
      tpu.wait_dma2 semaphore(%run_scoped3A : memref<!tpu.dma_semaphore, #tpu.memory_space<semaphore_mem>>) src(%dma_wait3A_22 : memref<3200x16xf32, #tpu.memory_space<hbm>>) dst(%dma_wait3A_20 : memref<3200x16xf32, #tpu.memory_space<vmem_shared>>)
      tpu.yield
    }) : () -> ()
    %mul3A_5 = arith.constant 208 : i32
    %mul3A_6 = arith.muli %add3A, %mul3A_5 : i32
    "tpu.region"() ({
      %run_scoped3A = tpu.sem_alloc : memref<!tpu.dma_semaphore, #tpu.memory_space<semaphore_mem>>
      %dma_start3A = arith.constant 0 : i32
      %dma_start3A_17 = tpu.memref_slice %arg2[%mul3A_6, %dma_start3A] : memref<6656x128xi32, #tpu.memory_space<hbm>> -> memref<208x128xi32, #tpu.memory_space<hbm>>
      %dma_start3A_18 = arith.constant 0 : i32
      %dma_start3A_19 = tpu.memref_slice %arg2[%mul3A_6, %dma_start3A_18] : memref<6656x128xi32, #tpu.memory_space<hbm>> -> memref<208x128xi32, #tpu.memory_space<hbm>>
      tpu.enqueue_dma source(%dma_start3A_19 : memref<208x128xi32, #tpu.memory_space<hbm>>) target(%arg6 : memref<208x128xi32, #tpu.memory_space<vmem>>) target_semaphore(%run_scoped3A : memref<!tpu.dma_semaphore, #tpu.memory_space<semaphore_mem>>)
      %dma_wait3A = arith.constant 0 : i32
      %dma_wait3A_20 = tpu.memref_slice %arg2[%mul3A_6, %dma_wait3A] : memref<6656x128xi32, #tpu.memory_space<hbm>> -> memref<208x128xi32, #tpu.memory_space<hbm>>
      %dma_wait3A_21 = arith.constant 0 : i32
      %dma_wait3A_22 = tpu.memref_slice %arg2[%mul3A_6, %dma_wait3A_21] : memref<6656x128xi32, #tpu.memory_space<hbm>> -> memref<208x128xi32, #tpu.memory_space<hbm>>
      tpu.wait_dma2 semaphore(%run_scoped3A : memref<!tpu.dma_semaphore, #tpu.memory_space<semaphore_mem>>) src(%dma_wait3A_22 : memref<208x128xi32, #tpu.memory_space<hbm>>) dst(%arg6 : memref<208x128xi32, #tpu.memory_space<vmem>>)
      tpu.yield
    }) : () -> ()
    %barrier3A = arith.constant 0 : index
    tpu.barrier barrier_id(%barrier3A)
    %scan3A = arith.constant 0 : i32
    %scan3A_7 = arith.constant 0 : i32
    %scan3A_8 = arith.constant 52 : i32
    %scan3A_9 = arith.addi %scan3A_7, %scan3A_8 : i32
    %scan3A_10 = arith.constant 1 : i32
    scf.for %scan3A_17 = %scan3A_7 to %scan3A_9 step %scan3A_10  : i32 {
      %mul3A_18 = arith.constant 4 : i32
      %mul3A_19 = arith.muli %scan3A_17, %mul3A_18 : i32
      %add3A_20 = arith.constant 0 : i32
      %add3A_21 = arith.addi %mul3A_19, %add3A_20 : i32
      %dma_start3A = arith.constant 0 : i32
      %dma_start3A_22 = tpu.memref_slice %arg6[%add3A_21, %dma_start3A] : memref<208x128xi32, #tpu.memory_space<vmem>> -> memref<1x128xi32, #tpu.memory_space<vmem>>
      %dma_start3A_23 = tpu.memref_squeeze %dma_start3A_22 : memref<1x128xi32, #tpu.memory_space<vmem>> -> memref<128xi32, #tpu.memory_space<vmem>>
      %dma_start3A_24 = arith.constant 0 : i32
      %dma_start3A_25 = arith.constant 0 : i32
      %dma_start3A_26 = tpu.memref_slice %arg8[%dma_start3A_24, %dma_start3A_25] : memref<51200x16xf32, #tpu.memory_space<vmem_shared>> -> memref<51200x16xf32, #tpu.memory_space<vmem_shared>>
      tpu.enqueue_indirect_dma source(%arg7 : memref<128x16xf32, #tpu.memory_space<vmem>>) target(%dma_start3A_26 : memref<51200x16xf32, #tpu.memory_space<vmem_shared>>) offsets(%dma_start3A_23 : memref<128xi32, #tpu.memory_space<vmem>>) semaphore(%arg9 : memref<!tpu.dma_semaphore, #tpu.memory_space<semaphore_mem>>) {add = true}
      %add3A_27 = arith.constant 1 : i32
      %add3A_28 = arith.addi %mul3A_19, %add3A_27 : i32
      %dma_start3A_29 = arith.constant 0 : i32
      %dma_start3A_30 = tpu.memref_slice %arg6[%add3A_28, %dma_start3A_29] : memref<208x128xi32, #tpu.memory_space<vmem>> -> memref<1x128xi32, #tpu.memory_space<vmem>>
      %dma_start3A_31 = tpu.memref_squeeze %dma_start3A_30 : memref<1x128xi32, #tpu.memory_space<vmem>> -> memref<128xi32, #tpu.memory_space<vmem>>
      %dma_start3A_32 = arith.constant 0 : i32
      %dma_start3A_33 = arith.constant 0 : i32
      %dma_start3A_34 = tpu.memref_slice %arg8[%dma_start3A_32, %dma_start3A_33] : memref<51200x16xf32, #tpu.memory_space<vmem_shared>> -> memref<51200x16xf32, #tpu.memory_space<vmem_shared>>
      tpu.enqueue_indirect_dma source(%arg7 : memref<128x16xf32, #tpu.memory_space<vmem>>) target(%dma_start3A_34 : memref<51200x16xf32, #tpu.memory_space<vmem_shared>>) offsets(%dma_start3A_31 : memref<128xi32, #tpu.memory_space<vmem>>) semaphore(%arg10 : memref<!tpu.dma_semaphore, #tpu.memory_space<semaphore_mem>>) {add = true}
      %add3A_35 = arith.constant 2 : i32
      %add3A_36 = arith.addi %mul3A_19, %add3A_35 : i32
      %dma_start3A_37 = arith.constant 0 : i32
      %dma_start3A_38 = tpu.memref_slice %arg6[%add3A_36, %dma_start3A_37] : memref<208x128xi32, #tpu.memory_space<vmem>> -> memref<1x128xi32, #tpu.memory_space<vmem>>
      %dma_start3A_39 = tpu.memref_squeeze %dma_start3A_38 : memref<1x128xi32, #tpu.memory_space<vmem>> -> memref<128xi32, #tpu.memory_space<vmem>>
      %dma_start3A_40 = arith.constant 0 : i32
      %dma_start3A_41 = arith.constant 0 : i32
      %dma_start3A_42 = tpu.memref_slice %arg8[%dma_start3A_40, %dma_start3A_41] : memref<51200x16xf32, #tpu.memory_space<vmem_shared>> -> memref<51200x16xf32, #tpu.memory_space<vmem_shared>>
      tpu.enqueue_indirect_dma source(%arg7 : memref<128x16xf32, #tpu.memory_space<vmem>>) target(%dma_start3A_42 : memref<51200x16xf32, #tpu.memory_space<vmem_shared>>) offsets(%dma_start3A_39 : memref<128xi32, #tpu.memory_space<vmem>>) semaphore(%arg11 : memref<!tpu.dma_semaphore, #tpu.memory_space<semaphore_mem>>) {add = true}
      %add3A_43 = arith.constant 3 : i32
      %add3A_44 = arith.addi %mul3A_19, %add3A_43 : i32
      %dma_start3A_45 = arith.constant 0 : i32
      %dma_start3A_46 = tpu.memref_slice %arg6[%add3A_44, %dma_start3A_45] : memref<208x128xi32, #tpu.memory_space<vmem>> -> memref<1x128xi32, #tpu.memory_space<vmem>>
      %dma_start3A_47 = tpu.memref_squeeze %dma_start3A_46 : memref<1x128xi32, #tpu.memory_space<vmem>> -> memref<128xi32, #tpu.memory_space<vmem>>
      %dma_start3A_48 = arith.constant 0 : i32
      %dma_start3A_49 = arith.constant 0 : i32
      %dma_start3A_50 = tpu.memref_slice %arg8[%dma_start3A_48, %dma_start3A_49] : memref<51200x16xf32, #tpu.memory_space<vmem_shared>> -> memref<51200x16xf32, #tpu.memory_space<vmem_shared>>
      tpu.enqueue_indirect_dma source(%arg7 : memref<128x16xf32, #tpu.memory_space<vmem>>) target(%dma_start3A_50 : memref<51200x16xf32, #tpu.memory_space<vmem_shared>>) offsets(%dma_start3A_47 : memref<128xi32, #tpu.memory_space<vmem>>) semaphore(%arg12 : memref<!tpu.dma_semaphore, #tpu.memory_space<semaphore_mem>>) {add = true}
      %dma_wait3A = arith.constant 0 : i32
      %dma_wait3A_51 = tpu.memref_slice %arg6[%add3A_21, %dma_wait3A] : memref<208x128xi32, #tpu.memory_space<vmem>> -> memref<1x128xi32, #tpu.memory_space<vmem>>
      %dma_wait3A_52 = tpu.memref_squeeze %dma_wait3A_51 : memref<1x128xi32, #tpu.memory_space<vmem>> -> memref<128xi32, #tpu.memory_space<vmem>>
      %dma_wait3A_53 = arith.constant 0 : i32
      %dma_wait3A_54 = arith.constant 0 : i32
      %dma_wait3A_55 = tpu.memref_slice %arg8[%dma_wait3A_53, %dma_wait3A_54] : memref<51200x16xf32, #tpu.memory_space<vmem_shared>> -> memref<51200x16xf32, #tpu.memory_space<vmem_shared>>
      tpu.wait_indirect_dma semaphore(%arg9 : memref<!tpu.dma_semaphore, #tpu.memory_space<semaphore_mem>>) src(%arg7 : memref<128x16xf32, #tpu.memory_space<vmem>>) dst(%dma_wait3A_55 : memref<51200x16xf32, #tpu.memory_space<vmem_shared>>)
      %dma_wait3A_56 = arith.constant 0 : i32
      %dma_wait3A_57 = tpu.memref_slice %arg6[%add3A_28, %dma_wait3A_56] : memref<208x128xi32, #tpu.memory_space<vmem>> -> memref<1x128xi32, #tpu.memory_space<vmem>>
      %dma_wait3A_58 = tpu.memref_squeeze %dma_wait3A_57 : memref<1x128xi32, #tpu.memory_space<vmem>> -> memref<128xi32, #tpu.memory_space<vmem>>
      %dma_wait3A_59 = arith.constant 0 : i32
      %dma_wait3A_60 = arith.constant 0 : i32
      %dma_wait3A_61 = tpu.memref_slice %arg8[%dma_wait3A_59, %dma_wait3A_60] : memref<51200x16xf32, #tpu.memory_space<vmem_shared>> -> memref<51200x16xf32, #tpu.memory_space<vmem_shared>>
      tpu.wait_indirect_dma semaphore(%arg10 : memref<!tpu.dma_semaphore, #tpu.memory_space<semaphore_mem>>) src(%arg7 : memref<128x16xf32, #tpu.memory_space<vmem>>) dst(%dma_wait3A_61 : memref<51200x16xf32, #tpu.memory_space<vmem_shared>>)
      %dma_wait3A_62 = arith.constant 0 : i32
      %dma_wait3A_63 = tpu.memref_slice %arg6[%add3A_36, %dma_wait3A_62] : memref<208x128xi32, #tpu.memory_space<vmem>> -> memref<1x128xi32, #tpu.memory_space<vmem>>
      %dma_wait3A_64 = tpu.memref_squeeze %dma_wait3A_63 : memref<1x128xi32, #tpu.memory_space<vmem>> -> memref<128xi32, #tpu.memory_space<vmem>>
      %dma_wait3A_65 = arith.constant 0 : i32
      %dma_wait3A_66 = arith.constant 0 : i32
      %dma_wait3A_67 = tpu.memref_slice %arg8[%dma_wait3A_65, %dma_wait3A_66] : memref<51200x16xf32, #tpu.memory_space<vmem_shared>> -> memref<51200x16xf32, #tpu.memory_space<vmem_shared>>
      tpu.wait_indirect_dma semaphore(%arg11 : memref<!tpu.dma_semaphore, #tpu.memory_space<semaphore_mem>>) src(%arg7 : memref<128x16xf32, #tpu.memory_space<vmem>>) dst(%dma_wait3A_67 : memref<51200x16xf32, #tpu.memory_space<vmem_shared>>)
      %dma_wait3A_68 = arith.constant 0 : i32
      %dma_wait3A_69 = tpu.memref_slice %arg6[%add3A_44, %dma_wait3A_68] : memref<208x128xi32, #tpu.memory_space<vmem>> -> memref<1x128xi32, #tpu.memory_space<vmem>>
      %dma_wait3A_70 = tpu.memref_squeeze %dma_wait3A_69 : memref<1x128xi32, #tpu.memory_space<vmem>> -> memref<128xi32, #tpu.memory_space<vmem>>
      %dma_wait3A_71 = arith.constant 0 : i32
      %dma_wait3A_72 = arith.constant 0 : i32
      %dma_wait3A_73 = tpu.memref_slice %arg8[%dma_wait3A_71, %dma_wait3A_72] : memref<51200x16xf32, #tpu.memory_space<vmem_shared>> -> memref<51200x16xf32, #tpu.memory_space<vmem_shared>>
      tpu.wait_indirect_dma semaphore(%arg12 : memref<!tpu.dma_semaphore, #tpu.memory_space<semaphore_mem>>) src(%arg7 : memref<128x16xf32, #tpu.memory_space<vmem>>) dst(%dma_wait3A_73 : memref<51200x16xf32, #tpu.memory_space<vmem_shared>>)
    }
    %scan3A_11 = arith.constant 52 : i32
    %barrier3A_12 = arith.constant 0 : index
    tpu.barrier barrier_id(%barrier3A_12)
    %mul3A_13 = arith.constant 3200 : i32
    %mul3A_14 = arith.muli %arg1, %mul3A_13 : i32
    %mul3A_15 = arith.constant 3200 : i32
    %mul3A_16 = arith.muli %arg1, %mul3A_15 : i32
    "tpu.region"() ({
      %run_scoped3A = tpu.sem_alloc : memref<!tpu.dma_semaphore, #tpu.memory_space<semaphore_mem>>
      %dma_start3A = arith.constant 0 : i32
      %dma_start3A_17 = tpu.memref_slice %arg5[%arg0, %mul3A_16, %dma_start3A] : memref<2x51200x16xf32, #tpu.memory_space<hbm>> -> memref<1x3200x16xf32, #tpu.memory_space<hbm>>
      %dma_start3A_18 = tpu.memref_squeeze %dma_start3A_17 : memref<1x3200x16xf32, #tpu.memory_space<hbm>> -> memref<3200x16xf32, #tpu.memory_space<hbm>>
      %dma_start3A_19 = arith.constant 0 : i32
      %dma_start3A_20 = tpu.memref_slice %arg8[%mul3A_14, %dma_start3A_19] : memref<51200x16xf32, #tpu.memory_space<vmem_shared>> -> memref<3200x16xf32, #tpu.memory_space<vmem_shared>>
      tpu.enqueue_dma source(%dma_start3A_20 : memref<3200x16xf32, #tpu.memory_space<vmem_shared>>) target(%dma_start3A_18 : memref<3200x16xf32, #tpu.memory_space<hbm>>) target_semaphore(%run_scoped3A : memref<!tpu.dma_semaphore, #tpu.memory_space<semaphore_mem>>)
      %dma_wait3A = arith.constant 0 : i32
      %dma_wait3A_21 = tpu.memref_slice %arg5[%arg0, %mul3A_16, %dma_wait3A] : memref<2x51200x16xf32, #tpu.memory_space<hbm>> -> memref<1x3200x16xf32, #tpu.memory_space<hbm>>
      %dma_wait3A_22 = tpu.memref_squeeze %dma_wait3A_21 : memref<1x3200x16xf32, #tpu.memory_space<hbm>> -> memref<3200x16xf32, #tpu.memory_space<hbm>>
      %dma_wait3A_23 = arith.constant 0 : i32
      %dma_wait3A_24 = tpu.memref_slice %arg8[%mul3A_14, %dma_wait3A_23] : memref<51200x16xf32, #tpu.memory_space<vmem_shared>> -> memref<3200x16xf32, #tpu.memory_space<vmem_shared>>
      tpu.wait_dma2 semaphore(%run_scoped3A : memref<!tpu.dma_semaphore, #tpu.memory_space<semaphore_mem>>) src(%dma_wait3A_24 : memref<3200x16xf32, #tpu.memory_space<vmem_shared>>) dst(%dma_wait3A_22 : memref<3200x16xf32, #tpu.memory_space<hbm>>)
      tpu.yield
    }) : () -> ()
    return
  }
}

#map = affine_map<(d0, d1) -> (0, 0)>
#map1 = affine_map<(d0, d1) -> (0, 0, 0)>
module attributes {stable_mosaic.version = 14 : i64} {
  func.func @_agg_kernel(%arg0: i32, %arg1: i32, %arg2: memref<51200x16xf32, #tpu.memory_space<hbm>>, %arg3: memref<6656x128xi32, #tpu.memory_space<hbm>>, %arg4: memref<6656x128xi32, #tpu.memory_space<hbm>>, %arg5: memref<51200x16xf32, #tpu.memory_space<hbm>>, %arg6: memref<2x51200x16xf32, #tpu.memory_space<hbm>>, %arg7: memref<208x128xi32, #tpu.memory_space<vmem>>, %arg8: memref<208x128xi32, #tpu.memory_space<vmem>>, %arg9: memref<4x128x16xf32, #tpu.memory_space<vmem>>, %arg10: memref<51200x16xf32, #tpu.memory_space<vmem_shared>>, %arg11: memref<!tpu.dma_semaphore, #tpu.memory_space<semaphore_mem>>, %arg12: memref<!tpu.dma_semaphore, #tpu.memory_space<semaphore_mem>>, %arg13: memref<!tpu.dma_semaphore, #tpu.memory_space<semaphore_mem>>, %arg14: memref<!tpu.dma_semaphore, #tpu.memory_space<semaphore_mem>>) attributes {dimension_semantics = [#tpu.dimension_semantics<core_parallel>, #tpu.dimension_semantics<subcore_parallel>], iteration_bounds = array<i64: 2, 16>, scalar_prefetch = 0 : i64, scratch_operands = 8 : i64, tpu.core_type = #tpu.core_type<sc_vector_subcore>, window_params = [{transform_indices = #map}, {transform_indices = #map}, {transform_indices = #map}, {transform_indices = #map}, {transform_indices = #map1}]} {
    %mul3A = arith.constant 2 : i32
    %mul3A_0 = arith.muli %arg1, %mul3A : i32
    %add3A = arith.addi %mul3A_0, %arg0 : i32
    %mul3A_1 = arith.constant 3200 : i32
    %mul3A_2 = arith.muli %arg1, %mul3A_1 : i32
    %mul3A_3 = arith.constant 3200 : i32
    %mul3A_4 = arith.muli %arg1, %mul3A_3 : i32
    "tpu.region"() ({
      %run_scoped3A = tpu.sem_alloc : memref<!tpu.dma_semaphore, #tpu.memory_space<semaphore_mem>>
      %dma_start3A = arith.constant 0 : i32
      %dma_start3A_19 = tpu.memref_slice %arg10[%mul3A_4, %dma_start3A] : memref<51200x16xf32, #tpu.memory_space<vmem_shared>> -> memref<3200x16xf32, #tpu.memory_space<vmem_shared>>
      %dma_start3A_20 = arith.constant 0 : i32
      %dma_start3A_21 = tpu.memref_slice %arg5[%mul3A_2, %dma_start3A_20] : memref<51200x16xf32, #tpu.memory_space<hbm>> -> memref<3200x16xf32, #tpu.memory_space<hbm>>
      tpu.enqueue_dma source(%dma_start3A_21 : memref<3200x16xf32, #tpu.memory_space<hbm>>) target(%dma_start3A_19 : memref<3200x16xf32, #tpu.memory_space<vmem_shared>>) target_semaphore(%run_scoped3A : memref<!tpu.dma_semaphore, #tpu.memory_space<semaphore_mem>>)
      %dma_wait3A = arith.constant 0 : i32
      %dma_wait3A_22 = tpu.memref_slice %arg10[%mul3A_4, %dma_wait3A] : memref<51200x16xf32, #tpu.memory_space<vmem_shared>> -> memref<3200x16xf32, #tpu.memory_space<vmem_shared>>
      %dma_wait3A_23 = arith.constant 0 : i32
      %dma_wait3A_24 = tpu.memref_slice %arg5[%mul3A_2, %dma_wait3A_23] : memref<51200x16xf32, #tpu.memory_space<hbm>> -> memref<3200x16xf32, #tpu.memory_space<hbm>>
      tpu.wait_dma2 semaphore(%run_scoped3A : memref<!tpu.dma_semaphore, #tpu.memory_space<semaphore_mem>>) src(%dma_wait3A_24 : memref<3200x16xf32, #tpu.memory_space<hbm>>) dst(%dma_wait3A_22 : memref<3200x16xf32, #tpu.memory_space<vmem_shared>>)
      tpu.yield
    }) : () -> ()
    %mul3A_5 = arith.constant 208 : i32
    %mul3A_6 = arith.muli %add3A, %mul3A_5 : i32
    "tpu.region"() ({
      %run_scoped3A = tpu.sem_alloc : memref<!tpu.dma_semaphore, #tpu.memory_space<semaphore_mem>>
      %dma_start3A = arith.constant 0 : i32
      %dma_start3A_19 = tpu.memref_slice %arg3[%mul3A_6, %dma_start3A] : memref<6656x128xi32, #tpu.memory_space<hbm>> -> memref<208x128xi32, #tpu.memory_space<hbm>>
      %dma_start3A_20 = arith.constant 0 : i32
      %dma_start3A_21 = tpu.memref_slice %arg3[%mul3A_6, %dma_start3A_20] : memref<6656x128xi32, #tpu.memory_space<hbm>> -> memref<208x128xi32, #tpu.memory_space<hbm>>
      tpu.enqueue_dma source(%dma_start3A_21 : memref<208x128xi32, #tpu.memory_space<hbm>>) target(%arg7 : memref<208x128xi32, #tpu.memory_space<vmem>>) target_semaphore(%run_scoped3A : memref<!tpu.dma_semaphore, #tpu.memory_space<semaphore_mem>>)
      %dma_wait3A = arith.constant 0 : i32
      %dma_wait3A_22 = tpu.memref_slice %arg3[%mul3A_6, %dma_wait3A] : memref<6656x128xi32, #tpu.memory_space<hbm>> -> memref<208x128xi32, #tpu.memory_space<hbm>>
      %dma_wait3A_23 = arith.constant 0 : i32
      %dma_wait3A_24 = tpu.memref_slice %arg3[%mul3A_6, %dma_wait3A_23] : memref<6656x128xi32, #tpu.memory_space<hbm>> -> memref<208x128xi32, #tpu.memory_space<hbm>>
      tpu.wait_dma2 semaphore(%run_scoped3A : memref<!tpu.dma_semaphore, #tpu.memory_space<semaphore_mem>>) src(%dma_wait3A_24 : memref<208x128xi32, #tpu.memory_space<hbm>>) dst(%arg7 : memref<208x128xi32, #tpu.memory_space<vmem>>)
      tpu.yield
    }) : () -> ()
    %mul3A_7 = arith.constant 208 : i32
    %mul3A_8 = arith.muli %add3A, %mul3A_7 : i32
    "tpu.region"() ({
      %run_scoped3A = tpu.sem_alloc : memref<!tpu.dma_semaphore, #tpu.memory_space<semaphore_mem>>
      %dma_start3A = arith.constant 0 : i32
      %dma_start3A_19 = tpu.memref_slice %arg4[%mul3A_8, %dma_start3A] : memref<6656x128xi32, #tpu.memory_space<hbm>> -> memref<208x128xi32, #tpu.memory_space<hbm>>
      %dma_start3A_20 = arith.constant 0 : i32
      %dma_start3A_21 = tpu.memref_slice %arg4[%mul3A_8, %dma_start3A_20] : memref<6656x128xi32, #tpu.memory_space<hbm>> -> memref<208x128xi32, #tpu.memory_space<hbm>>
      tpu.enqueue_dma source(%dma_start3A_21 : memref<208x128xi32, #tpu.memory_space<hbm>>) target(%arg8 : memref<208x128xi32, #tpu.memory_space<vmem>>) target_semaphore(%run_scoped3A : memref<!tpu.dma_semaphore, #tpu.memory_space<semaphore_mem>>)
      %dma_wait3A = arith.constant 0 : i32
      %dma_wait3A_22 = tpu.memref_slice %arg4[%mul3A_8, %dma_wait3A] : memref<6656x128xi32, #tpu.memory_space<hbm>> -> memref<208x128xi32, #tpu.memory_space<hbm>>
      %dma_wait3A_23 = arith.constant 0 : i32
      %dma_wait3A_24 = tpu.memref_slice %arg4[%mul3A_8, %dma_wait3A_23] : memref<6656x128xi32, #tpu.memory_space<hbm>> -> memref<208x128xi32, #tpu.memory_space<hbm>>
      tpu.wait_dma2 semaphore(%run_scoped3A : memref<!tpu.dma_semaphore, #tpu.memory_space<semaphore_mem>>) src(%dma_wait3A_24 : memref<208x128xi32, #tpu.memory_space<hbm>>) dst(%arg8 : memref<208x128xi32, #tpu.memory_space<vmem>>)
      tpu.yield
    }) : () -> ()
    %barrier3A = arith.constant 0 : index
    tpu.barrier barrier_id(%barrier3A)
    %scan3A = arith.constant 0 : i32
    %scan3A_9 = arith.constant 0 : i32
    %scan3A_10 = arith.constant 52 : i32
    %scan3A_11 = arith.addi %scan3A_9, %scan3A_10 : i32
    %scan3A_12 = arith.constant 1 : i32
    scf.for %scan3A_19 = %scan3A_9 to %scan3A_11 step %scan3A_12  : i32 {
      %mul3A_20 = arith.constant 4 : i32
      %mul3A_21 = arith.muli %scan3A_19, %mul3A_20 : i32
      %add3A_22 = arith.constant 0 : i32
      %add3A_23 = arith.addi %mul3A_21, %add3A_22 : i32
      %dma_start3A = arith.constant 0 : i32
      %dma_start3A_24 = arith.constant 0 : i32
      %dma_start3A_25 = arith.constant 0 : i32
      %dma_start3A_26 = tpu.memref_slice %arg9[%dma_start3A, %dma_start3A_24, %dma_start3A_25] : memref<4x128x16xf32, #tpu.memory_space<vmem>> -> memref<1x128x16xf32, #tpu.memory_space<vmem>>
      %dma_start3A_27 = tpu.memref_squeeze %dma_start3A_26 : memref<1x128x16xf32, #tpu.memory_space<vmem>> -> memref<128x16xf32, #tpu.memory_space<vmem>>
      %dma_start3A_28 = arith.constant 0 : i32
      %dma_start3A_29 = tpu.memref_slice %arg7[%add3A_23, %dma_start3A_28] : memref<208x128xi32, #tpu.memory_space<vmem>> -> memref<1x128xi32, #tpu.memory_space<vmem>>
      %dma_start3A_30 = tpu.memref_squeeze %dma_start3A_29 : memref<1x128xi32, #tpu.memory_space<vmem>> -> memref<128xi32, #tpu.memory_space<vmem>>
      %dma_start3A_31 = arith.constant 0 : i32
      %dma_start3A_32 = arith.constant 0 : i32
      %dma_start3A_33 = tpu.memref_slice %arg2[%dma_start3A_31, %dma_start3A_32] : memref<51200x16xf32, #tpu.memory_space<hbm>> -> memref<51200x16xf32, #tpu.memory_space<hbm>>
      tpu.enqueue_indirect_dma source(%dma_start3A_33 : memref<51200x16xf32, #tpu.memory_space<hbm>>) target(%dma_start3A_27 : memref<128x16xf32, #tpu.memory_space<vmem>>) offsets(%dma_start3A_30 : memref<128xi32, #tpu.memory_space<vmem>>) semaphore(%arg11 : memref<!tpu.dma_semaphore, #tpu.memory_space<semaphore_mem>>)
      %add3A_34 = arith.constant 1 : i32
      %add3A_35 = arith.addi %mul3A_21, %add3A_34 : i32
      %dma_start3A_36 = arith.constant 1 : i32
      %dma_start3A_37 = arith.constant 0 : i32
      %dma_start3A_38 = arith.constant 0 : i32
      %dma_start3A_39 = tpu.memref_slice %arg9[%dma_start3A_36, %dma_start3A_37, %dma_start3A_38] : memref<4x128x16xf32, #tpu.memory_space<vmem>> -> memref<1x128x16xf32, #tpu.memory_space<vmem>>
      %dma_start3A_40 = tpu.memref_squeeze %dma_start3A_39 : memref<1x128x16xf32, #tpu.memory_space<vmem>> -> memref<128x16xf32, #tpu.memory_space<vmem>>
      %dma_start3A_41 = arith.constant 0 : i32
      %dma_start3A_42 = tpu.memref_slice %arg7[%add3A_35, %dma_start3A_41] : memref<208x128xi32, #tpu.memory_space<vmem>> -> memref<1x128xi32, #tpu.memory_space<vmem>>
      %dma_start3A_43 = tpu.memref_squeeze %dma_start3A_42 : memref<1x128xi32, #tpu.memory_space<vmem>> -> memref<128xi32, #tpu.memory_space<vmem>>
      %dma_start3A_44 = arith.constant 0 : i32
      %dma_start3A_45 = arith.constant 0 : i32
      %dma_start3A_46 = tpu.memref_slice %arg2[%dma_start3A_44, %dma_start3A_45] : memref<51200x16xf32, #tpu.memory_space<hbm>> -> memref<51200x16xf32, #tpu.memory_space<hbm>>
      tpu.enqueue_indirect_dma source(%dma_start3A_46 : memref<51200x16xf32, #tpu.memory_space<hbm>>) target(%dma_start3A_40 : memref<128x16xf32, #tpu.memory_space<vmem>>) offsets(%dma_start3A_43 : memref<128xi32, #tpu.memory_space<vmem>>) semaphore(%arg12 : memref<!tpu.dma_semaphore, #tpu.memory_space<semaphore_mem>>)
      %add3A_47 = arith.constant 2 : i32
      %add3A_48 = arith.addi %mul3A_21, %add3A_47 : i32
      %dma_start3A_49 = arith.constant 2 : i32
      %dma_start3A_50 = arith.constant 0 : i32
      %dma_start3A_51 = arith.constant 0 : i32
      %dma_start3A_52 = tpu.memref_slice %arg9[%dma_start3A_49, %dma_start3A_50, %dma_start3A_51] : memref<4x128x16xf32, #tpu.memory_space<vmem>> -> memref<1x128x16xf32, #tpu.memory_space<vmem>>
      %dma_start3A_53 = tpu.memref_squeeze %dma_start3A_52 : memref<1x128x16xf32, #tpu.memory_space<vmem>> -> memref<128x16xf32, #tpu.memory_space<vmem>>
      %dma_start3A_54 = arith.constant 0 : i32
      %dma_start3A_55 = tpu.memref_slice %arg7[%add3A_48, %dma_start3A_54] : memref<208x128xi32, #tpu.memory_space<vmem>> -> memref<1x128xi32, #tpu.memory_space<vmem>>
      %dma_start3A_56 = tpu.memref_squeeze %dma_start3A_55 : memref<1x128xi32, #tpu.memory_space<vmem>> -> memref<128xi32, #tpu.memory_space<vmem>>
      %dma_start3A_57 = arith.constant 0 : i32
      %dma_start3A_58 = arith.constant 0 : i32
      %dma_start3A_59 = tpu.memref_slice %arg2[%dma_start3A_57, %dma_start3A_58] : memref<51200x16xf32, #tpu.memory_space<hbm>> -> memref<51200x16xf32, #tpu.memory_space<hbm>>
      tpu.enqueue_indirect_dma source(%dma_start3A_59 : memref<51200x16xf32, #tpu.memory_space<hbm>>) target(%dma_start3A_53 : memref<128x16xf32, #tpu.memory_space<vmem>>) offsets(%dma_start3A_56 : memref<128xi32, #tpu.memory_space<vmem>>) semaphore(%arg13 : memref<!tpu.dma_semaphore, #tpu.memory_space<semaphore_mem>>)
      %add3A_60 = arith.constant 3 : i32
      %add3A_61 = arith.addi %mul3A_21, %add3A_60 : i32
      %dma_start3A_62 = arith.constant 3 : i32
      %dma_start3A_63 = arith.constant 0 : i32
      %dma_start3A_64 = arith.constant 0 : i32
      %dma_start3A_65 = tpu.memref_slice %arg9[%dma_start3A_62, %dma_start3A_63, %dma_start3A_64] : memref<4x128x16xf32, #tpu.memory_space<vmem>> -> memref<1x128x16xf32, #tpu.memory_space<vmem>>
      %dma_start3A_66 = tpu.memref_squeeze %dma_start3A_65 : memref<1x128x16xf32, #tpu.memory_space<vmem>> -> memref<128x16xf32, #tpu.memory_space<vmem>>
      %dma_start3A_67 = arith.constant 0 : i32
      %dma_start3A_68 = tpu.memref_slice %arg7[%add3A_61, %dma_start3A_67] : memref<208x128xi32, #tpu.memory_space<vmem>> -> memref<1x128xi32, #tpu.memory_space<vmem>>
      %dma_start3A_69 = tpu.memref_squeeze %dma_start3A_68 : memref<1x128xi32, #tpu.memory_space<vmem>> -> memref<128xi32, #tpu.memory_space<vmem>>
      %dma_start3A_70 = arith.constant 0 : i32
      %dma_start3A_71 = arith.constant 0 : i32
      %dma_start3A_72 = tpu.memref_slice %arg2[%dma_start3A_70, %dma_start3A_71] : memref<51200x16xf32, #tpu.memory_space<hbm>> -> memref<51200x16xf32, #tpu.memory_space<hbm>>
      tpu.enqueue_indirect_dma source(%dma_start3A_72 : memref<51200x16xf32, #tpu.memory_space<hbm>>) target(%dma_start3A_66 : memref<128x16xf32, #tpu.memory_space<vmem>>) offsets(%dma_start3A_69 : memref<128xi32, #tpu.memory_space<vmem>>) semaphore(%arg14 : memref<!tpu.dma_semaphore, #tpu.memory_space<semaphore_mem>>)
      %dma_wait3A = arith.constant 0 : i32
      %dma_wait3A_73 = arith.constant 0 : i32
      %dma_wait3A_74 = arith.constant 0 : i32
      %dma_wait3A_75 = tpu.memref_slice %arg9[%dma_wait3A, %dma_wait3A_73, %dma_wait3A_74] : memref<4x128x16xf32, #tpu.memory_space<vmem>> -> memref<1x128x16xf32, #tpu.memory_space<vmem>>
      %dma_wait3A_76 = tpu.memref_squeeze %dma_wait3A_75 : memref<1x128x16xf32, #tpu.memory_space<vmem>> -> memref<128x16xf32, #tpu.memory_space<vmem>>
      %dma_wait3A_77 = arith.constant 0 : i32
      %dma_wait3A_78 = tpu.memref_slice %arg7[%add3A_23, %dma_wait3A_77] : memref<208x128xi32, #tpu.memory_space<vmem>> -> memref<1x128xi32, #tpu.memory_space<vmem>>
      %dma_wait3A_79 = tpu.memref_squeeze %dma_wait3A_78 : memref<1x128xi32, #tpu.memory_space<vmem>> -> memref<128xi32, #tpu.memory_space<vmem>>
      %dma_wait3A_80 = arith.constant 0 : i32
      %dma_wait3A_81 = arith.constant 0 : i32
      %dma_wait3A_82 = tpu.memref_slice %arg2[%dma_wait3A_80, %dma_wait3A_81] : memref<51200x16xf32, #tpu.memory_space<hbm>> -> memref<51200x16xf32, #tpu.memory_space<hbm>>
      tpu.wait_indirect_dma semaphore(%arg11 : memref<!tpu.dma_semaphore, #tpu.memory_space<semaphore_mem>>) src(%dma_wait3A_82 : memref<51200x16xf32, #tpu.memory_space<hbm>>) dst(%dma_wait3A_76 : memref<128x16xf32, #tpu.memory_space<vmem>>)
      %add3A_83 = arith.constant 0 : i32
      %add3A_84 = arith.addi %mul3A_21, %add3A_83 : i32
      %run_scoped3A = arith.constant 0 : i32
      "tpu.region"() ({
        %run_scoped3A_127 = tpu.sem_alloc : memref<!tpu.dma_semaphore, #tpu.memory_space<semaphore_mem>>
        %dma_start3A_128 = arith.constant 0 : i32
        %dma_start3A_129 = arith.constant 0 : i32
        %dma_start3A_130 = tpu.memref_slice %arg9[%run_scoped3A, %dma_start3A_128, %dma_start3A_129] : memref<4x128x16xf32, #tpu.memory_space<vmem>> -> memref<1x128x16xf32, #tpu.memory_space<vmem>>
        %dma_start3A_131 = tpu.memref_squeeze %dma_start3A_130 : memref<1x128x16xf32, #tpu.memory_space<vmem>> -> memref<128x16xf32, #tpu.memory_space<vmem>>
        %dma_start3A_132 = arith.constant 0 : i32
        %dma_start3A_133 = tpu.memref_slice %arg8[%add3A_84, %dma_start3A_132] : memref<208x128xi32, #tpu.memory_space<vmem>> -> memref<1x128xi32, #tpu.memory_space<vmem>>
        %dma_start3A_134 = tpu.memref_squeeze %dma_start3A_133 : memref<1x128xi32, #tpu.memory_space<vmem>> -> memref<128xi32, #tpu.memory_space<vmem>>
        %dma_start3A_135 = arith.constant 0 : i32
        %dma_start3A_136 = arith.constant 0 : i32
        %dma_start3A_137 = tpu.memref_slice %arg10[%dma_start3A_135, %dma_start3A_136] : memref<51200x16xf32, #tpu.memory_space<vmem_shared>> -> memref<51200x16xf32, #tpu.memory_space<vmem_shared>>
        tpu.enqueue_indirect_dma source(%dma_start3A_131 : memref<128x16xf32, #tpu.memory_space<vmem>>) target(%dma_start3A_137 : memref<51200x16xf32, #tpu.memory_space<vmem_shared>>) offsets(%dma_start3A_134 : memref<128xi32, #tpu.memory_space<vmem>>) semaphore(%run_scoped3A_127 : memref<!tpu.dma_semaphore, #tpu.memory_space<semaphore_mem>>) {add = true}
        %dma_wait3A_138 = arith.constant 0 : i32
        %dma_wait3A_139 = arith.constant 0 : i32
        %dma_wait3A_140 = tpu.memref_slice %arg9[%run_scoped3A, %dma_wait3A_138, %dma_wait3A_139] : memref<4x128x16xf32, #tpu.memory_space<vmem>> -> memref<1x128x16xf32, #tpu.memory_space<vmem>>
        %dma_wait3A_141 = tpu.memref_squeeze %dma_wait3A_140 : memref<1x128x16xf32, #tpu.memory_space<vmem>> -> memref<128x16xf32, #tpu.memory_space<vmem>>
        %dma_wait3A_142 = arith.constant 0 : i32
        %dma_wait3A_143 = tpu.memref_slice %arg8[%add3A_84, %dma_wait3A_142] : memref<208x128xi32, #tpu.memory_space<vmem>> -> memref<1x128xi32, #tpu.memory_space<vmem>>
        %dma_wait3A_144 = tpu.memref_squeeze %dma_wait3A_143 : memref<1x128xi32, #tpu.memory_space<vmem>> -> memref<128xi32, #tpu.memory_space<vmem>>
        %dma_wait3A_145 = arith.constant 0 : i32
        %dma_wait3A_146 = arith.constant 0 : i32
        %dma_wait3A_147 = tpu.memref_slice %arg10[%dma_wait3A_145, %dma_wait3A_146] : memref<51200x16xf32, #tpu.memory_space<vmem_shared>> -> memref<51200x16xf32, #tpu.memory_space<vmem_shared>>
        tpu.wait_indirect_dma semaphore(%run_scoped3A_127 : memref<!tpu.dma_semaphore, #tpu.memory_space<semaphore_mem>>) src(%dma_wait3A_141 : memref<128x16xf32, #tpu.memory_space<vmem>>) dst(%dma_wait3A_147 : memref<51200x16xf32, #tpu.memory_space<vmem_shared>>)
        tpu.yield
      }) : () -> ()
      %dma_wait3A_85 = arith.constant 1 : i32
      %dma_wait3A_86 = arith.constant 0 : i32
      %dma_wait3A_87 = arith.constant 0 : i32
      %dma_wait3A_88 = tpu.memref_slice %arg9[%dma_wait3A_85, %dma_wait3A_86, %dma_wait3A_87] : memref<4x128x16xf32, #tpu.memory_space<vmem>> -> memref<1x128x16xf32, #tpu.memory_space<vmem>>
      %dma_wait3A_89 = tpu.memref_squeeze %dma_wait3A_88 : memref<1x128x16xf32, #tpu.memory_space<vmem>> -> memref<128x16xf32, #tpu.memory_space<vmem>>
      %dma_wait3A_90 = arith.constant 0 : i32
      %dma_wait3A_91 = tpu.memref_slice %arg7[%add3A_35, %dma_wait3A_90] : memref<208x128xi32, #tpu.memory_space<vmem>> -> memref<1x128xi32, #tpu.memory_space<vmem>>
      %dma_wait3A_92 = tpu.memref_squeeze %dma_wait3A_91 : memref<1x128xi32, #tpu.memory_space<vmem>> -> memref<128xi32, #tpu.memory_space<vmem>>
      %dma_wait3A_93 = arith.constant 0 : i32
      %dma_wait3A_94 = arith.constant 0 : i32
      %dma_wait3A_95 = tpu.memref_slice %arg2[%dma_wait3A_93, %dma_wait3A_94] : memref<51200x16xf32, #tpu.memory_space<hbm>> -> memref<51200x16xf32, #tpu.memory_space<hbm>>
      tpu.wait_indirect_dma semaphore(%arg12 : memref<!tpu.dma_semaphore, #tpu.memory_space<semaphore_mem>>) src(%dma_wait3A_95 : memref<51200x16xf32, #tpu.memory_space<hbm>>) dst(%dma_wait3A_89 : memref<128x16xf32, #tpu.memory_space<vmem>>)
      %add3A_96 = arith.constant 1 : i32
      %add3A_97 = arith.addi %mul3A_21, %add3A_96 : i32
      %run_scoped3A_98 = arith.constant 1 : i32
      "tpu.region"() ({
        %run_scoped3A_127 = tpu.sem_alloc : memref<!tpu.dma_semaphore, #tpu.memory_space<semaphore_mem>>
        %dma_start3A_128 = arith.constant 0 : i32
        %dma_start3A_129 = arith.constant 0 : i32
        %dma_start3A_130 = tpu.memref_slice %arg9[%run_scoped3A_98, %dma_start3A_128, %dma_start3A_129] : memref<4x128x16xf32, #tpu.memory_space<vmem>> -> memref<1x128x16xf32, #tpu.memory_space<vmem>>
        %dma_start3A_131 = tpu.memref_squeeze %dma_start3A_130 : memref<1x128x16xf32, #tpu.memory_space<vmem>> -> memref<128x16xf32, #tpu.memory_space<vmem>>
        %dma_start3A_132 = arith.constant 0 : i32
        %dma_start3A_133 = tpu.memref_slice %arg8[%add3A_97, %dma_start3A_132] : memref<208x128xi32, #tpu.memory_space<vmem>> -> memref<1x128xi32, #tpu.memory_space<vmem>>
        %dma_start3A_134 = tpu.memref_squeeze %dma_start3A_133 : memref<1x128xi32, #tpu.memory_space<vmem>> -> memref<128xi32, #tpu.memory_space<vmem>>
        %dma_start3A_135 = arith.constant 0 : i32
        %dma_start3A_136 = arith.constant 0 : i32
        %dma_start3A_137 = tpu.memref_slice %arg10[%dma_start3A_135, %dma_start3A_136] : memref<51200x16xf32, #tpu.memory_space<vmem_shared>> -> memref<51200x16xf32, #tpu.memory_space<vmem_shared>>
        tpu.enqueue_indirect_dma source(%dma_start3A_131 : memref<128x16xf32, #tpu.memory_space<vmem>>) target(%dma_start3A_137 : memref<51200x16xf32, #tpu.memory_space<vmem_shared>>) offsets(%dma_start3A_134 : memref<128xi32, #tpu.memory_space<vmem>>) semaphore(%run_scoped3A_127 : memref<!tpu.dma_semaphore, #tpu.memory_space<semaphore_mem>>) {add = true}
        %dma_wait3A_138 = arith.constant 0 : i32
        %dma_wait3A_139 = arith.constant 0 : i32
        %dma_wait3A_140 = tpu.memref_slice %arg9[%run_scoped3A_98, %dma_wait3A_138, %dma_wait3A_139] : memref<4x128x16xf32, #tpu.memory_space<vmem>> -> memref<1x128x16xf32, #tpu.memory_space<vmem>>
        %dma_wait3A_141 = tpu.memref_squeeze %dma_wait3A_140 : memref<1x128x16xf32, #tpu.memory_space<vmem>> -> memref<128x16xf32, #tpu.memory_space<vmem>>
        %dma_wait3A_142 = arith.constant 0 : i32
        %dma_wait3A_143 = tpu.memref_slice %arg8[%add3A_97, %dma_wait3A_142] : memref<208x128xi32, #tpu.memory_space<vmem>> -> memref<1x128xi32, #tpu.memory_space<vmem>>
        %dma_wait3A_144 = tpu.memref_squeeze %dma_wait3A_143 : memref<1x128xi32, #tpu.memory_space<vmem>> -> memref<128xi32, #tpu.memory_space<vmem>>
        %dma_wait3A_145 = arith.constant 0 : i32
        %dma_wait3A_146 = arith.constant 0 : i32
        %dma_wait3A_147 = tpu.memref_slice %arg10[%dma_wait3A_145, %dma_wait3A_146] : memref<51200x16xf32, #tpu.memory_space<vmem_shared>> -> memref<51200x16xf32, #tpu.memory_space<vmem_shared>>
        tpu.wait_indirect_dma semaphore(%run_scoped3A_127 : memref<!tpu.dma_semaphore, #tpu.memory_space<semaphore_mem>>) src(%dma_wait3A_141 : memref<128x16xf32, #tpu.memory_space<vmem>>) dst(%dma_wait3A_147 : memref<51200x16xf32, #tpu.memory_space<vmem_shared>>)
        tpu.yield
      }) : () -> ()
      %dma_wait3A_99 = arith.constant 2 : i32
      %dma_wait3A_100 = arith.constant 0 : i32
      %dma_wait3A_101 = arith.constant 0 : i32
      %dma_wait3A_102 = tpu.memref_slice %arg9[%dma_wait3A_99, %dma_wait3A_100, %dma_wait3A_101] : memref<4x128x16xf32, #tpu.memory_space<vmem>> -> memref<1x128x16xf32, #tpu.memory_space<vmem>>
      %dma_wait3A_103 = tpu.memref_squeeze %dma_wait3A_102 : memref<1x128x16xf32, #tpu.memory_space<vmem>> -> memref<128x16xf32, #tpu.memory_space<vmem>>
      %dma_wait3A_104 = arith.constant 0 : i32
      %dma_wait3A_105 = tpu.memref_slice %arg7[%add3A_48, %dma_wait3A_104] : memref<208x128xi32, #tpu.memory_space<vmem>> -> memref<1x128xi32, #tpu.memory_space<vmem>>
      %dma_wait3A_106 = tpu.memref_squeeze %dma_wait3A_105 : memref<1x128xi32, #tpu.memory_space<vmem>> -> memref<128xi32, #tpu.memory_space<vmem>>
      %dma_wait3A_107 = arith.constant 0 : i32
      %dma_wait3A_108 = arith.constant 0 : i32
      %dma_wait3A_109 = tpu.memref_slice %arg2[%dma_wait3A_107, %dma_wait3A_108] : memref<51200x16xf32, #tpu.memory_space<hbm>> -> memref<51200x16xf32, #tpu.memory_space<hbm>>
      tpu.wait_indirect_dma semaphore(%arg13 : memref<!tpu.dma_semaphore, #tpu.memory_space<semaphore_mem>>) src(%dma_wait3A_109 : memref<51200x16xf32, #tpu.memory_space<hbm>>) dst(%dma_wait3A_103 : memref<128x16xf32, #tpu.memory_space<vmem>>)
      %add3A_110 = arith.constant 2 : i32
      %add3A_111 = arith.addi %mul3A_21, %add3A_110 : i32
      %run_scoped3A_112 = arith.constant 2 : i32
      "tpu.region"() ({
        %run_scoped3A_127 = tpu.sem_alloc : memref<!tpu.dma_semaphore, #tpu.memory_space<semaphore_mem>>
        %dma_start3A_128 = arith.constant 0 : i32
        %dma_start3A_129 = arith.constant 0 : i32
        %dma_start3A_130 = tpu.memref_slice %arg9[%run_scoped3A_112, %dma_start3A_128, %dma_start3A_129] : memref<4x128x16xf32, #tpu.memory_space<vmem>> -> memref<1x128x16xf32, #tpu.memory_space<vmem>>
        %dma_start3A_131 = tpu.memref_squeeze %dma_start3A_130 : memref<1x128x16xf32, #tpu.memory_space<vmem>> -> memref<128x16xf32, #tpu.memory_space<vmem>>
        %dma_start3A_132 = arith.constant 0 : i32
        %dma_start3A_133 = tpu.memref_slice %arg8[%add3A_111, %dma_start3A_132] : memref<208x128xi32, #tpu.memory_space<vmem>> -> memref<1x128xi32, #tpu.memory_space<vmem>>
        %dma_start3A_134 = tpu.memref_squeeze %dma_start3A_133 : memref<1x128xi32, #tpu.memory_space<vmem>> -> memref<128xi32, #tpu.memory_space<vmem>>
        %dma_start3A_135 = arith.constant 0 : i32
        %dma_start3A_136 = arith.constant 0 : i32
        %dma_start3A_137 = tpu.memref_slice %arg10[%dma_start3A_135, %dma_start3A_136] : memref<51200x16xf32, #tpu.memory_space<vmem_shared>> -> memref<51200x16xf32, #tpu.memory_space<vmem_shared>>
        tpu.enqueue_indirect_dma source(%dma_start3A_131 : memref<128x16xf32, #tpu.memory_space<vmem>>) target(%dma_start3A_137 : memref<51200x16xf32, #tpu.memory_space<vmem_shared>>) offsets(%dma_start3A_134 : memref<128xi32, #tpu.memory_space<vmem>>) semaphore(%run_scoped3A_127 : memref<!tpu.dma_semaphore, #tpu.memory_space<semaphore_mem>>) {add = true}
        %dma_wait3A_138 = arith.constant 0 : i32
        %dma_wait3A_139 = arith.constant 0 : i32
        %dma_wait3A_140 = tpu.memref_slice %arg9[%run_scoped3A_112, %dma_wait3A_138, %dma_wait3A_139] : memref<4x128x16xf32, #tpu.memory_space<vmem>> -> memref<1x128x16xf32, #tpu.memory_space<vmem>>
        %dma_wait3A_141 = tpu.memref_squeeze %dma_wait3A_140 : memref<1x128x16xf32, #tpu.memory_space<vmem>> -> memref<128x16xf32, #tpu.memory_space<vmem>>
        %dma_wait3A_142 = arith.constant 0 : i32
        %dma_wait3A_143 = tpu.memref_slice %arg8[%add3A_111, %dma_wait3A_142] : memref<208x128xi32, #tpu.memory_space<vmem>> -> memref<1x128xi32, #tpu.memory_space<vmem>>
        %dma_wait3A_144 = tpu.memref_squeeze %dma_wait3A_143 : memref<1x128xi32, #tpu.memory_space<vmem>> -> memref<128xi32, #tpu.memory_space<vmem>>
        %dma_wait3A_145 = arith.constant 0 : i32
        %dma_wait3A_146 = arith.constant 0 : i32
        %dma_wait3A_147 = tpu.memref_slice %arg10[%dma_wait3A_145, %dma_wait3A_146] : memref<51200x16xf32, #tpu.memory_space<vmem_shared>> -> memref<51200x16xf32, #tpu.memory_space<vmem_shared>>
        tpu.wait_indirect_dma semaphore(%run_scoped3A_127 : memref<!tpu.dma_semaphore, #tpu.memory_space<semaphore_mem>>) src(%dma_wait3A_141 : memref<128x16xf32, #tpu.memory_space<vmem>>) dst(%dma_wait3A_147 : memref<51200x16xf32, #tpu.memory_space<vmem_shared>>)
        tpu.yield
      }) : () -> ()
      %dma_wait3A_113 = arith.constant 3 : i32
      %dma_wait3A_114 = arith.constant 0 : i32
      %dma_wait3A_115 = arith.constant 0 : i32
      %dma_wait3A_116 = tpu.memref_slice %arg9[%dma_wait3A_113, %dma_wait3A_114, %dma_wait3A_115] : memref<4x128x16xf32, #tpu.memory_space<vmem>> -> memref<1x128x16xf32, #tpu.memory_space<vmem>>
      %dma_wait3A_117 = tpu.memref_squeeze %dma_wait3A_116 : memref<1x128x16xf32, #tpu.memory_space<vmem>> -> memref<128x16xf32, #tpu.memory_space<vmem>>
      %dma_wait3A_118 = arith.constant 0 : i32
      %dma_wait3A_119 = tpu.memref_slice %arg7[%add3A_61, %dma_wait3A_118] : memref<208x128xi32, #tpu.memory_space<vmem>> -> memref<1x128xi32, #tpu.memory_space<vmem>>
      %dma_wait3A_120 = tpu.memref_squeeze %dma_wait3A_119 : memref<1x128xi32, #tpu.memory_space<vmem>> -> memref<128xi32, #tpu.memory_space<vmem>>
      %dma_wait3A_121 = arith.constant 0 : i32
      %dma_wait3A_122 = arith.constant 0 : i32
      %dma_wait3A_123 = tpu.memref_slice %arg2[%dma_wait3A_121, %dma_wait3A_122] : memref<51200x16xf32, #tpu.memory_space<hbm>> -> memref<51200x16xf32, #tpu.memory_space<hbm>>
      tpu.wait_indirect_dma semaphore(%arg14 : memref<!tpu.dma_semaphore, #tpu.memory_space<semaphore_mem>>) src(%dma_wait3A_123 : memref<51200x16xf32, #tpu.memory_space<hbm>>) dst(%dma_wait3A_117 : memref<128x16xf32, #tpu.memory_space<vmem>>)
      %add3A_124 = arith.constant 3 : i32
      %add3A_125 = arith.addi %mul3A_21, %add3A_124 : i32
      %run_scoped3A_126 = arith.constant 3 : i32
      "tpu.region"() ({
        %run_scoped3A_127 = tpu.sem_alloc : memref<!tpu.dma_semaphore, #tpu.memory_space<semaphore_mem>>
        %dma_start3A_128 = arith.constant 0 : i32
        %dma_start3A_129 = arith.constant 0 : i32
        %dma_start3A_130 = tpu.memref_slice %arg9[%run_scoped3A_126, %dma_start3A_128, %dma_start3A_129] : memref<4x128x16xf32, #tpu.memory_space<vmem>> -> memref<1x128x16xf32, #tpu.memory_space<vmem>>
        %dma_start3A_131 = tpu.memref_squeeze %dma_start3A_130 : memref<1x128x16xf32, #tpu.memory_space<vmem>> -> memref<128x16xf32, #tpu.memory_space<vmem>>
        %dma_start3A_132 = arith.constant 0 : i32
        %dma_start3A_133 = tpu.memref_slice %arg8[%add3A_125, %dma_start3A_132] : memref<208x128xi32, #tpu.memory_space<vmem>> -> memref<1x128xi32, #tpu.memory_space<vmem>>
        %dma_start3A_134 = tpu.memref_squeeze %dma_start3A_133 : memref<1x128xi32, #tpu.memory_space<vmem>> -> memref<128xi32, #tpu.memory_space<vmem>>
        %dma_start3A_135 = arith.constant 0 : i32
        %dma_start3A_136 = arith.constant 0 : i32
        %dma_start3A_137 = tpu.memref_slice %arg10[%dma_start3A_135, %dma_start3A_136] : memref<51200x16xf32, #tpu.memory_space<vmem_shared>> -> memref<51200x16xf32, #tpu.memory_space<vmem_shared>>
        tpu.enqueue_indirect_dma source(%dma_start3A_131 : memref<128x16xf32, #tpu.memory_space<vmem>>) target(%dma_start3A_137 : memref<51200x16xf32, #tpu.memory_space<vmem_shared>>) offsets(%dma_start3A_134 : memref<128xi32, #tpu.memory_space<vmem>>) semaphore(%run_scoped3A_127 : memref<!tpu.dma_semaphore, #tpu.memory_space<semaphore_mem>>) {add = true}
        %dma_wait3A_138 = arith.constant 0 : i32
        %dma_wait3A_139 = arith.constant 0 : i32
        %dma_wait3A_140 = tpu.memref_slice %arg9[%run_scoped3A_126, %dma_wait3A_138, %dma_wait3A_139] : memref<4x128x16xf32, #tpu.memory_space<vmem>> -> memref<1x128x16xf32, #tpu.memory_space<vmem>>
        %dma_wait3A_141 = tpu.memref_squeeze %dma_wait3A_140 : memref<1x128x16xf32, #tpu.memory_space<vmem>> -> memref<128x16xf32, #tpu.memory_space<vmem>>
        %dma_wait3A_142 = arith.constant 0 : i32
        %dma_wait3A_143 = tpu.memref_slice %arg8[%add3A_125, %dma_wait3A_142] : memref<208x128xi32, #tpu.memory_space<vmem>> -> memref<1x128xi32, #tpu.memory_space<vmem>>
        %dma_wait3A_144 = tpu.memref_squeeze %dma_wait3A_143 : memref<1x128xi32, #tpu.memory_space<vmem>> -> memref<128xi32, #tpu.memory_space<vmem>>
        %dma_wait3A_145 = arith.constant 0 : i32
        %dma_wait3A_146 = arith.constant 0 : i32
        %dma_wait3A_147 = tpu.memref_slice %arg10[%dma_wait3A_145, %dma_wait3A_146] : memref<51200x16xf32, #tpu.memory_space<vmem_shared>> -> memref<51200x16xf32, #tpu.memory_space<vmem_shared>>
        tpu.wait_indirect_dma semaphore(%run_scoped3A_127 : memref<!tpu.dma_semaphore, #tpu.memory_space<semaphore_mem>>) src(%dma_wait3A_141 : memref<128x16xf32, #tpu.memory_space<vmem>>) dst(%dma_wait3A_147 : memref<51200x16xf32, #tpu.memory_space<vmem_shared>>)
        tpu.yield
      }) : () -> ()
    }
    %scan3A_13 = arith.constant 52 : i32
    %barrier3A_14 = arith.constant 0 : index
    tpu.barrier barrier_id(%barrier3A_14)
    %mul3A_15 = arith.constant 3200 : i32
    %mul3A_16 = arith.muli %arg1, %mul3A_15 : i32
    %mul3A_17 = arith.constant 3200 : i32
    %mul3A_18 = arith.muli %arg1, %mul3A_17 : i32
    "tpu.region"() ({
      %run_scoped3A = tpu.sem_alloc : memref<!tpu.dma_semaphore, #tpu.memory_space<semaphore_mem>>
      %dma_start3A = arith.constant 0 : i32
      %dma_start3A_19 = tpu.memref_slice %arg6[%arg0, %mul3A_18, %dma_start3A] : memref<2x51200x16xf32, #tpu.memory_space<hbm>> -> memref<1x3200x16xf32, #tpu.memory_space<hbm>>
      %dma_start3A_20 = tpu.memref_squeeze %dma_start3A_19 : memref<1x3200x16xf32, #tpu.memory_space<hbm>> -> memref<3200x16xf32, #tpu.memory_space<hbm>>
      %dma_start3A_21 = arith.constant 0 : i32
      %dma_start3A_22 = tpu.memref_slice %arg10[%mul3A_16, %dma_start3A_21] : memref<51200x16xf32, #tpu.memory_space<vmem_shared>> -> memref<3200x16xf32, #tpu.memory_space<vmem_shared>>
      tpu.enqueue_dma source(%dma_start3A_22 : memref<3200x16xf32, #tpu.memory_space<vmem_shared>>) target(%dma_start3A_20 : memref<3200x16xf32, #tpu.memory_space<hbm>>) target_semaphore(%run_scoped3A : memref<!tpu.dma_semaphore, #tpu.memory_space<semaphore_mem>>)
      %dma_wait3A = arith.constant 0 : i32
      %dma_wait3A_23 = tpu.memref_slice %arg6[%arg0, %mul3A_18, %dma_wait3A] : memref<2x51200x16xf32, #tpu.memory_space<hbm>> -> memref<1x3200x16xf32, #tpu.memory_space<hbm>>
      %dma_wait3A_24 = tpu.memref_squeeze %dma_wait3A_23 : memref<1x3200x16xf32, #tpu.memory_space<hbm>> -> memref<3200x16xf32, #tpu.memory_space<hbm>>
      %dma_wait3A_25 = arith.constant 0 : i32
      %dma_wait3A_26 = tpu.memref_slice %arg10[%mul3A_16, %dma_wait3A_25] : memref<51200x16xf32, #tpu.memory_space<vmem_shared>> -> memref<3200x16xf32, #tpu.memory_space<vmem_shared>>
      tpu.wait_dma2 semaphore(%run_scoped3A : memref<!tpu.dma_semaphore, #tpu.memory_space<semaphore_mem>>) src(%dma_wait3A_26 : memref<3200x16xf32, #tpu.memory_space<vmem_shared>>) dst(%dma_wait3A_24 : memref<3200x16xf32, #tpu.memory_space<hbm>>)
      tpu.yield
    }) : () -> ()
    return
  }
}

#map = affine_map<(d0, d1) -> (0, 0)>
#map1 = affine_map<(d0, d1) -> (0, 0, 0)>
module attributes {stable_mosaic.version = 14 : i64} {
  func.func @_deg_kernel(%arg0: i32, %arg1: i32, %arg2: memref<6656x128xi32, #tpu.memory_space<hbm>>, %arg3: memref<128x16xf32, #tpu.memory_space<hbm>>, %arg4: memref<51200x16xf32, #tpu.memory_space<hbm>>, %arg5: memref<2x51200x16xf32, #tpu.memory_space<hbm>>, %arg6: memref<208x128xi32, #tpu.memory_space<vmem>>, %arg7: memref<128x16xf32, #tpu.memory_space<vmem>>, %arg8: memref<51200x16xf32, #tpu.memory_space<vmem_shared>>, %arg9: memref<!tpu.dma_semaphore, #tpu.memory_space<semaphore_mem>>, %arg10: memref<!tpu.dma_semaphore, #tpu.memory_space<semaphore_mem>>, %arg11: memref<!tpu.dma_semaphore, #tpu.memory_space<semaphore_mem>>, %arg12: memref<!tpu.dma_semaphore, #tpu.memory_space<semaphore_mem>>) attributes {dimension_semantics = [#tpu.dimension_semantics<core_parallel>, #tpu.dimension_semantics<subcore_parallel>], iteration_bounds = array<i64: 2, 16>, scalar_prefetch = 0 : i64, scratch_operands = 7 : i64, tpu.core_type = #tpu.core_type<sc_vector_subcore>, window_params = [{transform_indices = #map}, {transform_indices = #map}, {transform_indices = #map}, {transform_indices = #map1}]} {
    %mul3A = arith.constant 2 : i32
    %mul3A_0 = arith.muli %arg1, %mul3A : i32
    %add3A = arith.addi %mul3A_0, %arg0 : i32
    "tpu.region"() ({
      %run_scoped3A = tpu.sem_alloc : memref<!tpu.dma_semaphore, #tpu.memory_space<semaphore_mem>>
      tpu.enqueue_dma source(%arg3 : memref<128x16xf32, #tpu.memory_space<hbm>>) target(%arg7 : memref<128x16xf32, #tpu.memory_space<vmem>>) target_semaphore(%run_scoped3A : memref<!tpu.dma_semaphore, #tpu.memory_space<semaphore_mem>>)
      tpu.wait_dma2 semaphore(%run_scoped3A : memref<!tpu.dma_semaphore, #tpu.memory_space<semaphore_mem>>) src(%arg3 : memref<128x16xf32, #tpu.memory_space<hbm>>) dst(%arg7 : memref<128x16xf32, #tpu.memory_space<vmem>>)
      tpu.yield
    }) : () -> ()
    %mul3A_1 = arith.constant 3200 : i32
    %mul3A_2 = arith.muli %arg1, %mul3A_1 : i32
    %mul3A_3 = arith.constant 3200 : i32
    %mul3A_4 = arith.muli %arg1, %mul3A_3 : i32
    "tpu.region"() ({
      %run_scoped3A = tpu.sem_alloc : memref<!tpu.dma_semaphore, #tpu.memory_space<semaphore_mem>>
      %dma_start3A = arith.constant 0 : i32
      %dma_start3A_17 = tpu.memref_slice %arg8[%mul3A_4, %dma_start3A] : memref<51200x16xf32, #tpu.memory_space<vmem_shared>> -> memref<3200x16xf32, #tpu.memory_space<vmem_shared>>
      %dma_start3A_18 = arith.constant 0 : i32
      %dma_start3A_19 = tpu.memref_slice %arg4[%mul3A_2, %dma_start3A_18] : memref<51200x16xf32, #tpu.memory_space<hbm>> -> memref<3200x16xf32, #tpu.memory_space<hbm>>
      tpu.enqueue_dma source(%dma_start3A_19 : memref<3200x16xf32, #tpu.memory_space<hbm>>) target(%dma_start3A_17 : memref<3200x16xf32, #tpu.memory_space<vmem_shared>>) target_semaphore(%run_scoped3A : memref<!tpu.dma_semaphore, #tpu.memory_space<semaphore_mem>>)
      %dma_wait3A = arith.constant 0 : i32
      %dma_wait3A_20 = tpu.memref_slice %arg8[%mul3A_4, %dma_wait3A] : memref<51200x16xf32, #tpu.memory_space<vmem_shared>> -> memref<3200x16xf32, #tpu.memory_space<vmem_shared>>
      %dma_wait3A_21 = arith.constant 0 : i32
      %dma_wait3A_22 = tpu.memref_slice %arg4[%mul3A_2, %dma_wait3A_21] : memref<51200x16xf32, #tpu.memory_space<hbm>> -> memref<3200x16xf32, #tpu.memory_space<hbm>>
      tpu.wait_dma2 semaphore(%run_scoped3A : memref<!tpu.dma_semaphore, #tpu.memory_space<semaphore_mem>>) src(%dma_wait3A_22 : memref<3200x16xf32, #tpu.memory_space<hbm>>) dst(%dma_wait3A_20 : memref<3200x16xf32, #tpu.memory_space<vmem_shared>>)
      tpu.yield
    }) : () -> ()
    %mul3A_5 = arith.constant 208 : i32
    %mul3A_6 = arith.muli %add3A, %mul3A_5 : i32
    "tpu.region"() ({
      %run_scoped3A = tpu.sem_alloc : memref<!tpu.dma_semaphore, #tpu.memory_space<semaphore_mem>>
      %dma_start3A = arith.constant 0 : i32
      %dma_start3A_17 = tpu.memref_slice %arg2[%mul3A_6, %dma_start3A] : memref<6656x128xi32, #tpu.memory_space<hbm>> -> memref<208x128xi32, #tpu.memory_space<hbm>>
      %dma_start3A_18 = arith.constant 0 : i32
      %dma_start3A_19 = tpu.memref_slice %arg2[%mul3A_6, %dma_start3A_18] : memref<6656x128xi32, #tpu.memory_space<hbm>> -> memref<208x128xi32, #tpu.memory_space<hbm>>
      tpu.enqueue_dma source(%dma_start3A_19 : memref<208x128xi32, #tpu.memory_space<hbm>>) target(%arg6 : memref<208x128xi32, #tpu.memory_space<vmem>>) target_semaphore(%run_scoped3A : memref<!tpu.dma_semaphore, #tpu.memory_space<semaphore_mem>>)
      %dma_wait3A = arith.constant 0 : i32
      %dma_wait3A_20 = tpu.memref_slice %arg2[%mul3A_6, %dma_wait3A] : memref<6656x128xi32, #tpu.memory_space<hbm>> -> memref<208x128xi32, #tpu.memory_space<hbm>>
      %dma_wait3A_21 = arith.constant 0 : i32
      %dma_wait3A_22 = tpu.memref_slice %arg2[%mul3A_6, %dma_wait3A_21] : memref<6656x128xi32, #tpu.memory_space<hbm>> -> memref<208x128xi32, #tpu.memory_space<hbm>>
      tpu.wait_dma2 semaphore(%run_scoped3A : memref<!tpu.dma_semaphore, #tpu.memory_space<semaphore_mem>>) src(%dma_wait3A_22 : memref<208x128xi32, #tpu.memory_space<hbm>>) dst(%arg6 : memref<208x128xi32, #tpu.memory_space<vmem>>)
      tpu.yield
    }) : () -> ()
    %barrier3A = arith.constant 0 : index
    tpu.barrier barrier_id(%barrier3A)
    %scan3A = arith.constant 0 : i32
    %scan3A_7 = arith.constant 0 : i32
    %scan3A_8 = arith.constant 52 : i32
    %scan3A_9 = arith.addi %scan3A_7, %scan3A_8 : i32
    %scan3A_10 = arith.constant 1 : i32
    scf.for %scan3A_17 = %scan3A_7 to %scan3A_9 step %scan3A_10  : i32 {
      %mul3A_18 = arith.constant 4 : i32
      %mul3A_19 = arith.muli %scan3A_17, %mul3A_18 : i32
      %add3A_20 = arith.constant 0 : i32
      %add3A_21 = arith.addi %mul3A_19, %add3A_20 : i32
      %dma_start3A = arith.constant 0 : i32
      %dma_start3A_22 = tpu.memref_slice %arg6[%add3A_21, %dma_start3A] : memref<208x128xi32, #tpu.memory_space<vmem>> -> memref<1x128xi32, #tpu.memory_space<vmem>>
      %dma_start3A_23 = tpu.memref_squeeze %dma_start3A_22 : memref<1x128xi32, #tpu.memory_space<vmem>> -> memref<128xi32, #tpu.memory_space<vmem>>
      %dma_start3A_24 = arith.constant 0 : i32
      %dma_start3A_25 = arith.constant 0 : i32
      %dma_start3A_26 = tpu.memref_slice %arg8[%dma_start3A_24, %dma_start3A_25] : memref<51200x16xf32, #tpu.memory_space<vmem_shared>> -> memref<51200x16xf32, #tpu.memory_space<vmem_shared>>
      tpu.enqueue_indirect_dma source(%arg7 : memref<128x16xf32, #tpu.memory_space<vmem>>) target(%dma_start3A_26 : memref<51200x16xf32, #tpu.memory_space<vmem_shared>>) offsets(%dma_start3A_23 : memref<128xi32, #tpu.memory_space<vmem>>) semaphore(%arg9 : memref<!tpu.dma_semaphore, #tpu.memory_space<semaphore_mem>>) {add = true}
      %add3A_27 = arith.constant 1 : i32
      %add3A_28 = arith.addi %mul3A_19, %add3A_27 : i32
      %dma_start3A_29 = arith.constant 0 : i32
      %dma_start3A_30 = tpu.memref_slice %arg6[%add3A_28, %dma_start3A_29] : memref<208x128xi32, #tpu.memory_space<vmem>> -> memref<1x128xi32, #tpu.memory_space<vmem>>
      %dma_start3A_31 = tpu.memref_squeeze %dma_start3A_30 : memref<1x128xi32, #tpu.memory_space<vmem>> -> memref<128xi32, #tpu.memory_space<vmem>>
      %dma_start3A_32 = arith.constant 0 : i32
      %dma_start3A_33 = arith.constant 0 : i32
      %dma_start3A_34 = tpu.memref_slice %arg8[%dma_start3A_32, %dma_start3A_33] : memref<51200x16xf32, #tpu.memory_space<vmem_shared>> -> memref<51200x16xf32, #tpu.memory_space<vmem_shared>>
      tpu.enqueue_indirect_dma source(%arg7 : memref<128x16xf32, #tpu.memory_space<vmem>>) target(%dma_start3A_34 : memref<51200x16xf32, #tpu.memory_space<vmem_shared>>) offsets(%dma_start3A_31 : memref<128xi32, #tpu.memory_space<vmem>>) semaphore(%arg10 : memref<!tpu.dma_semaphore, #tpu.memory_space<semaphore_mem>>) {add = true}
      %add3A_35 = arith.constant 2 : i32
      %add3A_36 = arith.addi %mul3A_19, %add3A_35 : i32
      %dma_start3A_37 = arith.constant 0 : i32
      %dma_start3A_38 = tpu.memref_slice %arg6[%add3A_36, %dma_start3A_37] : memref<208x128xi32, #tpu.memory_space<vmem>> -> memref<1x128xi32, #tpu.memory_space<vmem>>
      %dma_start3A_39 = tpu.memref_squeeze %dma_start3A_38 : memref<1x128xi32, #tpu.memory_space<vmem>> -> memref<128xi32, #tpu.memory_space<vmem>>
      %dma_start3A_40 = arith.constant 0 : i32
      %dma_start3A_41 = arith.constant 0 : i32
      %dma_start3A_42 = tpu.memref_slice %arg8[%dma_start3A_40, %dma_start3A_41] : memref<51200x16xf32, #tpu.memory_space<vmem_shared>> -> memref<51200x16xf32, #tpu.memory_space<vmem_shared>>
      tpu.enqueue_indirect_dma source(%arg7 : memref<128x16xf32, #tpu.memory_space<vmem>>) target(%dma_start3A_42 : memref<51200x16xf32, #tpu.memory_space<vmem_shared>>) offsets(%dma_start3A_39 : memref<128xi32, #tpu.memory_space<vmem>>) semaphore(%arg11 : memref<!tpu.dma_semaphore, #tpu.memory_space<semaphore_mem>>) {add = true}
      %add3A_43 = arith.constant 3 : i32
      %add3A_44 = arith.addi %mul3A_19, %add3A_43 : i32
      %dma_start3A_45 = arith.constant 0 : i32
      %dma_start3A_46 = tpu.memref_slice %arg6[%add3A_44, %dma_start3A_45] : memref<208x128xi32, #tpu.memory_space<vmem>> -> memref<1x128xi32, #tpu.memory_space<vmem>>
      %dma_start3A_47 = tpu.memref_squeeze %dma_start3A_46 : memref<1x128xi32, #tpu.memory_space<vmem>> -> memref<128xi32, #tpu.memory_space<vmem>>
      %dma_start3A_48 = arith.constant 0 : i32
      %dma_start3A_49 = arith.constant 0 : i32
      %dma_start3A_50 = tpu.memref_slice %arg8[%dma_start3A_48, %dma_start3A_49] : memref<51200x16xf32, #tpu.memory_space<vmem_shared>> -> memref<51200x16xf32, #tpu.memory_space<vmem_shared>>
      tpu.enqueue_indirect_dma source(%arg7 : memref<128x16xf32, #tpu.memory_space<vmem>>) target(%dma_start3A_50 : memref<51200x16xf32, #tpu.memory_space<vmem_shared>>) offsets(%dma_start3A_47 : memref<128xi32, #tpu.memory_space<vmem>>) semaphore(%arg12 : memref<!tpu.dma_semaphore, #tpu.memory_space<semaphore_mem>>) {add = true}
      %dma_wait3A = arith.constant 0 : i32
      %dma_wait3A_51 = tpu.memref_slice %arg6[%add3A_21, %dma_wait3A] : memref<208x128xi32, #tpu.memory_space<vmem>> -> memref<1x128xi32, #tpu.memory_space<vmem>>
      %dma_wait3A_52 = tpu.memref_squeeze %dma_wait3A_51 : memref<1x128xi32, #tpu.memory_space<vmem>> -> memref<128xi32, #tpu.memory_space<vmem>>
      %dma_wait3A_53 = arith.constant 0 : i32
      %dma_wait3A_54 = arith.constant 0 : i32
      %dma_wait3A_55 = tpu.memref_slice %arg8[%dma_wait3A_53, %dma_wait3A_54] : memref<51200x16xf32, #tpu.memory_space<vmem_shared>> -> memref<51200x16xf32, #tpu.memory_space<vmem_shared>>
      tpu.wait_indirect_dma semaphore(%arg9 : memref<!tpu.dma_semaphore, #tpu.memory_space<semaphore_mem>>) src(%arg7 : memref<128x16xf32, #tpu.memory_space<vmem>>) dst(%dma_wait3A_55 : memref<51200x16xf32, #tpu.memory_space<vmem_shared>>)
      %dma_wait3A_56 = arith.constant 0 : i32
      %dma_wait3A_57 = tpu.memref_slice %arg6[%add3A_28, %dma_wait3A_56] : memref<208x128xi32, #tpu.memory_space<vmem>> -> memref<1x128xi32, #tpu.memory_space<vmem>>
      %dma_wait3A_58 = tpu.memref_squeeze %dma_wait3A_57 : memref<1x128xi32, #tpu.memory_space<vmem>> -> memref<128xi32, #tpu.memory_space<vmem>>
      %dma_wait3A_59 = arith.constant 0 : i32
      %dma_wait3A_60 = arith.constant 0 : i32
      %dma_wait3A_61 = tpu.memref_slice %arg8[%dma_wait3A_59, %dma_wait3A_60] : memref<51200x16xf32, #tpu.memory_space<vmem_shared>> -> memref<51200x16xf32, #tpu.memory_space<vmem_shared>>
      tpu.wait_indirect_dma semaphore(%arg10 : memref<!tpu.dma_semaphore, #tpu.memory_space<semaphore_mem>>) src(%arg7 : memref<128x16xf32, #tpu.memory_space<vmem>>) dst(%dma_wait3A_61 : memref<51200x16xf32, #tpu.memory_space<vmem_shared>>)
      %dma_wait3A_62 = arith.constant 0 : i32
      %dma_wait3A_63 = tpu.memref_slice %arg6[%add3A_36, %dma_wait3A_62] : memref<208x128xi32, #tpu.memory_space<vmem>> -> memref<1x128xi32, #tpu.memory_space<vmem>>
      %dma_wait3A_64 = tpu.memref_squeeze %dma_wait3A_63 : memref<1x128xi32, #tpu.memory_space<vmem>> -> memref<128xi32, #tpu.memory_space<vmem>>
      %dma_wait3A_65 = arith.constant 0 : i32
      %dma_wait3A_66 = arith.constant 0 : i32
      %dma_wait3A_67 = tpu.memref_slice %arg8[%dma_wait3A_65, %dma_wait3A_66] : memref<51200x16xf32, #tpu.memory_space<vmem_shared>> -> memref<51200x16xf32, #tpu.memory_space<vmem_shared>>
      tpu.wait_indirect_dma semaphore(%arg11 : memref<!tpu.dma_semaphore, #tpu.memory_space<semaphore_mem>>) src(%arg7 : memref<128x16xf32, #tpu.memory_space<vmem>>) dst(%dma_wait3A_67 : memref<51200x16xf32, #tpu.memory_space<vmem_shared>>)
      %dma_wait3A_68 = arith.constant 0 : i32
      %dma_wait3A_69 = tpu.memref_slice %arg6[%add3A_44, %dma_wait3A_68] : memref<208x128xi32, #tpu.memory_space<vmem>> -> memref<1x128xi32, #tpu.memory_space<vmem>>
      %dma_wait3A_70 = tpu.memref_squeeze %dma_wait3A_69 : memref<1x128xi32, #tpu.memory_space<vmem>> -> memref<128xi32, #tpu.memory_space<vmem>>
      %dma_wait3A_71 = arith.constant 0 : i32
      %dma_wait3A_72 = arith.constant 0 : i32
      %dma_wait3A_73 = tpu.memref_slice %arg8[%dma_wait3A_71, %dma_wait3A_72] : memref<51200x16xf32, #tpu.memory_space<vmem_shared>> -> memref<51200x16xf32, #tpu.memory_space<vmem_shared>>
      tpu.wait_indirect_dma semaphore(%arg12 : memref<!tpu.dma_semaphore, #tpu.memory_space<semaphore_mem>>) src(%arg7 : memref<128x16xf32, #tpu.memory_space<vmem>>) dst(%dma_wait3A_73 : memref<51200x16xf32, #tpu.memory_space<vmem_shared>>)
    }
    %scan3A_11 = arith.constant 52 : i32
    %barrier3A_12 = arith.constant 0 : index
    tpu.barrier barrier_id(%barrier3A_12)
    %mul3A_13 = arith.constant 3200 : i32
    %mul3A_14 = arith.muli %arg1, %mul3A_13 : i32
    %mul3A_15 = arith.constant 3200 : i32
    %mul3A_16 = arith.muli %arg1, %mul3A_15 : i32
    "tpu.region"() ({
      %run_scoped3A = tpu.sem_alloc : memref<!tpu.dma_semaphore, #tpu.memory_space<semaphore_mem>>
      %dma_start3A = arith.constant 0 : i32
      %dma_start3A_17 = tpu.memref_slice %arg5[%arg0, %mul3A_16, %dma_start3A] : memref<2x51200x16xf32, #tpu.memory_space<hbm>> -> memref<1x3200x16xf32, #tpu.memory_space<hbm>>
      %dma_start3A_18 = tpu.memref_squeeze %dma_start3A_17 : memref<1x3200x16xf32, #tpu.memory_space<hbm>> -> memref<3200x16xf32, #tpu.memory_space<hbm>>
      %dma_start3A_19 = arith.constant 0 : i32
      %dma_start3A_20 = tpu.memref_slice %arg8[%mul3A_14, %dma_start3A_19] : memref<51200x16xf32, #tpu.memory_space<vmem_shared>> -> memref<3200x16xf32, #tpu.memory_space<vmem_shared>>
      tpu.enqueue_dma source(%dma_start3A_20 : memref<3200x16xf32, #tpu.memory_space<vmem_shared>>) target(%dma_start3A_18 : memref<3200x16xf32, #tpu.memory_space<hbm>>) target_semaphore(%run_scoped3A : memref<!tpu.dma_semaphore, #tpu.memory_space<semaphore_mem>>)
      %dma_wait3A = arith.constant 0 : i32
      %dma_wait3A_21 = tpu.memref_slice %arg5[%arg0, %mul3A_16, %dma_wait3A] : memref<2x51200x16xf32, #tpu.memory_space<hbm>> -> memref<1x3200x16xf32, #tpu.memory_space<hbm>>
      %dma_wait3A_22 = tpu.memref_squeeze %dma_wait3A_21 : memref<1x3200x16xf32, #tpu.memory_space<hbm>> -> memref<3200x16xf32, #tpu.memory_space<hbm>>
      %dma_wait3A_23 = arith.constant 0 : i32
      %dma_wait3A_24 = tpu.memref_slice %arg8[%mul3A_14, %dma_wait3A_23] : memref<51200x16xf32, #tpu.memory_space<vmem_shared>> -> memref<3200x16xf32, #tpu.memory_space<vmem_shared>>
      tpu.wait_dma2 semaphore(%run_scoped3A : memref<!tpu.dma_semaphore, #tpu.memory_space<semaphore_mem>>) src(%dma_wait3A_24 : memref<3200x16xf32, #tpu.memory_space<vmem_shared>>) dst(%dma_wait3A_22 : memref<3200x16xf32, #tpu.memory_space<hbm>>)
      tpu.yield
    }) : () -> ()
    return
  }
}

#map = affine_map<(d0, d1) -> (0, 0)>
#map1 = affine_map<(d0, d1) -> (0, 0, 0)>
module attributes {stable_mosaic.version = 14 : i64} {
  func.func @_agg_kernel(%arg0: i32, %arg1: i32, %arg2: memref<51200x16xf32, #tpu.memory_space<hbm>>, %arg3: memref<6656x128xi32, #tpu.memory_space<hbm>>, %arg4: memref<6656x128xi32, #tpu.memory_space<hbm>>, %arg5: memref<51200x16xf32, #tpu.memory_space<hbm>>, %arg6: memref<2x51200x16xf32, #tpu.memory_space<hbm>>, %arg7: memref<208x128xi32, #tpu.memory_space<vmem>>, %arg8: memref<208x128xi32, #tpu.memory_space<vmem>>, %arg9: memref<4x128x16xf32, #tpu.memory_space<vmem>>, %arg10: memref<51200x16xf32, #tpu.memory_space<vmem_shared>>, %arg11: memref<!tpu.dma_semaphore, #tpu.memory_space<semaphore_mem>>, %arg12: memref<!tpu.dma_semaphore, #tpu.memory_space<semaphore_mem>>, %arg13: memref<!tpu.dma_semaphore, #tpu.memory_space<semaphore_mem>>, %arg14: memref<!tpu.dma_semaphore, #tpu.memory_space<semaphore_mem>>) attributes {dimension_semantics = [#tpu.dimension_semantics<core_parallel>, #tpu.dimension_semantics<subcore_parallel>], iteration_bounds = array<i64: 2, 16>, scalar_prefetch = 0 : i64, scratch_operands = 8 : i64, tpu.core_type = #tpu.core_type<sc_vector_subcore>, window_params = [{transform_indices = #map}, {transform_indices = #map}, {transform_indices = #map}, {transform_indices = #map}, {transform_indices = #map1}]} {
    %mul3A = arith.constant 2 : i32
    %mul3A_0 = arith.muli %arg1, %mul3A : i32
    %add3A = arith.addi %mul3A_0, %arg0 : i32
    %mul3A_1 = arith.constant 3200 : i32
    %mul3A_2 = arith.muli %arg1, %mul3A_1 : i32
    %mul3A_3 = arith.constant 3200 : i32
    %mul3A_4 = arith.muli %arg1, %mul3A_3 : i32
    "tpu.region"() ({
      %run_scoped3A = tpu.sem_alloc : memref<!tpu.dma_semaphore, #tpu.memory_space<semaphore_mem>>
      %dma_start3A = arith.constant 0 : i32
      %dma_start3A_19 = tpu.memref_slice %arg10[%mul3A_4, %dma_start3A] : memref<51200x16xf32, #tpu.memory_space<vmem_shared>> -> memref<3200x16xf32, #tpu.memory_space<vmem_shared>>
      %dma_start3A_20 = arith.constant 0 : i32
      %dma_start3A_21 = tpu.memref_slice %arg5[%mul3A_2, %dma_start3A_20] : memref<51200x16xf32, #tpu.memory_space<hbm>> -> memref<3200x16xf32, #tpu.memory_space<hbm>>
      tpu.enqueue_dma source(%dma_start3A_21 : memref<3200x16xf32, #tpu.memory_space<hbm>>) target(%dma_start3A_19 : memref<3200x16xf32, #tpu.memory_space<vmem_shared>>) target_semaphore(%run_scoped3A : memref<!tpu.dma_semaphore, #tpu.memory_space<semaphore_mem>>)
      %dma_wait3A = arith.constant 0 : i32
      %dma_wait3A_22 = tpu.memref_slice %arg10[%mul3A_4, %dma_wait3A] : memref<51200x16xf32, #tpu.memory_space<vmem_shared>> -> memref<3200x16xf32, #tpu.memory_space<vmem_shared>>
      %dma_wait3A_23 = arith.constant 0 : i32
      %dma_wait3A_24 = tpu.memref_slice %arg5[%mul3A_2, %dma_wait3A_23] : memref<51200x16xf32, #tpu.memory_space<hbm>> -> memref<3200x16xf32, #tpu.memory_space<hbm>>
      tpu.wait_dma2 semaphore(%run_scoped3A : memref<!tpu.dma_semaphore, #tpu.memory_space<semaphore_mem>>) src(%dma_wait3A_24 : memref<3200x16xf32, #tpu.memory_space<hbm>>) dst(%dma_wait3A_22 : memref<3200x16xf32, #tpu.memory_space<vmem_shared>>)
      tpu.yield
    }) : () -> ()
    %mul3A_5 = arith.constant 208 : i32
    %mul3A_6 = arith.muli %add3A, %mul3A_5 : i32
    "tpu.region"() ({
      %run_scoped3A = tpu.sem_alloc : memref<!tpu.dma_semaphore, #tpu.memory_space<semaphore_mem>>
      %dma_start3A = arith.constant 0 : i32
      %dma_start3A_19 = tpu.memref_slice %arg3[%mul3A_6, %dma_start3A] : memref<6656x128xi32, #tpu.memory_space<hbm>> -> memref<208x128xi32, #tpu.memory_space<hbm>>
      %dma_start3A_20 = arith.constant 0 : i32
      %dma_start3A_21 = tpu.memref_slice %arg3[%mul3A_6, %dma_start3A_20] : memref<6656x128xi32, #tpu.memory_space<hbm>> -> memref<208x128xi32, #tpu.memory_space<hbm>>
      tpu.enqueue_dma source(%dma_start3A_21 : memref<208x128xi32, #tpu.memory_space<hbm>>) target(%arg7 : memref<208x128xi32, #tpu.memory_space<vmem>>) target_semaphore(%run_scoped3A : memref<!tpu.dma_semaphore, #tpu.memory_space<semaphore_mem>>)
      %dma_wait3A = arith.constant 0 : i32
      %dma_wait3A_22 = tpu.memref_slice %arg3[%mul3A_6, %dma_wait3A] : memref<6656x128xi32, #tpu.memory_space<hbm>> -> memref<208x128xi32, #tpu.memory_space<hbm>>
      %dma_wait3A_23 = arith.constant 0 : i32
      %dma_wait3A_24 = tpu.memref_slice %arg3[%mul3A_6, %dma_wait3A_23] : memref<6656x128xi32, #tpu.memory_space<hbm>> -> memref<208x128xi32, #tpu.memory_space<hbm>>
      tpu.wait_dma2 semaphore(%run_scoped3A : memref<!tpu.dma_semaphore, #tpu.memory_space<semaphore_mem>>) src(%dma_wait3A_24 : memref<208x128xi32, #tpu.memory_space<hbm>>) dst(%arg7 : memref<208x128xi32, #tpu.memory_space<vmem>>)
      tpu.yield
    }) : () -> ()
    %mul3A_7 = arith.constant 208 : i32
    %mul3A_8 = arith.muli %add3A, %mul3A_7 : i32
    "tpu.region"() ({
      %run_scoped3A = tpu.sem_alloc : memref<!tpu.dma_semaphore, #tpu.memory_space<semaphore_mem>>
      %dma_start3A = arith.constant 0 : i32
      %dma_start3A_19 = tpu.memref_slice %arg4[%mul3A_8, %dma_start3A] : memref<6656x128xi32, #tpu.memory_space<hbm>> -> memref<208x128xi32, #tpu.memory_space<hbm>>
      %dma_start3A_20 = arith.constant 0 : i32
      %dma_start3A_21 = tpu.memref_slice %arg4[%mul3A_8, %dma_start3A_20] : memref<6656x128xi32, #tpu.memory_space<hbm>> -> memref<208x128xi32, #tpu.memory_space<hbm>>
      tpu.enqueue_dma source(%dma_start3A_21 : memref<208x128xi32, #tpu.memory_space<hbm>>) target(%arg8 : memref<208x128xi32, #tpu.memory_space<vmem>>) target_semaphore(%run_scoped3A : memref<!tpu.dma_semaphore, #tpu.memory_space<semaphore_mem>>)
      %dma_wait3A = arith.constant 0 : i32
      %dma_wait3A_22 = tpu.memref_slice %arg4[%mul3A_8, %dma_wait3A] : memref<6656x128xi32, #tpu.memory_space<hbm>> -> memref<208x128xi32, #tpu.memory_space<hbm>>
      %dma_wait3A_23 = arith.constant 0 : i32
      %dma_wait3A_24 = tpu.memref_slice %arg4[%mul3A_8, %dma_wait3A_23] : memref<6656x128xi32, #tpu.memory_space<hbm>> -> memref<208x128xi32, #tpu.memory_space<hbm>>
      tpu.wait_dma2 semaphore(%run_scoped3A : memref<!tpu.dma_semaphore, #tpu.memory_space<semaphore_mem>>) src(%dma_wait3A_24 : memref<208x128xi32, #tpu.memory_space<hbm>>) dst(%arg8 : memref<208x128xi32, #tpu.memory_space<vmem>>)
      tpu.yield
    }) : () -> ()
    %barrier3A = arith.constant 0 : index
    tpu.barrier barrier_id(%barrier3A)
    %scan3A = arith.constant 0 : i32
    %scan3A_9 = arith.constant 0 : i32
    %scan3A_10 = arith.constant 52 : i32
    %scan3A_11 = arith.addi %scan3A_9, %scan3A_10 : i32
    %scan3A_12 = arith.constant 1 : i32
    scf.for %scan3A_19 = %scan3A_9 to %scan3A_11 step %scan3A_12  : i32 {
      %mul3A_20 = arith.constant 4 : i32
      %mul3A_21 = arith.muli %scan3A_19, %mul3A_20 : i32
      %add3A_22 = arith.constant 0 : i32
      %add3A_23 = arith.addi %mul3A_21, %add3A_22 : i32
      %dma_start3A = arith.constant 0 : i32
      %dma_start3A_24 = arith.constant 0 : i32
      %dma_start3A_25 = arith.constant 0 : i32
      %dma_start3A_26 = tpu.memref_slice %arg9[%dma_start3A, %dma_start3A_24, %dma_start3A_25] : memref<4x128x16xf32, #tpu.memory_space<vmem>> -> memref<1x128x16xf32, #tpu.memory_space<vmem>>
      %dma_start3A_27 = tpu.memref_squeeze %dma_start3A_26 : memref<1x128x16xf32, #tpu.memory_space<vmem>> -> memref<128x16xf32, #tpu.memory_space<vmem>>
      %dma_start3A_28 = arith.constant 0 : i32
      %dma_start3A_29 = tpu.memref_slice %arg7[%add3A_23, %dma_start3A_28] : memref<208x128xi32, #tpu.memory_space<vmem>> -> memref<1x128xi32, #tpu.memory_space<vmem>>
      %dma_start3A_30 = tpu.memref_squeeze %dma_start3A_29 : memref<1x128xi32, #tpu.memory_space<vmem>> -> memref<128xi32, #tpu.memory_space<vmem>>
      %dma_start3A_31 = arith.constant 0 : i32
      %dma_start3A_32 = arith.constant 0 : i32
      %dma_start3A_33 = tpu.memref_slice %arg2[%dma_start3A_31, %dma_start3A_32] : memref<51200x16xf32, #tpu.memory_space<hbm>> -> memref<51200x16xf32, #tpu.memory_space<hbm>>
      tpu.enqueue_indirect_dma source(%dma_start3A_33 : memref<51200x16xf32, #tpu.memory_space<hbm>>) target(%dma_start3A_27 : memref<128x16xf32, #tpu.memory_space<vmem>>) offsets(%dma_start3A_30 : memref<128xi32, #tpu.memory_space<vmem>>) semaphore(%arg11 : memref<!tpu.dma_semaphore, #tpu.memory_space<semaphore_mem>>)
      %add3A_34 = arith.constant 1 : i32
      %add3A_35 = arith.addi %mul3A_21, %add3A_34 : i32
      %dma_start3A_36 = arith.constant 1 : i32
      %dma_start3A_37 = arith.constant 0 : i32
      %dma_start3A_38 = arith.constant 0 : i32
      %dma_start3A_39 = tpu.memref_slice %arg9[%dma_start3A_36, %dma_start3A_37, %dma_start3A_38] : memref<4x128x16xf32, #tpu.memory_space<vmem>> -> memref<1x128x16xf32, #tpu.memory_space<vmem>>
      %dma_start3A_40 = tpu.memref_squeeze %dma_start3A_39 : memref<1x128x16xf32, #tpu.memory_space<vmem>> -> memref<128x16xf32, #tpu.memory_space<vmem>>
      %dma_start3A_41 = arith.constant 0 : i32
      %dma_start3A_42 = tpu.memref_slice %arg7[%add3A_35, %dma_start3A_41] : memref<208x128xi32, #tpu.memory_space<vmem>> -> memref<1x128xi32, #tpu.memory_space<vmem>>
      %dma_start3A_43 = tpu.memref_squeeze %dma_start3A_42 : memref<1x128xi32, #tpu.memory_space<vmem>> -> memref<128xi32, #tpu.memory_space<vmem>>
      %dma_start3A_44 = arith.constant 0 : i32
      %dma_start3A_45 = arith.constant 0 : i32
      %dma_start3A_46 = tpu.memref_slice %arg2[%dma_start3A_44, %dma_start3A_45] : memref<51200x16xf32, #tpu.memory_space<hbm>> -> memref<51200x16xf32, #tpu.memory_space<hbm>>
      tpu.enqueue_indirect_dma source(%dma_start3A_46 : memref<51200x16xf32, #tpu.memory_space<hbm>>) target(%dma_start3A_40 : memref<128x16xf32, #tpu.memory_space<vmem>>) offsets(%dma_start3A_43 : memref<128xi32, #tpu.memory_space<vmem>>) semaphore(%arg12 : memref<!tpu.dma_semaphore, #tpu.memory_space<semaphore_mem>>)
      %add3A_47 = arith.constant 2 : i32
      %add3A_48 = arith.addi %mul3A_21, %add3A_47 : i32
      %dma_start3A_49 = arith.constant 2 : i32
      %dma_start3A_50 = arith.constant 0 : i32
      %dma_start3A_51 = arith.constant 0 : i32
      %dma_start3A_52 = tpu.memref_slice %arg9[%dma_start3A_49, %dma_start3A_50, %dma_start3A_51] : memref<4x128x16xf32, #tpu.memory_space<vmem>> -> memref<1x128x16xf32, #tpu.memory_space<vmem>>
      %dma_start3A_53 = tpu.memref_squeeze %dma_start3A_52 : memref<1x128x16xf32, #tpu.memory_space<vmem>> -> memref<128x16xf32, #tpu.memory_space<vmem>>
      %dma_start3A_54 = arith.constant 0 : i32
      %dma_start3A_55 = tpu.memref_slice %arg7[%add3A_48, %dma_start3A_54] : memref<208x128xi32, #tpu.memory_space<vmem>> -> memref<1x128xi32, #tpu.memory_space<vmem>>
      %dma_start3A_56 = tpu.memref_squeeze %dma_start3A_55 : memref<1x128xi32, #tpu.memory_space<vmem>> -> memref<128xi32, #tpu.memory_space<vmem>>
      %dma_start3A_57 = arith.constant 0 : i32
      %dma_start3A_58 = arith.constant 0 : i32
      %dma_start3A_59 = tpu.memref_slice %arg2[%dma_start3A_57, %dma_start3A_58] : memref<51200x16xf32, #tpu.memory_space<hbm>> -> memref<51200x16xf32, #tpu.memory_space<hbm>>
      tpu.enqueue_indirect_dma source(%dma_start3A_59 : memref<51200x16xf32, #tpu.memory_space<hbm>>) target(%dma_start3A_53 : memref<128x16xf32, #tpu.memory_space<vmem>>) offsets(%dma_start3A_56 : memref<128xi32, #tpu.memory_space<vmem>>) semaphore(%arg13 : memref<!tpu.dma_semaphore, #tpu.memory_space<semaphore_mem>>)
      %add3A_60 = arith.constant 3 : i32
      %add3A_61 = arith.addi %mul3A_21, %add3A_60 : i32
      %dma_start3A_62 = arith.constant 3 : i32
      %dma_start3A_63 = arith.constant 0 : i32
      %dma_start3A_64 = arith.constant 0 : i32
      %dma_start3A_65 = tpu.memref_slice %arg9[%dma_start3A_62, %dma_start3A_63, %dma_start3A_64] : memref<4x128x16xf32, #tpu.memory_space<vmem>> -> memref<1x128x16xf32, #tpu.memory_space<vmem>>
      %dma_start3A_66 = tpu.memref_squeeze %dma_start3A_65 : memref<1x128x16xf32, #tpu.memory_space<vmem>> -> memref<128x16xf32, #tpu.memory_space<vmem>>
      %dma_start3A_67 = arith.constant 0 : i32
      %dma_start3A_68 = tpu.memref_slice %arg7[%add3A_61, %dma_start3A_67] : memref<208x128xi32, #tpu.memory_space<vmem>> -> memref<1x128xi32, #tpu.memory_space<vmem>>
      %dma_start3A_69 = tpu.memref_squeeze %dma_start3A_68 : memref<1x128xi32, #tpu.memory_space<vmem>> -> memref<128xi32, #tpu.memory_space<vmem>>
      %dma_start3A_70 = arith.constant 0 : i32
      %dma_start3A_71 = arith.constant 0 : i32
      %dma_start3A_72 = tpu.memref_slice %arg2[%dma_start3A_70, %dma_start3A_71] : memref<51200x16xf32, #tpu.memory_space<hbm>> -> memref<51200x16xf32, #tpu.memory_space<hbm>>
      tpu.enqueue_indirect_dma source(%dma_start3A_72 : memref<51200x16xf32, #tpu.memory_space<hbm>>) target(%dma_start3A_66 : memref<128x16xf32, #tpu.memory_space<vmem>>) offsets(%dma_start3A_69 : memref<128xi32, #tpu.memory_space<vmem>>) semaphore(%arg14 : memref<!tpu.dma_semaphore, #tpu.memory_space<semaphore_mem>>)
      %dma_wait3A = arith.constant 0 : i32
      %dma_wait3A_73 = arith.constant 0 : i32
      %dma_wait3A_74 = arith.constant 0 : i32
      %dma_wait3A_75 = tpu.memref_slice %arg9[%dma_wait3A, %dma_wait3A_73, %dma_wait3A_74] : memref<4x128x16xf32, #tpu.memory_space<vmem>> -> memref<1x128x16xf32, #tpu.memory_space<vmem>>
      %dma_wait3A_76 = tpu.memref_squeeze %dma_wait3A_75 : memref<1x128x16xf32, #tpu.memory_space<vmem>> -> memref<128x16xf32, #tpu.memory_space<vmem>>
      %dma_wait3A_77 = arith.constant 0 : i32
      %dma_wait3A_78 = tpu.memref_slice %arg7[%add3A_23, %dma_wait3A_77] : memref<208x128xi32, #tpu.memory_space<vmem>> -> memref<1x128xi32, #tpu.memory_space<vmem>>
      %dma_wait3A_79 = tpu.memref_squeeze %dma_wait3A_78 : memref<1x128xi32, #tpu.memory_space<vmem>> -> memref<128xi32, #tpu.memory_space<vmem>>
      %dma_wait3A_80 = arith.constant 0 : i32
      %dma_wait3A_81 = arith.constant 0 : i32
      %dma_wait3A_82 = tpu.memref_slice %arg2[%dma_wait3A_80, %dma_wait3A_81] : memref<51200x16xf32, #tpu.memory_space<hbm>> -> memref<51200x16xf32, #tpu.memory_space<hbm>>
      tpu.wait_indirect_dma semaphore(%arg11 : memref<!tpu.dma_semaphore, #tpu.memory_space<semaphore_mem>>) src(%dma_wait3A_82 : memref<51200x16xf32, #tpu.memory_space<hbm>>) dst(%dma_wait3A_76 : memref<128x16xf32, #tpu.memory_space<vmem>>)
      %add3A_83 = arith.constant 0 : i32
      %add3A_84 = arith.addi %mul3A_21, %add3A_83 : i32
      %run_scoped3A = arith.constant 0 : i32
      "tpu.region"() ({
        %run_scoped3A_127 = tpu.sem_alloc : memref<!tpu.dma_semaphore, #tpu.memory_space<semaphore_mem>>
        %dma_start3A_128 = arith.constant 0 : i32
        %dma_start3A_129 = arith.constant 0 : i32
        %dma_start3A_130 = tpu.memref_slice %arg9[%run_scoped3A, %dma_start3A_128, %dma_start3A_129] : memref<4x128x16xf32, #tpu.memory_space<vmem>> -> memref<1x128x16xf32, #tpu.memory_space<vmem>>
        %dma_start3A_131 = tpu.memref_squeeze %dma_start3A_130 : memref<1x128x16xf32, #tpu.memory_space<vmem>> -> memref<128x16xf32, #tpu.memory_space<vmem>>
        %dma_start3A_132 = arith.constant 0 : i32
        %dma_start3A_133 = tpu.memref_slice %arg8[%add3A_84, %dma_start3A_132] : memref<208x128xi32, #tpu.memory_space<vmem>> -> memref<1x128xi32, #tpu.memory_space<vmem>>
        %dma_start3A_134 = tpu.memref_squeeze %dma_start3A_133 : memref<1x128xi32, #tpu.memory_space<vmem>> -> memref<128xi32, #tpu.memory_space<vmem>>
        %dma_start3A_135 = arith.constant 0 : i32
        %dma_start3A_136 = arith.constant 0 : i32
        %dma_start3A_137 = tpu.memref_slice %arg10[%dma_start3A_135, %dma_start3A_136] : memref<51200x16xf32, #tpu.memory_space<vmem_shared>> -> memref<51200x16xf32, #tpu.memory_space<vmem_shared>>
        tpu.enqueue_indirect_dma source(%dma_start3A_131 : memref<128x16xf32, #tpu.memory_space<vmem>>) target(%dma_start3A_137 : memref<51200x16xf32, #tpu.memory_space<vmem_shared>>) offsets(%dma_start3A_134 : memref<128xi32, #tpu.memory_space<vmem>>) semaphore(%run_scoped3A_127 : memref<!tpu.dma_semaphore, #tpu.memory_space<semaphore_mem>>) {add = true}
        %dma_wait3A_138 = arith.constant 0 : i32
        %dma_wait3A_139 = arith.constant 0 : i32
        %dma_wait3A_140 = tpu.memref_slice %arg9[%run_scoped3A, %dma_wait3A_138, %dma_wait3A_139] : memref<4x128x16xf32, #tpu.memory_space<vmem>> -> memref<1x128x16xf32, #tpu.memory_space<vmem>>
        %dma_wait3A_141 = tpu.memref_squeeze %dma_wait3A_140 : memref<1x128x16xf32, #tpu.memory_space<vmem>> -> memref<128x16xf32, #tpu.memory_space<vmem>>
        %dma_wait3A_142 = arith.constant 0 : i32
        %dma_wait3A_143 = tpu.memref_slice %arg8[%add3A_84, %dma_wait3A_142] : memref<208x128xi32, #tpu.memory_space<vmem>> -> memref<1x128xi32, #tpu.memory_space<vmem>>
        %dma_wait3A_144 = tpu.memref_squeeze %dma_wait3A_143 : memref<1x128xi32, #tpu.memory_space<vmem>> -> memref<128xi32, #tpu.memory_space<vmem>>
        %dma_wait3A_145 = arith.constant 0 : i32
        %dma_wait3A_146 = arith.constant 0 : i32
        %dma_wait3A_147 = tpu.memref_slice %arg10[%dma_wait3A_145, %dma_wait3A_146] : memref<51200x16xf32, #tpu.memory_space<vmem_shared>> -> memref<51200x16xf32, #tpu.memory_space<vmem_shared>>
        tpu.wait_indirect_dma semaphore(%run_scoped3A_127 : memref<!tpu.dma_semaphore, #tpu.memory_space<semaphore_mem>>) src(%dma_wait3A_141 : memref<128x16xf32, #tpu.memory_space<vmem>>) dst(%dma_wait3A_147 : memref<51200x16xf32, #tpu.memory_space<vmem_shared>>)
        tpu.yield
      }) : () -> ()
      %dma_wait3A_85 = arith.constant 1 : i32
      %dma_wait3A_86 = arith.constant 0 : i32
      %dma_wait3A_87 = arith.constant 0 : i32
      %dma_wait3A_88 = tpu.memref_slice %arg9[%dma_wait3A_85, %dma_wait3A_86, %dma_wait3A_87] : memref<4x128x16xf32, #tpu.memory_space<vmem>> -> memref<1x128x16xf32, #tpu.memory_space<vmem>>
      %dma_wait3A_89 = tpu.memref_squeeze %dma_wait3A_88 : memref<1x128x16xf32, #tpu.memory_space<vmem>> -> memref<128x16xf32, #tpu.memory_space<vmem>>
      %dma_wait3A_90 = arith.constant 0 : i32
      %dma_wait3A_91 = tpu.memref_slice %arg7[%add3A_35, %dma_wait3A_90] : memref<208x128xi32, #tpu.memory_space<vmem>> -> memref<1x128xi32, #tpu.memory_space<vmem>>
      %dma_wait3A_92 = tpu.memref_squeeze %dma_wait3A_91 : memref<1x128xi32, #tpu.memory_space<vmem>> -> memref<128xi32, #tpu.memory_space<vmem>>
      %dma_wait3A_93 = arith.constant 0 : i32
      %dma_wait3A_94 = arith.constant 0 : i32
      %dma_wait3A_95 = tpu.memref_slice %arg2[%dma_wait3A_93, %dma_wait3A_94] : memref<51200x16xf32, #tpu.memory_space<hbm>> -> memref<51200x16xf32, #tpu.memory_space<hbm>>
      tpu.wait_indirect_dma semaphore(%arg12 : memref<!tpu.dma_semaphore, #tpu.memory_space<semaphore_mem>>) src(%dma_wait3A_95 : memref<51200x16xf32, #tpu.memory_space<hbm>>) dst(%dma_wait3A_89 : memref<128x16xf32, #tpu.memory_space<vmem>>)
      %add3A_96 = arith.constant 1 : i32
      %add3A_97 = arith.addi %mul3A_21, %add3A_96 : i32
      %run_scoped3A_98 = arith.constant 1 : i32
      "tpu.region"() ({
        %run_scoped3A_127 = tpu.sem_alloc : memref<!tpu.dma_semaphore, #tpu.memory_space<semaphore_mem>>
        %dma_start3A_128 = arith.constant 0 : i32
        %dma_start3A_129 = arith.constant 0 : i32
        %dma_start3A_130 = tpu.memref_slice %arg9[%run_scoped3A_98, %dma_start3A_128, %dma_start3A_129] : memref<4x128x16xf32, #tpu.memory_space<vmem>> -> memref<1x128x16xf32, #tpu.memory_space<vmem>>
        %dma_start3A_131 = tpu.memref_squeeze %dma_start3A_130 : memref<1x128x16xf32, #tpu.memory_space<vmem>> -> memref<128x16xf32, #tpu.memory_space<vmem>>
        %dma_start3A_132 = arith.constant 0 : i32
        %dma_start3A_133 = tpu.memref_slice %arg8[%add3A_97, %dma_start3A_132] : memref<208x128xi32, #tpu.memory_space<vmem>> -> memref<1x128xi32, #tpu.memory_space<vmem>>
        %dma_start3A_134 = tpu.memref_squeeze %dma_start3A_133 : memref<1x128xi32, #tpu.memory_space<vmem>> -> memref<128xi32, #tpu.memory_space<vmem>>
        %dma_start3A_135 = arith.constant 0 : i32
        %dma_start3A_136 = arith.constant 0 : i32
        %dma_start3A_137 = tpu.memref_slice %arg10[%dma_start3A_135, %dma_start3A_136] : memref<51200x16xf32, #tpu.memory_space<vmem_shared>> -> memref<51200x16xf32, #tpu.memory_space<vmem_shared>>
        tpu.enqueue_indirect_dma source(%dma_start3A_131 : memref<128x16xf32, #tpu.memory_space<vmem>>) target(%dma_start3A_137 : memref<51200x16xf32, #tpu.memory_space<vmem_shared>>) offsets(%dma_start3A_134 : memref<128xi32, #tpu.memory_space<vmem>>) semaphore(%run_scoped3A_127 : memref<!tpu.dma_semaphore, #tpu.memory_space<semaphore_mem>>) {add = true}
        %dma_wait3A_138 = arith.constant 0 : i32
        %dma_wait3A_139 = arith.constant 0 : i32
        %dma_wait3A_140 = tpu.memref_slice %arg9[%run_scoped3A_98, %dma_wait3A_138, %dma_wait3A_139] : memref<4x128x16xf32, #tpu.memory_space<vmem>> -> memref<1x128x16xf32, #tpu.memory_space<vmem>>
        %dma_wait3A_141 = tpu.memref_squeeze %dma_wait3A_140 : memref<1x128x16xf32, #tpu.memory_space<vmem>> -> memref<128x16xf32, #tpu.memory_space<vmem>>
        %dma_wait3A_142 = arith.constant 0 : i32
        %dma_wait3A_143 = tpu.memref_slice %arg8[%add3A_97, %dma_wait3A_142] : memref<208x128xi32, #tpu.memory_space<vmem>> -> memref<1x128xi32, #tpu.memory_space<vmem>>
        %dma_wait3A_144 = tpu.memref_squeeze %dma_wait3A_143 : memref<1x128xi32, #tpu.memory_space<vmem>> -> memref<128xi32, #tpu.memory_space<vmem>>
        %dma_wait3A_145 = arith.constant 0 : i32
        %dma_wait3A_146 = arith.constant 0 : i32
        %dma_wait3A_147 = tpu.memref_slice %arg10[%dma_wait3A_145, %dma_wait3A_146] : memref<51200x16xf32, #tpu.memory_space<vmem_shared>> -> memref<51200x16xf32, #tpu.memory_space<vmem_shared>>
        tpu.wait_indirect_dma semaphore(%run_scoped3A_127 : memref<!tpu.dma_semaphore, #tpu.memory_space<semaphore_mem>>) src(%dma_wait3A_141 : memref<128x16xf32, #tpu.memory_space<vmem>>) dst(%dma_wait3A_147 : memref<51200x16xf32, #tpu.memory_space<vmem_shared>>)
        tpu.yield
      }) : () -> ()
      %dma_wait3A_99 = arith.constant 2 : i32
      %dma_wait3A_100 = arith.constant 0 : i32
      %dma_wait3A_101 = arith.constant 0 : i32
      %dma_wait3A_102 = tpu.memref_slice %arg9[%dma_wait3A_99, %dma_wait3A_100, %dma_wait3A_101] : memref<4x128x16xf32, #tpu.memory_space<vmem>> -> memref<1x128x16xf32, #tpu.memory_space<vmem>>
      %dma_wait3A_103 = tpu.memref_squeeze %dma_wait3A_102 : memref<1x128x16xf32, #tpu.memory_space<vmem>> -> memref<128x16xf32, #tpu.memory_space<vmem>>
      %dma_wait3A_104 = arith.constant 0 : i32
      %dma_wait3A_105 = tpu.memref_slice %arg7[%add3A_48, %dma_wait3A_104] : memref<208x128xi32, #tpu.memory_space<vmem>> -> memref<1x128xi32, #tpu.memory_space<vmem>>
      %dma_wait3A_106 = tpu.memref_squeeze %dma_wait3A_105 : memref<1x128xi32, #tpu.memory_space<vmem>> -> memref<128xi32, #tpu.memory_space<vmem>>
      %dma_wait3A_107 = arith.constant 0 : i32
      %dma_wait3A_108 = arith.constant 0 : i32
      %dma_wait3A_109 = tpu.memref_slice %arg2[%dma_wait3A_107, %dma_wait3A_108] : memref<51200x16xf32, #tpu.memory_space<hbm>> -> memref<51200x16xf32, #tpu.memory_space<hbm>>
      tpu.wait_indirect_dma semaphore(%arg13 : memref<!tpu.dma_semaphore, #tpu.memory_space<semaphore_mem>>) src(%dma_wait3A_109 : memref<51200x16xf32, #tpu.memory_space<hbm>>) dst(%dma_wait3A_103 : memref<128x16xf32, #tpu.memory_space<vmem>>)
      %add3A_110 = arith.constant 2 : i32
      %add3A_111 = arith.addi %mul3A_21, %add3A_110 : i32
      %run_scoped3A_112 = arith.constant 2 : i32
      "tpu.region"() ({
        %run_scoped3A_127 = tpu.sem_alloc : memref<!tpu.dma_semaphore, #tpu.memory_space<semaphore_mem>>
        %dma_start3A_128 = arith.constant 0 : i32
        %dma_start3A_129 = arith.constant 0 : i32
        %dma_start3A_130 = tpu.memref_slice %arg9[%run_scoped3A_112, %dma_start3A_128, %dma_start3A_129] : memref<4x128x16xf32, #tpu.memory_space<vmem>> -> memref<1x128x16xf32, #tpu.memory_space<vmem>>
        %dma_start3A_131 = tpu.memref_squeeze %dma_start3A_130 : memref<1x128x16xf32, #tpu.memory_space<vmem>> -> memref<128x16xf32, #tpu.memory_space<vmem>>
        %dma_start3A_132 = arith.constant 0 : i32
        %dma_start3A_133 = tpu.memref_slice %arg8[%add3A_111, %dma_start3A_132] : memref<208x128xi32, #tpu.memory_space<vmem>> -> memref<1x128xi32, #tpu.memory_space<vmem>>
        %dma_start3A_134 = tpu.memref_squeeze %dma_start3A_133 : memref<1x128xi32, #tpu.memory_space<vmem>> -> memref<128xi32, #tpu.memory_space<vmem>>
        %dma_start3A_135 = arith.constant 0 : i32
        %dma_start3A_136 = arith.constant 0 : i32
        %dma_start3A_137 = tpu.memref_slice %arg10[%dma_start3A_135, %dma_start3A_136] : memref<51200x16xf32, #tpu.memory_space<vmem_shared>> -> memref<51200x16xf32, #tpu.memory_space<vmem_shared>>
        tpu.enqueue_indirect_dma source(%dma_start3A_131 : memref<128x16xf32, #tpu.memory_space<vmem>>) target(%dma_start3A_137 : memref<51200x16xf32, #tpu.memory_space<vmem_shared>>) offsets(%dma_start3A_134 : memref<128xi32, #tpu.memory_space<vmem>>) semaphore(%run_scoped3A_127 : memref<!tpu.dma_semaphore, #tpu.memory_space<semaphore_mem>>) {add = true}
        %dma_wait3A_138 = arith.constant 0 : i32
        %dma_wait3A_139 = arith.constant 0 : i32
        %dma_wait3A_140 = tpu.memref_slice %arg9[%run_scoped3A_112, %dma_wait3A_138, %dma_wait3A_139] : memref<4x128x16xf32, #tpu.memory_space<vmem>> -> memref<1x128x16xf32, #tpu.memory_space<vmem>>
        %dma_wait3A_141 = tpu.memref_squeeze %dma_wait3A_140 : memref<1x128x16xf32, #tpu.memory_space<vmem>> -> memref<128x16xf32, #tpu.memory_space<vmem>>
        %dma_wait3A_142 = arith.constant 0 : i32
        %dma_wait3A_143 = tpu.memref_slice %arg8[%add3A_111, %dma_wait3A_142] : memref<208x128xi32, #tpu.memory_space<vmem>> -> memref<1x128xi32, #tpu.memory_space<vmem>>
        %dma_wait3A_144 = tpu.memref_squeeze %dma_wait3A_143 : memref<1x128xi32, #tpu.memory_space<vmem>> -> memref<128xi32, #tpu.memory_space<vmem>>
        %dma_wait3A_145 = arith.constant 0 : i32
        %dma_wait3A_146 = arith.constant 0 : i32
        %dma_wait3A_147 = tpu.memref_slice %arg10[%dma_wait3A_145, %dma_wait3A_146] : memref<51200x16xf32, #tpu.memory_space<vmem_shared>> -> memref<51200x16xf32, #tpu.memory_space<vmem_shared>>
        tpu.wait_indirect_dma semaphore(%run_scoped3A_127 : memref<!tpu.dma_semaphore, #tpu.memory_space<semaphore_mem>>) src(%dma_wait3A_141 : memref<128x16xf32, #tpu.memory_space<vmem>>) dst(%dma_wait3A_147 : memref<51200x16xf32, #tpu.memory_space<vmem_shared>>)
        tpu.yield
      }) : () -> ()
      %dma_wait3A_113 = arith.constant 3 : i32
      %dma_wait3A_114 = arith.constant 0 : i32
      %dma_wait3A_115 = arith.constant 0 : i32
      %dma_wait3A_116 = tpu.memref_slice %arg9[%dma_wait3A_113, %dma_wait3A_114, %dma_wait3A_115] : memref<4x128x16xf32, #tpu.memory_space<vmem>> -> memref<1x128x16xf32, #tpu.memory_space<vmem>>
      %dma_wait3A_117 = tpu.memref_squeeze %dma_wait3A_116 : memref<1x128x16xf32, #tpu.memory_space<vmem>> -> memref<128x16xf32, #tpu.memory_space<vmem>>
      %dma_wait3A_118 = arith.constant 0 : i32
      %dma_wait3A_119 = tpu.memref_slice %arg7[%add3A_61, %dma_wait3A_118] : memref<208x128xi32, #tpu.memory_space<vmem>> -> memref<1x128xi32, #tpu.memory_space<vmem>>
      %dma_wait3A_120 = tpu.memref_squeeze %dma_wait3A_119 : memref<1x128xi32, #tpu.memory_space<vmem>> -> memref<128xi32, #tpu.memory_space<vmem>>
      %dma_wait3A_121 = arith.constant 0 : i32
      %dma_wait3A_122 = arith.constant 0 : i32
      %dma_wait3A_123 = tpu.memref_slice %arg2[%dma_wait3A_121, %dma_wait3A_122] : memref<51200x16xf32, #tpu.memory_space<hbm>> -> memref<51200x16xf32, #tpu.memory_space<hbm>>
      tpu.wait_indirect_dma semaphore(%arg14 : memref<!tpu.dma_semaphore, #tpu.memory_space<semaphore_mem>>) src(%dma_wait3A_123 : memref<51200x16xf32, #tpu.memory_space<hbm>>) dst(%dma_wait3A_117 : memref<128x16xf32, #tpu.memory_space<vmem>>)
      %add3A_124 = arith.constant 3 : i32
      %add3A_125 = arith.addi %mul3A_21, %add3A_124 : i32
      %run_scoped3A_126 = arith.constant 3 : i32
      "tpu.region"() ({
        %run_scoped3A_127 = tpu.sem_alloc : memref<!tpu.dma_semaphore, #tpu.memory_space<semaphore_mem>>
        %dma_start3A_128 = arith.constant 0 : i32
        %dma_start3A_129 = arith.constant 0 : i32
        %dma_start3A_130 = tpu.memref_slice %arg9[%run_scoped3A_126, %dma_start3A_128, %dma_start3A_129] : memref<4x128x16xf32, #tpu.memory_space<vmem>> -> memref<1x128x16xf32, #tpu.memory_space<vmem>>
        %dma_start3A_131 = tpu.memref_squeeze %dma_start3A_130 : memref<1x128x16xf32, #tpu.memory_space<vmem>> -> memref<128x16xf32, #tpu.memory_space<vmem>>
        %dma_start3A_132 = arith.constant 0 : i32
        %dma_start3A_133 = tpu.memref_slice %arg8[%add3A_125, %dma_start3A_132] : memref<208x128xi32, #tpu.memory_space<vmem>> -> memref<1x128xi32, #tpu.memory_space<vmem>>
        %dma_start3A_134 = tpu.memref_squeeze %dma_start3A_133 : memref<1x128xi32, #tpu.memory_space<vmem>> -> memref<128xi32, #tpu.memory_space<vmem>>
        %dma_start3A_135 = arith.constant 0 : i32
        %dma_start3A_136 = arith.constant 0 : i32
        %dma_start3A_137 = tpu.memref_slice %arg10[%dma_start3A_135, %dma_start3A_136] : memref<51200x16xf32, #tpu.memory_space<vmem_shared>> -> memref<51200x16xf32, #tpu.memory_space<vmem_shared>>
        tpu.enqueue_indirect_dma source(%dma_start3A_131 : memref<128x16xf32, #tpu.memory_space<vmem>>) target(%dma_start3A_137 : memref<51200x16xf32, #tpu.memory_space<vmem_shared>>) offsets(%dma_start3A_134 : memref<128xi32, #tpu.memory_space<vmem>>) semaphore(%run_scoped3A_127 : memref<!tpu.dma_semaphore, #tpu.memory_space<semaphore_mem>>) {add = true}
        %dma_wait3A_138 = arith.constant 0 : i32
        %dma_wait3A_139 = arith.constant 0 : i32
        %dma_wait3A_140 = tpu.memref_slice %arg9[%run_scoped3A_126, %dma_wait3A_138, %dma_wait3A_139] : memref<4x128x16xf32, #tpu.memory_space<vmem>> -> memref<1x128x16xf32, #tpu.memory_space<vmem>>
        %dma_wait3A_141 = tpu.memref_squeeze %dma_wait3A_140 : memref<1x128x16xf32, #tpu.memory_space<vmem>> -> memref<128x16xf32, #tpu.memory_space<vmem>>
        %dma_wait3A_142 = arith.constant 0 : i32
        %dma_wait3A_143 = tpu.memref_slice %arg8[%add3A_125, %dma_wait3A_142] : memref<208x128xi32, #tpu.memory_space<vmem>> -> memref<1x128xi32, #tpu.memory_space<vmem>>
        %dma_wait3A_144 = tpu.memref_squeeze %dma_wait3A_143 : memref<1x128xi32, #tpu.memory_space<vmem>> -> memref<128xi32, #tpu.memory_space<vmem>>
        %dma_wait3A_145 = arith.constant 0 : i32
        %dma_wait3A_146 = arith.constant 0 : i32
        %dma_wait3A_147 = tpu.memref_slice %arg10[%dma_wait3A_145, %dma_wait3A_146] : memref<51200x16xf32, #tpu.memory_space<vmem_shared>> -> memref<51200x16xf32, #tpu.memory_space<vmem_shared>>
        tpu.wait_indirect_dma semaphore(%run_scoped3A_127 : memref<!tpu.dma_semaphore, #tpu.memory_space<semaphore_mem>>) src(%dma_wait3A_141 : memref<128x16xf32, #tpu.memory_space<vmem>>) dst(%dma_wait3A_147 : memref<51200x16xf32, #tpu.memory_space<vmem_shared>>)
        tpu.yield
      }) : () -> ()
    }
    %scan3A_13 = arith.constant 52 : i32
    %barrier3A_14 = arith.constant 0 : index
    tpu.barrier barrier_id(%barrier3A_14)
    %mul3A_15 = arith.constant 3200 : i32
    %mul3A_16 = arith.muli %arg1, %mul3A_15 : i32
    %mul3A_17 = arith.constant 3200 : i32
    %mul3A_18 = arith.muli %arg1, %mul3A_17 : i32
    "tpu.region"() ({
      %run_scoped3A = tpu.sem_alloc : memref<!tpu.dma_semaphore, #tpu.memory_space<semaphore_mem>>
      %dma_start3A = arith.constant 0 : i32
      %dma_start3A_19 = tpu.memref_slice %arg6[%arg0, %mul3A_18, %dma_start3A] : memref<2x51200x16xf32, #tpu.memory_space<hbm>> -> memref<1x3200x16xf32, #tpu.memory_space<hbm>>
      %dma_start3A_20 = tpu.memref_squeeze %dma_start3A_19 : memref<1x3200x16xf32, #tpu.memory_space<hbm>> -> memref<3200x16xf32, #tpu.memory_space<hbm>>
      %dma_start3A_21 = arith.constant 0 : i32
      %dma_start3A_22 = tpu.memref_slice %arg10[%mul3A_16, %dma_start3A_21] : memref<51200x16xf32, #tpu.memory_space<vmem_shared>> -> memref<3200x16xf32, #tpu.memory_space<vmem_shared>>
      tpu.enqueue_dma source(%dma_start3A_22 : memref<3200x16xf32, #tpu.memory_space<vmem_shared>>) target(%dma_start3A_20 : memref<3200x16xf32, #tpu.memory_space<hbm>>) target_semaphore(%run_scoped3A : memref<!tpu.dma_semaphore, #tpu.memory_space<semaphore_mem>>)
      %dma_wait3A = arith.constant 0 : i32
      %dma_wait3A_23 = tpu.memref_slice %arg6[%arg0, %mul3A_18, %dma_wait3A] : memref<2x51200x16xf32, #tpu.memory_space<hbm>> -> memref<1x3200x16xf32, #tpu.memory_space<hbm>>
      %dma_wait3A_24 = tpu.memref_squeeze %dma_wait3A_23 : memref<1x3200x16xf32, #tpu.memory_space<hbm>> -> memref<3200x16xf32, #tpu.memory_space<hbm>>
      %dma_wait3A_25 = arith.constant 0 : i32
      %dma_wait3A_26 = tpu.memref_slice %arg10[%mul3A_16, %dma_wait3A_25] : memref<51200x16xf32, #tpu.memory_space<vmem_shared>> -> memref<3200x16xf32, #tpu.memory_space<vmem_shared>>
      tpu.wait_dma2 semaphore(%run_scoped3A : memref<!tpu.dma_semaphore, #tpu.memory_space<semaphore_mem>>) src(%dma_wait3A_26 : memref<3200x16xf32, #tpu.memory_space<vmem_shared>>) dst(%dma_wait3A_24 : memref<3200x16xf32, #tpu.memory_space<hbm>>)
      tpu.yield
    }) : () -> ()
    return
  }
}

#map = affine_map<(d0, d1) -> (0, 0)>
#map1 = affine_map<(d0, d1) -> (0, 0, 0)>
module attributes {stable_mosaic.version = 14 : i64} {
  func.func @_agg_kernel(%arg0: i32, %arg1: i32, %arg2: memref<51200x16xf32, #tpu.memory_space<hbm>>, %arg3: memref<6656x128xi32, #tpu.memory_space<hbm>>, %arg4: memref<6656x128xi32, #tpu.memory_space<hbm>>, %arg5: memref<51200x16xf32, #tpu.memory_space<hbm>>, %arg6: memref<2x51200x16xf32, #tpu.memory_space<hbm>>, %arg7: memref<208x128xi32, #tpu.memory_space<vmem>>, %arg8: memref<208x128xi32, #tpu.memory_space<vmem>>, %arg9: memref<4x128x16xf32, #tpu.memory_space<vmem>>, %arg10: memref<51200x16xf32, #tpu.memory_space<vmem_shared>>, %arg11: memref<!tpu.dma_semaphore, #tpu.memory_space<semaphore_mem>>, %arg12: memref<!tpu.dma_semaphore, #tpu.memory_space<semaphore_mem>>, %arg13: memref<!tpu.dma_semaphore, #tpu.memory_space<semaphore_mem>>, %arg14: memref<!tpu.dma_semaphore, #tpu.memory_space<semaphore_mem>>) attributes {dimension_semantics = [#tpu.dimension_semantics<core_parallel>, #tpu.dimension_semantics<subcore_parallel>], iteration_bounds = array<i64: 2, 16>, scalar_prefetch = 0 : i64, scratch_operands = 8 : i64, tpu.core_type = #tpu.core_type<sc_vector_subcore>, window_params = [{transform_indices = #map}, {transform_indices = #map}, {transform_indices = #map}, {transform_indices = #map}, {transform_indices = #map1}]} {
    %mul3A = arith.constant 2 : i32
    %mul3A_0 = arith.muli %arg1, %mul3A : i32
    %add3A = arith.addi %mul3A_0, %arg0 : i32
    %mul3A_1 = arith.constant 3200 : i32
    %mul3A_2 = arith.muli %arg1, %mul3A_1 : i32
    %mul3A_3 = arith.constant 3200 : i32
    %mul3A_4 = arith.muli %arg1, %mul3A_3 : i32
    "tpu.region"() ({
      %run_scoped3A = tpu.sem_alloc : memref<!tpu.dma_semaphore, #tpu.memory_space<semaphore_mem>>
      %dma_start3A = arith.constant 0 : i32
      %dma_start3A_19 = tpu.memref_slice %arg10[%mul3A_4, %dma_start3A] : memref<51200x16xf32, #tpu.memory_space<vmem_shared>> -> memref<3200x16xf32, #tpu.memory_space<vmem_shared>>
      %dma_start3A_20 = arith.constant 0 : i32
      %dma_start3A_21 = tpu.memref_slice %arg5[%mul3A_2, %dma_start3A_20] : memref<51200x16xf32, #tpu.memory_space<hbm>> -> memref<3200x16xf32, #tpu.memory_space<hbm>>
      tpu.enqueue_dma source(%dma_start3A_21 : memref<3200x16xf32, #tpu.memory_space<hbm>>) target(%dma_start3A_19 : memref<3200x16xf32, #tpu.memory_space<vmem_shared>>) target_semaphore(%run_scoped3A : memref<!tpu.dma_semaphore, #tpu.memory_space<semaphore_mem>>)
      %dma_wait3A = arith.constant 0 : i32
      %dma_wait3A_22 = tpu.memref_slice %arg10[%mul3A_4, %dma_wait3A] : memref<51200x16xf32, #tpu.memory_space<vmem_shared>> -> memref<3200x16xf32, #tpu.memory_space<vmem_shared>>
      %dma_wait3A_23 = arith.constant 0 : i32
      %dma_wait3A_24 = tpu.memref_slice %arg5[%mul3A_2, %dma_wait3A_23] : memref<51200x16xf32, #tpu.memory_space<hbm>> -> memref<3200x16xf32, #tpu.memory_space<hbm>>
      tpu.wait_dma2 semaphore(%run_scoped3A : memref<!tpu.dma_semaphore, #tpu.memory_space<semaphore_mem>>) src(%dma_wait3A_24 : memref<3200x16xf32, #tpu.memory_space<hbm>>) dst(%dma_wait3A_22 : memref<3200x16xf32, #tpu.memory_space<vmem_shared>>)
      tpu.yield
    }) : () -> ()
    %mul3A_5 = arith.constant 208 : i32
    %mul3A_6 = arith.muli %add3A, %mul3A_5 : i32
    "tpu.region"() ({
      %run_scoped3A = tpu.sem_alloc : memref<!tpu.dma_semaphore, #tpu.memory_space<semaphore_mem>>
      %dma_start3A = arith.constant 0 : i32
      %dma_start3A_19 = tpu.memref_slice %arg3[%mul3A_6, %dma_start3A] : memref<6656x128xi32, #tpu.memory_space<hbm>> -> memref<208x128xi32, #tpu.memory_space<hbm>>
      %dma_start3A_20 = arith.constant 0 : i32
      %dma_start3A_21 = tpu.memref_slice %arg3[%mul3A_6, %dma_start3A_20] : memref<6656x128xi32, #tpu.memory_space<hbm>> -> memref<208x128xi32, #tpu.memory_space<hbm>>
      tpu.enqueue_dma source(%dma_start3A_21 : memref<208x128xi32, #tpu.memory_space<hbm>>) target(%arg7 : memref<208x128xi32, #tpu.memory_space<vmem>>) target_semaphore(%run_scoped3A : memref<!tpu.dma_semaphore, #tpu.memory_space<semaphore_mem>>)
      %dma_wait3A = arith.constant 0 : i32
      %dma_wait3A_22 = tpu.memref_slice %arg3[%mul3A_6, %dma_wait3A] : memref<6656x128xi32, #tpu.memory_space<hbm>> -> memref<208x128xi32, #tpu.memory_space<hbm>>
      %dma_wait3A_23 = arith.constant 0 : i32
      %dma_wait3A_24 = tpu.memref_slice %arg3[%mul3A_6, %dma_wait3A_23] : memref<6656x128xi32, #tpu.memory_space<hbm>> -> memref<208x128xi32, #tpu.memory_space<hbm>>
      tpu.wait_dma2 semaphore(%run_scoped3A : memref<!tpu.dma_semaphore, #tpu.memory_space<semaphore_mem>>) src(%dma_wait3A_24 : memref<208x128xi32, #tpu.memory_space<hbm>>) dst(%arg7 : memref<208x128xi32, #tpu.memory_space<vmem>>)
      tpu.yield
    }) : () -> ()
    %mul3A_7 = arith.constant 208 : i32
    %mul3A_8 = arith.muli %add3A, %mul3A_7 : i32
    "tpu.region"() ({
      %run_scoped3A = tpu.sem_alloc : memref<!tpu.dma_semaphore, #tpu.memory_space<semaphore_mem>>
      %dma_start3A = arith.constant 0 : i32
      %dma_start3A_19 = tpu.memref_slice %arg4[%mul3A_8, %dma_start3A] : memref<6656x128xi32, #tpu.memory_space<hbm>> -> memref<208x128xi32, #tpu.memory_space<hbm>>
      %dma_start3A_20 = arith.constant 0 : i32
      %dma_start3A_21 = tpu.memref_slice %arg4[%mul3A_8, %dma_start3A_20] : memref<6656x128xi32, #tpu.memory_space<hbm>> -> memref<208x128xi32, #tpu.memory_space<hbm>>
      tpu.enqueue_dma source(%dma_start3A_21 : memref<208x128xi32, #tpu.memory_space<hbm>>) target(%arg8 : memref<208x128xi32, #tpu.memory_space<vmem>>) target_semaphore(%run_scoped3A : memref<!tpu.dma_semaphore, #tpu.memory_space<semaphore_mem>>)
      %dma_wait3A = arith.constant 0 : i32
      %dma_wait3A_22 = tpu.memref_slice %arg4[%mul3A_8, %dma_wait3A] : memref<6656x128xi32, #tpu.memory_space<hbm>> -> memref<208x128xi32, #tpu.memory_space<hbm>>
      %dma_wait3A_23 = arith.constant 0 : i32
      %dma_wait3A_24 = tpu.memref_slice %arg4[%mul3A_8, %dma_wait3A_23] : memref<6656x128xi32, #tpu.memory_space<hbm>> -> memref<208x128xi32, #tpu.memory_space<hbm>>
      tpu.wait_dma2 semaphore(%run_scoped3A : memref<!tpu.dma_semaphore, #tpu.memory_space<semaphore_mem>>) src(%dma_wait3A_24 : memref<208x128xi32, #tpu.memory_space<hbm>>) dst(%arg8 : memref<208x128xi32, #tpu.memory_space<vmem>>)
      tpu.yield
    }) : () -> ()
    %barrier3A = arith.constant 0 : index
    tpu.barrier barrier_id(%barrier3A)
    %scan3A = arith.constant 0 : i32
    %scan3A_9 = arith.constant 0 : i32
    %scan3A_10 = arith.constant 52 : i32
    %scan3A_11 = arith.addi %scan3A_9, %scan3A_10 : i32
    %scan3A_12 = arith.constant 1 : i32
    scf.for %scan3A_19 = %scan3A_9 to %scan3A_11 step %scan3A_12  : i32 {
      %mul3A_20 = arith.constant 4 : i32
      %mul3A_21 = arith.muli %scan3A_19, %mul3A_20 : i32
      %add3A_22 = arith.constant 0 : i32
      %add3A_23 = arith.addi %mul3A_21, %add3A_22 : i32
      %dma_start3A = arith.constant 0 : i32
      %dma_start3A_24 = arith.constant 0 : i32
      %dma_start3A_25 = arith.constant 0 : i32
      %dma_start3A_26 = tpu.memref_slice %arg9[%dma_start3A, %dma_start3A_24, %dma_start3A_25] : memref<4x128x16xf32, #tpu.memory_space<vmem>> -> memref<1x128x16xf32, #tpu.memory_space<vmem>>
      %dma_start3A_27 = tpu.memref_squeeze %dma_start3A_26 : memref<1x128x16xf32, #tpu.memory_space<vmem>> -> memref<128x16xf32, #tpu.memory_space<vmem>>
      %dma_start3A_28 = arith.constant 0 : i32
      %dma_start3A_29 = tpu.memref_slice %arg7[%add3A_23, %dma_start3A_28] : memref<208x128xi32, #tpu.memory_space<vmem>> -> memref<1x128xi32, #tpu.memory_space<vmem>>
      %dma_start3A_30 = tpu.memref_squeeze %dma_start3A_29 : memref<1x128xi32, #tpu.memory_space<vmem>> -> memref<128xi32, #tpu.memory_space<vmem>>
      %dma_start3A_31 = arith.constant 0 : i32
      %dma_start3A_32 = arith.constant 0 : i32
      %dma_start3A_33 = tpu.memref_slice %arg2[%dma_start3A_31, %dma_start3A_32] : memref<51200x16xf32, #tpu.memory_space<hbm>> -> memref<51200x16xf32, #tpu.memory_space<hbm>>
      tpu.enqueue_indirect_dma source(%dma_start3A_33 : memref<51200x16xf32, #tpu.memory_space<hbm>>) target(%dma_start3A_27 : memref<128x16xf32, #tpu.memory_space<vmem>>) offsets(%dma_start3A_30 : memref<128xi32, #tpu.memory_space<vmem>>) semaphore(%arg11 : memref<!tpu.dma_semaphore, #tpu.memory_space<semaphore_mem>>)
      %add3A_34 = arith.constant 1 : i32
      %add3A_35 = arith.addi %mul3A_21, %add3A_34 : i32
      %dma_start3A_36 = arith.constant 1 : i32
      %dma_start3A_37 = arith.constant 0 : i32
      %dma_start3A_38 = arith.constant 0 : i32
      %dma_start3A_39 = tpu.memref_slice %arg9[%dma_start3A_36, %dma_start3A_37, %dma_start3A_38] : memref<4x128x16xf32, #tpu.memory_space<vmem>> -> memref<1x128x16xf32, #tpu.memory_space<vmem>>
      %dma_start3A_40 = tpu.memref_squeeze %dma_start3A_39 : memref<1x128x16xf32, #tpu.memory_space<vmem>> -> memref<128x16xf32, #tpu.memory_space<vmem>>
      %dma_start3A_41 = arith.constant 0 : i32
      %dma_start3A_42 = tpu.memref_slice %arg7[%add3A_35, %dma_start3A_41] : memref<208x128xi32, #tpu.memory_space<vmem>> -> memref<1x128xi32, #tpu.memory_space<vmem>>
      %dma_start3A_43 = tpu.memref_squeeze %dma_start3A_42 : memref<1x128xi32, #tpu.memory_space<vmem>> -> memref<128xi32, #tpu.memory_space<vmem>>
      %dma_start3A_44 = arith.constant 0 : i32
      %dma_start3A_45 = arith.constant 0 : i32
      %dma_start3A_46 = tpu.memref_slice %arg2[%dma_start3A_44, %dma_start3A_45] : memref<51200x16xf32, #tpu.memory_space<hbm>> -> memref<51200x16xf32, #tpu.memory_space<hbm>>
      tpu.enqueue_indirect_dma source(%dma_start3A_46 : memref<51200x16xf32, #tpu.memory_space<hbm>>) target(%dma_start3A_40 : memref<128x16xf32, #tpu.memory_space<vmem>>) offsets(%dma_start3A_43 : memref<128xi32, #tpu.memory_space<vmem>>) semaphore(%arg12 : memref<!tpu.dma_semaphore, #tpu.memory_space<semaphore_mem>>)
      %add3A_47 = arith.constant 2 : i32
      %add3A_48 = arith.addi %mul3A_21, %add3A_47 : i32
      %dma_start3A_49 = arith.constant 2 : i32
      %dma_start3A_50 = arith.constant 0 : i32
      %dma_start3A_51 = arith.constant 0 : i32
      %dma_start3A_52 = tpu.memref_slice %arg9[%dma_start3A_49, %dma_start3A_50, %dma_start3A_51] : memref<4x128x16xf32, #tpu.memory_space<vmem>> -> memref<1x128x16xf32, #tpu.memory_space<vmem>>
      %dma_start3A_53 = tpu.memref_squeeze %dma_start3A_52 : memref<1x128x16xf32, #tpu.memory_space<vmem>> -> memref<128x16xf32, #tpu.memory_space<vmem>>
      %dma_start3A_54 = arith.constant 0 : i32
      %dma_start3A_55 = tpu.memref_slice %arg7[%add3A_48, %dma_start3A_54] : memref<208x128xi32, #tpu.memory_space<vmem>> -> memref<1x128xi32, #tpu.memory_space<vmem>>
      %dma_start3A_56 = tpu.memref_squeeze %dma_start3A_55 : memref<1x128xi32, #tpu.memory_space<vmem>> -> memref<128xi32, #tpu.memory_space<vmem>>
      %dma_start3A_57 = arith.constant 0 : i32
      %dma_start3A_58 = arith.constant 0 : i32
      %dma_start3A_59 = tpu.memref_slice %arg2[%dma_start3A_57, %dma_start3A_58] : memref<51200x16xf32, #tpu.memory_space<hbm>> -> memref<51200x16xf32, #tpu.memory_space<hbm>>
      tpu.enqueue_indirect_dma source(%dma_start3A_59 : memref<51200x16xf32, #tpu.memory_space<hbm>>) target(%dma_start3A_53 : memref<128x16xf32, #tpu.memory_space<vmem>>) offsets(%dma_start3A_56 : memref<128xi32, #tpu.memory_space<vmem>>) semaphore(%arg13 : memref<!tpu.dma_semaphore, #tpu.memory_space<semaphore_mem>>)
      %add3A_60 = arith.constant 3 : i32
      %add3A_61 = arith.addi %mul3A_21, %add3A_60 : i32
      %dma_start3A_62 = arith.constant 3 : i32
      %dma_start3A_63 = arith.constant 0 : i32
      %dma_start3A_64 = arith.constant 0 : i32
      %dma_start3A_65 = tpu.memref_slice %arg9[%dma_start3A_62, %dma_start3A_63, %dma_start3A_64] : memref<4x128x16xf32, #tpu.memory_space<vmem>> -> memref<1x128x16xf32, #tpu.memory_space<vmem>>
      %dma_start3A_66 = tpu.memref_squeeze %dma_start3A_65 : memref<1x128x16xf32, #tpu.memory_space<vmem>> -> memref<128x16xf32, #tpu.memory_space<vmem>>
      %dma_start3A_67 = arith.constant 0 : i32
      %dma_start3A_68 = tpu.memref_slice %arg7[%add3A_61, %dma_start3A_67] : memref<208x128xi32, #tpu.memory_space<vmem>> -> memref<1x128xi32, #tpu.memory_space<vmem>>
      %dma_start3A_69 = tpu.memref_squeeze %dma_start3A_68 : memref<1x128xi32, #tpu.memory_space<vmem>> -> memref<128xi32, #tpu.memory_space<vmem>>
      %dma_start3A_70 = arith.constant 0 : i32
      %dma_start3A_71 = arith.constant 0 : i32
      %dma_start3A_72 = tpu.memref_slice %arg2[%dma_start3A_70, %dma_start3A_71] : memref<51200x16xf32, #tpu.memory_space<hbm>> -> memref<51200x16xf32, #tpu.memory_space<hbm>>
      tpu.enqueue_indirect_dma source(%dma_start3A_72 : memref<51200x16xf32, #tpu.memory_space<hbm>>) target(%dma_start3A_66 : memref<128x16xf32, #tpu.memory_space<vmem>>) offsets(%dma_start3A_69 : memref<128xi32, #tpu.memory_space<vmem>>) semaphore(%arg14 : memref<!tpu.dma_semaphore, #tpu.memory_space<semaphore_mem>>)
      %dma_wait3A = arith.constant 0 : i32
      %dma_wait3A_73 = arith.constant 0 : i32
      %dma_wait3A_74 = arith.constant 0 : i32
      %dma_wait3A_75 = tpu.memref_slice %arg9[%dma_wait3A, %dma_wait3A_73, %dma_wait3A_74] : memref<4x128x16xf32, #tpu.memory_space<vmem>> -> memref<1x128x16xf32, #tpu.memory_space<vmem>>
      %dma_wait3A_76 = tpu.memref_squeeze %dma_wait3A_75 : memref<1x128x16xf32, #tpu.memory_space<vmem>> -> memref<128x16xf32, #tpu.memory_space<vmem>>
      %dma_wait3A_77 = arith.constant 0 : i32
      %dma_wait3A_78 = tpu.memref_slice %arg7[%add3A_23, %dma_wait3A_77] : memref<208x128xi32, #tpu.memory_space<vmem>> -> memref<1x128xi32, #tpu.memory_space<vmem>>
      %dma_wait3A_79 = tpu.memref_squeeze %dma_wait3A_78 : memref<1x128xi32, #tpu.memory_space<vmem>> -> memref<128xi32, #tpu.memory_space<vmem>>
      %dma_wait3A_80 = arith.constant 0 : i32
      %dma_wait3A_81 = arith.constant 0 : i32
      %dma_wait3A_82 = tpu.memref_slice %arg2[%dma_wait3A_80, %dma_wait3A_81] : memref<51200x16xf32, #tpu.memory_space<hbm>> -> memref<51200x16xf32, #tpu.memory_space<hbm>>
      tpu.wait_indirect_dma semaphore(%arg11 : memref<!tpu.dma_semaphore, #tpu.memory_space<semaphore_mem>>) src(%dma_wait3A_82 : memref<51200x16xf32, #tpu.memory_space<hbm>>) dst(%dma_wait3A_76 : memref<128x16xf32, #tpu.memory_space<vmem>>)
      %add3A_83 = arith.constant 0 : i32
      %add3A_84 = arith.addi %mul3A_21, %add3A_83 : i32
      %run_scoped3A = arith.constant 0 : i32
      "tpu.region"() ({
        %run_scoped3A_127 = tpu.sem_alloc : memref<!tpu.dma_semaphore, #tpu.memory_space<semaphore_mem>>
        %dma_start3A_128 = arith.constant 0 : i32
        %dma_start3A_129 = arith.constant 0 : i32
        %dma_start3A_130 = tpu.memref_slice %arg9[%run_scoped3A, %dma_start3A_128, %dma_start3A_129] : memref<4x128x16xf32, #tpu.memory_space<vmem>> -> memref<1x128x16xf32, #tpu.memory_space<vmem>>
        %dma_start3A_131 = tpu.memref_squeeze %dma_start3A_130 : memref<1x128x16xf32, #tpu.memory_space<vmem>> -> memref<128x16xf32, #tpu.memory_space<vmem>>
        %dma_start3A_132 = arith.constant 0 : i32
        %dma_start3A_133 = tpu.memref_slice %arg8[%add3A_84, %dma_start3A_132] : memref<208x128xi32, #tpu.memory_space<vmem>> -> memref<1x128xi32, #tpu.memory_space<vmem>>
        %dma_start3A_134 = tpu.memref_squeeze %dma_start3A_133 : memref<1x128xi32, #tpu.memory_space<vmem>> -> memref<128xi32, #tpu.memory_space<vmem>>
        %dma_start3A_135 = arith.constant 0 : i32
        %dma_start3A_136 = arith.constant 0 : i32
        %dma_start3A_137 = tpu.memref_slice %arg10[%dma_start3A_135, %dma_start3A_136] : memref<51200x16xf32, #tpu.memory_space<vmem_shared>> -> memref<51200x16xf32, #tpu.memory_space<vmem_shared>>
        tpu.enqueue_indirect_dma source(%dma_start3A_131 : memref<128x16xf32, #tpu.memory_space<vmem>>) target(%dma_start3A_137 : memref<51200x16xf32, #tpu.memory_space<vmem_shared>>) offsets(%dma_start3A_134 : memref<128xi32, #tpu.memory_space<vmem>>) semaphore(%run_scoped3A_127 : memref<!tpu.dma_semaphore, #tpu.memory_space<semaphore_mem>>) {add = true}
        %dma_wait3A_138 = arith.constant 0 : i32
        %dma_wait3A_139 = arith.constant 0 : i32
        %dma_wait3A_140 = tpu.memref_slice %arg9[%run_scoped3A, %dma_wait3A_138, %dma_wait3A_139] : memref<4x128x16xf32, #tpu.memory_space<vmem>> -> memref<1x128x16xf32, #tpu.memory_space<vmem>>
        %dma_wait3A_141 = tpu.memref_squeeze %dma_wait3A_140 : memref<1x128x16xf32, #tpu.memory_space<vmem>> -> memref<128x16xf32, #tpu.memory_space<vmem>>
        %dma_wait3A_142 = arith.constant 0 : i32
        %dma_wait3A_143 = tpu.memref_slice %arg8[%add3A_84, %dma_wait3A_142] : memref<208x128xi32, #tpu.memory_space<vmem>> -> memref<1x128xi32, #tpu.memory_space<vmem>>
        %dma_wait3A_144 = tpu.memref_squeeze %dma_wait3A_143 : memref<1x128xi32, #tpu.memory_space<vmem>> -> memref<128xi32, #tpu.memory_space<vmem>>
        %dma_wait3A_145 = arith.constant 0 : i32
        %dma_wait3A_146 = arith.constant 0 : i32
        %dma_wait3A_147 = tpu.memref_slice %arg10[%dma_wait3A_145, %dma_wait3A_146] : memref<51200x16xf32, #tpu.memory_space<vmem_shared>> -> memref<51200x16xf32, #tpu.memory_space<vmem_shared>>
        tpu.wait_indirect_dma semaphore(%run_scoped3A_127 : memref<!tpu.dma_semaphore, #tpu.memory_space<semaphore_mem>>) src(%dma_wait3A_141 : memref<128x16xf32, #tpu.memory_space<vmem>>) dst(%dma_wait3A_147 : memref<51200x16xf32, #tpu.memory_space<vmem_shared>>)
        tpu.yield
      }) : () -> ()
      %dma_wait3A_85 = arith.constant 1 : i32
      %dma_wait3A_86 = arith.constant 0 : i32
      %dma_wait3A_87 = arith.constant 0 : i32
      %dma_wait3A_88 = tpu.memref_slice %arg9[%dma_wait3A_85, %dma_wait3A_86, %dma_wait3A_87] : memref<4x128x16xf32, #tpu.memory_space<vmem>> -> memref<1x128x16xf32, #tpu.memory_space<vmem>>
      %dma_wait3A_89 = tpu.memref_squeeze %dma_wait3A_88 : memref<1x128x16xf32, #tpu.memory_space<vmem>> -> memref<128x16xf32, #tpu.memory_space<vmem>>
      %dma_wait3A_90 = arith.constant 0 : i32
      %dma_wait3A_91 = tpu.memref_slice %arg7[%add3A_35, %dma_wait3A_90] : memref<208x128xi32, #tpu.memory_space<vmem>> -> memref<1x128xi32, #tpu.memory_space<vmem>>
      %dma_wait3A_92 = tpu.memref_squeeze %dma_wait3A_91 : memref<1x128xi32, #tpu.memory_space<vmem>> -> memref<128xi32, #tpu.memory_space<vmem>>
      %dma_wait3A_93 = arith.constant 0 : i32
      %dma_wait3A_94 = arith.constant 0 : i32
      %dma_wait3A_95 = tpu.memref_slice %arg2[%dma_wait3A_93, %dma_wait3A_94] : memref<51200x16xf32, #tpu.memory_space<hbm>> -> memref<51200x16xf32, #tpu.memory_space<hbm>>
      tpu.wait_indirect_dma semaphore(%arg12 : memref<!tpu.dma_semaphore, #tpu.memory_space<semaphore_mem>>) src(%dma_wait3A_95 : memref<51200x16xf32, #tpu.memory_space<hbm>>) dst(%dma_wait3A_89 : memref<128x16xf32, #tpu.memory_space<vmem>>)
      %add3A_96 = arith.constant 1 : i32
      %add3A_97 = arith.addi %mul3A_21, %add3A_96 : i32
      %run_scoped3A_98 = arith.constant 1 : i32
      "tpu.region"() ({
        %run_scoped3A_127 = tpu.sem_alloc : memref<!tpu.dma_semaphore, #tpu.memory_space<semaphore_mem>>
        %dma_start3A_128 = arith.constant 0 : i32
        %dma_start3A_129 = arith.constant 0 : i32
        %dma_start3A_130 = tpu.memref_slice %arg9[%run_scoped3A_98, %dma_start3A_128, %dma_start3A_129] : memref<4x128x16xf32, #tpu.memory_space<vmem>> -> memref<1x128x16xf32, #tpu.memory_space<vmem>>
        %dma_start3A_131 = tpu.memref_squeeze %dma_start3A_130 : memref<1x128x16xf32, #tpu.memory_space<vmem>> -> memref<128x16xf32, #tpu.memory_space<vmem>>
        %dma_start3A_132 = arith.constant 0 : i32
        %dma_start3A_133 = tpu.memref_slice %arg8[%add3A_97, %dma_start3A_132] : memref<208x128xi32, #tpu.memory_space<vmem>> -> memref<1x128xi32, #tpu.memory_space<vmem>>
        %dma_start3A_134 = tpu.memref_squeeze %dma_start3A_133 : memref<1x128xi32, #tpu.memory_space<vmem>> -> memref<128xi32, #tpu.memory_space<vmem>>
        %dma_start3A_135 = arith.constant 0 : i32
        %dma_start3A_136 = arith.constant 0 : i32
        %dma_start3A_137 = tpu.memref_slice %arg10[%dma_start3A_135, %dma_start3A_136] : memref<51200x16xf32, #tpu.memory_space<vmem_shared>> -> memref<51200x16xf32, #tpu.memory_space<vmem_shared>>
        tpu.enqueue_indirect_dma source(%dma_start3A_131 : memref<128x16xf32, #tpu.memory_space<vmem>>) target(%dma_start3A_137 : memref<51200x16xf32, #tpu.memory_space<vmem_shared>>) offsets(%dma_start3A_134 : memref<128xi32, #tpu.memory_space<vmem>>) semaphore(%run_scoped3A_127 : memref<!tpu.dma_semaphore, #tpu.memory_space<semaphore_mem>>) {add = true}
        %dma_wait3A_138 = arith.constant 0 : i32
        %dma_wait3A_139 = arith.constant 0 : i32
        %dma_wait3A_140 = tpu.memref_slice %arg9[%run_scoped3A_98, %dma_wait3A_138, %dma_wait3A_139] : memref<4x128x16xf32, #tpu.memory_space<vmem>> -> memref<1x128x16xf32, #tpu.memory_space<vmem>>
        %dma_wait3A_141 = tpu.memref_squeeze %dma_wait3A_140 : memref<1x128x16xf32, #tpu.memory_space<vmem>> -> memref<128x16xf32, #tpu.memory_space<vmem>>
        %dma_wait3A_142 = arith.constant 0 : i32
        %dma_wait3A_143 = tpu.memref_slice %arg8[%add3A_97, %dma_wait3A_142] : memref<208x128xi32, #tpu.memory_space<vmem>> -> memref<1x128xi32, #tpu.memory_space<vmem>>
        %dma_wait3A_144 = tpu.memref_squeeze %dma_wait3A_143 : memref<1x128xi32, #tpu.memory_space<vmem>> -> memref<128xi32, #tpu.memory_space<vmem>>
        %dma_wait3A_145 = arith.constant 0 : i32
        %dma_wait3A_146 = arith.constant 0 : i32
        %dma_wait3A_147 = tpu.memref_slice %arg10[%dma_wait3A_145, %dma_wait3A_146] : memref<51200x16xf32, #tpu.memory_space<vmem_shared>> -> memref<51200x16xf32, #tpu.memory_space<vmem_shared>>
        tpu.wait_indirect_dma semaphore(%run_scoped3A_127 : memref<!tpu.dma_semaphore, #tpu.memory_space<semaphore_mem>>) src(%dma_wait3A_141 : memref<128x16xf32, #tpu.memory_space<vmem>>) dst(%dma_wait3A_147 : memref<51200x16xf32, #tpu.memory_space<vmem_shared>>)
        tpu.yield
      }) : () -> ()
      %dma_wait3A_99 = arith.constant 2 : i32
      %dma_wait3A_100 = arith.constant 0 : i32
      %dma_wait3A_101 = arith.constant 0 : i32
      %dma_wait3A_102 = tpu.memref_slice %arg9[%dma_wait3A_99, %dma_wait3A_100, %dma_wait3A_101] : memref<4x128x16xf32, #tpu.memory_space<vmem>> -> memref<1x128x16xf32, #tpu.memory_space<vmem>>
      %dma_wait3A_103 = tpu.memref_squeeze %dma_wait3A_102 : memref<1x128x16xf32, #tpu.memory_space<vmem>> -> memref<128x16xf32, #tpu.memory_space<vmem>>
      %dma_wait3A_104 = arith.constant 0 : i32
      %dma_wait3A_105 = tpu.memref_slice %arg7[%add3A_48, %dma_wait3A_104] : memref<208x128xi32, #tpu.memory_space<vmem>> -> memref<1x128xi32, #tpu.memory_space<vmem>>
      %dma_wait3A_106 = tpu.memref_squeeze %dma_wait3A_105 : memref<1x128xi32, #tpu.memory_space<vmem>> -> memref<128xi32, #tpu.memory_space<vmem>>
      %dma_wait3A_107 = arith.constant 0 : i32
      %dma_wait3A_108 = arith.constant 0 : i32
      %dma_wait3A_109 = tpu.memref_slice %arg2[%dma_wait3A_107, %dma_wait3A_108] : memref<51200x16xf32, #tpu.memory_space<hbm>> -> memref<51200x16xf32, #tpu.memory_space<hbm>>
      tpu.wait_indirect_dma semaphore(%arg13 : memref<!tpu.dma_semaphore, #tpu.memory_space<semaphore_mem>>) src(%dma_wait3A_109 : memref<51200x16xf32, #tpu.memory_space<hbm>>) dst(%dma_wait3A_103 : memref<128x16xf32, #tpu.memory_space<vmem>>)
      %add3A_110 = arith.constant 2 : i32
      %add3A_111 = arith.addi %mul3A_21, %add3A_110 : i32
      %run_scoped3A_112 = arith.constant 2 : i32
      "tpu.region"() ({
        %run_scoped3A_127 = tpu.sem_alloc : memref<!tpu.dma_semaphore, #tpu.memory_space<semaphore_mem>>
        %dma_start3A_128 = arith.constant 0 : i32
        %dma_start3A_129 = arith.constant 0 : i32
        %dma_start3A_130 = tpu.memref_slice %arg9[%run_scoped3A_112, %dma_start3A_128, %dma_start3A_129] : memref<4x128x16xf32, #tpu.memory_space<vmem>> -> memref<1x128x16xf32, #tpu.memory_space<vmem>>
        %dma_start3A_131 = tpu.memref_squeeze %dma_start3A_130 : memref<1x128x16xf32, #tpu.memory_space<vmem>> -> memref<128x16xf32, #tpu.memory_space<vmem>>
        %dma_start3A_132 = arith.constant 0 : i32
        %dma_start3A_133 = tpu.memref_slice %arg8[%add3A_111, %dma_start3A_132] : memref<208x128xi32, #tpu.memory_space<vmem>> -> memref<1x128xi32, #tpu.memory_space<vmem>>
        %dma_start3A_134 = tpu.memref_squeeze %dma_start3A_133 : memref<1x128xi32, #tpu.memory_space<vmem>> -> memref<128xi32, #tpu.memory_space<vmem>>
        %dma_start3A_135 = arith.constant 0 : i32
        %dma_start3A_136 = arith.constant 0 : i32
        %dma_start3A_137 = tpu.memref_slice %arg10[%dma_start3A_135, %dma_start3A_136] : memref<51200x16xf32, #tpu.memory_space<vmem_shared>> -> memref<51200x16xf32, #tpu.memory_space<vmem_shared>>
        tpu.enqueue_indirect_dma source(%dma_start3A_131 : memref<128x16xf32, #tpu.memory_space<vmem>>) target(%dma_start3A_137 : memref<51200x16xf32, #tpu.memory_space<vmem_shared>>) offsets(%dma_start3A_134 : memref<128xi32, #tpu.memory_space<vmem>>) semaphore(%run_scoped3A_127 : memref<!tpu.dma_semaphore, #tpu.memory_space<semaphore_mem>>) {add = true}
        %dma_wait3A_138 = arith.constant 0 : i32
        %dma_wait3A_139 = arith.constant 0 : i32
        %dma_wait3A_140 = tpu.memref_slice %arg9[%run_scoped3A_112, %dma_wait3A_138, %dma_wait3A_139] : memref<4x128x16xf32, #tpu.memory_space<vmem>> -> memref<1x128x16xf32, #tpu.memory_space<vmem>>
        %dma_wait3A_141 = tpu.memref_squeeze %dma_wait3A_140 : memref<1x128x16xf32, #tpu.memory_space<vmem>> -> memref<128x16xf32, #tpu.memory_space<vmem>>
        %dma_wait3A_142 = arith.constant 0 : i32
        %dma_wait3A_143 = tpu.memref_slice %arg8[%add3A_111, %dma_wait3A_142] : memref<208x128xi32, #tpu.memory_space<vmem>> -> memref<1x128xi32, #tpu.memory_space<vmem>>
        %dma_wait3A_144 = tpu.memref_squeeze %dma_wait3A_143 : memref<1x128xi32, #tpu.memory_space<vmem>> -> memref<128xi32, #tpu.memory_space<vmem>>
        %dma_wait3A_145 = arith.constant 0 : i32
        %dma_wait3A_146 = arith.constant 0 : i32
        %dma_wait3A_147 = tpu.memref_slice %arg10[%dma_wait3A_145, %dma_wait3A_146] : memref<51200x16xf32, #tpu.memory_space<vmem_shared>> -> memref<51200x16xf32, #tpu.memory_space<vmem_shared>>
        tpu.wait_indirect_dma semaphore(%run_scoped3A_127 : memref<!tpu.dma_semaphore, #tpu.memory_space<semaphore_mem>>) src(%dma_wait3A_141 : memref<128x16xf32, #tpu.memory_space<vmem>>) dst(%dma_wait3A_147 : memref<51200x16xf32, #tpu.memory_space<vmem_shared>>)
        tpu.yield
      }) : () -> ()
      %dma_wait3A_113 = arith.constant 3 : i32
      %dma_wait3A_114 = arith.constant 0 : i32
      %dma_wait3A_115 = arith.constant 0 : i32
      %dma_wait3A_116 = tpu.memref_slice %arg9[%dma_wait3A_113, %dma_wait3A_114, %dma_wait3A_115] : memref<4x128x16xf32, #tpu.memory_space<vmem>> -> memref<1x128x16xf32, #tpu.memory_space<vmem>>
      %dma_wait3A_117 = tpu.memref_squeeze %dma_wait3A_116 : memref<1x128x16xf32, #tpu.memory_space<vmem>> -> memref<128x16xf32, #tpu.memory_space<vmem>>
      %dma_wait3A_118 = arith.constant 0 : i32
      %dma_wait3A_119 = tpu.memref_slice %arg7[%add3A_61, %dma_wait3A_118] : memref<208x128xi32, #tpu.memory_space<vmem>> -> memref<1x128xi32, #tpu.memory_space<vmem>>
      %dma_wait3A_120 = tpu.memref_squeeze %dma_wait3A_119 : memref<1x128xi32, #tpu.memory_space<vmem>> -> memref<128xi32, #tpu.memory_space<vmem>>
      %dma_wait3A_121 = arith.constant 0 : i32
      %dma_wait3A_122 = arith.constant 0 : i32
      %dma_wait3A_123 = tpu.memref_slice %arg2[%dma_wait3A_121, %dma_wait3A_122] : memref<51200x16xf32, #tpu.memory_space<hbm>> -> memref<51200x16xf32, #tpu.memory_space<hbm>>
      tpu.wait_indirect_dma semaphore(%arg14 : memref<!tpu.dma_semaphore, #tpu.memory_space<semaphore_mem>>) src(%dma_wait3A_123 : memref<51200x16xf32, #tpu.memory_space<hbm>>) dst(%dma_wait3A_117 : memref<128x16xf32, #tpu.memory_space<vmem>>)
      %add3A_124 = arith.constant 3 : i32
      %add3A_125 = arith.addi %mul3A_21, %add3A_124 : i32
      %run_scoped3A_126 = arith.constant 3 : i32
      "tpu.region"() ({
        %run_scoped3A_127 = tpu.sem_alloc : memref<!tpu.dma_semaphore, #tpu.memory_space<semaphore_mem>>
        %dma_start3A_128 = arith.constant 0 : i32
        %dma_start3A_129 = arith.constant 0 : i32
        %dma_start3A_130 = tpu.memref_slice %arg9[%run_scoped3A_126, %dma_start3A_128, %dma_start3A_129] : memref<4x128x16xf32, #tpu.memory_space<vmem>> -> memref<1x128x16xf32, #tpu.memory_space<vmem>>
        %dma_start3A_131 = tpu.memref_squeeze %dma_start3A_130 : memref<1x128x16xf32, #tpu.memory_space<vmem>> -> memref<128x16xf32, #tpu.memory_space<vmem>>
        %dma_start3A_132 = arith.constant 0 : i32
        %dma_start3A_133 = tpu.memref_slice %arg8[%add3A_125, %dma_start3A_132] : memref<208x128xi32, #tpu.memory_space<vmem>> -> memref<1x128xi32, #tpu.memory_space<vmem>>
        %dma_start3A_134 = tpu.memref_squeeze %dma_start3A_133 : memref<1x128xi32, #tpu.memory_space<vmem>> -> memref<128xi32, #tpu.memory_space<vmem>>
        %dma_start3A_135 = arith.constant 0 : i32
        %dma_start3A_136 = arith.constant 0 : i32
        %dma_start3A_137 = tpu.memref_slice %arg10[%dma_start3A_135, %dma_start3A_136] : memref<51200x16xf32, #tpu.memory_space<vmem_shared>> -> memref<51200x16xf32, #tpu.memory_space<vmem_shared>>
        tpu.enqueue_indirect_dma source(%dma_start3A_131 : memref<128x16xf32, #tpu.memory_space<vmem>>) target(%dma_start3A_137 : memref<51200x16xf32, #tpu.memory_space<vmem_shared>>) offsets(%dma_start3A_134 : memref<128xi32, #tpu.memory_space<vmem>>) semaphore(%run_scoped3A_127 : memref<!tpu.dma_semaphore, #tpu.memory_space<semaphore_mem>>) {add = true}
        %dma_wait3A_138 = arith.constant 0 : i32
        %dma_wait3A_139 = arith.constant 0 : i32
        %dma_wait3A_140 = tpu.memref_slice %arg9[%run_scoped3A_126, %dma_wait3A_138, %dma_wait3A_139] : memref<4x128x16xf32, #tpu.memory_space<vmem>> -> memref<1x128x16xf32, #tpu.memory_space<vmem>>
        %dma_wait3A_141 = tpu.memref_squeeze %dma_wait3A_140 : memref<1x128x16xf32, #tpu.memory_space<vmem>> -> memref<128x16xf32, #tpu.memory_space<vmem>>
        %dma_wait3A_142 = arith.constant 0 : i32
        %dma_wait3A_143 = tpu.memref_slice %arg8[%add3A_125, %dma_wait3A_142] : memref<208x128xi32, #tpu.memory_space<vmem>> -> memref<1x128xi32, #tpu.memory_space<vmem>>
        %dma_wait3A_144 = tpu.memref_squeeze %dma_wait3A_143 : memref<1x128xi32, #tpu.memory_space<vmem>> -> memref<128xi32, #tpu.memory_space<vmem>>
        %dma_wait3A_145 = arith.constant 0 : i32
        %dma_wait3A_146 = arith.constant 0 : i32
        %dma_wait3A_147 = tpu.memref_slice %arg10[%dma_wait3A_145, %dma_wait3A_146] : memref<51200x16xf32, #tpu.memory_space<vmem_shared>> -> memref<51200x16xf32, #tpu.memory_space<vmem_shared>>
        tpu.wait_indirect_dma semaphore(%run_scoped3A_127 : memref<!tpu.dma_semaphore, #tpu.memory_space<semaphore_mem>>) src(%dma_wait3A_141 : memref<128x16xf32, #tpu.memory_space<vmem>>) dst(%dma_wait3A_147 : memref<51200x16xf32, #tpu.memory_space<vmem_shared>>)
        tpu.yield
      }) : () -> ()
    }
    %scan3A_13 = arith.constant 52 : i32
    %barrier3A_14 = arith.constant 0 : index
    tpu.barrier barrier_id(%barrier3A_14)
    %mul3A_15 = arith.constant 3200 : i32
    %mul3A_16 = arith.muli %arg1, %mul3A_15 : i32
    %mul3A_17 = arith.constant 3200 : i32
    %mul3A_18 = arith.muli %arg1, %mul3A_17 : i32
    "tpu.region"() ({
      %run_scoped3A = tpu.sem_alloc : memref<!tpu.dma_semaphore, #tpu.memory_space<semaphore_mem>>
      %dma_start3A = arith.constant 0 : i32
      %dma_start3A_19 = tpu.memref_slice %arg6[%arg0, %mul3A_18, %dma_start3A] : memref<2x51200x16xf32, #tpu.memory_space<hbm>> -> memref<1x3200x16xf32, #tpu.memory_space<hbm>>
      %dma_start3A_20 = tpu.memref_squeeze %dma_start3A_19 : memref<1x3200x16xf32, #tpu.memory_space<hbm>> -> memref<3200x16xf32, #tpu.memory_space<hbm>>
      %dma_start3A_21 = arith.constant 0 : i32
      %dma_start3A_22 = tpu.memref_slice %arg10[%mul3A_16, %dma_start3A_21] : memref<51200x16xf32, #tpu.memory_space<vmem_shared>> -> memref<3200x16xf32, #tpu.memory_space<vmem_shared>>
      tpu.enqueue_dma source(%dma_start3A_22 : memref<3200x16xf32, #tpu.memory_space<vmem_shared>>) target(%dma_start3A_20 : memref<3200x16xf32, #tpu.memory_space<hbm>>) target_semaphore(%run_scoped3A : memref<!tpu.dma_semaphore, #tpu.memory_space<semaphore_mem>>)
      %dma_wait3A = arith.constant 0 : i32
      %dma_wait3A_23 = tpu.memref_slice %arg6[%arg0, %mul3A_18, %dma_wait3A] : memref<2x51200x16xf32, #tpu.memory_space<hbm>> -> memref<1x3200x16xf32, #tpu.memory_space<hbm>>
      %dma_wait3A_24 = tpu.memref_squeeze %dma_wait3A_23 : memref<1x3200x16xf32, #tpu.memory_space<hbm>> -> memref<3200x16xf32, #tpu.memory_space<hbm>>
      %dma_wait3A_25 = arith.constant 0 : i32
      %dma_wait3A_26 = tpu.memref_slice %arg10[%mul3A_16, %dma_wait3A_25] : memref<51200x16xf32, #tpu.memory_space<vmem_shared>> -> memref<3200x16xf32, #tpu.memory_space<vmem_shared>>
      tpu.wait_dma2 semaphore(%run_scoped3A : memref<!tpu.dma_semaphore, #tpu.memory_space<semaphore_mem>>) src(%dma_wait3A_26 : memref<3200x16xf32, #tpu.memory_space<vmem_shared>>) dst(%dma_wait3A_24 : memref<3200x16xf32, #tpu.memory_space<hbm>>)
      tpu.yield
    }) : () -> ()
    return
  }
}

module attributes {stable_mosaic.version = 14 : i64} {
  func.func @_mid_body(%arg0: i32, %arg1: memref<2048x16xf32, #tpu.memory_space<vmem>>, %arg2: memref<2048x16xf32, #tpu.memory_space<vmem>>, %arg3: memref<12x64xf32, #tpu.memory_space<vmem>>, %arg4: memref<1x64xf32, #tpu.memory_space<vmem>>, %arg5: memref<64x12xf32, #tpu.memory_space<vmem>>, %arg6: memref<2048x16xf32, #tpu.memory_space<vmem>>) attributes {dimension_semantics = [#tpu.dimension_semantics<arbitrary>], iteration_bounds = array<i64: 25>, scalar_prefetch = 0 : i64, scratch_operands = 0 : i64, tpu.core_type = #tpu.core_type<tc>, window_params = [{transform_indices = @transform_0, window_bounds = array<i64: 2048, 16>}, {transform_indices = @transform_1, window_bounds = array<i64: 2048, 16>}, {pipeline_mode = #tpu.pipeline_mode<synchronous>, transform_indices = @transform_2, window_bounds = array<i64: 12, 64>}, {pipeline_mode = #tpu.pipeline_mode<synchronous>, transform_indices = @transform_3, window_bounds = array<i64: 1, 64>}, {pipeline_mode = #tpu.pipeline_mode<synchronous>, transform_indices = @transform_4, window_bounds = array<i64: 64, 12>}, {transform_indices = @transform_5, window_bounds = array<i64: 2048, 16>}]} {
    %get3A = arith.constant 0 : index
    %get3A_0 = arith.constant 0 : index
    %get3A_1 = vector.load %arg2[%get3A, %get3A_0] : memref<2048x16xf32, #tpu.memory_space<vmem>>, vector<2048x1xf32>
    %max3A = arith.constant 1.000000e+00 : f32
    %max3A_2 = vector.broadcast %max3A : f32 to vector<2048x1xf32>
    %max3A_3 = arith.maximumf %get3A_1, %max3A_2 : vector<2048x1xf32>
    %rsqrt3A = math.rsqrt %max3A_3 : vector<2048x1xf32>
    %get3A_4 = arith.constant 0 : index
    %get3A_5 = arith.constant 0 : index
    %get3A_6 = vector.load %arg1[%get3A_4, %get3A_5] : memref<2048x16xf32, #tpu.memory_space<vmem>>, vector<2048x12xf32>
    %mul3A = vector.broadcast %rsqrt3A : vector<2048x1xf32> to vector<2048x12xf32>
    %mul3A_7 = arith.mulf %get3A_6, %mul3A : vector<2048x12xf32>
    %get3A_8 = arith.constant 0 : index
    %get3A_9 = arith.constant 0 : index
    %get3A_10 = vector.load %arg3[%get3A_8, %get3A_9] : memref<12x64xf32, #tpu.memory_space<vmem>>, vector<12x64xf32>
    %dot_general3A = arith.constant dense<0.000000e+00> : vector<2048x64xf32>
    %dot_general3A_11 = tpu.matmul %mul3A_7, %get3A_10, %dot_general3A {dimension_numbers = #tpu.dot_dimension_numbers<[1], [0], [0], [1], [0, 0, 1, 1], [], []>, transpose_lhs_hint = false} : vector<2048x12xf32>, vector<12x64xf32>, vector<2048x64xf32> -> vector<2048x64xf32>
    %get3A_12 = arith.constant 0 : index
    %get3A_13 = arith.constant 0 : index
    %get3A_14 = vector.load %arg4[%get3A_12, %get3A_13] : memref<1x64xf32, #tpu.memory_space<vmem>>, vector<1x64xf32>
    %add3A = vector.broadcast %get3A_14 : vector<1x64xf32> to vector<2048x64xf32>
    %add3A_15 = arith.addf %dot_general3A_11, %add3A : vector<2048x64xf32>
    %max3A_16 = arith.constant 0.000000e+00 : f32
    %max3A_17 = vector.broadcast %max3A_16 : f32 to vector<2048x64xf32>
    %max3A_18 = arith.maximumf %add3A_15, %max3A_17 : vector<2048x64xf32>
    %get3A_19 = arith.constant 0 : index
    %get3A_20 = arith.constant 0 : index
    %get3A_21 = vector.load %arg5[%get3A_19, %get3A_20] : memref<64x12xf32, #tpu.memory_space<vmem>>, vector<64x12xf32>
    %dot_general3A_22 = arith.constant dense<0.000000e+00> : vector<2048x12xf32>
    %dot_general3A_23 = tpu.matmul %max3A_18, %get3A_21, %dot_general3A_22 {dimension_numbers = #tpu.dot_dimension_numbers<[1], [0], [0], [1], [0, 0, 1, 1], [], []>, transpose_lhs_hint = false} : vector<2048x64xf32>, vector<64x12xf32>, vector<2048x12xf32> -> vector<2048x12xf32>
    %mul3A_24 = vector.broadcast %rsqrt3A : vector<2048x1xf32> to vector<2048x12xf32>
    %mul3A_25 = arith.mulf %dot_general3A_23, %mul3A_24 : vector<2048x12xf32>
    %swap3A = arith.constant 0 : index
    %swap3A_26 = arith.constant 0 : index
    %swap3A_27 = vector.load %arg6[%swap3A, %swap3A_26] : memref<2048x16xf32, #tpu.memory_space<vmem>>, vector<2048x12xf32>
    tpu.vector_store %arg6[%swap3A, %swap3A_26], %mul3A_25 {strides = array<i32>} : memref<2048x16xf32, #tpu.memory_space<vmem>>, vector<2048x12xf32>,
    %broadcast_in_dim3A = arith.constant 0.000000e+00 : f32
    %broadcast_in_dim3A_28 = vector.broadcast %broadcast_in_dim3A : f32 to vector<2048x4xf32>
    %swap3A_29 = arith.constant 0 : index
    %swap3A_30 = arith.constant 12 : index
    %swap3A_31 = vector.load %arg6[%swap3A_29, %swap3A_30] : memref<2048x16xf32, #tpu.memory_space<vmem>>, vector<2048x4xf32>
    tpu.vector_store %arg6[%swap3A_29, %swap3A_30], %broadcast_in_dim3A_28 {strides = array<i32>} : memref<2048x16xf32, #tpu.memory_space<vmem>>, vector<2048x4xf32>,
    return
  }
  func.func @transform_0(%arg0: i32) -> (i32, i32) {
    %c0_i32 = arith.constant 0 : i32
    %c0_i32_0 = arith.constant 0 : i32
    return %arg0, %c0_i32 : i32, i32
  }
  func.func @transform_1(%arg0: i32) -> (i32, i32) {
    %c0_i32 = arith.constant 0 : i32
    %c0_i32_0 = arith.constant 0 : i32
    return %arg0, %c0_i32 : i32, i32
  }
  func.func @transform_2(%arg0: i32) -> (i32, i32) {
    %c0_i32 = arith.constant 0 : i32
    %c0_i32_0 = arith.constant 0 : i32
    %c0_i32_1 = arith.constant 0 : i32
    return %c0_i32, %c0_i32_0 : i32, i32
  }
  func.func @transform_3(%arg0: i32) -> (i32, i32) {
    %c0_i32 = arith.constant 0 : i32
    %c0_i32_0 = arith.constant 0 : i32
    %c0_i32_1 = arith.constant 0 : i32
    return %c0_i32, %c0_i32_0 : i32, i32
  }
  func.func @transform_4(%arg0: i32) -> (i32, i32) {
    %c0_i32 = arith.constant 0 : i32
    %c0_i32_0 = arith.constant 0 : i32
    %c0_i32_1 = arith.constant 0 : i32
    return %c0_i32, %c0_i32_0 : i32, i32
  }
  func.func @transform_5(%arg0: i32) -> (i32, i32) {
    %c0_i32 = arith.constant 0 : i32
    %c0_i32_0 = arith.constant 0 : i32
    return %arg0, %c0_i32 : i32, i32
  }
}

module attributes {stable_mosaic.version = 14 : i64} {
  func.func @_conv_body(%arg0: i32, %arg1: memref<2000x16xf32, #tpu.memory_space<vmem>>, %arg2: memref<2000x16xf32, #tpu.memory_space<vmem>>, %arg3: memref<2000x16xf32, #tpu.memory_space<vmem>>, %arg4: memref<2000x16xf32, #tpu.memory_space<vmem>>, %arg5: memref<1x12xf32, #tpu.memory_space<vmem>>, %arg6: memref<2000x64xf32, #tpu.memory_space<vmem>>, %arg7: memref<2000x64xf32, #tpu.memory_space<vmem>>, %arg8: memref<2000x64xf32, #tpu.memory_space<vmem>>, %arg9: memref<24x64xf32, #tpu.memory_space<vmem>>) attributes {dimension_semantics = [#tpu.dimension_semantics<arbitrary>], iteration_bounds = array<i64: 25>, scalar_prefetch = 0 : i64, scratch_operands = 0 : i64, tpu.core_type = #tpu.core_type<tc>, window_params = [{transform_indices = @transform_0, window_bounds = array<i64: 2000, 16>}, {transform_indices = @transform_1, window_bounds = array<i64: 2000, 16>}, {transform_indices = @transform_2, window_bounds = array<i64: 2000, 16>}, {transform_indices = @transform_3, window_bounds = array<i64: 2000, 16>}, {pipeline_mode = #tpu.pipeline_mode<synchronous>, transform_indices = @transform_4, window_bounds = array<i64: 1, 12>}, {transform_indices = @transform_5, window_bounds = array<i64: 2000, 64>}, {transform_indices = @transform_6, window_bounds = array<i64: 2000, 64>}, {transform_indices = @transform_7, window_bounds = array<i64: 2000, 64>}, {pipeline_mode = #tpu.pipeline_mode<synchronous>, transform_indices = @transform_8, window_bounds = array<i64: 24, 64>}]} {
    %get3A = arith.constant 0 : index
    %get3A_0 = arith.constant 0 : index
    %get3A_1 = vector.load %arg3[%get3A, %get3A_0] : memref<2000x16xf32, #tpu.memory_space<vmem>>, vector<2000x1xf32>
    %max3A = arith.constant 1.000000e+00 : f32
    %max3A_2 = vector.broadcast %max3A : f32 to vector<2000x1xf32>
    %max3A_3 = arith.maximumf %get3A_1, %max3A_2 : vector<2000x1xf32>
    %rsqrt3A = math.rsqrt %max3A_3 : vector<2000x1xf32>
    %get3A_4 = arith.constant 0 : index
    %get3A_5 = arith.constant 0 : index
    %get3A_6 = vector.load %arg4[%get3A_4, %get3A_5] : memref<2000x16xf32, #tpu.memory_space<vmem>>, vector<2000x1xf32>
    %max3A_7 = arith.constant 1.000000e+00 : f32
    %max3A_8 = vector.broadcast %max3A_7 : f32 to vector<2000x1xf32>
    %max3A_9 = arith.maximumf %get3A_6, %max3A_8 : vector<2000x1xf32>
    %rsqrt3A_10 = math.rsqrt %max3A_9 : vector<2000x1xf32>
    %get3A_11 = arith.constant 0 : index
    %get3A_12 = arith.constant 0 : index
    %get3A_13 = vector.load %arg1[%get3A_11, %get3A_12] : memref<2000x16xf32, #tpu.memory_space<vmem>>, vector<2000x12xf32>
    %mul3A = vector.broadcast %rsqrt3A : vector<2000x1xf32> to vector<2000x12xf32>
    %mul3A_14 = arith.mulf %get3A_13, %mul3A : vector<2000x12xf32>
    %get3A_15 = arith.constant 0 : index
    %get3A_16 = arith.constant 0 : index
    %get3A_17 = vector.load %arg5[%get3A_15, %get3A_16] : memref<1x12xf32, #tpu.memory_space<vmem>>, vector<1x12xf32>
    %add3A = vector.broadcast %get3A_17 : vector<1x12xf32> to vector<2000x12xf32>
    %add3A_18 = arith.addf %mul3A_14, %add3A : vector<2000x12xf32>
    %get3A_19 = arith.constant 0 : index
    %get3A_20 = arith.constant 0 : index
    %get3A_21 = vector.load %arg2[%get3A_19, %get3A_20] : memref<2000x16xf32, #tpu.memory_space<vmem>>, vector<2000x12xf32>
    %mul3A_22 = vector.broadcast %rsqrt3A_10 : vector<2000x1xf32> to vector<2000x12xf32>
    %mul3A_23 = arith.mulf %get3A_21, %mul3A_22 : vector<2000x12xf32>
    %get3A_24 = arith.constant 0 : index
    %get3A_25 = arith.constant 0 : index
    %get3A_26 = vector.load %arg5[%get3A_24, %get3A_25] : memref<1x12xf32, #tpu.memory_space<vmem>>, vector<1x12xf32>
    %add3A_27 = vector.broadcast %get3A_26 : vector<1x12xf32> to vector<2000x12xf32>
    %add3A_28 = arith.addf %mul3A_23, %add3A_27 : vector<2000x12xf32>
    %concatenate3A = tpu.concatenate %add3A_18, %add3A_28 in 1 : vector<2000x12xf32>, vector<2000x12xf32> -> vector<2000x24xf32>
    %get3A_29 = arith.constant 0 : index
    %get3A_30 = arith.constant 0 : index
    %get3A_31 = vector.load %arg6[%get3A_29, %get3A_30] : memref<2000x64xf32, #tpu.memory_space<vmem>>, vector<2000x64xf32>
    %dot_general3A = arith.constant dense<0.000000e+00> : vector<24x64xf32>
    %dot_general3A_32 = tpu.matmul %concatenate3A, %get3A_31, %dot_general3A {dimension_numbers = #tpu.dot_dimension_numbers<[0], [0], [1], [1], [0, 1, 1, 1], [], []>, transpose_lhs_hint = false} : vector<2000x24xf32>, vector<2000x64xf32>, vector<24x64xf32> -> vector<24x64xf32>
    %get3A_33 = arith.constant 0 : index
    %get3A_34 = arith.constant 0 : index
    %get3A_35 = vector.load %arg7[%get3A_33, %get3A_34] : memref<2000x64xf32, #tpu.memory_space<vmem>>, vector<2000x64xf32>
    %dot_general3A_36 = arith.constant dense<0.000000e+00> : vector<24x64xf32>
    %dot_general3A_37 = tpu.matmul %concatenate3A, %get3A_35, %dot_general3A_36 {dimension_numbers = #tpu.dot_dimension_numbers<[0], [0], [1], [1], [0, 1, 1, 1], [], []>, transpose_lhs_hint = false} : vector<2000x24xf32>, vector<2000x64xf32>, vector<24x64xf32> -> vector<24x64xf32>
    %get3A_38 = arith.constant 0 : index
    %get3A_39 = arith.constant 0 : index
    %get3A_40 = vector.load %arg8[%get3A_38, %get3A_39] : memref<2000x64xf32, #tpu.memory_space<vmem>>, vector<2000x64xf32>
    %dot_general3A_41 = arith.constant dense<0.000000e+00> : vector<24x64xf32>
    %dot_general3A_42 = tpu.matmul %concatenate3A, %get3A_40, %dot_general3A_41 {dimension_numbers = #tpu.dot_dimension_numbers<[0], [0], [1], [1], [0, 1, 1, 1], [], []>, transpose_lhs_hint = false} : vector<2000x24xf32>, vector<2000x64xf32>, vector<24x64xf32> -> vector<24x64xf32>
    %slice3A = vector.extract_strided_slice %dot_general3A_32 {offsets = [0, 0], sizes = [12, 64], strides = [1, 1]} : vector<24x64xf32> to vector<12x64xf32>
    %slice3A_43 = vector.extract_strided_slice %slice3A {offsets = [11, 0], sizes = [1, 64], strides = [1, 1]} : vector<12x64xf32> to vector<1x64xf32>
    %slice3A_44 = vector.extract_strided_slice %slice3A {offsets = [0, 0], sizes = [11, 64], strides = [1, 1]} : vector<12x64xf32> to vector<11x64xf32>
    %concatenate3A_45 = tpu.concatenate %slice3A_43, %slice3A_44 in 0 : vector<1x64xf32>, vector<11x64xf32> -> vector<12x64xf32>
    %slice3A_46 = vector.extract_strided_slice %dot_general3A_37 {offsets = [0, 0], sizes = [12, 64], strides = [1, 1]} : vector<24x64xf32> to vector<12x64xf32>
    %add3A_47 = arith.addf %concatenate3A_45, %slice3A_46 : vector<12x64xf32>
    %slice3A_48 = vector.extract_strided_slice %dot_general3A_42 {offsets = [0, 0], sizes = [12, 64], strides = [1, 1]} : vector<24x64xf32> to vector<12x64xf32>
    %slice3A_49 = vector.extract_strided_slice %slice3A_48 {offsets = [1, 0], sizes = [11, 64], strides = [1, 1]} : vector<12x64xf32> to vector<11x64xf32>
    %slice3A_50 = vector.extract_strided_slice %slice3A_48 {offsets = [0, 0], sizes = [1, 64], strides = [1, 1]} : vector<12x64xf32> to vector<1x64xf32>
    %concatenate3A_51 = tpu.concatenate %slice3A_49, %slice3A_50 in 0 : vector<11x64xf32>, vector<1x64xf32> -> vector<12x64xf32>
    %add3A_52 = arith.addf %add3A_47, %concatenate3A_51 : vector<12x64xf32>
    %slice3A_53 = vector.extract_strided_slice %dot_general3A_32 {offsets = [12, 0], sizes = [12, 64], strides = [1, 1]} : vector<24x64xf32> to vector<12x64xf32>
    %slice3A_54 = vector.extract_strided_slice %slice3A_53 {offsets = [11, 0], sizes = [1, 64], strides = [1, 1]} : vector<12x64xf32> to vector<1x64xf32>
    %slice3A_55 = vector.extract_strided_slice %slice3A_53 {offsets = [0, 0], sizes = [11, 64], strides = [1, 1]} : vector<12x64xf32> to vector<11x64xf32>
    %concatenate3A_56 = tpu.concatenate %slice3A_54, %slice3A_55 in 0 : vector<1x64xf32>, vector<11x64xf32> -> vector<12x64xf32>
    %slice3A_57 = vector.extract_strided_slice %dot_general3A_37 {offsets = [12, 0], sizes = [12, 64], strides = [1, 1]} : vector<24x64xf32> to vector<12x64xf32>
    %add3A_58 = arith.addf %concatenate3A_56, %slice3A_57 : vector<12x64xf32>
    %slice3A_59 = vector.extract_strided_slice %dot_general3A_42 {offsets = [12, 0], sizes = [12, 64], strides = [1, 1]} : vector<24x64xf32> to vector<12x64xf32>
    %slice3A_60 = vector.extract_strided_slice %slice3A_59 {offsets = [1, 0], sizes = [11, 64], strides = [1, 1]} : vector<12x64xf32> to vector<11x64xf32>
    %slice3A_61 = vector.extract_strided_slice %slice3A_59 {offsets = [0, 0], sizes = [1, 64], strides = [1, 1]} : vector<12x64xf32> to vector<1x64xf32>
    %concatenate3A_62 = tpu.concatenate %slice3A_60, %slice3A_61 in 0 : vector<11x64xf32>, vector<1x64xf32> -> vector<12x64xf32>
    %add3A_63 = arith.addf %add3A_58, %concatenate3A_62 : vector<12x64xf32>
    %concatenate3A_64 = tpu.concatenate %add3A_52, %add3A_63 in 0 : vector<12x64xf32>, vector<12x64xf32> -> vector<24x64xf32>
    %eq3A = arith.constant 0 : i32
    %eq3A_65 = arith.cmpi eq, %arg0, %eq3A : i32
    %convert_element_type3A = arith.extui %eq3A_65 : i1 to i32
    %cond3A = arith.constant 0 : i32
    %cond3A_66 = arith.cmpi ne, %convert_element_type3A, %cond3A : i32
    scf.if %cond3A_66 {
      %broadcast_in_dim3A = arith.constant 0.000000e+00 : f32
      %broadcast_in_dim3A_73 = vector.broadcast %broadcast_in_dim3A : f32 to vector<24x64xf32>
      %swap3A_74 = arith.constant 0 : index
      %swap3A_75 = arith.constant 0 : index
      %swap3A_76 = vector.load %arg9[%swap3A_74, %swap3A_75] : memref<24x64xf32, #tpu.memory_space<vmem>>, vector<24x64xf32>
      tpu.vector_store %arg9[%swap3A_74, %swap3A_75], %broadcast_in_dim3A_73 {strides = array<i32>} : memref<24x64xf32, #tpu.memory_space<vmem>>, vector<24x64xf32>,
    } else {
    }
    %get3A_67 = arith.constant 0 : index
    %get3A_68 = arith.constant 0 : index
    %get3A_69 = vector.load %arg9[%get3A_67, %get3A_68] : memref<24x64xf32, #tpu.memory_space<vmem>>, vector<24x64xf32>
    %add3A_70 = arith.addf %get3A_69, %concatenate3A_64 : vector<24x64xf32>
    %swap3A = arith.constant 0 : index
    %swap3A_71 = arith.constant 0 : index
    %swap3A_72 = vector.load %arg9[%swap3A, %swap3A_71] : memref<24x64xf32, #tpu.memory_space<vmem>>, vector<24x64xf32>
    tpu.vector_store %arg9[%swap3A, %swap3A_71], %add3A_70 {strides = array<i32>} : memref<24x64xf32, #tpu.memory_space<vmem>>, vector<24x64xf32>,
    return
  }
  func.func @transform_0(%arg0: i32) -> (i32, i32) {
    %c0_i32 = arith.constant 0 : i32
    %c0_i32_0 = arith.constant 0 : i32
    return %arg0, %c0_i32 : i32, i32
  }
  func.func @transform_1(%arg0: i32) -> (i32, i32) {
    %c0_i32 = arith.constant 0 : i32
    %c0_i32_0 = arith.constant 0 : i32
    return %arg0, %c0_i32 : i32, i32
  }
  func.func @transform_2(%arg0: i32) -> (i32, i32) {
    %c0_i32 = arith.constant 0 : i32
    %c0_i32_0 = arith.constant 0 : i32
    return %arg0, %c0_i32 : i32, i32
  }
  func.func @transform_3(%arg0: i32) -> (i32, i32) {
    %c0_i32 = arith.constant 0 : i32
    %c0_i32_0 = arith.constant 0 : i32
    return %arg0, %c0_i32 : i32, i32
  }
  func.func @transform_4(%arg0: i32) -> (i32, i32) {
    %c0_i32 = arith.constant 0 : i32
    %c0_i32_0 = arith.constant 0 : i32
    %c0_i32_1 = arith.constant 0 : i32
    return %c0_i32, %c0_i32_0 : i32, i32
  }
  func.func @transform_5(%arg0: i32) -> (i32, i32) {
    %c0_i32 = arith.constant 0 : i32
    %c0_i32_0 = arith.constant 0 : i32
    return %arg0, %c0_i32 : i32, i32
  }
  func.func @transform_6(%arg0: i32) -> (i32, i32) {
    %c0_i32 = arith.constant 0 : i32
    %c0_i32_0 = arith.constant 0 : i32
    return %arg0, %c0_i32 : i32, i32
  }
  func.func @transform_7(%arg0: i32) -> (i32, i32) {
    %c0_i32 = arith.constant 0 : i32
    %c0_i32_0 = arith.constant 0 : i32
    return %arg0, %c0_i32 : i32, i32
  }
  func.func @transform_8(%arg0: i32) -> (i32, i32) {
    %c0_i32 = arith.constant 0 : i32
    %c0_i32_0 = arith.constant 0 : i32
    %c0_i32_1 = arith.constant 0 : i32
    return %c0_i32, %c0_i32_0 : i32, i32
  }
}

</mosaic_0001>

<sc_bundles>
// kernel: kernel.11.cloned.1.call-start
scs
__scs_entry_jumppad:
0x0: {  	(pc) =	sbr.rel $0x88, $3  }
0x1: {  	(tag) =	ssettag $0x0;
	lr =	simm.s32 $0x1  }
0x2: {  	[smem:$0x3F9A] =	sst lr;
	_ =	strace $0xD0000000  }
0x3: {  	_ = 	snop  }
0x4: {  	_ = 	snop  }
0x5: {  	_ = 	snop  }
0x6: {  	_ = 	snop  }
0x7: {  	_ = 	snop  }
__scs_overlays_trampoline_lowered:
0x8: {  	[smem:$0x3FA9] =	sst s0  }
0x9: {  	[smem:$0x3FAA] =	sst s1  }
0xa: {  	[smem:$0x3FAB] =	sst s2  }
0xb: {  	[smem:$0x3FAC] =	sst s3  }
0xc: {  	[smem:$0x3FAD] =	sst s4  }
0xd: {  	[smem:$0x3FAE] =	sst s5  }
0xe: {  	[smem:$0x3FAF] =	sst s6  }
0xf: {  	[smem:$0x3FB0] =	sst s7  }
0x10: {  	[smem:$0x3FB1] =	sst s8  }
0x11: {  	[smem:$0x3FB2] =	sst s9;
	s0 =	simm.s32 @!p0 $0x0  }
0x12: {  	s1 =	sld [smem:$0x3F98];
	s0 =	simm.s32 @p0 $0x1  }
0x13: {  	[smem:$0x3FB3] =	sst s0;
	s0 =	simm.s32 @!p1 $0x0  }
0x14: {  	s2 =	sld [smem:$0x3F97];
	s0 =	simm.s32 @p1 $0x1  }
0x15: {  	[smem:$0x3FB4] =	sst s0;
	s0 =	simm.s32 @!p2 $0x0  }
0x16: {  	s3 =	sld [smem:$0x3FDB];
	s0 =	simm.s32 @p2 $0x1  }
0x17: {  	s4 =	simm.s32 $0x1BF5;
	[smem:$0x3FB6] =	sst s0  }
0x18: {  	s0 =	sld [smem:$0x3F99];
	_ =	swait.ge [sflag:s4], $0x0  }
0x19: {  	s7 =	sld [smem:$0x3F9A]  }
0x1a: {  	s8 =	sadd.s32 $0xFFFFE003, lr  }
0x1b: {  	s9 =	sadd.s32 $0xFFFFFEF7, lr;
	s5 =	simm.s32 $0xFFFFFFFF;
	p2 =	slt.u32 s8, $0xFFFFF086  }
0x1c: {  	p1 =	slt.u32 s9, $0xF7A;
	s5 =	simm.s32 @!p2 $0x0  }
0x1d: {  	s5 =	simm.s32 @p1 $0x1;
	p0 =	seq.s32 s7, s2  }
0x1e: {  	s7 =	smul.u32 @!p0 $0xF7A, s2;
	p2 =	seq.s32 @!p0 s5, $0x0  }
0x1f: {  	s9 =	smul.u32 $0xF7A, s1;
	s8 =	simm.s32 @!p0 $0x1BF5;
	p2 =	por !p2, p0  }
0x20: {  	[sflag:s8] =	ssyncset.s32 @!p0 $0xFFFFF086;
	s6 =	sadd.s32 @!p0 s3, s7;
	s7 =	simm.s32 @!p0 $0x108  }
0x21: {  	s3 =	sadd.s32 s3, s9;
	s6 =	sadd.s32 @!p0 $0x88, s6;
	s7 =	simm.s32 @p2 $0x1082  }
0x22: {  	[simem:s7], [sflag:s8] =	dma.local @!p0 [hbm:s6], $0xF7A  }
0x23: {  	s9 =	sor.u32 $0xD0000000, s2;
	s6 =	simm.s32 $0x108;
	_ =	swait.ge @!p0 [sflag:s8], $0x0  }
0x24: {  	s3 =	sadd.s32 $0x88, s3;
	s6 =	simm.s32 @!p1 $0x1082;
	[sflag:s4] =	ssyncset.s32 $0xFFFFF086  }
0x25: {  	[simem:s6], [sflag:s4] =	dma.local [hbm:s3], $0xF7A  }
0x26: {  	[smem:$0x3F9A] =	sst s1;
	(tag) =	ssettag s2;
	_ =	strace s9  }
0x27: {  	s1 =	sld [smem:$0x3FAA]  }
0x28: {  	s2 =	sld [smem:$0x3FAB]  }
0x29: {  	s4 =	sld [smem:$0x3FAD]  }
0x2a: {  	p0 =	seq.s32 s5, $0x0;
	s5 =	sld [smem:$0x3FAE]  }
0x2b: {  	s6 =	sld [smem:$0x3FAF]  }
0x2c: {  	s7 =	sld [smem:$0x3FB0]  }
0x2d: {  	s3 =	simm.s32 $0x108;
	s8 =	sld [smem:$0x3FB1]  }
0x2e: {  	s3 =	simm.s32 @!p0 $0x1082;
	s9 =	sld [smem:$0x3FB2]  }
0x2f: {  	lr =	sadd.s32 s0, s3;
	s0 =	sld [smem:$0x3FA9]  }
0x30: {  	s3 =	sld [smem:$0x3FAC]  }
0x31: {  	[smem:$0x3FB5] =	sst s10  }
0x32: {  	s10 =	sld [smem:$0x3FB3];
	_ =	sdelay $0x3  }
0x33: {  	p0 =	seq.s32 s10, $0x1;
	s10 =	sld [smem:$0x3FB5];
	_ =	sdelay $0x3  }
0x34: {  	[smem:$0x3FB5] =	sst s10  }
0x35: {  	s10 =	sld [smem:$0x3FB4];
	_ =	sdelay $0x3  }
0x36: {  	p1 =	seq.s32 s10, $0x1;
	s10 =	sld [smem:$0x3FB5];
	_ =	sdelay $0x3  }
0x37: {  	[smem:$0x3FB5] =	sst s10  }
0x38: {  	s10 =	sld [smem:$0x3FB6]  }
0x39: {  	_ = 	snop;
	(pc) =	sbr.ind lr, $3  }
0x3a: {  	_ = 	snop  }
0x3b: {  	_ = 	snop  }
0x3c: {  	p2 =	seq.s32 s10, $0x1;
	s10 =	sld [smem:$0x3FB5]  }
0x3d: {  	_ =	shalt  }
0x3e: {  	_ =	shalt  }
0x3f: {  	_ =	shalt  }
0x40: {  	_ =	shalt  }
0x41: {  	_ =	shalt  }
0x42: {  	_ =	shalt  }
0x43: {  	_ =	shalt  }
0x44: {  	_ =	shalt  }
0x45: {  	_ =	shalt  }
0x46: {  	_ =	shalt  }
0x47: {  	_ =	shalt  }
0x48: {  	_ =	shalt  }
0x49: {  	_ =	shalt  }
0x4a: {  	_ =	shalt  }
0x4b: {  	_ =	shalt  }
0x4c: {  	_ =	shalt  }
0x4d: {  	_ =	shalt  }
0x4e: {  	_ =	shalt  }
0x4f: {  	_ =	shalt  }
0x50: {  	_ =	shalt  }
0x51: {  	_ =	shalt  }
0x52: {  	_ =	shalt  }
0x53: {  	_ =	shalt  }
0x54: {  	_ =	shalt  }
0x55: {  	_ =	shalt  }
0x56: {  	_ =	shalt  }
0x57: {  	_ =	shalt  }
0x58: {  	_ =	shalt  }
0x59: {  	_ =	shalt  }
0x5a: {  	_ =	shalt  }
0x5b: {  	_ =	shalt  }
0x5c: {  	_ =	shalt  }
0x5d: {  	_ =	shalt  }
0x5e: {  	_ =	shalt  }
0x5f: {  	_ =	shalt  }
0x60: {  	_ =	shalt  }
0x61: {  	_ =	shalt  }
0x62: {  	_ =	shalt  }
0x63: {  	_ =	shalt  }
0x64: {  	_ =	shalt  }
0x65: {  	_ =	shalt  }
0x66: {  	_ =	shalt  }
0x67: {  	_ =	shalt  }
0x68: {  	_ =	shalt  }
0x69: {  	_ =	shalt  }
0x6a: {  	_ =	shalt  }
0x6b: {  	_ =	shalt  }
0x6c: {  	_ =	shalt  }
0x6d: {  	_ =	shalt  }
0x6e: {  	_ =	shalt  }
0x6f: {  	_ =	shalt  }
0x70: {  	_ =	shalt  }
0x71: {  	_ =	shalt  }
0x72: {  	_ =	shalt  }
0x73: {  	_ =	shalt  }
0x74: {  	_ =	shalt  }
0x75: {  	_ =	shalt  }
0x76: {  	_ =	shalt  }
0x77: {  	_ =	shalt  }
0x78: {  	_ =	shalt  }
0x79: {  	_ =	shalt  }
0x7a: {  	_ =	shalt  }
0x7b: {  	_ =	shalt  }
0x7c: {  	_ =	shalt  }
0x7d: {  	_ =	shalt  }
0x7e: {  	_ =	shalt  }
0x7f: {  	_ =	shalt  }
0x80: {  	_ =	shalt  }
0x81: {  	_ =	shalt  }
0x82: {  	_ =	shalt  }
0x83: {  	_ =	shalt  }
0x84: {  	_ =	shalt  }
0x85: {  	_ =	shalt  }
0x86: {  	_ =	shalt  }
0x87: {  	_ =	shalt  }
.Lfunc_end0:
.L_simem_size_0:
called_computation_lowered:
.L_overlay_start_0:
0x88: {  	s2 =	sld [smem:$0x3FD9]  }
0x89: {  	s3 =	sld [smem:$0x3FFE];
	_ =	sdelay $0x1  }
0x8a: {  	s1 =	srdreg.scid  }
0x8b: {  	s0 =	sand.u32 $0x1, s1  }
0x8c: {  	s17 =	sshll.u32 s0, $0xA;
	s2 =	sadd.s32 s3, s2  }
0x8d: {  	s2 =	sadd.s32 s2, s17  }
0x8e: {  	[smem:$0x3FC1] =	sst s2  }
0x8f: {  	_ = 	snop  }
0x90: {  	s2 =	sld [smem:$0x3FD0];
	(tm) =	ssettm $0x1  }
0x91: {  	s18 =	sld [smem:$0x3FFB];
	_ =	sdelay $0x3  }
0x92: {  	_ =	strace s18  }
0x93: {  	s3 =	sld [smem:$0x3FFC];
	_ =	sdelay $0x3  }
0x94: {  	_ =	strace s3  }
0x95: {  	s3 =	sld [smem:$0x3FFD];
	_ =	sdelay $0x3  }
0x96: {  	_ =	strace s3  }
0x97: {  	_ =	strace $0x8FFFFFFF  }
0x98: {  	s19 =	sld [smem:$0x3FDB];
	_ =	sdelay $0x1  }
0x99: {  	s4 =	simm.s32 $_scs_section_size  }
0x9a: {  	s5 =	simm.s32 $_size__tile_overlayer_lowered;
	s6 =	simm.s32 $_tile_overlayer_lowered  }
0x9b: {  	s22 =	simm.s32 $0x1BFF;
	s21 =	sshll.u32 s6, $0x1;
	s3 =	sadd.s32 s4, s19  }
0x9c: {  	s7 =	simm.s32 $0x0;
	s20 =	sshll.u32 s5, $0x1;
	s5 =	sadd.s32 s21, s3  }
0x9d: {  	[timem:s7], [sflag:s22] =	dma.local [hbm:s5], s20  }
0x9e: {  	_ =	swait.ge [sflag:s22], s20  }
0x9f: {  	s4 =	ssub.s32 $0x0, s20;
	[sflag:s22] =	ssyncset.done $0x0  }
0xa0: {  	[sflag:s22] =	ssyncadd.s32 s4;
	_ =	sdelay $0x1  }
0xa1: {  	s23 =	simm.s32 $0x1B8B  }
0xa2: {  	_ =	swait.ge [sflag:s23], $0x1  }
0xa3: {  	[sflag:s23] =	ssyncset.done $0x0  }
0xa4: {  	s25 =	simm.s32 $0x1B8E;
	s24 =	sld [smem:$0x3FFE];
	[sflag:s23] =	ssyncadd.s32 $0xFFFFFFFF  }
0xa5: {  	s26 =	simm.s32 $execute0_lowered;
	[smem:$0x3FD2] =	sst s25  }
0xa6: {  	s5 =	sshll.u32 s26, $0x1;
	_ =	strace $0x80000046;
	[dreg:$0x1] =	wrdreg $0xFFFFFFFF  }
0xa7: {  	s28 =	simm.s32 $_size_execute0_lowered;
	s3 =	sadd.s32 s3, s5;
	[dreg:$0x0] =	wrdreg $0x0  }
0xa8: {  	s5 =	sshll.u32 s28, $0x1;
	[dreg:$0x2] =	wrdreg s3  }
0xa9: {  	[dreg:$0x3] =	wrdreg s5  }
0xaa: {  	[dreg:$0x4] =	wrdreg $0xC0  }
0xab: {  	_ =	task [dreg:s7], $0x5FFFF  }
0xac: {  	[dreg:$0x1] =	wrdreg $0xFFFFFFFF  }
0xad: {  	[dreg:$0x0] =	wrdreg $0x60  }
0xae: {  	[dreg:$0x2] =	wrdreg s24  }
0xaf: {  	[dreg:$0x3] =	wrdreg s2  }
0xb0: {  	[dreg:$0x4] =	wrdreg $0x70000  }
0xb1: {  	[dreg:$0x5] =	wrdreg $0x9  }
0xb2: {  	_ =	task.clear_ibuf [dreg:s7], $0x6FFFF;
	_ =	strace $0x90000046  }
0xb3: {  	s29 =	simm.s32 $0x9;
	_ =	strace $0x80000048  }
0xb4: {  	_ =	swait.ge [sflag:s29], $0x1  }
0xb5: {  	[sflag:s29] =	ssyncadd.s32 $0xFFFFFFFF  }
0xb6: {  	_ =	strace $0x90000048  }
0xb7: {  	_ =	sfence  }
0xb8: {  	s30 =	sld [smem:$0x0];
	_ =	sdelay $0x2  }
0xb9: {  	s31 =	sshll.u32 s1, $0xD;
	s1 =	sshrl.u32 s1, $0x2  }
0xba: {  	s3 =	sand.u32 $0x4000, s31;
	s1 =	sadd.s32 s1, s30  }
0xbb: {  	s0 =	sor.u32 s3, s0;
	s1 =	sshll.u32 s1, $0x11  }
0xbc: {  	s0 =	sor.u32 s1, s0  }
0xbd: {  	s0 =	sadd.s32 $0x8F2B, s0  }
0xbe: {  	[sflag:s0] =	ssyncadd.remote.s32 $0x1  }
0xbf: {  	_ =	sfence.sel $0xFFFF  }
0xc0: {  	[dreg:$0x0] =	wrdreg $0xFFFFFFFF;
	(pc) =	sbr.abs _section_cstart, $3  }
0xc1: {  	[dreg:$0x1] =	wrdreg $0xFFFFFFFF  }
0xc2: {  	_ =	task.clear_ibuf [dreg:s7], $0x2FFFF;
	_ =	strace $0x9FFFFFFF  }
0xc3: {  	(tm) =	ssettm $0x7FFFFFFF  }
tec
execute0_lowered:
.L_overlay_start_1:
0x0: {  	(tag) =	ssettag $0x1  }
0x1: {  	s1 =	srdreg.scid;
	s5 =	rddreg [dreg:$0x0]  }
0x2: {  	s0 =	stileid.u32;
	s2 =	rddreg [dreg:$0x1]  }
0x3: {  	s3 =	rddreg [dreg:$0x2];
	s4 =	simm.s32 $0x0;
	s13 =	simm.s32 $0x80  }
0x4: {  	s14 =	simm.s32 $0x1;
	s15 =	simm.s32 $0x2;
	s16 =	simm.s32 $0x3  }
0x5: {  	s17 =	simm.s32 $0x4;
	s18 =	simm.s32 $0x0;
	s6 =	sand.u32 $0x1, s1  }
0x6: {  	s30 =	sshll.u32 s0, $0x1;
	s8 =	smul.u32 $0xC800, s0;
	[smem:$0x7FF] =	sst s4  }
0x7: {  	s31 =	sshll.u32 s0, $0x6;
	s1 =	sor.u32 s6, s30;
	s9 =	smul.u32 $0xC8000, s6  }
0x8: {  	s6 =	ssub.s32 $0x2, s6;
	s7 =	smul.u32 $0xD00, s1;
	s1 =	rddreg [dreg:$0x3]  }
0x9: {  	_ =	strace $0x80000047;
	s10 =	sshrl.u32 s8, $0x3;
	s11 =	sshrl.u32 s6, $0x1  }
0xa: {  	s12 =	sadd.s32 s8, s3;
	s9 =	sadd.s32 s8, s9;
	s10 =	sadd.s32 s10, s5  }
0xb: {  	s11 =	ssub.s32 s6, s11;
	s12 =	sshrl.u32 s12, $0x3;
	s7 =	sadd.s32 s7, s5  }
0xc: {  	s9 =	sshrl.u32 s9, $0x3;
	s8 =	smax.u32 s11, $0x1;
	s11 =	sor.u32 $0x1C05, s31  }
0xd: {  	s9 =	sadd.s32 s9, s5;
	s5 =	sadd.s32 $0x34400, s10;
	s6 =	sadd.s32 $0x1A400, s7  }
0xe: {  	s10 =	simm.s32 $0x5;
	s7 =	sadd.s32 $0x4D400, s9;
	s9 =	simm.s32 $0x6800  }
.LBB2_1:
0xf: {  	[tilespmem:s9], [sflag:$0x5] =	stream.linear.gather [hbm4b:s2+s4], $0x800, $0x38;
	[tilespmem:$0x13800] =	vst v63  }
0x10: {  	_ =	swait.ge [sflag:s10], $0x800  }
0x11: {  	[sflag:s10] =	ssyncset.done $0x0  }
0x12: {  	[sflag:s10] =	ssyncadd.s32 $0xFFFFF800  }
0x13: {  	[spmem:s12], [sflag:s11] =	dma.local [hbm:s5], $0x1900  }
0x14: {  	_ =	swait.ge [sflag:s10], $0x1900  }
0x15: {  	[sflag:s10] =	ssyncset.done $0x0  }
0x16: {  	[sflag:s10] =	ssyncadd.s32 $0xFFFFE700  }
0x17: {  	[tilespmem:s4], [sflag:$0x5] =	stream.linear.gather [hbm4b:s6+s4], $0x6800, $0x38;
	[tilespmem:$0x13800] =	vst v63  }
0x18: {  	_ =	swait.ge [sflag:s10], $0x6800  }
0x19: {  	[sflag:s10] =	ssyncset.done $0x0  }
0x1a: {  	[sflag:s10] =	ssyncadd.s32 $0xFFFF9800  }
0x1b: {  	s19 =	simm.s32 $0x0;
	[bflag:$0x0] =	sbarrier.arrive $0xFFFF  }
0x1c: {  	[spmem:s3] =	stream.indirect.scatter.add.f32 [tilespmem:s9], [sflag:$0x1], $0x10, s19, s13, $0xb8;
	[tilespmem:$0x13800] =	vst v63  }
0x1d: {  	s29 =	simm.s32 $0x80  }
0x1e: {  	[spmem:s3] =	stream.indirect.scatter.add.f32 [tilespmem:s9], [sflag:$0x2], $0x10, s29, s13, $0xb8;
	[tilespmem:$0x13800] =	vst v63  }
0x1f: {  	s30 =	simm.s32 $0x100  }
0x20: {  	[spmem:s3] =	stream.indirect.scatter.add.f32 [tilespmem:s9], [sflag:$0x3], $0x10, s30, s13, $0xb8;
	[tilespmem:$0x13800] =	vst v63  }
0x21: {  	s31 =	simm.s32 $0x180  }
0x22: {  	[spmem:s3] =	stream.indirect.scatter.add.f32 [tilespmem:s9], [sflag:$0x4], $0x10, s31, s13, $0xb8;
	[tilespmem:$0x13800] =	vst v63  }
0x23: {  	_ =	swait.ge [sflag:s14], $0x800  }
0x24: {  	[sflag:s14] =	ssyncset.done $0x0  }
0x25: {  	[sflag:s14] =	ssyncadd.s32 $0xFFFFF800  }
0x26: {  	_ =	swait.ge [sflag:s15], $0x800  }
0x27: {  	[sflag:s15] =	ssyncset.done $0x0  }
0x28: {  	[sflag:s15] =	ssyncadd.s32 $0xFFFFF800  }
0x29: {  	_ =	swait.ge [sflag:s16], $0x800  }
0x2a: {  	[sflag:s16] =	ssyncset.done $0x0  }
0x2b: {  	[sflag:s16] =	ssyncadd.s32 $0xFFFFF800  }
0x2c: {  	_ =	swait.ge [sflag:s17], $0x800  }
0x2d: {  	s20 =	simm.s32 $0x1000;
	s19 =	simm.s32 $0x800;
	[sflag:s17] =	ssyncset.done $0x0  }
.LBB2_2:
0x2e: {  	s21 =	sshra.s32 s19, $0x2  }
0x2f: {  	[sflag:s17] =	ssyncadd.s32 $0xFFFFF800;
	s19 =	smov.u32 s20;
	s22 =	sadd.s32 $0x800, s20  }
0x30: {  	[spmem:s3] =	stream.indirect.scatter.add.f32 [tilespmem:s9], [sflag:$0x1], $0x10, s21, s13, $0xb8;
	[tilespmem:$0x13800] =	vst v63  }
0x31: {  	p0 =	sne.s32 s20, $0x19800;
	s20 =	sadd.s32 $0x80, s21  }
0x32: {  	[spmem:s3] =	stream.indirect.scatter.add.f32 [tilespmem:s9], [sflag:$0x2], $0x10, s20, s13, $0xb8;
	[tilespmem:$0x13800] =	vst v63  }
0x33: {  	s20 =	sadd.s32 $0x100, s21  }
0x34: {  	[spmem:s3] =	stream.indirect.scatter.add.f32 [tilespmem:s9], [sflag:$0x3], $0x10, s20, s13, $0xb8;
	[tilespmem:$0x13800] =	vst v63  }
0x35: {  	s20 =	sadd.s32 $0x180, s21  }
0x36: {  	[spmem:s3] =	stream.indirect.scatter.add.f32 [tilespmem:s9], [sflag:$0x4], $0x10, s20, s13, $0xb8;
	[tilespmem:$0x13800] =	vst v63  }
0x37: {  	_ =	swait.ge [sflag:s14], $0x800  }
0x38: {  	[sflag:s14] =	ssyncset.done $0x0  }
0x39: {  	[sflag:s14] =	ssyncadd.s32 $0xFFFFF800  }
0x3a: {  	_ =	swait.ge [sflag:s15], $0x800  }
0x3b: {  	[sflag:s15] =	ssyncset.done $0x0  }
0x3c: {  	[sflag:s15] =	ssyncadd.s32 $0xFFFFF800  }
.Ltmp0:
0x3d: {  	_ =	swait.ge [sflag:s16], $0x800;
	(pc) =	sbr.rel @p0 .LBB2_2-.Ltmp0, $4  }
0x3e: {  	[sflag:s16] =	ssyncset.done $0x0  }
0x3f: {  	[sflag:s16] =	ssyncadd.s32 $0xFFFFF800  }
0x40: {  	_ =	swait.ge [sflag:s17], $0x800  }
0x41: {  	s20 =	smov.u32 s22;
	[sflag:s17] =	ssyncset.done $0x0  }
0x42: {  	s19 =	sshra.s32 s19, $0x2;
	[sflag:s17] =	ssyncadd.s32 $0xFFFFF800  }
0x43: {  	[spmem:s3] =	stream.indirect.scatter.add.f32 [tilespmem:s9], [sflag:$0x1], $0x10, s19, s13, $0xb8;
	[tilespmem:$0x13800] =	vst v63  }
0x44: {  	s20 =	sadd.s32 $0x80, s19  }
0x45: {  	[spmem:s3] =	stream.indirect.scatter.add.f32 [tilespmem:s9], [sflag:$0x2], $0x10, s20, s13, $0xb8;
	[tilespmem:$0x13800] =	vst v63  }
0x46: {  	s31 =	sadd.s32 $0x100, s19  }
0x47: {  	[spmem:s3] =	stream.indirect.scatter.add.f32 [tilespmem:s9], [sflag:$0x3], $0x10, s31, s13, $0xb8;
	[tilespmem:$0x13800] =	vst v63  }
0x48: {  	s19 =	sadd.s32 $0x180, s19  }
0x49: {  	[spmem:s3] =	stream.indirect.scatter.add.f32 [tilespmem:s9], [sflag:$0x4], $0x10, s19, s13, $0xb8;
	[tilespmem:$0x13800] =	vst v63  }
0x4a: {  	_ =	swait.ge [sflag:s14], $0x800  }
0x4b: {  	[sflag:s14] =	ssyncset.done $0x0  }
0x4c: {  	[sflag:s14] =	ssyncadd.s32 $0xFFFFF800  }
0x4d: {  	_ =	swait.ge [sflag:s15], $0x800  }
0x4e: {  	[sflag:s15] =	ssyncset.done $0x0  }
0x4f: {  	[sflag:s15] =	ssyncadd.s32 $0xFFFFF800  }
0x50: {  	_ =	swait.ge [sflag:s16], $0x800  }
0x51: {  	[sflag:s16] =	ssyncset.done $0x0  }
0x52: {  	[sflag:s16] =	ssyncadd.s32 $0xFFFFF800  }
0x53: {  	_ =	swait.ge [sflag:s17], $0x800  }
0x54: {  	s18 =	sadd.s32 $0x1, s18;
	[sflag:s17] =	ssyncset.done $0x0  }
0x55: {  	p0 =	sne.s32 s18, s8;
	[sflag:s17] =	ssyncadd.s32 $0xFFFFF800  }
.Ltmp1:
0x56: {  	[bflag:$0x0] =	sbarrier.arrive $0xFFFF;
	(pc) =	sbr.rel @p0 .LBB2_1-.Ltmp1, $4  }
0x57: {  	[hbm:s7], [sflag:s11] =	dma.local [spmem:s12], $0x1900  }
0x58: {  	_ =	swait.ge [sflag:s10], $0x1900  }
0x59: {  	[sflag:s10] =	ssyncset.done $0x0  }
0x5a: {  	[sflag:s10] =	ssyncadd.s32 $0xFFFFE700  }
0x5b: {  	_ =	sfence.sel $0x180000  }
0x5c: {  	[bflag:$0x0] =	sbarrier.arrive $0xFFFF  }
0x5d: {  	p0 =	sne.s32 s0, $0x0;
	_ =	strace $0x90000047  }
0x5e: {  	s0 =	sadd.s32 @!p0 $0x100000, s1;
	[bflag:$0x2] =	sbarrier.arrive $0xFFFF  }
0x5f: {  	[sflag:s0] =	ssyncadd.tile.s32 @!p0 $0x1;
	_ =	shalt  }
.Lfunc_end2:
_tile_overlayer_lowered:
.L_overlay_start_2:
0x60: {  	(tag) =	ssettag $0x2  }
0x61: {  	s0 =	rddreg [dreg:$0x0];
	s2 =	stileid.u32  }
0x62: {  	s1 =	rddreg [dreg:$0x1];
	p0 =	sne.s32 s2, $0x0  }
0x63: {  	s3 =	rddreg [dreg:$0x2];
	[bflag:$0x3] =	sbarrier.arrive $0xFFFF;
	s2 =	simm.s32 @!p0 $0x1C05  }
0x64: {  	[timem:s3], [sflag:s2] =	dma.local @!p0 [hbm:s0], s1  }
0x65: {  	s0 =	simm.s32 @!p0 $0x5  }
0x66: {  	_ =	swait.ge @!p0 [sflag:s0], s1  }
0x67: {  	s1 =	ssub.s32 @!p0 $0x0, s1;
	[sflag:s0] =	ssyncset.done @!p0 $0x0  }
0x68: {  	[sflag:s0] =	ssyncadd.s32 @!p0 s1  }
0x69: {  	[bflag:$0x3] =	sbarrier.arrive $0xFFFF  }
0x6a: {  	_ =	shalt  }

// kernel: kernel.14.cloned.1.call-start
scs
__scs_entry_jumppad:
0x0: {  	(pc) =	sbr.rel $0x88, $3  }
0x1: {  	(tag) =	ssettag $0x0;
	lr =	simm.s32 $0x1  }
0x2: {  	[smem:$0x3F9A] =	sst lr;
	_ =	strace $0xD0000000  }
0x3: {  	_ = 	snop  }
0x4: {  	_ = 	snop  }
0x5: {  	_ = 	snop  }
0x6: {  	_ = 	snop  }
0x7: {  	_ = 	snop  }
__scs_overlays_trampoline_lowered:
0x8: {  	[smem:$0x3FA9] =	sst s0  }
0x9: {  	[smem:$0x3FAA] =	sst s1  }
0xa: {  	[smem:$0x3FAB] =	sst s2  }
0xb: {  	[smem:$0x3FAC] =	sst s3  }
0xc: {  	[smem:$0x3FAD] =	sst s4  }
0xd: {  	[smem:$0x3FAE] =	sst s5  }
0xe: {  	[smem:$0x3FAF] =	sst s6  }
0xf: {  	[smem:$0x3FB0] =	sst s7  }
0x10: {  	[smem:$0x3FB1] =	sst s8  }
0x11: {  	[smem:$0x3FB2] =	sst s9;
	s0 =	simm.s32 @!p0 $0x0  }
0x12: {  	s1 =	sld [smem:$0x3F98];
	s0 =	simm.s32 @p0 $0x1  }
0x13: {  	[smem:$0x3FB3] =	sst s0;
	s0 =	simm.s32 @!p1 $0x0  }
0x14: {  	s2 =	sld [smem:$0x3F97];
	s0 =	simm.s32 @p1 $0x1  }
0x15: {  	[smem:$0x3FB4] =	sst s0;
	s0 =	simm.s32 @!p2 $0x0  }
0x16: {  	s3 =	sld [smem:$0x3FDB];
	s0 =	simm.s32 @p2 $0x1  }
0x17: {  	s4 =	simm.s32 $0x1BF5;
	[smem:$0x3FB6] =	sst s0  }
0x18: {  	s0 =	sld [smem:$0x3F99];
	_ =	swait.ge [sflag:s4], $0x0  }
0x19: {  	s7 =	sld [smem:$0x3F9A]  }
0x1a: {  	s8 =	sadd.s32 $0xFFFFE003, lr  }
0x1b: {  	s9 =	sadd.s32 $0xFFFFFEF7, lr;
	s5 =	simm.s32 $0xFFFFFFFF;
	p2 =	slt.u32 s8, $0xFFFFF086  }
0x1c: {  	p1 =	slt.u32 s9, $0xF7A;
	s5 =	simm.s32 @!p2 $0x0  }
0x1d: {  	s5 =	simm.s32 @p1 $0x1;
	p0 =	seq.s32 s7, s2  }
0x1e: {  	s7 =	smul.u32 @!p0 $0xF7A, s2;
	p2 =	seq.s32 @!p0 s5, $0x0  }
0x1f: {  	s9 =	smul.u32 $0xF7A, s1;
	s8 =	simm.s32 @!p0 $0x1BF5;
	p2 =	por !p2, p0  }
0x20: {  	[sflag:s8] =	ssyncset.s32 @!p0 $0xFFFFF086;
	s6 =	sadd.s32 @!p0 s3, s7;
	s7 =	simm.s32 @!p0 $0x108  }
0x21: {  	s3 =	sadd.s32 s3, s9;
	s6 =	sadd.s32 @!p0 $0x88, s6;
	s7 =	simm.s32 @p2 $0x1082  }
0x22: {  	[simem:s7], [sflag:s8] =	dma.local @!p0 [hbm:s6], $0xF7A  }
0x23: {  	s9 =	sor.u32 $0xD0000000, s2;
	s6 =	simm.s32 $0x108;
	_ =	swait.ge @!p0 [sflag:s8], $0x0  }
0x24: {  	s3 =	sadd.s32 $0x88, s3;
	s6 =	simm.s32 @!p1 $0x1082;
	[sflag:s4] =	ssyncset.s32 $0xFFFFF086  }
0x25: {  	[simem:s6], [sflag:s4] =	dma.local [hbm:s3], $0xF7A  }
0x26: {  	[smem:$0x3F9A] =	sst s1;
	(tag) =	ssettag s2;
	_ =	strace s9  }
0x27: {  	s1 =	sld [smem:$0x3FAA]  }
0x28: {  	s2 =	sld [smem:$0x3FAB]  }
0x29: {  	s4 =	sld [smem:$0x3FAD]  }
0x2a: {  	p0 =	seq.s32 s5, $0x0;
	s5 =	sld [smem:$0x3FAE]  }
0x2b: {  	s6 =	sld [smem:$0x3FAF]  }
0x2c: {  	s7 =	sld [smem:$0x3FB0]  }
0x2d: {  	s3 =	simm.s32 $0x108;
	s8 =	sld [smem:$0x3FB1]  }
0x2e: {  	s3 =	simm.s32 @!p0 $0x1082;
	s9 =	sld [smem:$0x3FB2]  }
0x2f: {  	lr =	sadd.s32 s0, s3;
	s0 =	sld [smem:$0x3FA9]  }
0x30: {  	s3 =	sld [smem:$0x3FAC]  }
0x31: {  	[smem:$0x3FB5] =	sst s10  }
0x32: {  	s10 =	sld [smem:$0x3FB3];
	_ =	sdelay $0x3  }
0x33: {  	p0 =	seq.s32 s10, $0x1;
	s10 =	sld [smem:$0x3FB5];
	_ =	sdelay $0x3  }
0x34: {  	[smem:$0x3FB5] =	sst s10  }
0x35: {  	s10 =	sld [smem:$0x3FB4];
	_ =	sdelay $0x3  }
0x36: {  	p1 =	seq.s32 s10, $0x1;
	s10 =	sld [smem:$0x3FB5];
	_ =	sdelay $0x3  }
0x37: {  	[smem:$0x3FB5] =	sst s10  }
0x38: {  	s10 =	sld [smem:$0x3FB6]  }
0x39: {  	_ = 	snop;
	(pc) =	sbr.ind lr, $3  }
0x3a: {  	_ = 	snop  }
0x3b: {  	_ = 	snop  }
0x3c: {  	p2 =	seq.s32 s10, $0x1;
	s10 =	sld [smem:$0x3FB5]  }
0x3d: {  	_ =	shalt  }
0x3e: {  	_ =	shalt  }
0x3f: {  	_ =	shalt  }
0x40: {  	_ =	shalt  }
0x41: {  	_ =	shalt  }
0x42: {  	_ =	shalt  }
0x43: {  	_ =	shalt  }
0x44: {  	_ =	shalt  }
0x45: {  	_ =	shalt  }
0x46: {  	_ =	shalt  }
0x47: {  	_ =	shalt  }
0x48: {  	_ =	shalt  }
0x49: {  	_ =	shalt  }
0x4a: {  	_ =	shalt  }
0x4b: {  	_ =	shalt  }
0x4c: {  	_ =	shalt  }
0x4d: {  	_ =	shalt  }
0x4e: {  	_ =	shalt  }
0x4f: {  	_ =	shalt  }
0x50: {  	_ =	shalt  }
0x51: {  	_ =	shalt  }
0x52: {  	_ =	shalt  }
0x53: {  	_ =	shalt  }
0x54: {  	_ =	shalt  }
0x55: {  	_ =	shalt  }
0x56: {  	_ =	shalt  }
0x57: {  	_ =	shalt  }
0x58: {  	_ =	shalt  }
0x59: {  	_ =	shalt  }
0x5a: {  	_ =	shalt  }
0x5b: {  	_ =	shalt  }
0x5c: {  	_ =	shalt  }
0x5d: {  	_ =	shalt  }
0x5e: {  	_ =	shalt  }
0x5f: {  	_ =	shalt  }
0x60: {  	_ =	shalt  }
0x61: {  	_ =	shalt  }
0x62: {  	_ =	shalt  }
0x63: {  	_ =	shalt  }
0x64: {  	_ =	shalt  }
0x65: {  	_ =	shalt  }
0x66: {  	_ =	shalt  }
0x67: {  	_ =	shalt  }
0x68: {  	_ =	shalt  }
0x69: {  	_ =	shalt  }
0x6a: {  	_ =	shalt  }
0x6b: {  	_ =	shalt  }
0x6c: {  	_ =	shalt  }
0x6d: {  	_ =	shalt  }
0x6e: {  	_ =	shalt  }
0x6f: {  	_ =	shalt  }
0x70: {  	_ =	shalt  }
0x71: {  	_ =	shalt  }
0x72: {  	_ =	shalt  }
0x73: {  	_ =	shalt  }
0x74: {  	_ =	shalt  }
0x75: {  	_ =	shalt  }
0x76: {  	_ =	shalt  }
0x77: {  	_ =	shalt  }
0x78: {  	_ =	shalt  }
0x79: {  	_ =	shalt  }
0x7a: {  	_ =	shalt  }
0x7b: {  	_ =	shalt  }
0x7c: {  	_ =	shalt  }
0x7d: {  	_ =	shalt  }
0x7e: {  	_ =	shalt  }
0x7f: {  	_ =	shalt  }
0x80: {  	_ =	shalt  }
0x81: {  	_ =	shalt  }
0x82: {  	_ =	shalt  }
0x83: {  	_ =	shalt  }
0x84: {  	_ =	shalt  }
0x85: {  	_ =	shalt  }
0x86: {  	_ =	shalt  }
0x87: {  	_ =	shalt  }
.Lfunc_end0:
.L_simem_size_0:
called_computation.1_lowered:
.L_overlay_start_0:
0x88: {  	s2 =	sld [smem:$0x3FD9]  }
0x89: {  	s3 =	sld [smem:$0x3FFE];
	_ =	sdelay $0x1  }
0x8a: {  	s1 =	srdreg.scid  }
0x8b: {  	s0 =	sand.u32 $0x1, s1  }
0x8c: {  	s17 =	sshll.u32 s0, $0xA;
	s2 =	sadd.s32 s3, s2  }
0x8d: {  	s2 =	sadd.s32 s2, s17  }
0x8e: {  	[smem:$0x3FC1] =	sst s2  }
0x8f: {  	_ = 	snop  }
0x90: {  	(tm) =	ssettm $0x1  }
0x91: {  	s18 =	sld [smem:$0x3FFB];
	_ =	sdelay $0x3  }
0x92: {  	_ =	strace s18  }
0x93: {  	s2 =	sld [smem:$0x3FFC];
	_ =	sdelay $0x3  }
0x94: {  	_ =	strace s2  }
0x95: {  	s2 =	sld [smem:$0x3FFD];
	_ =	sdelay $0x3  }
0x96: {  	_ =	strace s2  }
0x97: {  	_ =	strace $0x8FFFFFFF  }
0x98: {  	s19 =	sld [smem:$0x3FDB];
	_ =	sdelay $0x1  }
0x99: {  	s20 =	simm.s32 $_scs_section_size  }
0x9a: {  	s4 =	simm.s32 $_size__tile_overlayer_lowered;
	s5 =	simm.s32 $_tile_overlayer_lowered  }
0x9b: {  	s6 =	simm.s32 $0x1BFF;
	s21 =	sshll.u32 s5, $0x1;
	s3 =	sadd.s32 s20, s19  }
0x9c: {  	s22 =	simm.s32 $0x0;
	s4 =	sshll.u32 s4, $0x1;
	s5 =	sadd.s32 s21, s3  }
0x9d: {  	[timem:s22], [sflag:s6] =	dma.local [hbm:s5], s4  }
0x9e: {  	_ =	swait.ge [sflag:s6], s4  }
0x9f: {  	s4 =	ssub.s32 $0x0, s4;
	[sflag:s6] =	ssyncset.done $0x0  }
0xa0: {  	[sflag:s6] =	ssyncadd.s32 s4;
	_ =	sdelay $0x1  }
0xa1: {  	s23 =	simm.s32 $0x1B8B  }
0xa2: {  	_ =	swait.ge [sflag:s23], $0x1  }
0xa3: {  	[sflag:s23] =	ssyncset.done $0x0  }
0xa4: {  	[sflag:s23] =	ssyncadd.s32 $0xFFFFFFFF  }
0xa5: {  	s4 =	sld [smem:$0x0]  }
0xa6: {  	s5 =	sand.u32 $0xFFFFFFFE, s1  }
0xa7: {  	p0 =	sne.s32 s1, s5  }
0xa8: {  	s5 =	sshll.u32 @p0 s5, $0xE  }
0xa9: {  	s5 =	sadd.s32 @p0 $0x11B8D, s5;
	s6 =	sshll.u32 @p0 s4, $0x11  }
0xaa: {  	s5 =	sor.u32 @p0 s6, s5  }
0xab: {  	[sflag:s5] =	ssyncadd.remote.s32 @p0 $0x1;
	_ =	sdelay $0x1  }
0xac: {  	s5 =	simm.s32 @p0 $0x1B8D  }
0xad: {  	_ =	swait.eq @p0 [sflag:s5], $0x1  }
0xae: {  	[sflag:s5] =	ssyncadd.s32 @p0 $0xFFFFFFFF  }
0xaf: {  	s6 =	sshll.u32 @!p0 s1, $0xE  }
0xb0: {  	s6 =	sor.u32 @!p0 $0x4000, s6;
	s5 =	simm.s32 @!p0 $0x1B8D  }
0xb1: {  	s4 =	sshll.u32 @!p0 s4, $0x11;
	s6 =	sadd.s32 @!p0 $0x11B8D, s6;
	_ =	swait.eq @!p0 [sflag:s5], $0x1  }
0xb2: {  	s4 =	sor.u32 @!p0 s4, s6;
	[sflag:s5] =	ssyncadd.s32 @!p0 $0xFFFFFFFF  }
0xb3: {  	s25 =	simm.s32 $0x1B8E;
	s24 =	sld [smem:$0x3FFE];
	[sflag:s4] =	ssyncadd.remote.s32 @!p0 $0x1  }
0xb4: {  	s26 =	simm.s32 $execute0_lowered;
	[smem:$0x3FD2] =	sst s25  }
0xb5: {  	s5 =	sshll.u32 s26, $0x1;
	_ =	strace $0x8000004C;
	[dreg:$0x1] =	wrdreg $0xFFFFFFFF  }
0xb6: {  	s28 =	simm.s32 $_size_execute0_lowered;
	s3 =	sadd.s32 s3, s5;
	[dreg:$0x0] =	wrdreg $0x0  }
0xb7: {  	s5 =	sshll.u32 s28, $0x1;
	[dreg:$0x2] =	wrdreg s3  }
0xb8: {  	[dreg:$0x3] =	wrdreg s5  }
0xb9: {  	[dreg:$0x4] =	wrdreg $0xC0  }
0xba: {  	_ =	task [dreg:s22], $0x5FFFF  }
0xbb: {  	[dreg:$0x1] =	wrdreg $0xFFFFFFFF  }
0xbc: {  	[dreg:$0x0] =	wrdreg $0x60  }
0xbd: {  	[dreg:$0x2] =	wrdreg s24  }
0xbe: {  	[dreg:$0x3] =	wrdreg $0xF0000  }
0xbf: {  	[dreg:$0x4] =	wrdreg $0x9  }
0xc0: {  	_ =	task.clear_ibuf [dreg:s22], $0x5FFFF;
	_ =	strace $0x9000004C  }
0xc1: {  	s29 =	simm.s32 $0x9;
	_ =	strace $0x8000004E  }
0xc2: {  	_ =	swait.ge [sflag:s29], $0x1  }
0xc3: {  	[sflag:s29] =	ssyncadd.s32 $0xFFFFFFFF  }
0xc4: {  	_ =	strace $0x9000004E  }
0xc5: {  	_ =	sfence  }
0xc6: {  	s30 =	sld [smem:$0x0];
	_ =	sdelay $0x2  }
0xc7: {  	s31 =	sshll.u32 s1, $0xD;
	s1 =	sshrl.u32 s1, $0x2  }
0xc8: {  	s4 =	sand.u32 $0x4000, s31;
	s1 =	sadd.s32 s1, s30  }
0xc9: {  	s0 =	sor.u32 s4, s0;
	s1 =	sshll.u32 s1, $0x11  }
0xca: {  	s0 =	sor.u32 s1, s0  }
0xcb: {  	s0 =	sadd.s32 $0x8F2B, s0  }
0xcc: {  	[sflag:s0] =	ssyncadd.remote.s32 $0x1  }
0xcd: {  	_ =	sfence.sel $0xFFFF  }
0xce: {  	[dreg:$0x0] =	wrdreg $0xFFFFFFFF;
	(pc) =	sbr.abs _section_cstart, $3  }
0xcf: {  	[dreg:$0x1] =	wrdreg $0xFFFFFFFF  }
0xd0: {  	_ =	task.clear_ibuf [dreg:s22], $0x2FFFF;
	_ =	strace $0x9FFFFFFF  }
0xd1: {  	(tm) =	ssettm $0x7FFFFFFF  }
tec
execute0_lowered:
.L_overlay_start_1:
0x0: {  	(tag) =	ssettag $0x1  }
0x1: {  	s1 =	srdreg.scid  }
0x2: {  	s0 =	stileid.u32;
	s6 =	rddreg [dreg:$0x0]  }
0x3: {  	s2 =	rddreg [dreg:$0x1];
	s3 =	simm.s32 $0x0;
	s14 =	simm.s32 $0x80  }
0x4: {  	s15 =	simm.s32 $0xD000;
	s16 =	simm.s32 $0xD800;
	s17 =	simm.s32 $0xE000  }
0x5: {  	s18 =	simm.s32 $0xE800;
	s19 =	simm.s32 $0x1;
	s20 =	simm.s32 $0x2  }
0x6: {  	s21 =	simm.s32 $0x3;
	s22 =	simm.s32 $0x4;
	s23 =	simm.s32 $0x0  }
0x7: {  	s5 =	sand.u32 $0x1, s1;
	s28 =	sshll.u32 s0, $0x1;
	s8 =	smul.u32 $0xC800, s0  }
0x8: {  	[smem:$0x7FF] =	sst s3;
	s4 =	sadd.s32 $0x4D400, s6;
	s31 =	sshll.u32 s0, $0x6  }
0x9: {  	s1 =	sor.u32 s5, s28;
	s9 =	smul.u32 $0xC8000, s5;
	s5 =	ssub.s32 $0x2, s5  }
0xa: {  	s7 =	smul.u32 $0xD00, s1;
	s1 =	rddreg [dreg:$0x2];
	_ =	strace $0x8000004D  }
0xb: {  	s30 =	sshrl.u32 s8, $0x3;
	s11 =	sshrl.u32 s5, $0x1;
	s13 =	sadd.s32 s8, s2  }
0xc: {  	s29 =	sadd.s32 s8, s9;
	s9 =	sadd.s32 s30, s6;
	s11 =	ssub.s32 s5, s11  }
0xd: {  	s10 =	sadd.s32 s7, s6;
	s7 =	sshrl.u32 s29, $0x3;
	s5 =	sadd.s32 $0x34400, s9  }
0xe: {  	s12 =	sadd.s32 s7, s6;
	s6 =	sor.u32 $0x1C05, s31;
	s7 =	sadd.s32 $0x18EA00, s10  }
0xf: {  	s8 =	sadd.s32 $0x1A400, s10;
	s10 =	smax.u32 s11, $0x1;
	s11 =	sshrl.u32 s13, $0x3  }
0x10: {  	s13 =	simm.s32 $0x6800;
	s9 =	sadd.s32 $0xCB400, s12;
	s12 =	simm.s32 $0x5  }
.LBB2_1:
0x11: {  	[spmem:s11], [sflag:s6] =	dma.local [hbm:s5], $0x1900  }
0x12: {  	_ =	swait.ge [sflag:s12], $0x1900  }
0x13: {  	[sflag:s12] =	ssyncset.done $0x0  }
0x14: {  	[sflag:s12] =	ssyncadd.s32 $0xFFFFE700  }
0x15: {  	[tilespmem:s3], [sflag:$0x5] =	stream.linear.gather [hbm4b:s7+s3], $0x6800, $0x38;
	[tilespmem:$0x1B800] =	vst v63  }
0x16: {  	_ =	swait.ge [sflag:s12], $0x6800  }
0x17: {  	[sflag:s12] =	ssyncset.done $0x0  }
0x18: {  	[sflag:s12] =	ssyncadd.s32 $0xFFFF9800  }
0x19: {  	[tilespmem:s13], [sflag:$0x5] =	stream.linear.gather [hbm4b:s8+s3], $0x6800, $0x38;
	[tilespmem:$0x1B800] =	vst v63  }
0x1a: {  	_ =	swait.ge [sflag:s12], $0x6800  }
0x1b: {  	[sflag:s12] =	ssyncset.done $0x0  }
0x1c: {  	[sflag:s12] =	ssyncadd.s32 $0xFFFF9800  }
0x1d: {  	s24 =	simm.s32 $0x0;
	[bflag:$0x0] =	sbarrier.arrive $0xFFFF  }
0x1e: {  	[tilespmem:s15], [sflag:$0x1] =	stream.indirect.gather [hbm4b:s4+s14], $0x10, s24, s14, $0xb8;
	[tilespmem:$0x1B800] =	vst v63  }
0x1f: {  	s30 =	simm.s32 $0x80  }
0x20: {  	[tilespmem:s16], [sflag:$0x2] =	stream.indirect.gather [hbm4b:s4+s14], $0x10, s30, s14, $0xb8;
	[tilespmem:$0x1B800] =	vst v63  }
0x21: {  	s31 =	simm.s32 $0x100  }
0x22: {  	[tilespmem:s17], [sflag:$0x3] =	stream.indirect.gather [hbm4b:s4+s14], $0x10, s31, s14, $0xb8;
	[tilespmem:$0x1B800] =	vst v63  }
0x23: {  	s25 =	simm.s32 $0x180  }
0x24: {  	[tilespmem:s18], [sflag:$0x4] =	stream.indirect.gather [hbm4b:s4+s14], $0x10, s25, s14, $0xb8;
	[tilespmem:$0x1B800] =	vst v63  }
0x25: {  	_ =	swait.ge [sflag:s19], $0x800  }
0x26: {  	[sflag:s19] =	ssyncset.done $0x0  }
0x27: {  	s26 =	simm.s32 $0x6800;
	[sflag:s19] =	ssyncadd.s32 $0xFFFFF800  }
0x28: {  	[spmem:s2] =	stream.indirect.scatter.add.f32 [tilespmem:s15], [sflag:$0x5], $0x10, s26, s14, $0xb8;
	[tilespmem:$0x1B800] =	vst v63  }
0x29: {  	_ =	swait.ge [sflag:s12], $0x800  }
0x2a: {  	[sflag:s12] =	ssyncset.done $0x0  }
0x2b: {  	[sflag:s12] =	ssyncadd.s32 $0xFFFFF800  }
0x2c: {  	_ =	swait.ge [sflag:s20], $0x800  }
0x2d: {  	[sflag:s20] =	ssyncset.done $0x0  }
0x2e: {  	s29 =	simm.s32 $0x6880;
	[sflag:s20] =	ssyncadd.s32 $0xFFFFF800  }
0x2f: {  	[spmem:s2] =	stream.indirect.scatter.add.f32 [tilespmem:s16], [sflag:$0x5], $0x10, s29, s14, $0xb8;
	[tilespmem:$0x1B800] =	vst v63  }
0x30: {  	_ =	swait.ge [sflag:s12], $0x800  }
0x31: {  	[sflag:s12] =	ssyncset.done $0x0  }
0x32: {  	[sflag:s12] =	ssyncadd.s32 $0xFFFFF800  }
0x33: {  	_ =	swait.ge [sflag:s21], $0x800  }
0x34: {  	[sflag:s21] =	ssyncset.done $0x0  }
0x35: {  	s30 =	simm.s32 $0x6900;
	[sflag:s21] =	ssyncadd.s32 $0xFFFFF800  }
0x36: {  	[spmem:s2] =	stream.indirect.scatter.add.f32 [tilespmem:s17], [sflag:$0x5], $0x10, s30, s14, $0xb8;
	[tilespmem:$0x1B800] =	vst v63  }
0x37: {  	_ =	swait.ge [sflag:s12], $0x800  }
0x38: {  	[sflag:s12] =	ssyncset.done $0x0  }
0x39: {  	[sflag:s12] =	ssyncadd.s32 $0xFFFFF800  }
0x3a: {  	_ =	swait.ge [sflag:s22], $0x800  }
0x3b: {  	[sflag:s22] =	ssyncset.done $0x0  }
0x3c: {  	s31 =	simm.s32 $0x6980;
	[sflag:s22] =	ssyncadd.s32 $0xFFFFF800  }
0x3d: {  	[spmem:s2] =	stream.indirect.scatter.add.f32 [tilespmem:s18], [sflag:$0x5], $0x10, s31, s14, $0xb8;
	[tilespmem:$0x1B800] =	vst v63  }
0x3e: {  	_ =	swait.ge [sflag:s12], $0x800  }
0x3f: {  	s28 =	simm.s32 $0x1000;
	s24 =	simm.s32 $0x800;
	[sflag:s12] =	ssyncset.done $0x0  }
.LBB2_2:
0x40: {  	s26 =	sshra.s32 s24, $0x2  }
0x41: {  	[sflag:s12] =	ssyncadd.s32 $0xFFFFF800;
	s24 =	smov.u32 s28;
	s25 =	sadd.s32 $0x800, s28  }
0x42: {  	[tilespmem:s15], [sflag:$0x1] =	stream.indirect.gather [hbm4b:s4+s14], $0x10, s26, s14, $0xb8;
	[tilespmem:$0x1B800] =	vst v63  }
0x43: {  	p0 =	sne.s32 s28, $0x19800;
	s28 =	sadd.s32 $0x80, s26  }
0x44: {  	[tilespmem:s16], [sflag:$0x2] =	stream.indirect.gather [hbm4b:s4+s14], $0x10, s28, s14, $0xb8;
	[tilespmem:$0x1B800] =	vst v63  }
0x45: {  	s28 =	sadd.s32 $0x100, s26  }
0x46: {  	[tilespmem:s17], [sflag:$0x3] =	stream.indirect.gather [hbm4b:s4+s14], $0x10, s28, s14, $0xb8;
	[tilespmem:$0x1B800] =	vst v63  }
0x47: {  	s28 =	sadd.s32 $0x180, s26  }
0x48: {  	[tilespmem:s18], [sflag:$0x4] =	stream.indirect.gather [hbm4b:s4+s14], $0x10, s28, s14, $0xb8;
	[tilespmem:$0x1B800] =	vst v63  }
0x49: {  	_ =	swait.ge [sflag:s19], $0x800  }
0x4a: {  	[sflag:s19] =	ssyncset.done $0x0  }
0x4b: {  	s28 =	sadd.s32 $0x6800, s26;
	[sflag:s19] =	ssyncadd.s32 $0xFFFFF800  }
0x4c: {  	[spmem:s2] =	stream.indirect.scatter.add.f32 [tilespmem:s15], [sflag:$0x5], $0x10, s28, s14, $0xb8;
	[tilespmem:$0x1B800] =	vst v63  }
0x4d: {  	_ =	swait.ge [sflag:s12], $0x800  }
0x4e: {  	[sflag:s12] =	ssyncset.done $0x0  }
0x4f: {  	[sflag:s12] =	ssyncadd.s32 $0xFFFFF800  }
0x50: {  	_ =	swait.ge [sflag:s20], $0x800  }
0x51: {  	[sflag:s20] =	ssyncset.done $0x0  }
0x52: {  	s28 =	sadd.s32 $0x6880, s26;
	[sflag:s20] =	ssyncadd.s32 $0xFFFFF800  }
0x53: {  	[spmem:s2] =	stream.indirect.scatter.add.f32 [tilespmem:s16], [sflag:$0x5], $0x10, s28, s14, $0xb8;
	[tilespmem:$0x1B800] =	vst v63  }
0x54: {  	_ =	swait.ge [sflag:s12], $0x800  }
0x55: {  	[sflag:s12] =	ssyncset.done $0x0  }
0x56: {  	[sflag:s12] =	ssyncadd.s32 $0xFFFFF800  }
0x57: {  	_ =	swait.ge [sflag:s21], $0x800  }
0x58: {  	[sflag:s21] =	ssyncset.done $0x0  }
0x59: {  	s28 =	sadd.s32 $0x6900, s26;
	[sflag:s21] =	ssyncadd.s32 $0xFFFFF800  }
0x5a: {  	[spmem:s2] =	stream.indirect.scatter.add.f32 [tilespmem:s17], [sflag:$0x5], $0x10, s28, s14, $0xb8;
	[tilespmem:$0x1B800] =	vst v63  }
0x5b: {  	_ =	swait.ge [sflag:s12], $0x800  }
0x5c: {  	[sflag:s12] =	ssyncset.done $0x0  }
0x5d: {  	[sflag:s12] =	ssyncadd.s32 $0xFFFFF800  }
0x5e: {  	_ =	swait.ge [sflag:s22], $0x800  }
.Ltmp0:
0x5f: {  	[sflag:s22] =	ssyncset.done $0x0;
	(pc) =	sbr.rel @p0 .LBB2_2-.Ltmp0, $4  }
0x60: {  	s26 =	sadd.s32 $0x6980, s26;
	[sflag:s22] =	ssyncadd.s32 $0xFFFFF800  }
0x61: {  	[spmem:s2] =	stream.indirect.scatter.add.f32 [tilespmem:s18], [sflag:$0x5], $0x10, s26, s14, $0xb8;
	[tilespmem:$0x1B800] =	vst v63  }
0x62: {  	_ =	swait.ge [sflag:s12], $0x800  }
0x63: {  	s28 =	smov.u32 s25;
	[sflag:s12] =	ssyncset.done $0x0  }
0x64: {  	s24 =	sshra.s32 s24, $0x2;
	[sflag:s12] =	ssyncadd.s32 $0xFFFFF800  }
0x65: {  	[tilespmem:s15], [sflag:$0x1] =	stream.indirect.gather [hbm4b:s4+s14], $0x10, s24, s14, $0xb8;
	[tilespmem:$0x1B800] =	vst v63  }
0x66: {  	s25 =	sadd.s32 $0x80, s24  }
0x67: {  	[tilespmem:s16], [sflag:$0x2] =	stream.indirect.gather [hbm4b:s4+s14], $0x10, s25, s14, $0xb8;
	[tilespmem:$0x1B800] =	vst v63  }
0x68: {  	s26 =	sadd.s32 $0x100, s24  }
0x69: {  	[tilespmem:s17], [sflag:$0x3] =	stream.indirect.gather [hbm4b:s4+s14], $0x10, s26, s14, $0xb8;
	[tilespmem:$0x1B800] =	vst v63  }
0x6a: {  	s28 =	sadd.s32 $0x180, s24  }
0x6b: {  	[tilespmem:s18], [sflag:$0x4] =	stream.indirect.gather [hbm4b:s4+s14], $0x10, s28, s14, $0xb8;
	[tilespmem:$0x1B800] =	vst v63  }
0x6c: {  	_ =	swait.ge [sflag:s19], $0x800  }
0x6d: {  	[sflag:s19] =	ssyncset.done $0x0  }
0x6e: {  	s29 =	sadd.s32 $0x6800, s24;
	[sflag:s19] =	ssyncadd.s32 $0xFFFFF800  }
0x6f: {  	[spmem:s2] =	stream.indirect.scatter.add.f32 [tilespmem:s15], [sflag:$0x5], $0x10, s29, s14, $0xb8;
	[tilespmem:$0x1B800] =	vst v63  }
0x70: {  	_ =	swait.ge [sflag:s12], $0x800  }
0x71: {  	[sflag:s12] =	ssyncset.done $0x0  }
0x72: {  	[sflag:s12] =	ssyncadd.s32 $0xFFFFF800  }
0x73: {  	_ =	swait.ge [sflag:s20], $0x800  }
0x74: {  	[sflag:s20] =	ssyncset.done $0x0  }
0x75: {  	s30 =	sadd.s32 $0x6880, s24;
	[sflag:s20] =	ssyncadd.s32 $0xFFFFF800  }
0x76: {  	[spmem:s2] =	stream.indirect.scatter.add.f32 [tilespmem:s16], [sflag:$0x5], $0x10, s30, s14, $0xb8;
	[tilespmem:$0x1B800] =	vst v63  }
0x77: {  	_ =	swait.ge [sflag:s12], $0x800  }
0x78: {  	[sflag:s12] =	ssyncset.done $0x0  }
0x79: {  	[sflag:s12] =	ssyncadd.s32 $0xFFFFF800  }
0x7a: {  	_ =	swait.ge [sflag:s21], $0x800  }
0x7b: {  	[sflag:s21] =	ssyncset.done $0x0  }
0x7c: {  	s31 =	sadd.s32 $0x6900, s24;
	[sflag:s21] =	ssyncadd.s32 $0xFFFFF800  }
0x7d: {  	[spmem:s2] =	stream.indirect.scatter.add.f32 [tilespmem:s17], [sflag:$0x5], $0x10, s31, s14, $0xb8;
	[tilespmem:$0x1B800] =	vst v63  }
0x7e: {  	_ =	swait.ge [sflag:s12], $0x800  }
0x7f: {  	[sflag:s12] =	ssyncset.done $0x0  }
0x80: {  	[sflag:s12] =	ssyncadd.s32 $0xFFFFF800  }
0x81: {  	_ =	swait.ge [sflag:s22], $0x800  }
0x82: {  	[sflag:s22] =	ssyncset.done $0x0  }
0x83: {  	s24 =	sadd.s32 $0x6980, s24;
	[sflag:s22] =	ssyncadd.s32 $0xFFFFF800  }
0x84: {  	[spmem:s2] =	stream.indirect.scatter.add.f32 [tilespmem:s18], [sflag:$0x5], $0x10, s24, s14, $0xb8;
	[tilespmem:$0x1B800] =	vst v63  }
0x85: {  	_ =	swait.ge [sflag:s12], $0x800  }
0x86: {  	s23 =	sadd.s32 $0x1, s23;
	[sflag:s12] =	ssyncset.done $0x0  }
0x87: {  	p0 =	sne.s32 s23, s10;
	[sflag:s12] =	ssyncadd.s32 $0xFFFFF800  }
.Ltmp1:
0x88: {  	[bflag:$0x0] =	sbarrier.arrive $0xFFFF;
	(pc) =	sbr.rel @p0 .LBB2_1-.Ltmp1, $4  }
0x89: {  	[hbm:s9], [sflag:s6] =	dma.local [spmem:s11], $0x1900  }
0x8a: {  	_ =	swait.ge [sflag:s12], $0x1900  }
0x8b: {  	[sflag:s12] =	ssyncset.done $0x0  }
0x8c: {  	[sflag:s12] =	ssyncadd.s32 $0xFFFFE700  }
0x8d: {  	_ =	sfence.sel $0x180000  }
0x8e: {  	[bflag:$0x0] =	sbarrier.arrive $0xFFFF  }
0x8f: {  	p0 =	sne.s32 s0, $0x0;
	_ =	strace $0x9000004D  }
0x90: {  	s0 =	sadd.s32 @!p0 $0x100000, s1;
	[bflag:$0x2] =	sbarrier.arrive $0xFFFF  }
0x91: {  	[sflag:s0] =	ssyncadd.tile.s32 @!p0 $0x1;
	_ =	shalt  }
.Lfunc_end2:
_tile_overlayer_lowered:
.L_overlay_start_2:
0x92: {  	(tag) =	ssettag $0x2  }
0x93: {  	s0 =	rddreg [dreg:$0x0];
	s2 =	stileid.u32  }
0x94: {  	s1 =	rddreg [dreg:$0x1];
	p0 =	sne.s32 s2, $0x0  }
0x95: {  	s3 =	rddreg [dreg:$0x2];
	[bflag:$0x3] =	sbarrier.arrive $0xFFFF;
	s2 =	simm.s32 @!p0 $0x1C05  }
0x96: {  	[timem:s3], [sflag:s2] =	dma.local @!p0 [hbm:s0], s1  }
0x97: {  	s0 =	simm.s32 @!p0 $0x5  }
0x98: {  	_ =	swait.ge @!p0 [sflag:s0], s1  }
0x99: {  	s1 =	ssub.s32 @!p0 $0x0, s1;
	[sflag:s0] =	ssyncset.done @!p0 $0x0  }
0x9a: {  	[sflag:s0] =	ssyncadd.s32 @!p0 s1  }
0x9b: {  	[bflag:$0x3] =	sbarrier.arrive $0xFFFF  }
0x9c: {  	_ =	shalt  }

// kernel: kernel.17.cloned.1.call-start
scs
__scs_entry_jumppad:
0x0: {  	(pc) =	sbr.rel $0x88, $3  }
0x1: {  	(tag) =	ssettag $0x0;
	lr =	simm.s32 $0x1  }
0x2: {  	[smem:$0x3F9A] =	sst lr;
	_ =	strace $0xD0000000  }
0x3: {  	_ = 	snop  }
0x4: {  	_ = 	snop  }
0x5: {  	_ = 	snop  }
0x6: {  	_ = 	snop  }
0x7: {  	_ = 	snop  }
__scs_overlays_trampoline_lowered:
0x8: {  	[smem:$0x3FA9] =	sst s0  }
0x9: {  	[smem:$0x3FAA] =	sst s1  }
0xa: {  	[smem:$0x3FAB] =	sst s2  }
0xb: {  	[smem:$0x3FAC] =	sst s3  }
0xc: {  	[smem:$0x3FAD] =	sst s4  }
0xd: {  	[smem:$0x3FAE] =	sst s5  }
0xe: {  	[smem:$0x3FAF] =	sst s6  }
0xf: {  	[smem:$0x3FB0] =	sst s7  }
0x10: {  	[smem:$0x3FB1] =	sst s8  }
0x11: {  	[smem:$0x3FB2] =	sst s9;
	s0 =	simm.s32 @!p0 $0x0  }
0x12: {  	s1 =	sld [smem:$0x3F98];
	s0 =	simm.s32 @p0 $0x1  }
0x13: {  	[smem:$0x3FB3] =	sst s0;
	s0 =	simm.s32 @!p1 $0x0  }
0x14: {  	s2 =	sld [smem:$0x3F97];
	s0 =	simm.s32 @p1 $0x1  }
0x15: {  	[smem:$0x3FB4] =	sst s0;
	s0 =	simm.s32 @!p2 $0x0  }
0x16: {  	s3 =	sld [smem:$0x3FDB];
	s0 =	simm.s32 @p2 $0x1  }
0x17: {  	s4 =	simm.s32 $0x1BF5;
	[smem:$0x3FB6] =	sst s0  }
0x18: {  	s0 =	sld [smem:$0x3F99];
	_ =	swait.ge [sflag:s4], $0x0  }
0x19: {  	s7 =	sld [smem:$0x3F9A]  }
0x1a: {  	s8 =	sadd.s32 $0xFFFFE003, lr  }
0x1b: {  	s9 =	sadd.s32 $0xFFFFFEF7, lr;
	s5 =	simm.s32 $0xFFFFFFFF;
	p2 =	slt.u32 s8, $0xFFFFF086  }
0x1c: {  	p1 =	slt.u32 s9, $0xF7A;
	s5 =	simm.s32 @!p2 $0x0  }
0x1d: {  	s5 =	simm.s32 @p1 $0x1;
	p0 =	seq.s32 s7, s2  }
0x1e: {  	s7 =	smul.u32 @!p0 $0xF7A, s2;
	p2 =	seq.s32 @!p0 s5, $0x0  }
0x1f: {  	s9 =	smul.u32 $0xF7A, s1;
	s8 =	simm.s32 @!p0 $0x1BF5;
	p2 =	por !p2, p0  }
0x20: {  	[sflag:s8] =	ssyncset.s32 @!p0 $0xFFFFF086;
	s6 =	sadd.s32 @!p0 s3, s7;
	s7 =	simm.s32 @!p0 $0x108  }
0x21: {  	s3 =	sadd.s32 s3, s9;
	s6 =	sadd.s32 @!p0 $0x88, s6;
	s7 =	simm.s32 @p2 $0x1082  }
0x22: {  	[simem:s7], [sflag:s8] =	dma.local @!p0 [hbm:s6], $0xF7A  }
0x23: {  	s9 =	sor.u32 $0xD0000000, s2;
	s6 =	simm.s32 $0x108;
	_ =	swait.ge @!p0 [sflag:s8], $0x0  }
0x24: {  	s3 =	sadd.s32 $0x88, s3;
	s6 =	simm.s32 @!p1 $0x1082;
	[sflag:s4] =	ssyncset.s32 $0xFFFFF086  }
0x25: {  	[simem:s6], [sflag:s4] =	dma.local [hbm:s3], $0xF7A  }
0x26: {  	[smem:$0x3F9A] =	sst s1;
	(tag) =	ssettag s2;
	_ =	strace s9  }
0x27: {  	s1 =	sld [smem:$0x3FAA]  }
0x28: {  	s2 =	sld [smem:$0x3FAB]  }
0x29: {  	s4 =	sld [smem:$0x3FAD]  }
0x2a: {  	p0 =	seq.s32 s5, $0x0;
	s5 =	sld [smem:$0x3FAE]  }
0x2b: {  	s6 =	sld [smem:$0x3FAF]  }
0x2c: {  	s7 =	sld [smem:$0x3FB0]  }
0x2d: {  	s3 =	simm.s32 $0x108;
	s8 =	sld [smem:$0x3FB1]  }
0x2e: {  	s3 =	simm.s32 @!p0 $0x1082;
	s9 =	sld [smem:$0x3FB2]  }
0x2f: {  	lr =	sadd.s32 s0, s3;
	s0 =	sld [smem:$0x3FA9]  }
0x30: {  	s3 =	sld [smem:$0x3FAC]  }
0x31: {  	[smem:$0x3FB5] =	sst s10  }
0x32: {  	s10 =	sld [smem:$0x3FB3];
	_ =	sdelay $0x3  }
0x33: {  	p0 =	seq.s32 s10, $0x1;
	s10 =	sld [smem:$0x3FB5];
	_ =	sdelay $0x3  }
0x34: {  	[smem:$0x3FB5] =	sst s10  }
0x35: {  	s10 =	sld [smem:$0x3FB4];
	_ =	sdelay $0x3  }
0x36: {  	p1 =	seq.s32 s10, $0x1;
	s10 =	sld [smem:$0x3FB5];
	_ =	sdelay $0x3  }
0x37: {  	[smem:$0x3FB5] =	sst s10  }
0x38: {  	s10 =	sld [smem:$0x3FB6]  }
0x39: {  	_ = 	snop;
	(pc) =	sbr.ind lr, $3  }
0x3a: {  	_ = 	snop  }
0x3b: {  	_ = 	snop  }
0x3c: {  	p2 =	seq.s32 s10, $0x1;
	s10 =	sld [smem:$0x3FB5]  }
0x3d: {  	_ =	shalt  }
0x3e: {  	_ =	shalt  }
0x3f: {  	_ =	shalt  }
0x40: {  	_ =	shalt  }
0x41: {  	_ =	shalt  }
0x42: {  	_ =	shalt  }
0x43: {  	_ =	shalt  }
0x44: {  	_ =	shalt  }
0x45: {  	_ =	shalt  }
0x46: {  	_ =	shalt  }
0x47: {  	_ =	shalt  }
0x48: {  	_ =	shalt  }
0x49: {  	_ =	shalt  }
0x4a: {  	_ =	shalt  }
0x4b: {  	_ =	shalt  }
0x4c: {  	_ =	shalt  }
0x4d: {  	_ =	shalt  }
0x4e: {  	_ =	shalt  }
0x4f: {  	_ =	shalt  }
0x50: {  	_ =	shalt  }
0x51: {  	_ =	shalt  }
0x52: {  	_ =	shalt  }
0x53: {  	_ =	shalt  }
0x54: {  	_ =	shalt  }
0x55: {  	_ =	shalt  }
0x56: {  	_ =	shalt  }
0x57: {  	_ =	shalt  }
0x58: {  	_ =	shalt  }
0x59: {  	_ =	shalt  }
0x5a: {  	_ =	shalt  }
0x5b: {  	_ =	shalt  }
0x5c: {  	_ =	shalt  }
0x5d: {  	_ =	shalt  }
0x5e: {  	_ =	shalt  }
0x5f: {  	_ =	shalt  }
0x60: {  	_ =	shalt  }
0x61: {  	_ =	shalt  }
0x62: {  	_ =	shalt  }
0x63: {  	_ =	shalt  }
0x64: {  	_ =	shalt  }
0x65: {  	_ =	shalt  }
0x66: {  	_ =	shalt  }
0x67: {  	_ =	shalt  }
0x68: {  	_ =	shalt  }
0x69: {  	_ =	shalt  }
0x6a: {  	_ =	shalt  }
0x6b: {  	_ =	shalt  }
0x6c: {  	_ =	shalt  }
0x6d: {  	_ =	shalt  }
0x6e: {  	_ =	shalt  }
0x6f: {  	_ =	shalt  }
0x70: {  	_ =	shalt  }
0x71: {  	_ =	shalt  }
0x72: {  	_ =	shalt  }
0x73: {  	_ =	shalt  }
0x74: {  	_ =	shalt  }
0x75: {  	_ =	shalt  }
0x76: {  	_ =	shalt  }
0x77: {  	_ =	shalt  }
0x78: {  	_ =	shalt  }
0x79: {  	_ =	shalt  }
0x7a: {  	_ =	shalt  }
0x7b: {  	_ =	shalt  }
0x7c: {  	_ =	shalt  }
0x7d: {  	_ =	shalt  }
0x7e: {  	_ =	shalt  }
0x7f: {  	_ =	shalt  }
0x80: {  	_ =	shalt  }
0x81: {  	_ =	shalt  }
0x82: {  	_ =	shalt  }
0x83: {  	_ =	shalt  }
0x84: {  	_ =	shalt  }
0x85: {  	_ =	shalt  }
0x86: {  	_ =	shalt  }
0x87: {  	_ =	shalt  }
.Lfunc_end0:
.L_simem_size_0:
called_computation.2_lowered:
.L_overlay_start_0:
0x88: {  	s2 =	sld [smem:$0x3FD9]  }
0x89: {  	s3 =	sld [smem:$0x3FFE];
	_ =	sdelay $0x1  }
0x8a: {  	s1 =	srdreg.scid  }
0x8b: {  	s0 =	sand.u32 $0x1, s1  }
0x8c: {  	s17 =	sshll.u32 s0, $0xA;
	s2 =	sadd.s32 s3, s2  }
0x8d: {  	s2 =	sadd.s32 s2, s17  }
0x8e: {  	[smem:$0x3FC1] =	sst s2  }
0x8f: {  	_ = 	snop  }
0x90: {  	(tm) =	ssettm $0x1  }
0x91: {  	s18 =	sld [smem:$0x3FFB];
	_ =	sdelay $0x3  }
0x92: {  	_ =	strace s18  }
0x93: {  	s2 =	sld [smem:$0x3FFC];
	_ =	sdelay $0x3  }
0x94: {  	_ =	strace s2  }
0x95: {  	s2 =	sld [smem:$0x3FFD];
	_ =	sdelay $0x3  }
0x96: {  	_ =	strace s2  }
0x97: {  	_ =	strace $0x8FFFFFFF  }
0x98: {  	s19 =	sld [smem:$0x3FDB];
	_ =	sdelay $0x1  }
0x99: {  	s20 =	simm.s32 $_scs_section_size  }
0x9a: {  	s4 =	simm.s32 $_size__tile_overlayer_lowered;
	s5 =	simm.s32 $_tile_overlayer_lowered  }
0x9b: {  	s6 =	simm.s32 $0x1BFF;
	s21 =	sshll.u32 s5, $0x1;
	s3 =	sadd.s32 s20, s19  }
0x9c: {  	s22 =	simm.s32 $0x0;
	s4 =	sshll.u32 s4, $0x1;
	s5 =	sadd.s32 s21, s3  }
0x9d: {  	[timem:s22], [sflag:s6] =	dma.local [hbm:s5], s4  }
0x9e: {  	_ =	swait.ge [sflag:s6], s4  }
0x9f: {  	s4 =	ssub.s32 $0x0, s4;
	[sflag:s6] =	ssyncset.done $0x0  }
0xa0: {  	[sflag:s6] =	ssyncadd.s32 s4;
	_ =	sdelay $0x1  }
0xa1: {  	s23 =	simm.s32 $0x1B8B  }
0xa2: {  	_ =	swait.ge [sflag:s23], $0x1  }
0xa3: {  	[sflag:s23] =	ssyncset.done $0x0  }
0xa4: {  	[sflag:s23] =	ssyncadd.s32 $0xFFFFFFFF  }
0xa5: {  	s4 =	sld [smem:$0x0]  }
0xa6: {  	s5 =	sand.u32 $0xFFFFFFFE, s1  }
0xa7: {  	p0 =	sne.s32 s1, s5  }
0xa8: {  	s5 =	sshll.u32 @p0 s5, $0xE  }
0xa9: {  	s5 =	sadd.s32 @p0 $0x11B8D, s5;
	s6 =	sshll.u32 @p0 s4, $0x11  }
0xaa: {  	s5 =	sor.u32 @p0 s6, s5  }
0xab: {  	[sflag:s5] =	ssyncadd.remote.s32 @p0 $0x1;
	_ =	sdelay $0x1  }
0xac: {  	s5 =	simm.s32 @p0 $0x1B8D  }
0xad: {  	_ =	swait.eq @p0 [sflag:s5], $0x1  }
0xae: {  	[sflag:s5] =	ssyncadd.s32 @p0 $0xFFFFFFFF  }
0xaf: {  	s6 =	sshll.u32 @!p0 s1, $0xE  }
0xb0: {  	s6 =	sor.u32 @!p0 $0x4000, s6;
	s5 =	simm.s32 @!p0 $0x1B8D  }
0xb1: {  	s4 =	sshll.u32 @!p0 s4, $0x11;
	s6 =	sadd.s32 @!p0 $0x11B8D, s6;
	_ =	swait.eq @!p0 [sflag:s5], $0x1  }
0xb2: {  	s4 =	sor.u32 @!p0 s4, s6;
	[sflag:s5] =	ssyncadd.s32 @!p0 $0xFFFFFFFF  }
0xb3: {  	s25 =	simm.s32 $0x1B8E;
	s24 =	sld [smem:$0x3FFE];
	[sflag:s4] =	ssyncadd.remote.s32 @!p0 $0x1  }
0xb4: {  	s26 =	simm.s32 $execute0_lowered;
	[smem:$0x3FD2] =	sst s25  }
0xb5: {  	s5 =	sshll.u32 s26, $0x1;
	_ =	strace $0x80000052;
	[dreg:$0x1] =	wrdreg $0xFFFFFFFF  }
0xb6: {  	s28 =	simm.s32 $_size_execute0_lowered;
	s3 =	sadd.s32 s3, s5;
	[dreg:$0x0] =	wrdreg $0x0  }
0xb7: {  	s5 =	sshll.u32 s28, $0x1;
	[dreg:$0x2] =	wrdreg s3  }
0xb8: {  	[dreg:$0x3] =	wrdreg s5  }
0xb9: {  	[dreg:$0x4] =	wrdreg $0xC0  }
0xba: {  	_ =	task [dreg:s22], $0x5FFFF  }
0xbb: {  	[dreg:$0x1] =	wrdreg $0xFFFFFFFF  }
0xbc: {  	[dreg:$0x0] =	wrdreg $0x60  }
0xbd: {  	[dreg:$0x2] =	wrdreg s24  }
0xbe: {  	[dreg:$0x3] =	wrdreg $0xF0000  }
0xbf: {  	[dreg:$0x4] =	wrdreg $0x9  }
0xc0: {  	_ =	task.clear_ibuf [dreg:s22], $0x5FFFF;
	_ =	strace $0x90000052  }
0xc1: {  	s29 =	simm.s32 $0x9;
	_ =	strace $0x80000054  }
0xc2: {  	_ =	swait.ge [sflag:s29], $0x1  }
0xc3: {  	[sflag:s29] =	ssyncadd.s32 $0xFFFFFFFF  }
0xc4: {  	_ =	strace $0x90000054  }
0xc5: {  	_ =	sfence  }
0xc6: {  	s30 =	sld [smem:$0x0];
	_ =	sdelay $0x2  }
0xc7: {  	s31 =	sshll.u32 s1, $0xD;
	s1 =	sshrl.u32 s1, $0x2  }
0xc8: {  	s4 =	sand.u32 $0x4000, s31;
	s1 =	sadd.s32 s1, s30  }
0xc9: {  	s0 =	sor.u32 s4, s0;
	s1 =	sshll.u32 s1, $0x11  }
0xca: {  	s0 =	sor.u32 s1, s0  }
0xcb: {  	s0 =	sadd.s32 $0x8F2B, s0  }
0xcc: {  	[sflag:s0] =	ssyncadd.remote.s32 $0x1  }
0xcd: {  	_ =	sfence.sel $0xFFFF  }
0xce: {  	[dreg:$0x0] =	wrdreg $0xFFFFFFFF;
	(pc) =	sbr.abs _section_cstart, $3  }
0xcf: {  	[dreg:$0x1] =	wrdreg $0xFFFFFFFF  }
0xd0: {  	_ =	task.clear_ibuf [dreg:s22], $0x2FFFF;
	_ =	strace $0x9FFFFFFF  }
0xd1: {  	(tm) =	ssettm $0x7FFFFFFF  }
tec
execute0_lowered:
.L_overlay_start_1:
0x0: {  	(tag) =	ssettag $0x1  }
0x1: {  	s1 =	srdreg.scid  }
0x2: {  	s0 =	stileid.u32;
	s6 =	rddreg [dreg:$0x0]  }
0x3: {  	s2 =	rddreg [dreg:$0x1];
	s3 =	simm.s32 $0x0;
	s14 =	simm.s32 $0x80  }
0x4: {  	s15 =	simm.s32 $0xD000;
	s16 =	simm.s32 $0xD800;
	s17 =	simm.s32 $0xE000  }
0x5: {  	s18 =	simm.s32 $0xE800;
	s19 =	simm.s32 $0x1;
	s20 =	simm.s32 $0x2  }
0x6: {  	s21 =	simm.s32 $0x3;
	s22 =	simm.s32 $0x4;
	s23 =	simm.s32 $0x0  }
0x7: {  	s5 =	sand.u32 $0x1, s1;
	s28 =	sshll.u32 s0, $0x1;
	s8 =	smul.u32 $0xC800, s0  }
0x8: {  	[smem:$0x7FF] =	sst s3;
	s4 =	sadd.s32 $0x4D400, s6;
	s31 =	sshll.u32 s0, $0x6  }
0x9: {  	s1 =	sor.u32 s5, s28;
	s9 =	smul.u32 $0xC8000, s5;
	s5 =	ssub.s32 $0x2, s5  }
0xa: {  	s7 =	smul.u32 $0xD00, s1;
	s1 =	rddreg [dreg:$0x2];
	_ =	strace $0x80000053  }
0xb: {  	s30 =	sshrl.u32 s8, $0x3;
	s11 =	sshrl.u32 s5, $0x1;
	s13 =	sadd.s32 s8, s2  }
0xc: {  	s29 =	sadd.s32 s8, s9;
	s9 =	sadd.s32 s30, s6;
	s11 =	ssub.s32 s5, s11  }
0xd: {  	s10 =	sadd.s32 s7, s6;
	s7 =	sshrl.u32 s29, $0x3;
	s5 =	sadd.s32 $0x34400, s9  }
0xe: {  	s12 =	sadd.s32 s7, s6;
	s6 =	sor.u32 $0x1C05, s31;
	s7 =	sadd.s32 $0x18EA00, s10  }
0xf: {  	s8 =	sadd.s32 $0x1A400, s10;
	s10 =	smax.u32 s11, $0x1;
	s11 =	sshrl.u32 s13, $0x3  }
0x10: {  	s13 =	simm.s32 $0x6800;
	s9 =	sadd.s32 $0xCB400, s12;
	s12 =	simm.s32 $0x5  }
.LBB2_1:
0x11: {  	[spmem:s11], [sflag:s6] =	dma.local [hbm:s5], $0x1900  }
0x12: {  	_ =	swait.ge [sflag:s12], $0x1900  }
0x13: {  	[sflag:s12] =	ssyncset.done $0x0  }
0x14: {  	[sflag:s12] =	ssyncadd.s32 $0xFFFFE700  }
0x15: {  	[tilespmem:s3], [sflag:$0x5] =	stream.linear.gather [hbm4b:s7+s3], $0x6800, $0x38;
	[tilespmem:$0x1B800] =	vst v63  }
0x16: {  	_ =	swait.ge [sflag:s12], $0x6800  }
0x17: {  	[sflag:s12] =	ssyncset.done $0x0  }
0x18: {  	[sflag:s12] =	ssyncadd.s32 $0xFFFF9800  }
0x19: {  	[tilespmem:s13], [sflag:$0x5] =	stream.linear.gather [hbm4b:s8+s3], $0x6800, $0x38;
	[tilespmem:$0x1B800] =	vst v63  }
0x1a: {  	_ =	swait.ge [sflag:s12], $0x6800  }
0x1b: {  	[sflag:s12] =	ssyncset.done $0x0  }
0x1c: {  	[sflag:s12] =	ssyncadd.s32 $0xFFFF9800  }
0x1d: {  	s24 =	simm.s32 $0x0;
	[bflag:$0x0] =	sbarrier.arrive $0xFFFF  }
0x1e: {  	[tilespmem:s15], [sflag:$0x1] =	stream.indirect.gather [hbm4b:s4+s14], $0x10, s24, s14, $0xb8;
	[tilespmem:$0x1B800] =	vst v63  }
0x1f: {  	s30 =	simm.s32 $0x80  }
0x20: {  	[tilespmem:s16], [sflag:$0x2] =	stream.indirect.gather [hbm4b:s4+s14], $0x10, s30, s14, $0xb8;
	[tilespmem:$0x1B800] =	vst v63  }
0x21: {  	s31 =	simm.s32 $0x100  }
0x22: {  	[tilespmem:s17], [sflag:$0x3] =	stream.indirect.gather [hbm4b:s4+s14], $0x10, s31, s14, $0xb8;
	[tilespmem:$0x1B800] =	vst v63  }
0x23: {  	s25 =	simm.s32 $0x180  }
0x24: {  	[tilespmem:s18], [sflag:$0x4] =	stream.indirect.gather [hbm4b:s4+s14], $0x10, s25, s14, $0xb8;
	[tilespmem:$0x1B800] =	vst v63  }
0x25: {  	_ =	swait.ge [sflag:s19], $0x800  }
0x26: {  	[sflag:s19] =	ssyncset.done $0x0  }
0x27: {  	s26 =	simm.s32 $0x6800;
	[sflag:s19] =	ssyncadd.s32 $0xFFFFF800  }
0x28: {  	[spmem:s2] =	stream.indirect.scatter.add.f32 [tilespmem:s15], [sflag:$0x5], $0x10, s26, s14, $0xb8;
	[tilespmem:$0x1B800] =	vst v63  }
0x29: {  	_ =	swait.ge [sflag:s12], $0x800  }
0x2a: {  	[sflag:s12] =	ssyncset.done $0x0  }
0x2b: {  	[sflag:s12] =	ssyncadd.s32 $0xFFFFF800  }
0x2c: {  	_ =	swait.ge [sflag:s20], $0x800  }
0x2d: {  	[sflag:s20] =	ssyncset.done $0x0  }
0x2e: {  	s29 =	simm.s32 $0x6880;
	[sflag:s20] =	ssyncadd.s32 $0xFFFFF800  }
0x2f: {  	[spmem:s2] =	stream.indirect.scatter.add.f32 [tilespmem:s16], [sflag:$0x5], $0x10, s29, s14, $0xb8;
	[tilespmem:$0x1B800] =	vst v63  }
0x30: {  	_ =	swait.ge [sflag:s12], $0x800  }
0x31: {  	[sflag:s12] =	ssyncset.done $0x0  }
0x32: {  	[sflag:s12] =	ssyncadd.s32 $0xFFFFF800  }
0x33: {  	_ =	swait.ge [sflag:s21], $0x800  }
0x34: {  	[sflag:s21] =	ssyncset.done $0x0  }
0x35: {  	s30 =	simm.s32 $0x6900;
	[sflag:s21] =	ssyncadd.s32 $0xFFFFF800  }
0x36: {  	[spmem:s2] =	stream.indirect.scatter.add.f32 [tilespmem:s17], [sflag:$0x5], $0x10, s30, s14, $0xb8;
	[tilespmem:$0x1B800] =	vst v63  }
0x37: {  	_ =	swait.ge [sflag:s12], $0x800  }
0x38: {  	[sflag:s12] =	ssyncset.done $0x0  }
0x39: {  	[sflag:s12] =	ssyncadd.s32 $0xFFFFF800  }
0x3a: {  	_ =	swait.ge [sflag:s22], $0x800  }
0x3b: {  	[sflag:s22] =	ssyncset.done $0x0  }
0x3c: {  	s31 =	simm.s32 $0x6980;
	[sflag:s22] =	ssyncadd.s32 $0xFFFFF800  }
0x3d: {  	[spmem:s2] =	stream.indirect.scatter.add.f32 [tilespmem:s18], [sflag:$0x5], $0x10, s31, s14, $0xb8;
	[tilespmem:$0x1B800] =	vst v63  }
0x3e: {  	_ =	swait.ge [sflag:s12], $0x800  }
0x3f: {  	s28 =	simm.s32 $0x1000;
	s24 =	simm.s32 $0x800;
	[sflag:s12] =	ssyncset.done $0x0  }
.LBB2_2:
0x40: {  	s26 =	sshra.s32 s24, $0x2  }
0x41: {  	[sflag:s12] =	ssyncadd.s32 $0xFFFFF800;
	s24 =	smov.u32 s28;
	s25 =	sadd.s32 $0x800, s28  }
0x42: {  	[tilespmem:s15], [sflag:$0x1] =	stream.indirect.gather [hbm4b:s4+s14], $0x10, s26, s14, $0xb8;
	[tilespmem:$0x1B800] =	vst v63  }
0x43: {  	p0 =	sne.s32 s28, $0x19800;
	s28 =	sadd.s32 $0x80, s26  }
0x44: {  	[tilespmem:s16], [sflag:$0x2] =	stream.indirect.gather [hbm4b:s4+s14], $0x10, s28, s14, $0xb8;
	[tilespmem:$0x1B800] =	vst v63  }
0x45: {  	s28 =	sadd.s32 $0x100, s26  }
0x46: {  	[tilespmem:s17], [sflag:$0x3] =	stream.indirect.gather [hbm4b:s4+s14], $0x10, s28, s14, $0xb8;
	[tilespmem:$0x1B800] =	vst v63  }
0x47: {  	s28 =	sadd.s32 $0x180, s26  }
0x48: {  	[tilespmem:s18], [sflag:$0x4] =	stream.indirect.gather [hbm4b:s4+s14], $0x10, s28, s14, $0xb8;
	[tilespmem:$0x1B800] =	vst v63  }
0x49: {  	_ =	swait.ge [sflag:s19], $0x800  }
0x4a: {  	[sflag:s19] =	ssyncset.done $0x0  }
0x4b: {  	s28 =	sadd.s32 $0x6800, s26;
	[sflag:s19] =	ssyncadd.s32 $0xFFFFF800  }
0x4c: {  	[spmem:s2] =	stream.indirect.scatter.add.f32 [tilespmem:s15], [sflag:$0x5], $0x10, s28, s14, $0xb8;
	[tilespmem:$0x1B800] =	vst v63  }
0x4d: {  	_ =	swait.ge [sflag:s12], $0x800  }
0x4e: {  	[sflag:s12] =	ssyncset.done $0x0  }
0x4f: {  	[sflag:s12] =	ssyncadd.s32 $0xFFFFF800  }
0x50: {  	_ =	swait.ge [sflag:s20], $0x800  }
0x51: {  	[sflag:s20] =	ssyncset.done $0x0  }
0x52: {  	s28 =	sadd.s32 $0x6880, s26;
	[sflag:s20] =	ssyncadd.s32 $0xFFFFF800  }
0x53: {  	[spmem:s2] =	stream.indirect.scatter.add.f32 [tilespmem:s16], [sflag:$0x5], $0x10, s28, s14, $0xb8;
	[tilespmem:$0x1B800] =	vst v63  }
0x54: {  	_ =	swait.ge [sflag:s12], $0x800  }
0x55: {  	[sflag:s12] =	ssyncset.done $0x0  }
0x56: {  	[sflag:s12] =	ssyncadd.s32 $0xFFFFF800  }
0x57: {  	_ =	swait.ge [sflag:s21], $0x800  }
0x58: {  	[sflag:s21] =	ssyncset.done $0x0  }
0x59: {  	s28 =	sadd.s32 $0x6900, s26;
	[sflag:s21] =	ssyncadd.s32 $0xFFFFF800  }
0x5a: {  	[spmem:s2] =	stream.indirect.scatter.add.f32 [tilespmem:s17], [sflag:$0x5], $0x10, s28, s14, $0xb8;
	[tilespmem:$0x1B800] =	vst v63  }
0x5b: {  	_ =	swait.ge [sflag:s12], $0x800  }
0x5c: {  	[sflag:s12] =	ssyncset.done $0x0  }
0x5d: {  	[sflag:s12] =	ssyncadd.s32 $0xFFFFF800  }
0x5e: {  	_ =	swait.ge [sflag:s22], $0x800  }
.Ltmp0:
0x5f: {  	[sflag:s22] =	ssyncset.done $0x0;
	(pc) =	sbr.rel @p0 .LBB2_2-.Ltmp0, $4  }
0x60: {  	s26 =	sadd.s32 $0x6980, s26;
	[sflag:s22] =	ssyncadd.s32 $0xFFFFF800  }
0x61: {  	[spmem:s2] =	stream.indirect.scatter.add.f32 [tilespmem:s18], [sflag:$0x5], $0x10, s26, s14, $0xb8;
	[tilespmem:$0x1B800] =	vst v63  }
0x62: {  	_ =	swait.ge [sflag:s12], $0x800  }
0x63: {  	s28 =	smov.u32 s25;
	[sflag:s12] =	ssyncset.done $0x0  }
0x64: {  	s24 =	sshra.s32 s24, $0x2;
	[sflag:s12] =	ssyncadd.s32 $0xFFFFF800  }
0x65: {  	[tilespmem:s15], [sflag:$0x1] =	stream.indirect.gather [hbm4b:s4+s14], $0x10, s24, s14, $0xb8;
	[tilespmem:$0x1B800] =	vst v63  }
0x66: {  	s25 =	sadd.s32 $0x80, s24  }
0x67: {  	[tilespmem:s16], [sflag:$0x2] =	stream.indirect.gather [hbm4b:s4+s14], $0x10, s25, s14, $0xb8;
	[tilespmem:$0x1B800] =	vst v63  }
0x68: {  	s26 =	sadd.s32 $0x100, s24  }
0x69: {  	[tilespmem:s17], [sflag:$0x3] =	stream.indirect.gather [hbm4b:s4+s14], $0x10, s26, s14, $0xb8;
	[tilespmem:$0x1B800] =	vst v63  }
0x6a: {  	s28 =	sadd.s32 $0x180, s24  }
0x6b: {  	[tilespmem:s18], [sflag:$0x4] =	stream.indirect.gather [hbm4b:s4+s14], $0x10, s28, s14, $0xb8;
	[tilespmem:$0x1B800] =	vst v63  }
0x6c: {  	_ =	swait.ge [sflag:s19], $0x800  }
0x6d: {  	[sflag:s19] =	ssyncset.done $0x0  }
0x6e: {  	s29 =	sadd.s32 $0x6800, s24;
	[sflag:s19] =	ssyncadd.s32 $0xFFFFF800  }
0x6f: {  	[spmem:s2] =	stream.indirect.scatter.add.f32 [tilespmem:s15], [sflag:$0x5], $0x10, s29, s14, $0xb8;
	[tilespmem:$0x1B800] =	vst v63  }
0x70: {  	_ =	swait.ge [sflag:s12], $0x800  }
0x71: {  	[sflag:s12] =	ssyncset.done $0x0  }
0x72: {  	[sflag:s12] =	ssyncadd.s32 $0xFFFFF800  }
0x73: {  	_ =	swait.ge [sflag:s20], $0x800  }
0x74: {  	[sflag:s20] =	ssyncset.done $0x0  }
0x75: {  	s30 =	sadd.s32 $0x6880, s24;
	[sflag:s20] =	ssyncadd.s32 $0xFFFFF800  }
0x76: {  	[spmem:s2] =	stream.indirect.scatter.add.f32 [tilespmem:s16], [sflag:$0x5], $0x10, s30, s14, $0xb8;
	[tilespmem:$0x1B800] =	vst v63  }
0x77: {  	_ =	swait.ge [sflag:s12], $0x800  }
0x78: {  	[sflag:s12] =	ssyncset.done $0x0  }
0x79: {  	[sflag:s12] =	ssyncadd.s32 $0xFFFFF800  }
0x7a: {  	_ =	swait.ge [sflag:s21], $0x800  }
0x7b: {  	[sflag:s21] =	ssyncset.done $0x0  }
0x7c: {  	s31 =	sadd.s32 $0x6900, s24;
	[sflag:s21] =	ssyncadd.s32 $0xFFFFF800  }
0x7d: {  	[spmem:s2] =	stream.indirect.scatter.add.f32 [tilespmem:s17], [sflag:$0x5], $0x10, s31, s14, $0xb8;
	[tilespmem:$0x1B800] =	vst v63  }
0x7e: {  	_ =	swait.ge [sflag:s12], $0x800  }
0x7f: {  	[sflag:s12] =	ssyncset.done $0x0  }
0x80: {  	[sflag:s12] =	ssyncadd.s32 $0xFFFFF800  }
0x81: {  	_ =	swait.ge [sflag:s22], $0x800  }
0x82: {  	[sflag:s22] =	ssyncset.done $0x0  }
0x83: {  	s24 =	sadd.s32 $0x6980, s24;
	[sflag:s22] =	ssyncadd.s32 $0xFFFFF800  }
0x84: {  	[spmem:s2] =	stream.indirect.scatter.add.f32 [tilespmem:s18], [sflag:$0x5], $0x10, s24, s14, $0xb8;
	[tilespmem:$0x1B800] =	vst v63  }
0x85: {  	_ =	swait.ge [sflag:s12], $0x800  }
0x86: {  	s23 =	sadd.s32 $0x1, s23;
	[sflag:s12] =	ssyncset.done $0x0  }
0x87: {  	p0 =	sne.s32 s23, s10;
	[sflag:s12] =	ssyncadd.s32 $0xFFFFF800  }
.Ltmp1:
0x88: {  	[bflag:$0x0] =	sbarrier.arrive $0xFFFF;
	(pc) =	sbr.rel @p0 .LBB2_1-.Ltmp1, $4  }
0x89: {  	[hbm:s9], [sflag:s6] =	dma.local [spmem:s11], $0x1900  }
0x8a: {  	_ =	swait.ge [sflag:s12], $0x1900  }
0x8b: {  	[sflag:s12] =	ssyncset.done $0x0  }
0x8c: {  	[sflag:s12] =	ssyncadd.s32 $0xFFFFE700  }
0x8d: {  	_ =	sfence.sel $0x180000  }
0x8e: {  	[bflag:$0x0] =	sbarrier.arrive $0xFFFF  }
0x8f: {  	p0 =	sne.s32 s0, $0x0;
	_ =	strace $0x90000053  }
0x90: {  	s0 =	sadd.s32 @!p0 $0x100000, s1;
	[bflag:$0x2] =	sbarrier.arrive $0xFFFF  }
0x91: {  	[sflag:s0] =	ssyncadd.tile.s32 @!p0 $0x1;
	_ =	shalt  }
.Lfunc_end2:
_tile_overlayer_lowered:
.L_overlay_start_2:
0x92: {  	(tag) =	ssettag $0x2  }
0x93: {  	s0 =	rddreg [dreg:$0x0];
	s2 =	stileid.u32  }
0x94: {  	s1 =	rddreg [dreg:$0x1];
	p0 =	sne.s32 s2, $0x0  }
0x95: {  	s3 =	rddreg [dreg:$0x2];
	[bflag:$0x3] =	sbarrier.arrive $0xFFFF;
	s2 =	simm.s32 @!p0 $0x1C05  }
0x96: {  	[timem:s3], [sflag:s2] =	dma.local @!p0 [hbm:s0], s1  }
0x97: {  	s0 =	simm.s32 @!p0 $0x5  }
0x98: {  	_ =	swait.ge @!p0 [sflag:s0], s1  }
0x99: {  	s1 =	ssub.s32 @!p0 $0x0, s1;
	[sflag:s0] =	ssyncset.done @!p0 $0x0  }
0x9a: {  	[sflag:s0] =	ssyncadd.s32 @!p0 s1  }
0x9b: {  	[bflag:$0x3] =	sbarrier.arrive $0xFFFF  }
0x9c: {  	_ =	shalt  }

// kernel: kernel.20.cloned.1.call-start
scs
__scs_entry_jumppad:
0x0: {  	(pc) =	sbr.rel $0x88, $3  }
0x1: {  	(tag) =	ssettag $0x0;
	lr =	simm.s32 $0x1  }
0x2: {  	[smem:$0x3F9A] =	sst lr;
	_ =	strace $0xD0000000  }
0x3: {  	_ = 	snop  }
0x4: {  	_ = 	snop  }
0x5: {  	_ = 	snop  }
0x6: {  	_ = 	snop  }
0x7: {  	_ = 	snop  }
__scs_overlays_trampoline_lowered:
0x8: {  	[smem:$0x3FA9] =	sst s0  }
0x9: {  	[smem:$0x3FAA] =	sst s1  }
0xa: {  	[smem:$0x3FAB] =	sst s2  }
0xb: {  	[smem:$0x3FAC] =	sst s3  }
0xc: {  	[smem:$0x3FAD] =	sst s4  }
0xd: {  	[smem:$0x3FAE] =	sst s5  }
0xe: {  	[smem:$0x3FAF] =	sst s6  }
0xf: {  	[smem:$0x3FB0] =	sst s7  }
0x10: {  	[smem:$0x3FB1] =	sst s8  }
0x11: {  	[smem:$0x3FB2] =	sst s9;
	s0 =	simm.s32 @!p0 $0x0  }
0x12: {  	s1 =	sld [smem:$0x3F98];
	s0 =	simm.s32 @p0 $0x1  }
0x13: {  	[smem:$0x3FB3] =	sst s0;
	s0 =	simm.s32 @!p1 $0x0  }
0x14: {  	s2 =	sld [smem:$0x3F97];
	s0 =	simm.s32 @p1 $0x1  }
0x15: {  	[smem:$0x3FB4] =	sst s0;
	s0 =	simm.s32 @!p2 $0x0  }
0x16: {  	s3 =	sld [smem:$0x3FDB];
	s0 =	simm.s32 @p2 $0x1  }
0x17: {  	s4 =	simm.s32 $0x1BF5;
	[smem:$0x3FB6] =	sst s0  }
0x18: {  	s0 =	sld [smem:$0x3F99];
	_ =	swait.ge [sflag:s4], $0x0  }
0x19: {  	s7 =	sld [smem:$0x3F9A]  }
0x1a: {  	s8 =	sadd.s32 $0xFFFFE003, lr  }
0x1b: {  	s9 =	sadd.s32 $0xFFFFFEF7, lr;
	s5 =	simm.s32 $0xFFFFFFFF;
	p2 =	slt.u32 s8, $0xFFFFF086  }
0x1c: {  	p1 =	slt.u32 s9, $0xF7A;
	s5 =	simm.s32 @!p2 $0x0  }
0x1d: {  	s5 =	simm.s32 @p1 $0x1;
	p0 =	seq.s32 s7, s2  }
0x1e: {  	s7 =	smul.u32 @!p0 $0xF7A, s2;
	p2 =	seq.s32 @!p0 s5, $0x0  }
0x1f: {  	s9 =	smul.u32 $0xF7A, s1;
	s8 =	simm.s32 @!p0 $0x1BF5;
	p2 =	por !p2, p0  }
0x20: {  	[sflag:s8] =	ssyncset.s32 @!p0 $0xFFFFF086;
	s6 =	sadd.s32 @!p0 s3, s7;
	s7 =	simm.s32 @!p0 $0x108  }
0x21: {  	s3 =	sadd.s32 s3, s9;
	s6 =	sadd.s32 @!p0 $0x88, s6;
	s7 =	simm.s32 @p2 $0x1082  }
0x22: {  	[simem:s7], [sflag:s8] =	dma.local @!p0 [hbm:s6], $0xF7A  }
0x23: {  	s9 =	sor.u32 $0xD0000000, s2;
	s6 =	simm.s32 $0x108;
	_ =	swait.ge @!p0 [sflag:s8], $0x0  }
0x24: {  	s3 =	sadd.s32 $0x88, s3;
	s6 =	simm.s32 @!p1 $0x1082;
	[sflag:s4] =	ssyncset.s32 $0xFFFFF086  }
0x25: {  	[simem:s6], [sflag:s4] =	dma.local [hbm:s3], $0xF7A  }
0x26: {  	[smem:$0x3F9A] =	sst s1;
	(tag) =	ssettag s2;
	_ =	strace s9  }
0x27: {  	s1 =	sld [smem:$0x3FAA]  }
0x28: {  	s2 =	sld [smem:$0x3FAB]  }
0x29: {  	s4 =	sld [smem:$0x3FAD]  }
0x2a: {  	p0 =	seq.s32 s5, $0x0;
	s5 =	sld [smem:$0x3FAE]  }
0x2b: {  	s6 =	sld [smem:$0x3FAF]  }
0x2c: {  	s7 =	sld [smem:$0x3FB0]  }
0x2d: {  	s3 =	simm.s32 $0x108;
	s8 =	sld [smem:$0x3FB1]  }
0x2e: {  	s3 =	simm.s32 @!p0 $0x1082;
	s9 =	sld [smem:$0x3FB2]  }
0x2f: {  	lr =	sadd.s32 s0, s3;
	s0 =	sld [smem:$0x3FA9]  }
0x30: {  	s3 =	sld [smem:$0x3FAC]  }
0x31: {  	[smem:$0x3FB5] =	sst s10  }
0x32: {  	s10 =	sld [smem:$0x3FB3];
	_ =	sdelay $0x3  }
0x33: {  	p0 =	seq.s32 s10, $0x1;
	s10 =	sld [smem:$0x3FB5];
	_ =	sdelay $0x3  }
0x34: {  	[smem:$0x3FB5] =	sst s10  }
0x35: {  	s10 =	sld [smem:$0x3FB4];
	_ =	sdelay $0x3  }
0x36: {  	p1 =	seq.s32 s10, $0x1;
	s10 =	sld [smem:$0x3FB5];
	_ =	sdelay $0x3  }
0x37: {  	[smem:$0x3FB5] =	sst s10  }
0x38: {  	s10 =	sld [smem:$0x3FB6]  }
0x39: {  	_ = 	snop;
	(pc) =	sbr.ind lr, $3  }
0x3a: {  	_ = 	snop  }
0x3b: {  	_ = 	snop  }
0x3c: {  	p2 =	seq.s32 s10, $0x1;
	s10 =	sld [smem:$0x3FB5]  }
0x3d: {  	_ =	shalt  }
0x3e: {  	_ =	shalt  }
0x3f: {  	_ =	shalt  }
0x40: {  	_ =	shalt  }
0x41: {  	_ =	shalt  }
0x42: {  	_ =	shalt  }
0x43: {  	_ =	shalt  }
0x44: {  	_ =	shalt  }
0x45: {  	_ =	shalt  }
0x46: {  	_ =	shalt  }
0x47: {  	_ =	shalt  }
0x48: {  	_ =	shalt  }
0x49: {  	_ =	shalt  }
0x4a: {  	_ =	shalt  }
0x4b: {  	_ =	shalt  }
0x4c: {  	_ =	shalt  }
0x4d: {  	_ =	shalt  }
0x4e: {  	_ =	shalt  }
0x4f: {  	_ =	shalt  }
0x50: {  	_ =	shalt  }
0x51: {  	_ =	shalt  }
0x52: {  	_ =	shalt  }
0x53: {  	_ =	shalt  }
0x54: {  	_ =	shalt  }
0x55: {  	_ =	shalt  }
0x56: {  	_ =	shalt  }
0x57: {  	_ =	shalt  }
0x58: {  	_ =	shalt  }
0x59: {  	_ =	shalt  }
0x5a: {  	_ =	shalt  }
0x5b: {  	_ =	shalt  }
0x5c: {  	_ =	shalt  }
0x5d: {  	_ =	shalt  }
0x5e: {  	_ =	shalt  }
0x5f: {  	_ =	shalt  }
0x60: {  	_ =	shalt  }
0x61: {  	_ =	shalt  }
0x62: {  	_ =	shalt  }
0x63: {  	_ =	shalt  }
0x64: {  	_ =	shalt  }
0x65: {  	_ =	shalt  }
0x66: {  	_ =	shalt  }
0x67: {  	_ =	shalt  }
0x68: {  	_ =	shalt  }
0x69: {  	_ =	shalt  }
0x6a: {  	_ =	shalt  }
0x6b: {  	_ =	shalt  }
0x6c: {  	_ =	shalt  }
0x6d: {  	_ =	shalt  }
0x6e: {  	_ =	shalt  }
0x6f: {  	_ =	shalt  }
0x70: {  	_ =	shalt  }
0x71: {  	_ =	shalt  }
0x72: {  	_ =	shalt  }
0x73: {  	_ =	shalt  }
0x74: {  	_ =	shalt  }
0x75: {  	_ =	shalt  }
0x76: {  	_ =	shalt  }
0x77: {  	_ =	shalt  }
0x78: {  	_ =	shalt  }
0x79: {  	_ =	shalt  }
0x7a: {  	_ =	shalt  }
0x7b: {  	_ =	shalt  }
0x7c: {  	_ =	shalt  }
0x7d: {  	_ =	shalt  }
0x7e: {  	_ =	shalt  }
0x7f: {  	_ =	shalt  }
0x80: {  	_ =	shalt  }
0x81: {  	_ =	shalt  }
0x82: {  	_ =	shalt  }
0x83: {  	_ =	shalt  }
0x84: {  	_ =	shalt  }
0x85: {  	_ =	shalt  }
0x86: {  	_ =	shalt  }
0x87: {  	_ =	shalt  }
.Lfunc_end0:
.L_simem_size_0:
called_computation.3_lowered:
.L_overlay_start_0:
0x88: {  	s2 =	sld [smem:$0x3FD9]  }
0x89: {  	s3 =	sld [smem:$0x3FFE];
	_ =	sdelay $0x1  }
0x8a: {  	s1 =	srdreg.scid  }
0x8b: {  	s0 =	sand.u32 $0x1, s1  }
0x8c: {  	s17 =	sshll.u32 s0, $0xA;
	s2 =	sadd.s32 s3, s2  }
0x8d: {  	s2 =	sadd.s32 s2, s17  }
0x8e: {  	[smem:$0x3FC1] =	sst s2  }
0x8f: {  	_ = 	snop  }
0x90: {  	s18 =	sld [smem:$0x3FD0];
	(tm) =	ssettm $0x1  }
0x91: {  	s19 =	sld [smem:$0x3FFB];
	_ =	sdelay $0x3  }
0x92: {  	_ =	strace s19  }
0x93: {  	s2 =	sld [smem:$0x3FFC];
	_ =	sdelay $0x3  }
0x94: {  	_ =	strace s2  }
0x95: {  	s2 =	sld [smem:$0x3FFD];
	_ =	sdelay $0x3  }
0x96: {  	_ =	strace s2  }
0x97: {  	_ =	strace $0x8FFFFFFF  }
0x98: {  	s20 =	sld [smem:$0x3FDB];
	_ =	sdelay $0x1  }
0x99: {  	s4 =	simm.s32 $_scs_section_size  }
0x9a: {  	s5 =	simm.s32 $_size__tile_overlayer_lowered;
	s6 =	simm.s32 $_tile_overlayer_lowered  }
0x9b: {  	s7 =	simm.s32 $0x1BFF;
	s21 =	sshll.u32 s6, $0x1;
	s4 =	sadd.s32 s4, s20  }
0x9c: {  	s22 =	simm.s32 $0x0;
	s5 =	sshll.u32 s5, $0x1;
	s6 =	sadd.s32 s21, s4  }
0x9d: {  	[timem:s22], [sflag:s7] =	dma.local [hbm:s6], s5  }
0x9e: {  	_ =	swait.ge [sflag:s7], s5  }
0x9f: {  	s5 =	ssub.s32 $0x0, s5;
	[sflag:s7] =	ssyncset.done $0x0  }
0xa0: {  	[sflag:s7] =	ssyncadd.s32 s5;
	_ =	sdelay $0x1  }
0xa1: {  	s23 =	simm.s32 $0x1B8B  }
0xa2: {  	_ =	swait.ge [sflag:s23], $0x1  }
0xa3: {  	[sflag:s23] =	ssyncset.done $0x0  }
0xa4: {  	[sflag:s23] =	ssyncadd.s32 $0xFFFFFFFF  }
0xa5: {  	s5 =	sld [smem:$0x0]  }
0xa6: {  	s6 =	sand.u32 $0xFFFFFFFE, s1  }
0xa7: {  	p0 =	sne.s32 s1, s6  }
0xa8: {  	s6 =	sshll.u32 @p0 s6, $0xE  }
0xa9: {  	s6 =	sadd.s32 @p0 $0x11B8D, s6;
	s7 =	sshll.u32 @p0 s5, $0x11  }
0xaa: {  	s6 =	sor.u32 @p0 s7, s6  }
0xab: {  	[sflag:s6] =	ssyncadd.remote.s32 @p0 $0x1;
	_ =	sdelay $0x1  }
0xac: {  	s6 =	simm.s32 @p0 $0x1B8D  }
0xad: {  	_ =	swait.eq @p0 [sflag:s6], $0x1  }
0xae: {  	[sflag:s6] =	ssyncadd.s32 @p0 $0xFFFFFFFF  }
0xaf: {  	s7 =	sshll.u32 @!p0 s1, $0xE  }
0xb0: {  	s7 =	sor.u32 @!p0 $0x4000, s7;
	s6 =	simm.s32 @!p0 $0x1B8D  }
0xb1: {  	s5 =	sshll.u32 @!p0 s5, $0x11;
	s7 =	sadd.s32 @!p0 $0x11B8D, s7;
	_ =	swait.eq @!p0 [sflag:s6], $0x1  }
0xb2: {  	s5 =	sor.u32 @!p0 s5, s7;
	[sflag:s6] =	ssyncadd.s32 @!p0 $0xFFFFFFFF  }
0xb3: {  	s25 =	simm.s32 $0x1B8E;
	s24 =	sld [smem:$0x3FFE];
	[sflag:s5] =	ssyncadd.remote.s32 @!p0 $0x1  }
0xb4: {  	s26 =	simm.s32 $execute0_lowered;
	[smem:$0x3FD2] =	sst s25  }
0xb5: {  	s6 =	sshll.u32 s26, $0x1;
	_ =	strace $0x80000049;
	[dreg:$0x1] =	wrdreg $0xFFFFFFFF  }
0xb6: {  	s28 =	simm.s32 $_size_execute0_lowered;
	s4 =	sadd.s32 s4, s6;
	[dreg:$0x0] =	wrdreg $0x0  }
0xb7: {  	s6 =	sshll.u32 s28, $0x1;
	[dreg:$0x2] =	wrdreg s4  }
0xb8: {  	[dreg:$0x3] =	wrdreg s6  }
0xb9: {  	[dreg:$0x4] =	wrdreg $0xC0  }
0xba: {  	_ =	task [dreg:s22], $0x5FFFF  }
0xbb: {  	[dreg:$0x1] =	wrdreg $0xFFFFFFFF  }
0xbc: {  	[dreg:$0x0] =	wrdreg $0x60  }
0xbd: {  	[dreg:$0x2] =	wrdreg s24  }
0xbe: {  	[dreg:$0x3] =	wrdreg s18  }
0xbf: {  	[dreg:$0x4] =	wrdreg $0x70000  }
0xc0: {  	[dreg:$0x5] =	wrdreg $0xA  }
0xc1: {  	_ =	task.clear_ibuf [dreg:s22], $0x6FFFF;
	_ =	strace $0x90000049  }
0xc2: {  	s29 =	simm.s32 $0xA;
	_ =	strace $0x8000004B  }
0xc3: {  	_ =	swait.ge [sflag:s29], $0x1  }
0xc4: {  	[sflag:s29] =	ssyncadd.s32 $0xFFFFFFFF  }
0xc5: {  	_ =	strace $0x9000004B  }
0xc6: {  	_ =	sfence  }
0xc7: {  	s30 =	sld [smem:$0x0];
	_ =	sdelay $0x2  }
0xc8: {  	s31 =	sshll.u32 s1, $0xD;
	s1 =	sshrl.u32 s1, $0x2  }
0xc9: {  	s4 =	sand.u32 $0x4000, s31;
	s1 =	sadd.s32 s1, s30  }
0xca: {  	s0 =	sor.u32 s4, s0;
	s1 =	sshll.u32 s1, $0x11  }
0xcb: {  	s0 =	sor.u32 s1, s0  }
0xcc: {  	s0 =	sadd.s32 $0x8F2B, s0  }
0xcd: {  	[sflag:s0] =	ssyncadd.remote.s32 $0x1  }
0xce: {  	_ =	sfence.sel $0xFFFF  }
0xcf: {  	[dreg:$0x0] =	wrdreg $0xFFFFFFFF;
	(pc) =	sbr.abs _section_cstart, $3  }
0xd0: {  	[dreg:$0x1] =	wrdreg $0xFFFFFFFF  }
0xd1: {  	_ =	task.clear_ibuf [dreg:s22], $0x2FFFF;
	_ =	strace $0x9FFFFFFF  }
0xd2: {  	(tm) =	ssettm $0x7FFFFFFF  }
0xd3: {  	_ =	shalt  }
tec
execute0_lowered:
.L_overlay_start_1:
0x0: {  	(tag) =	ssettag $0x1  }
0x1: {  	s1 =	srdreg.scid;
	s5 =	rddreg [dreg:$0x0]  }
0x2: {  	s0 =	stileid.u32;
	s2 =	rddreg [dreg:$0x1]  }
0x3: {  	s3 =	rddreg [dreg:$0x2];
	s4 =	simm.s32 $0x0;
	s13 =	simm.s32 $0x80  }
0x4: {  	s14 =	simm.s32 $0x1;
	s15 =	simm.s32 $0x2;
	s16 =	simm.s32 $0x3  }
0x5: {  	s17 =	simm.s32 $0x4;
	s18 =	simm.s32 $0x0;
	s6 =	sand.u32 $0x1, s1  }
0x6: {  	s30 =	sshll.u32 s0, $0x1;
	s8 =	smul.u32 $0xC800, s0;
	[smem:$0x7FF] =	sst s4  }
0x7: {  	s31 =	sshll.u32 s0, $0x6;
	s1 =	sor.u32 s6, s30;
	s9 =	smul.u32 $0xC8000, s6  }
0x8: {  	s6 =	ssub.s32 $0x2, s6;
	s7 =	smul.u32 $0xD00, s1;
	s1 =	rddreg [dreg:$0x3]  }
0x9: {  	_ =	strace $0x8000004A;
	s10 =	sshrl.u32 s8, $0x3;
	s11 =	sshrl.u32 s6, $0x1  }
0xa: {  	s12 =	sadd.s32 s8, s3;
	s9 =	sadd.s32 s8, s9;
	s10 =	sadd.s32 s10, s5  }
0xb: {  	s11 =	ssub.s32 s6, s11;
	s12 =	sshrl.u32 s12, $0x3;
	s7 =	sadd.s32 s7, s5  }
0xc: {  	s9 =	sshrl.u32 s9, $0x3;
	s8 =	smax.u32 s11, $0x1;
	s11 =	sor.u32 $0x1C05, s31  }
0xd: {  	s9 =	sadd.s32 s9, s5;
	s5 =	sadd.s32 $0x34400, s10;
	s6 =	sadd.s32 $0x7F400, s7  }
0xe: {  	s10 =	simm.s32 $0x5;
	s7 =	sadd.s32 $0x99400, s9;
	s9 =	simm.s32 $0x6800  }
.LBB2_1:
0xf: {  	[tilespmem:s9], [sflag:$0x5] =	stream.linear.gather [hbm4b:s2+s4], $0x800, $0x38;
	[tilespmem:$0x13800] =	vst v63  }
0x10: {  	_ =	swait.ge [sflag:s10], $0x800  }
0x11: {  	[sflag:s10] =	ssyncset.done $0x0  }
0x12: {  	[sflag:s10] =	ssyncadd.s32 $0xFFFFF800  }
0x13: {  	[spmem:s12], [sflag:s11] =	dma.local [hbm:s5], $0x1900  }
0x14: {  	_ =	swait.ge [sflag:s10], $0x1900  }
0x15: {  	[sflag:s10] =	ssyncset.done $0x0  }
0x16: {  	[sflag:s10] =	ssyncadd.s32 $0xFFFFE700  }
0x17: {  	[tilespmem:s4], [sflag:$0x5] =	stream.linear.gather [hbm4b:s6+s4], $0x6800, $0x38;
	[tilespmem:$0x13800] =	vst v63  }
0x18: {  	_ =	swait.ge [sflag:s10], $0x6800  }
0x19: {  	[sflag:s10] =	ssyncset.done $0x0  }
0x1a: {  	[sflag:s10] =	ssyncadd.s32 $0xFFFF9800  }
0x1b: {  	s19 =	simm.s32 $0x0;
	[bflag:$0x0] =	sbarrier.arrive $0xFFFF  }
0x1c: {  	[spmem:s3] =	stream.indirect.scatter.add.f32 [tilespmem:s9], [sflag:$0x1], $0x10, s19, s13, $0xb8;
	[tilespmem:$0x13800] =	vst v63  }
0x1d: {  	s29 =	simm.s32 $0x80  }
0x1e: {  	[spmem:s3] =	stream.indirect.scatter.add.f32 [tilespmem:s9], [sflag:$0x2], $0x10, s29, s13, $0xb8;
	[tilespmem:$0x13800] =	vst v63  }
0x1f: {  	s30 =	simm.s32 $0x100  }
0x20: {  	[spmem:s3] =	stream.indirect.scatter.add.f32 [tilespmem:s9], [sflag:$0x3], $0x10, s30, s13, $0xb8;
	[tilespmem:$0x13800] =	vst v63  }
0x21: {  	s31 =	simm.s32 $0x180  }
0x22: {  	[spmem:s3] =	stream.indirect.scatter.add.f32 [tilespmem:s9], [sflag:$0x4], $0x10, s31, s13, $0xb8;
	[tilespmem:$0x13800] =	vst v63  }
0x23: {  	_ =	swait.ge [sflag:s14], $0x800  }
0x24: {  	[sflag:s14] =	ssyncset.done $0x0  }
0x25: {  	[sflag:s14] =	ssyncadd.s32 $0xFFFFF800  }
0x26: {  	_ =	swait.ge [sflag:s15], $0x800  }
0x27: {  	[sflag:s15] =	ssyncset.done $0x0  }
0x28: {  	[sflag:s15] =	ssyncadd.s32 $0xFFFFF800  }
0x29: {  	_ =	swait.ge [sflag:s16], $0x800  }
0x2a: {  	[sflag:s16] =	ssyncset.done $0x0  }
0x2b: {  	[sflag:s16] =	ssyncadd.s32 $0xFFFFF800  }
0x2c: {  	_ =	swait.ge [sflag:s17], $0x800  }
0x2d: {  	s20 =	simm.s32 $0x1000;
	s19 =	simm.s32 $0x800;
	[sflag:s17] =	ssyncset.done $0x0  }
.LBB2_2:
0x2e: {  	s21 =	sshra.s32 s19, $0x2  }
0x2f: {  	[sflag:s17] =	ssyncadd.s32 $0xFFFFF800;
	s19 =	smov.u32 s20;
	s22 =	sadd.s32 $0x800, s20  }
0x30: {  	[spmem:s3] =	stream.indirect.scatter.add.f32 [tilespmem:s9], [sflag:$0x1], $0x10, s21, s13, $0xb8;
	[tilespmem:$0x13800] =	vst v63  }
0x31: {  	p0 =	sne.s32 s20, $0x19800;
	s20 =	sadd.s32 $0x80, s21  }
0x32: {  	[spmem:s3] =	stream.indirect.scatter.add.f32 [tilespmem:s9], [sflag:$0x2], $0x10, s20, s13, $0xb8;
	[tilespmem:$0x13800] =	vst v63  }
0x33: {  	s20 =	sadd.s32 $0x100, s21  }
0x34: {  	[spmem:s3] =	stream.indirect.scatter.add.f32 [tilespmem:s9], [sflag:$0x3], $0x10, s20, s13, $0xb8;
	[tilespmem:$0x13800] =	vst v63  }
0x35: {  	s20 =	sadd.s32 $0x180, s21  }
0x36: {  	[spmem:s3] =	stream.indirect.scatter.add.f32 [tilespmem:s9], [sflag:$0x4], $0x10, s20, s13, $0xb8;
	[tilespmem:$0x13800] =	vst v63  }
0x37: {  	_ =	swait.ge [sflag:s14], $0x800  }
0x38: {  	[sflag:s14] =	ssyncset.done $0x0  }
0x39: {  	[sflag:s14] =	ssyncadd.s32 $0xFFFFF800  }
0x3a: {  	_ =	swait.ge [sflag:s15], $0x800  }
0x3b: {  	[sflag:s15] =	ssyncset.done $0x0  }
0x3c: {  	[sflag:s15] =	ssyncadd.s32 $0xFFFFF800  }
.Ltmp0:
0x3d: {  	_ =	swait.ge [sflag:s16], $0x800;
	(pc) =	sbr.rel @p0 .LBB2_2-.Ltmp0, $4  }
0x3e: {  	[sflag:s16] =	ssyncset.done $0x0  }
0x3f: {  	[sflag:s16] =	ssyncadd.s32 $0xFFFFF800  }
0x40: {  	_ =	swait.ge [sflag:s17], $0x800  }
0x41: {  	s20 =	smov.u32 s22;
	[sflag:s17] =	ssyncset.done $0x0  }
0x42: {  	s19 =	sshra.s32 s19, $0x2;
	[sflag:s17] =	ssyncadd.s32 $0xFFFFF800  }
0x43: {  	[spmem:s3] =	stream.indirect.scatter.add.f32 [tilespmem:s9], [sflag:$0x1], $0x10, s19, s13, $0xb8;
	[tilespmem:$0x13800] =	vst v63  }
0x44: {  	s20 =	sadd.s32 $0x80, s19  }
0x45: {  	[spmem:s3] =	stream.indirect.scatter.add.f32 [tilespmem:s9], [sflag:$0x2], $0x10, s20, s13, $0xb8;
	[tilespmem:$0x13800] =	vst v63  }
0x46: {  	s31 =	sadd.s32 $0x100, s19  }
0x47: {  	[spmem:s3] =	stream.indirect.scatter.add.f32 [tilespmem:s9], [sflag:$0x3], $0x10, s31, s13, $0xb8;
	[tilespmem:$0x13800] =	vst v63  }
0x48: {  	s19 =	sadd.s32 $0x180, s19  }
0x49: {  	[spmem:s3] =	stream.indirect.scatter.add.f32 [tilespmem:s9], [sflag:$0x4], $0x10, s19, s13, $0xb8;
	[tilespmem:$0x13800] =	vst v63  }
0x4a: {  	_ =	swait.ge [sflag:s14], $0x800  }
0x4b: {  	[sflag:s14] =	ssyncset.done $0x0  }
0x4c: {  	[sflag:s14] =	ssyncadd.s32 $0xFFFFF800  }
0x4d: {  	_ =	swait.ge [sflag:s15], $0x800  }
0x4e: {  	[sflag:s15] =	ssyncset.done $0x0  }
0x4f: {  	[sflag:s15] =	ssyncadd.s32 $0xFFFFF800  }
0x50: {  	_ =	swait.ge [sflag:s16], $0x800  }
0x51: {  	[sflag:s16] =	ssyncset.done $0x0  }
0x52: {  	[sflag:s16] =	ssyncadd.s32 $0xFFFFF800  }
0x53: {  	_ =	swait.ge [sflag:s17], $0x800  }
0x54: {  	s18 =	sadd.s32 $0x1, s18;
	[sflag:s17] =	ssyncset.done $0x0  }
0x55: {  	p0 =	sne.s32 s18, s8;
	[sflag:s17] =	ssyncadd.s32 $0xFFFFF800  }
.Ltmp1:
0x56: {  	[bflag:$0x0] =	sbarrier.arrive $0xFFFF;
	(pc) =	sbr.rel @p0 .LBB2_1-.Ltmp1, $4  }
0x57: {  	[hbm:s7], [sflag:s11] =	dma.local [spmem:s12], $0x1900  }
0x58: {  	_ =	swait.ge [sflag:s10], $0x1900  }
0x59: {  	[sflag:s10] =	ssyncset.done $0x0  }
0x5a: {  	[sflag:s10] =	ssyncadd.s32 $0xFFFFE700  }
0x5b: {  	_ =	sfence.sel $0x180000  }
0x5c: {  	[bflag:$0x0] =	sbarrier.arrive $0xFFFF  }
0x5d: {  	p0 =	sne.s32 s0, $0x0;
	_ =	strace $0x9000004A  }
0x5e: {  	s0 =	sadd.s32 @!p0 $0x100000, s1;
	[bflag:$0x2] =	sbarrier.arrive $0xFFFF  }
0x5f: {  	[sflag:s0] =	ssyncadd.tile.s32 @!p0 $0x1;
	_ =	shalt  }
.Lfunc_end2:
_tile_overlayer_lowered:
.L_overlay_start_2:
0x60: {  	(tag) =	ssettag $0x2  }
0x61: {  	s0 =	rddreg [dreg:$0x0];
	s2 =	stileid.u32  }
0x62: {  	s1 =	rddreg [dreg:$0x1];
	p0 =	sne.s32 s2, $0x0  }
0x63: {  	s3 =	rddreg [dreg:$0x2];
	[bflag:$0x3] =	sbarrier.arrive $0xFFFF;
	s2 =	simm.s32 @!p0 $0x1C05  }
0x64: {  	[timem:s3], [sflag:s2] =	dma.local @!p0 [hbm:s0], s1  }
0x65: {  	s0 =	simm.s32 @!p0 $0x5  }
0x66: {  	_ =	swait.ge @!p0 [sflag:s0], s1  }
0x67: {  	s1 =	ssub.s32 @!p0 $0x0, s1;
	[sflag:s0] =	ssyncset.done @!p0 $0x0  }
0x68: {  	[sflag:s0] =	ssyncadd.s32 @!p0 s1  }
0x69: {  	[bflag:$0x3] =	sbarrier.arrive $0xFFFF  }
0x6a: {  	_ =	shalt  }

// kernel: kernel.23.cloned.1.call-start
scs
__scs_entry_jumppad:
0x0: {  	(pc) =	sbr.rel $0x88, $3  }
0x1: {  	(tag) =	ssettag $0x0;
	lr =	simm.s32 $0x1  }
0x2: {  	[smem:$0x3F9A] =	sst lr;
	_ =	strace $0xD0000000  }
0x3: {  	_ = 	snop  }
0x4: {  	_ = 	snop  }
0x5: {  	_ = 	snop  }
0x6: {  	_ = 	snop  }
0x7: {  	_ = 	snop  }
__scs_overlays_trampoline_lowered:
0x8: {  	[smem:$0x3FA9] =	sst s0  }
0x9: {  	[smem:$0x3FAA] =	sst s1  }
0xa: {  	[smem:$0x3FAB] =	sst s2  }
0xb: {  	[smem:$0x3FAC] =	sst s3  }
0xc: {  	[smem:$0x3FAD] =	sst s4  }
0xd: {  	[smem:$0x3FAE] =	sst s5  }
0xe: {  	[smem:$0x3FAF] =	sst s6  }
0xf: {  	[smem:$0x3FB0] =	sst s7  }
0x10: {  	[smem:$0x3FB1] =	sst s8  }
0x11: {  	[smem:$0x3FB2] =	sst s9;
	s0 =	simm.s32 @!p0 $0x0  }
0x12: {  	s1 =	sld [smem:$0x3F98];
	s0 =	simm.s32 @p0 $0x1  }
0x13: {  	[smem:$0x3FB3] =	sst s0;
	s0 =	simm.s32 @!p1 $0x0  }
0x14: {  	s2 =	sld [smem:$0x3F97];
	s0 =	simm.s32 @p1 $0x1  }
0x15: {  	[smem:$0x3FB4] =	sst s0;
	s0 =	simm.s32 @!p2 $0x0  }
0x16: {  	s3 =	sld [smem:$0x3FDB];
	s0 =	simm.s32 @p2 $0x1  }
0x17: {  	s4 =	simm.s32 $0x1BF5;
	[smem:$0x3FB6] =	sst s0  }
0x18: {  	s0 =	sld [smem:$0x3F99];
	_ =	swait.ge [sflag:s4], $0x0  }
0x19: {  	s7 =	sld [smem:$0x3F9A]  }
0x1a: {  	s8 =	sadd.s32 $0xFFFFE003, lr  }
0x1b: {  	s9 =	sadd.s32 $0xFFFFFEF7, lr;
	s5 =	simm.s32 $0xFFFFFFFF;
	p2 =	slt.u32 s8, $0xFFFFF086  }
0x1c: {  	p1 =	slt.u32 s9, $0xF7A;
	s5 =	simm.s32 @!p2 $0x0  }
0x1d: {  	s5 =	simm.s32 @p1 $0x1;
	p0 =	seq.s32 s7, s2  }
0x1e: {  	s7 =	smul.u32 @!p0 $0xF7A, s2;
	p2 =	seq.s32 @!p0 s5, $0x0  }
0x1f: {  	s9 =	smul.u32 $0xF7A, s1;
	s8 =	simm.s32 @!p0 $0x1BF5;
	p2 =	por !p2, p0  }
0x20: {  	[sflag:s8] =	ssyncset.s32 @!p0 $0xFFFFF086;
	s6 =	sadd.s32 @!p0 s3, s7;
	s7 =	simm.s32 @!p0 $0x108  }
0x21: {  	s3 =	sadd.s32 s3, s9;
	s6 =	sadd.s32 @!p0 $0x88, s6;
	s7 =	simm.s32 @p2 $0x1082  }
0x22: {  	[simem:s7], [sflag:s8] =	dma.local @!p0 [hbm:s6], $0xF7A  }
0x23: {  	s9 =	sor.u32 $0xD0000000, s2;
	s6 =	simm.s32 $0x108;
	_ =	swait.ge @!p0 [sflag:s8], $0x0  }
0x24: {  	s3 =	sadd.s32 $0x88, s3;
	s6 =	simm.s32 @!p1 $0x1082;
	[sflag:s4] =	ssyncset.s32 $0xFFFFF086  }
0x25: {  	[simem:s6], [sflag:s4] =	dma.local [hbm:s3], $0xF7A  }
0x26: {  	[smem:$0x3F9A] =	sst s1;
	(tag) =	ssettag s2;
	_ =	strace s9  }
0x27: {  	s1 =	sld [smem:$0x3FAA]  }
0x28: {  	s2 =	sld [smem:$0x3FAB]  }
0x29: {  	s4 =	sld [smem:$0x3FAD]  }
0x2a: {  	p0 =	seq.s32 s5, $0x0;
	s5 =	sld [smem:$0x3FAE]  }
0x2b: {  	s6 =	sld [smem:$0x3FAF]  }
0x2c: {  	s7 =	sld [smem:$0x3FB0]  }
0x2d: {  	s3 =	simm.s32 $0x108;
	s8 =	sld [smem:$0x3FB1]  }
0x2e: {  	s3 =	simm.s32 @!p0 $0x1082;
	s9 =	sld [smem:$0x3FB2]  }
0x2f: {  	lr =	sadd.s32 s0, s3;
	s0 =	sld [smem:$0x3FA9]  }
0x30: {  	s3 =	sld [smem:$0x3FAC]  }
0x31: {  	[smem:$0x3FB5] =	sst s10  }
0x32: {  	s10 =	sld [smem:$0x3FB3];
	_ =	sdelay $0x3  }
0x33: {  	p0 =	seq.s32 s10, $0x1;
	s10 =	sld [smem:$0x3FB5];
	_ =	sdelay $0x3  }
0x34: {  	[smem:$0x3FB5] =	sst s10  }
0x35: {  	s10 =	sld [smem:$0x3FB4];
	_ =	sdelay $0x3  }
0x36: {  	p1 =	seq.s32 s10, $0x1;
	s10 =	sld [smem:$0x3FB5];
	_ =	sdelay $0x3  }
0x37: {  	[smem:$0x3FB5] =	sst s10  }
0x38: {  	s10 =	sld [smem:$0x3FB6]  }
0x39: {  	_ = 	snop;
	(pc) =	sbr.ind lr, $3  }
0x3a: {  	_ = 	snop  }
0x3b: {  	_ = 	snop  }
0x3c: {  	p2 =	seq.s32 s10, $0x1;
	s10 =	sld [smem:$0x3FB5]  }
0x3d: {  	_ =	shalt  }
0x3e: {  	_ =	shalt  }
0x3f: {  	_ =	shalt  }
0x40: {  	_ =	shalt  }
0x41: {  	_ =	shalt  }
0x42: {  	_ =	shalt  }
0x43: {  	_ =	shalt  }
0x44: {  	_ =	shalt  }
0x45: {  	_ =	shalt  }
0x46: {  	_ =	shalt  }
0x47: {  	_ =	shalt  }
0x48: {  	_ =	shalt  }
0x49: {  	_ =	shalt  }
0x4a: {  	_ =	shalt  }
0x4b: {  	_ =	shalt  }
0x4c: {  	_ =	shalt  }
0x4d: {  	_ =	shalt  }
0x4e: {  	_ =	shalt  }
0x4f: {  	_ =	shalt  }
0x50: {  	_ =	shalt  }
0x51: {  	_ =	shalt  }
0x52: {  	_ =	shalt  }
0x53: {  	_ =	shalt  }
0x54: {  	_ =	shalt  }
0x55: {  	_ =	shalt  }
0x56: {  	_ =	shalt  }
0x57: {  	_ =	shalt  }
0x58: {  	_ =	shalt  }
0x59: {  	_ =	shalt  }
0x5a: {  	_ =	shalt  }
0x5b: {  	_ =	shalt  }
0x5c: {  	_ =	shalt  }
0x5d: {  	_ =	shalt  }
0x5e: {  	_ =	shalt  }
0x5f: {  	_ =	shalt  }
0x60: {  	_ =	shalt  }
0x61: {  	_ =	shalt  }
0x62: {  	_ =	shalt  }
0x63: {  	_ =	shalt  }
0x64: {  	_ =	shalt  }
0x65: {  	_ =	shalt  }
0x66: {  	_ =	shalt  }
0x67: {  	_ =	shalt  }
0x68: {  	_ =	shalt  }
0x69: {  	_ =	shalt  }
0x6a: {  	_ =	shalt  }
0x6b: {  	_ =	shalt  }
0x6c: {  	_ =	shalt  }
0x6d: {  	_ =	shalt  }
0x6e: {  	_ =	shalt  }
0x6f: {  	_ =	shalt  }
0x70: {  	_ =	shalt  }
0x71: {  	_ =	shalt  }
0x72: {  	_ =	shalt  }
0x73: {  	_ =	shalt  }
0x74: {  	_ =	shalt  }
0x75: {  	_ =	shalt  }
0x76: {  	_ =	shalt  }
0x77: {  	_ =	shalt  }
0x78: {  	_ =	shalt  }
0x79: {  	_ =	shalt  }
0x7a: {  	_ =	shalt  }
0x7b: {  	_ =	shalt  }
0x7c: {  	_ =	shalt  }
0x7d: {  	_ =	shalt  }
0x7e: {  	_ =	shalt  }
0x7f: {  	_ =	shalt  }
0x80: {  	_ =	shalt  }
0x81: {  	_ =	shalt  }
0x82: {  	_ =	shalt  }
0x83: {  	_ =	shalt  }
0x84: {  	_ =	shalt  }
0x85: {  	_ =	shalt  }
0x86: {  	_ =	shalt  }
0x87: {  	_ =	shalt  }
.Lfunc_end0:
.L_simem_size_0:
called_computation.4_lowered:
.L_overlay_start_0:
0x88: {  	s2 =	sld [smem:$0x3FD9]  }
0x89: {  	s3 =	sld [smem:$0x3FFE];
	_ =	sdelay $0x1  }
0x8a: {  	s1 =	srdreg.scid  }
0x8b: {  	s0 =	sand.u32 $0x1, s1  }
0x8c: {  	s17 =	sshll.u32 s0, $0xA;
	s2 =	sadd.s32 s3, s2  }
0x8d: {  	s2 =	sadd.s32 s2, s17  }
0x8e: {  	[smem:$0x3FC1] =	sst s2  }
0x8f: {  	_ = 	snop  }
0x90: {  	(tm) =	ssettm $0x1  }
0x91: {  	s18 =	sld [smem:$0x3FFB];
	_ =	sdelay $0x3  }
0x92: {  	_ =	strace s18  }
0x93: {  	s2 =	sld [smem:$0x3FFC];
	_ =	sdelay $0x3  }
0x94: {  	_ =	strace s2  }
0x95: {  	s2 =	sld [smem:$0x3FFD];
	_ =	sdelay $0x3  }
0x96: {  	_ =	strace s2  }
0x97: {  	_ =	strace $0x8FFFFFFF  }
0x98: {  	s19 =	sld [smem:$0x3FDB];
	_ =	sdelay $0x1  }
0x99: {  	s20 =	simm.s32 $_scs_section_size  }
0x9a: {  	s4 =	simm.s32 $_size__tile_overlayer_lowered;
	s5 =	simm.s32 $_tile_overlayer_lowered  }
0x9b: {  	s6 =	simm.s32 $0x1BFF;
	s21 =	sshll.u32 s5, $0x1;
	s3 =	sadd.s32 s20, s19  }
0x9c: {  	s22 =	simm.s32 $0x0;
	s4 =	sshll.u32 s4, $0x1;
	s5 =	sadd.s32 s21, s3  }
0x9d: {  	[timem:s22], [sflag:s6] =	dma.local [hbm:s5], s4  }
0x9e: {  	_ =	swait.ge [sflag:s6], s4  }
0x9f: {  	s4 =	ssub.s32 $0x0, s4;
	[sflag:s6] =	ssyncset.done $0x0  }
0xa0: {  	[sflag:s6] =	ssyncadd.s32 s4;
	_ =	sdelay $0x1  }
0xa1: {  	s23 =	simm.s32 $0x1B8B  }
0xa2: {  	_ =	swait.ge [sflag:s23], $0x1  }
0xa3: {  	[sflag:s23] =	ssyncset.done $0x0  }
0xa4: {  	[sflag:s23] =	ssyncadd.s32 $0xFFFFFFFF  }
0xa5: {  	s4 =	sld [smem:$0x0]  }
0xa6: {  	s5 =	sand.u32 $0xFFFFFFFE, s1  }
0xa7: {  	p0 =	sne.s32 s1, s5  }
0xa8: {  	s5 =	sshll.u32 @p0 s5, $0xE  }
0xa9: {  	s5 =	sadd.s32 @p0 $0x11B8D, s5;
	s6 =	sshll.u32 @p0 s4, $0x11  }
0xaa: {  	s5 =	sor.u32 @p0 s6, s5  }
0xab: {  	[sflag:s5] =	ssyncadd.remote.s32 @p0 $0x1;
	_ =	sdelay $0x1  }
0xac: {  	s5 =	simm.s32 @p0 $0x1B8D  }
0xad: {  	_ =	swait.eq @p0 [sflag:s5], $0x1  }
0xae: {  	[sflag:s5] =	ssyncadd.s32 @p0 $0xFFFFFFFF  }
0xaf: {  	s6 =	sshll.u32 @!p0 s1, $0xE  }
0xb0: {  	s6 =	sor.u32 @!p0 $0x4000, s6;
	s5 =	simm.s32 @!p0 $0x1B8D  }
0xb1: {  	s4 =	sshll.u32 @!p0 s4, $0x11;
	s6 =	sadd.s32 @!p0 $0x11B8D, s6;
	_ =	swait.eq @!p0 [sflag:s5], $0x1  }
0xb2: {  	s4 =	sor.u32 @!p0 s4, s6;
	[sflag:s5] =	ssyncadd.s32 @!p0 $0xFFFFFFFF  }
0xb3: {  	s25 =	simm.s32 $0x1B8E;
	s24 =	sld [smem:$0x3FFE];
	[sflag:s4] =	ssyncadd.remote.s32 @!p0 $0x1  }
0xb4: {  	s26 =	simm.s32 $execute0_lowered;
	[smem:$0x3FD2] =	sst s25  }
0xb5: {  	s5 =	sshll.u32 s26, $0x1;
	_ =	strace $0x8000004F;
	[dreg:$0x1] =	wrdreg $0xFFFFFFFF  }
0xb6: {  	s28 =	simm.s32 $_size_execute0_lowered;
	s3 =	sadd.s32 s3, s5;
	[dreg:$0x0] =	wrdreg $0x0  }
0xb7: {  	s5 =	sshll.u32 s28, $0x1;
	[dreg:$0x2] =	wrdreg s3  }
0xb8: {  	[dreg:$0x3] =	wrdreg s5  }
0xb9: {  	[dreg:$0x4] =	wrdreg $0xC0  }
0xba: {  	_ =	task [dreg:s22], $0x5FFFF  }
0xbb: {  	[dreg:$0x1] =	wrdreg $0xFFFFFFFF  }
0xbc: {  	[dreg:$0x0] =	wrdreg $0x60  }
0xbd: {  	[dreg:$0x2] =	wrdreg s24  }
0xbe: {  	[dreg:$0x3] =	wrdreg $0xF0000  }
0xbf: {  	[dreg:$0x4] =	wrdreg $0xA  }
0xc0: {  	_ =	task.clear_ibuf [dreg:s22], $0x5FFFF;
	_ =	strace $0x9000004F  }
0xc1: {  	s29 =	simm.s32 $0xA;
	_ =	strace $0x80000051  }
0xc2: {  	_ =	swait.ge [sflag:s29], $0x1  }
0xc3: {  	[sflag:s29] =	ssyncadd.s32 $0xFFFFFFFF  }
0xc4: {  	_ =	strace $0x90000051  }
0xc5: {  	_ =	sfence  }
0xc6: {  	s30 =	sld [smem:$0x0];
	_ =	sdelay $0x2  }
0xc7: {  	s31 =	sshll.u32 s1, $0xD;
	s1 =	sshrl.u32 s1, $0x2  }
0xc8: {  	s4 =	sand.u32 $0x4000, s31;
	s1 =	sadd.s32 s1, s30  }
0xc9: {  	s0 =	sor.u32 s4, s0;
	s1 =	sshll.u32 s1, $0x11  }
0xca: {  	s0 =	sor.u32 s1, s0  }
0xcb: {  	s0 =	sadd.s32 $0x8F2B, s0  }
0xcc: {  	[sflag:s0] =	ssyncadd.remote.s32 $0x1  }
0xcd: {  	_ =	sfence.sel $0xFFFF  }
0xce: {  	[dreg:$0x0] =	wrdreg $0xFFFFFFFF;
	(pc) =	sbr.abs _section_cstart, $3  }
0xcf: {  	[dreg:$0x1] =	wrdreg $0xFFFFFFFF  }
0xd0: {  	_ =	task.clear_ibuf [dreg:s22], $0x2FFFF;
	_ =	strace $0x9FFFFFFF  }
0xd1: {  	(tm) =	ssettm $0x7FFFFFFF  }
tec
execute0_lowered:
.L_overlay_start_1:
0x0: {  	(tag) =	ssettag $0x1  }
0x1: {  	s1 =	srdreg.scid  }
0x2: {  	s0 =	stileid.u32;
	s6 =	rddreg [dreg:$0x0]  }
0x3: {  	s2 =	rddreg [dreg:$0x1];
	s3 =	simm.s32 $0x0;
	s14 =	simm.s32 $0x80  }
0x4: {  	s15 =	simm.s32 $0xD000;
	s16 =	simm.s32 $0xD800;
	s17 =	simm.s32 $0xE000  }
0x5: {  	s18 =	simm.s32 $0xE800;
	s19 =	simm.s32 $0x1;
	s20 =	simm.s32 $0x2  }
0x6: {  	s21 =	simm.s32 $0x3;
	s22 =	simm.s32 $0x4;
	s23 =	simm.s32 $0x0  }
0x7: {  	s5 =	sand.u32 $0x1, s1;
	s28 =	sshll.u32 s0, $0x1;
	s8 =	smul.u32 $0xC800, s0  }
0x8: {  	[smem:$0x7FF] =	sst s3;
	s4 =	sadd.s32 $0x66400, s6;
	s31 =	sshll.u32 s0, $0x6  }
0x9: {  	s1 =	sor.u32 s5, s28;
	s9 =	smul.u32 $0xC8000, s5;
	s5 =	ssub.s32 $0x2, s5  }
0xa: {  	s7 =	smul.u32 $0xD00, s1;
	s1 =	rddreg [dreg:$0x2];
	_ =	strace $0x80000050  }
0xb: {  	s30 =	sshrl.u32 s8, $0x3;
	s11 =	sshrl.u32 s5, $0x1;
	s13 =	sadd.s32 s8, s2  }
0xc: {  	s29 =	sadd.s32 s8, s9;
	s9 =	sadd.s32 s30, s6;
	s11 =	ssub.s32 s5, s11  }
0xd: {  	s10 =	sadd.s32 s7, s6;
	s7 =	sshrl.u32 s29, $0x3;
	s5 =	sadd.s32 $0x34400, s9  }
0xe: {  	s12 =	sadd.s32 s7, s6;
	s6 =	sor.u32 $0x1C05, s31;
	s7 =	sadd.s32 $0xFD400, s10  }
0xf: {  	s8 =	sadd.s32 $0x7F400, s10;
	s10 =	smax.u32 s11, $0x1;
	s11 =	sshrl.u32 s13, $0x3  }
0x10: {  	s13 =	simm.s32 $0x6800;
	s9 =	sadd.s32 $0x99400, s12;
	s12 =	simm.s32 $0x5  }
.LBB2_1:
0x11: {  	[spmem:s11], [sflag:s6] =	dma.local [hbm:s5], $0x1900  }
0x12: {  	_ =	swait.ge [sflag:s12], $0x1900  }
0x13: {  	[sflag:s12] =	ssyncset.done $0x0  }
0x14: {  	[sflag:s12] =	ssyncadd.s32 $0xFFFFE700  }
0x15: {  	[tilespmem:s3], [sflag:$0x5] =	stream.linear.gather [hbm4b:s7+s3], $0x6800, $0x38;
	[tilespmem:$0x1B800] =	vst v63  }
0x16: {  	_ =	swait.ge [sflag:s12], $0x6800  }
0x17: {  	[sflag:s12] =	ssyncset.done $0x0  }
0x18: {  	[sflag:s12] =	ssyncadd.s32 $0xFFFF9800  }
0x19: {  	[tilespmem:s13], [sflag:$0x5] =	stream.linear.gather [hbm4b:s8+s3], $0x6800, $0x38;
	[tilespmem:$0x1B800] =	vst v63  }
0x1a: {  	_ =	swait.ge [sflag:s12], $0x6800  }
0x1b: {  	[sflag:s12] =	ssyncset.done $0x0  }
0x1c: {  	[sflag:s12] =	ssyncadd.s32 $0xFFFF9800  }
0x1d: {  	s24 =	simm.s32 $0x0;
	[bflag:$0x0] =	sbarrier.arrive $0xFFFF  }
0x1e: {  	[tilespmem:s15], [sflag:$0x1] =	stream.indirect.gather [hbm4b:s4+s14], $0x10, s24, s14, $0xb8;
	[tilespmem:$0x1B800] =	vst v63  }
0x1f: {  	s30 =	simm.s32 $0x80  }
0x20: {  	[tilespmem:s16], [sflag:$0x2] =	stream.indirect.gather [hbm4b:s4+s14], $0x10, s30, s14, $0xb8;
	[tilespmem:$0x1B800] =	vst v63  }
0x21: {  	s31 =	simm.s32 $0x100  }
0x22: {  	[tilespmem:s17], [sflag:$0x3] =	stream.indirect.gather [hbm4b:s4+s14], $0x10, s31, s14, $0xb8;
	[tilespmem:$0x1B800] =	vst v63  }
0x23: {  	s25 =	simm.s32 $0x180  }
0x24: {  	[tilespmem:s18], [sflag:$0x4] =	stream.indirect.gather [hbm4b:s4+s14], $0x10, s25, s14, $0xb8;
	[tilespmem:$0x1B800] =	vst v63  }
0x25: {  	_ =	swait.ge [sflag:s19], $0x800  }
0x26: {  	[sflag:s19] =	ssyncset.done $0x0  }
0x27: {  	s26 =	simm.s32 $0x6800;
	[sflag:s19] =	ssyncadd.s32 $0xFFFFF800  }
0x28: {  	[spmem:s2] =	stream.indirect.scatter.add.f32 [tilespmem:s15], [sflag:$0x5], $0x10, s26, s14, $0xb8;
	[tilespmem:$0x1B800] =	vst v63  }
0x29: {  	_ =	swait.ge [sflag:s12], $0x800  }
0x2a: {  	[sflag:s12] =	ssyncset.done $0x0  }
0x2b: {  	[sflag:s12] =	ssyncadd.s32 $0xFFFFF800  }
0x2c: {  	_ =	swait.ge [sflag:s20], $0x800  }
0x2d: {  	[sflag:s20] =	ssyncset.done $0x0  }
0x2e: {  	s29 =	simm.s32 $0x6880;
	[sflag:s20] =	ssyncadd.s32 $0xFFFFF800  }
0x2f: {  	[spmem:s2] =	stream.indirect.scatter.add.f32 [tilespmem:s16], [sflag:$0x5], $0x10, s29, s14, $0xb8;
	[tilespmem:$0x1B800] =	vst v63  }
0x30: {  	_ =	swait.ge [sflag:s12], $0x800  }
0x31: {  	[sflag:s12] =	ssyncset.done $0x0  }
0x32: {  	[sflag:s12] =	ssyncadd.s32 $0xFFFFF800  }
0x33: {  	_ =	swait.ge [sflag:s21], $0x800  }
0x34: {  	[sflag:s21] =	ssyncset.done $0x0  }
0x35: {  	s30 =	simm.s32 $0x6900;
	[sflag:s21] =	ssyncadd.s32 $0xFFFFF800  }
0x36: {  	[spmem:s2] =	stream.indirect.scatter.add.f32 [tilespmem:s17], [sflag:$0x5], $0x10, s30, s14, $0xb8;
	[tilespmem:$0x1B800] =	vst v63  }
0x37: {  	_ =	swait.ge [sflag:s12], $0x800  }
0x38: {  	[sflag:s12] =	ssyncset.done $0x0  }
0x39: {  	[sflag:s12] =	ssyncadd.s32 $0xFFFFF800  }
0x3a: {  	_ =	swait.ge [sflag:s22], $0x800  }
0x3b: {  	[sflag:s22] =	ssyncset.done $0x0  }
0x3c: {  	s31 =	simm.s32 $0x6980;
	[sflag:s22] =	ssyncadd.s32 $0xFFFFF800  }
0x3d: {  	[spmem:s2] =	stream.indirect.scatter.add.f32 [tilespmem:s18], [sflag:$0x5], $0x10, s31, s14, $0xb8;
	[tilespmem:$0x1B800] =	vst v63  }
0x3e: {  	_ =	swait.ge [sflag:s12], $0x800  }
0x3f: {  	s28 =	simm.s32 $0x1000;
	s24 =	simm.s32 $0x800;
	[sflag:s12] =	ssyncset.done $0x0  }
.LBB2_2:
0x40: {  	s26 =	sshra.s32 s24, $0x2  }
0x41: {  	[sflag:s12] =	ssyncadd.s32 $0xFFFFF800;
	s24 =	smov.u32 s28;
	s25 =	sadd.s32 $0x800, s28  }
0x42: {  	[tilespmem:s15], [sflag:$0x1] =	stream.indirect.gather [hbm4b:s4+s14], $0x10, s26, s14, $0xb8;
	[tilespmem:$0x1B800] =	vst v63  }
0x43: {  	p0 =	sne.s32 s28, $0x19800;
	s28 =	sadd.s32 $0x80, s26  }
0x44: {  	[tilespmem:s16], [sflag:$0x2] =	stream.indirect.gather [hbm4b:s4+s14], $0x10, s28, s14, $0xb8;
	[tilespmem:$0x1B800] =	vst v63  }
0x45: {  	s28 =	sadd.s32 $0x100, s26  }
0x46: {  	[tilespmem:s17], [sflag:$0x3] =	stream.indirect.gather [hbm4b:s4+s14], $0x10, s28, s14, $0xb8;
	[tilespmem:$0x1B800] =	vst v63  }
0x47: {  	s28 =	sadd.s32 $0x180, s26  }
0x48: {  	[tilespmem:s18], [sflag:$0x4] =	stream.indirect.gather [hbm4b:s4+s14], $0x10, s28, s14, $0xb8;
	[tilespmem:$0x1B800] =	vst v63  }
0x49: {  	_ =	swait.ge [sflag:s19], $0x800  }
0x4a: {  	[sflag:s19] =	ssyncset.done $0x0  }
0x4b: {  	s28 =	sadd.s32 $0x6800, s26;
	[sflag:s19] =	ssyncadd.s32 $0xFFFFF800  }
0x4c: {  	[spmem:s2] =	stream.indirect.scatter.add.f32 [tilespmem:s15], [sflag:$0x5], $0x10, s28, s14, $0xb8;
	[tilespmem:$0x1B800] =	vst v63  }
0x4d: {  	_ =	swait.ge [sflag:s12], $0x800  }
0x4e: {  	[sflag:s12] =	ssyncset.done $0x0  }
0x4f: {  	[sflag:s12] =	ssyncadd.s32 $0xFFFFF800  }
0x50: {  	_ =	swait.ge [sflag:s20], $0x800  }
0x51: {  	[sflag:s20] =	ssyncset.done $0x0  }
0x52: {  	s28 =	sadd.s32 $0x6880, s26;
	[sflag:s20] =	ssyncadd.s32 $0xFFFFF800  }
0x53: {  	[spmem:s2] =	stream.indirect.scatter.add.f32 [tilespmem:s16], [sflag:$0x5], $0x10, s28, s14, $0xb8;
	[tilespmem:$0x1B800] =	vst v63  }
0x54: {  	_ =	swait.ge [sflag:s12], $0x800  }
0x55: {  	[sflag:s12] =	ssyncset.done $0x0  }
0x56: {  	[sflag:s12] =	ssyncadd.s32 $0xFFFFF800  }
0x57: {  	_ =	swait.ge [sflag:s21], $0x800  }
0x58: {  	[sflag:s21] =	ssyncset.done $0x0  }
0x59: {  	s28 =	sadd.s32 $0x6900, s26;
	[sflag:s21] =	ssyncadd.s32 $0xFFFFF800  }
0x5a: {  	[spmem:s2] =	stream.indirect.scatter.add.f32 [tilespmem:s17], [sflag:$0x5], $0x10, s28, s14, $0xb8;
	[tilespmem:$0x1B800] =	vst v63  }
0x5b: {  	_ =	swait.ge [sflag:s12], $0x800  }
0x5c: {  	[sflag:s12] =	ssyncset.done $0x0  }
0x5d: {  	[sflag:s12] =	ssyncadd.s32 $0xFFFFF800  }
0x5e: {  	_ =	swait.ge [sflag:s22], $0x800  }
.Ltmp0:
0x5f: {  	[sflag:s22] =	ssyncset.done $0x0;
	(pc) =	sbr.rel @p0 .LBB2_2-.Ltmp0, $4  }
0x60: {  	s26 =	sadd.s32 $0x6980, s26;
	[sflag:s22] =	ssyncadd.s32 $0xFFFFF800  }
0x61: {  	[spmem:s2] =	stream.indirect.scatter.add.f32 [tilespmem:s18], [sflag:$0x5], $0x10, s26, s14, $0xb8;
	[tilespmem:$0x1B800] =	vst v63  }
0x62: {  	_ =	swait.ge [sflag:s12], $0x800  }
0x63: {  	s28 =	smov.u32 s25;
	[sflag:s12] =	ssyncset.done $0x0  }
0x64: {  	s24 =	sshra.s32 s24, $0x2;
	[sflag:s12] =	ssyncadd.s32 $0xFFFFF800  }
0x65: {  	[tilespmem:s15], [sflag:$0x1] =	stream.indirect.gather [hbm4b:s4+s14], $0x10, s24, s14, $0xb8;
	[tilespmem:$0x1B800] =	vst v63  }
0x66: {  	s25 =	sadd.s32 $0x80, s24  }
0x67: {  	[tilespmem:s16], [sflag:$0x2] =	stream.indirect.gather [hbm4b:s4+s14], $0x10, s25, s14, $0xb8;
	[tilespmem:$0x1B800] =	vst v63  }
0x68: {  	s26 =	sadd.s32 $0x100, s24  }
0x69: {  	[tilespmem:s17], [sflag:$0x3] =	stream.indirect.gather [hbm4b:s4+s14], $0x10, s26, s14, $0xb8;
	[tilespmem:$0x1B800] =	vst v63  }
0x6a: {  	s28 =	sadd.s32 $0x180, s24  }
0x6b: {  	[tilespmem:s18], [sflag:$0x4] =	stream.indirect.gather [hbm4b:s4+s14], $0x10, s28, s14, $0xb8;
	[tilespmem:$0x1B800] =	vst v63  }
0x6c: {  	_ =	swait.ge [sflag:s19], $0x800  }
0x6d: {  	[sflag:s19] =	ssyncset.done $0x0  }
0x6e: {  	s29 =	sadd.s32 $0x6800, s24;
	[sflag:s19] =	ssyncadd.s32 $0xFFFFF800  }
0x6f: {  	[spmem:s2] =	stream.indirect.scatter.add.f32 [tilespmem:s15], [sflag:$0x5], $0x10, s29, s14, $0xb8;
	[tilespmem:$0x1B800] =	vst v63  }
0x70: {  	_ =	swait.ge [sflag:s12], $0x800  }
0x71: {  	[sflag:s12] =	ssyncset.done $0x0  }
0x72: {  	[sflag:s12] =	ssyncadd.s32 $0xFFFFF800  }
0x73: {  	_ =	swait.ge [sflag:s20], $0x800  }
0x74: {  	[sflag:s20] =	ssyncset.done $0x0  }
0x75: {  	s30 =	sadd.s32 $0x6880, s24;
	[sflag:s20] =	ssyncadd.s32 $0xFFFFF800  }
0x76: {  	[spmem:s2] =	stream.indirect.scatter.add.f32 [tilespmem:s16], [sflag:$0x5], $0x10, s30, s14, $0xb8;
	[tilespmem:$0x1B800] =	vst v63  }
0x77: {  	_ =	swait.ge [sflag:s12], $0x800  }
0x78: {  	[sflag:s12] =	ssyncset.done $0x0  }
0x79: {  	[sflag:s12] =	ssyncadd.s32 $0xFFFFF800  }
0x7a: {  	_ =	swait.ge [sflag:s21], $0x800  }
0x7b: {  	[sflag:s21] =	ssyncset.done $0x0  }
0x7c: {  	s31 =	sadd.s32 $0x6900, s24;
	[sflag:s21] =	ssyncadd.s32 $0xFFFFF800  }
0x7d: {  	[spmem:s2] =	stream.indirect.scatter.add.f32 [tilespmem:s17], [sflag:$0x5], $0x10, s31, s14, $0xb8;
	[tilespmem:$0x1B800] =	vst v63  }
0x7e: {  	_ =	swait.ge [sflag:s12], $0x800  }
0x7f: {  	[sflag:s12] =	ssyncset.done $0x0  }
0x80: {  	[sflag:s12] =	ssyncadd.s32 $0xFFFFF800  }
0x81: {  	_ =	swait.ge [sflag:s22], $0x800  }
0x82: {  	[sflag:s22] =	ssyncset.done $0x0  }
0x83: {  	s24 =	sadd.s32 $0x6980, s24;
	[sflag:s22] =	ssyncadd.s32 $0xFFFFF800  }
0x84: {  	[spmem:s2] =	stream.indirect.scatter.add.f32 [tilespmem:s18], [sflag:$0x5], $0x10, s24, s14, $0xb8;
	[tilespmem:$0x1B800] =	vst v63  }
0x85: {  	_ =	swait.ge [sflag:s12], $0x800  }
0x86: {  	s23 =	sadd.s32 $0x1, s23;
	[sflag:s12] =	ssyncset.done $0x0  }
0x87: {  	p0 =	sne.s32 s23, s10;
	[sflag:s12] =	ssyncadd.s32 $0xFFFFF800  }
.Ltmp1:
0x88: {  	[bflag:$0x0] =	sbarrier.arrive $0xFFFF;
	(pc) =	sbr.rel @p0 .LBB2_1-.Ltmp1, $4  }
0x89: {  	[hbm:s9], [sflag:s6] =	dma.local [spmem:s11], $0x1900  }
0x8a: {  	_ =	swait.ge [sflag:s12], $0x1900  }
0x8b: {  	[sflag:s12] =	ssyncset.done $0x0  }
0x8c: {  	[sflag:s12] =	ssyncadd.s32 $0xFFFFE700  }
0x8d: {  	_ =	sfence.sel $0x180000  }
0x8e: {  	[bflag:$0x0] =	sbarrier.arrive $0xFFFF  }
0x8f: {  	p0 =	sne.s32 s0, $0x0;
	_ =	strace $0x90000050  }
0x90: {  	s0 =	sadd.s32 @!p0 $0x100000, s1;
	[bflag:$0x2] =	sbarrier.arrive $0xFFFF  }
0x91: {  	[sflag:s0] =	ssyncadd.tile.s32 @!p0 $0x1;
	_ =	shalt  }
.Lfunc_end2:
_tile_overlayer_lowered:
.L_overlay_start_2:
0x92: {  	(tag) =	ssettag $0x2  }
0x93: {  	s0 =	rddreg [dreg:$0x0];
	s2 =	stileid.u32  }
0x94: {  	s1 =	rddreg [dreg:$0x1];
	p0 =	sne.s32 s2, $0x0  }
0x95: {  	s3 =	rddreg [dreg:$0x2];
	[bflag:$0x3] =	sbarrier.arrive $0xFFFF;
	s2 =	simm.s32 @!p0 $0x1C05  }
0x96: {  	[timem:s3], [sflag:s2] =	dma.local @!p0 [hbm:s0], s1  }
0x97: {  	s0 =	simm.s32 @!p0 $0x5  }
0x98: {  	_ =	swait.ge @!p0 [sflag:s0], s1  }
0x99: {  	s1 =	ssub.s32 @!p0 $0x0, s1;
	[sflag:s0] =	ssyncset.done @!p0 $0x0  }
0x9a: {  	[sflag:s0] =	ssyncadd.s32 @!p0 s1  }
0x9b: {  	[bflag:$0x3] =	sbarrier.arrive $0xFFFF  }
0x9c: {  	_ =	shalt  }

// kernel: kernel.26.cloned.1.call-start
scs
__scs_entry_jumppad:
0x0: {  	(pc) =	sbr.rel $0x88, $3  }
0x1: {  	(tag) =	ssettag $0x0;
	lr =	simm.s32 $0x1  }
0x2: {  	[smem:$0x3F9A] =	sst lr;
	_ =	strace $0xD0000000  }
0x3: {  	_ = 	snop  }
0x4: {  	_ = 	snop  }
0x5: {  	_ = 	snop  }
0x6: {  	_ = 	snop  }
0x7: {  	_ = 	snop  }
__scs_overlays_trampoline_lowered:
0x8: {  	[smem:$0x3FA9] =	sst s0  }
0x9: {  	[smem:$0x3FAA] =	sst s1  }
0xa: {  	[smem:$0x3FAB] =	sst s2  }
0xb: {  	[smem:$0x3FAC] =	sst s3  }
0xc: {  	[smem:$0x3FAD] =	sst s4  }
0xd: {  	[smem:$0x3FAE] =	sst s5  }
0xe: {  	[smem:$0x3FAF] =	sst s6  }
0xf: {  	[smem:$0x3FB0] =	sst s7  }
0x10: {  	[smem:$0x3FB1] =	sst s8  }
0x11: {  	[smem:$0x3FB2] =	sst s9;
	s0 =	simm.s32 @!p0 $0x0  }
0x12: {  	s1 =	sld [smem:$0x3F98];
	s0 =	simm.s32 @p0 $0x1  }
0x13: {  	[smem:$0x3FB3] =	sst s0;
	s0 =	simm.s32 @!p1 $0x0  }
0x14: {  	s2 =	sld [smem:$0x3F97];
	s0 =	simm.s32 @p1 $0x1  }
0x15: {  	[smem:$0x3FB4] =	sst s0;
	s0 =	simm.s32 @!p2 $0x0  }
0x16: {  	s3 =	sld [smem:$0x3FDB];
	s0 =	simm.s32 @p2 $0x1  }
0x17: {  	s4 =	simm.s32 $0x1BF5;
	[smem:$0x3FB6] =	sst s0  }
0x18: {  	s0 =	sld [smem:$0x3F99];
	_ =	swait.ge [sflag:s4], $0x0  }
0x19: {  	s7 =	sld [smem:$0x3F9A]  }
0x1a: {  	s8 =	sadd.s32 $0xFFFFE003, lr  }
0x1b: {  	s9 =	sadd.s32 $0xFFFFFEF7, lr;
	s5 =	simm.s32 $0xFFFFFFFF;
	p2 =	slt.u32 s8, $0xFFFFF086  }
0x1c: {  	p1 =	slt.u32 s9, $0xF7A;
	s5 =	simm.s32 @!p2 $0x0  }
0x1d: {  	s5 =	simm.s32 @p1 $0x1;
	p0 =	seq.s32 s7, s2  }
0x1e: {  	s7 =	smul.u32 @!p0 $0xF7A, s2;
	p2 =	seq.s32 @!p0 s5, $0x0  }
0x1f: {  	s9 =	smul.u32 $0xF7A, s1;
	s8 =	simm.s32 @!p0 $0x1BF5;
	p2 =	por !p2, p0  }
0x20: {  	[sflag:s8] =	ssyncset.s32 @!p0 $0xFFFFF086;
	s6 =	sadd.s32 @!p0 s3, s7;
	s7 =	simm.s32 @!p0 $0x108  }
0x21: {  	s3 =	sadd.s32 s3, s9;
	s6 =	sadd.s32 @!p0 $0x88, s6;
	s7 =	simm.s32 @p2 $0x1082  }
0x22: {  	[simem:s7], [sflag:s8] =	dma.local @!p0 [hbm:s6], $0xF7A  }
0x23: {  	s9 =	sor.u32 $0xD0000000, s2;
	s6 =	simm.s32 $0x108;
	_ =	swait.ge @!p0 [sflag:s8], $0x0  }
0x24: {  	s3 =	sadd.s32 $0x88, s3;
	s6 =	simm.s32 @!p1 $0x1082;
	[sflag:s4] =	ssyncset.s32 $0xFFFFF086  }
0x25: {  	[simem:s6], [sflag:s4] =	dma.local [hbm:s3], $0xF7A  }
0x26: {  	[smem:$0x3F9A] =	sst s1;
	(tag) =	ssettag s2;
	_ =	strace s9  }
0x27: {  	s1 =	sld [smem:$0x3FAA]  }
0x28: {  	s2 =	sld [smem:$0x3FAB]  }
0x29: {  	s4 =	sld [smem:$0x3FAD]  }
0x2a: {  	p0 =	seq.s32 s5, $0x0;
	s5 =	sld [smem:$0x3FAE]  }
0x2b: {  	s6 =	sld [smem:$0x3FAF]  }
0x2c: {  	s7 =	sld [smem:$0x3FB0]  }
0x2d: {  	s3 =	simm.s32 $0x108;
	s8 =	sld [smem:$0x3FB1]  }
0x2e: {  	s3 =	simm.s32 @!p0 $0x1082;
	s9 =	sld [smem:$0x3FB2]  }
0x2f: {  	lr =	sadd.s32 s0, s3;
	s0 =	sld [smem:$0x3FA9]  }
0x30: {  	s3 =	sld [smem:$0x3FAC]  }
0x31: {  	[smem:$0x3FB5] =	sst s10  }
0x32: {  	s10 =	sld [smem:$0x3FB3];
	_ =	sdelay $0x3  }
0x33: {  	p0 =	seq.s32 s10, $0x1;
	s10 =	sld [smem:$0x3FB5];
	_ =	sdelay $0x3  }
0x34: {  	[smem:$0x3FB5] =	sst s10  }
0x35: {  	s10 =	sld [smem:$0x3FB4];
	_ =	sdelay $0x3  }
0x36: {  	p1 =	seq.s32 s10, $0x1;
	s10 =	sld [smem:$0x3FB5];
	_ =	sdelay $0x3  }
0x37: {  	[smem:$0x3FB5] =	sst s10  }
0x38: {  	s10 =	sld [smem:$0x3FB6]  }
0x39: {  	_ = 	snop;
	(pc) =	sbr.ind lr, $3  }
0x3a: {  	_ = 	snop  }
0x3b: {  	_ = 	snop  }
0x3c: {  	p2 =	seq.s32 s10, $0x1;
	s10 =	sld [smem:$0x3FB5]  }
0x3d: {  	_ =	shalt  }
0x3e: {  	_ =	shalt  }
0x3f: {  	_ =	shalt  }
0x40: {  	_ =	shalt  }
0x41: {  	_ =	shalt  }
0x42: {  	_ =	shalt  }
0x43: {  	_ =	shalt  }
0x44: {  	_ =	shalt  }
0x45: {  	_ =	shalt  }
0x46: {  	_ =	shalt  }
0x47: {  	_ =	shalt  }
0x48: {  	_ =	shalt  }
0x49: {  	_ =	shalt  }
0x4a: {  	_ =	shalt  }
0x4b: {  	_ =	shalt  }
0x4c: {  	_ =	shalt  }
0x4d: {  	_ =	shalt  }
0x4e: {  	_ =	shalt  }
0x4f: {  	_ =	shalt  }
0x50: {  	_ =	shalt  }
0x51: {  	_ =	shalt  }
0x52: {  	_ =	shalt  }
0x53: {  	_ =	shalt  }
0x54: {  	_ =	shalt  }
0x55: {  	_ =	shalt  }
0x56: {  	_ =	shalt  }
0x57: {  	_ =	shalt  }
0x58: {  	_ =	shalt  }
0x59: {  	_ =	shalt  }
0x5a: {  	_ =	shalt  }
0x5b: {  	_ =	shalt  }
0x5c: {  	_ =	shalt  }
0x5d: {  	_ =	shalt  }
0x5e: {  	_ =	shalt  }
0x5f: {  	_ =	shalt  }
0x60: {  	_ =	shalt  }
0x61: {  	_ =	shalt  }
0x62: {  	_ =	shalt  }
0x63: {  	_ =	shalt  }
0x64: {  	_ =	shalt  }
0x65: {  	_ =	shalt  }
0x66: {  	_ =	shalt  }
0x67: {  	_ =	shalt  }
0x68: {  	_ =	shalt  }
0x69: {  	_ =	shalt  }
0x6a: {  	_ =	shalt  }
0x6b: {  	_ =	shalt  }
0x6c: {  	_ =	shalt  }
0x6d: {  	_ =	shalt  }
0x6e: {  	_ =	shalt  }
0x6f: {  	_ =	shalt  }
0x70: {  	_ =	shalt  }
0x71: {  	_ =	shalt  }
0x72: {  	_ =	shalt  }
0x73: {  	_ =	shalt  }
0x74: {  	_ =	shalt  }
0x75: {  	_ =	shalt  }
0x76: {  	_ =	shalt  }
0x77: {  	_ =	shalt  }
0x78: {  	_ =	shalt  }
0x79: {  	_ =	shalt  }
0x7a: {  	_ =	shalt  }
0x7b: {  	_ =	shalt  }
0x7c: {  	_ =	shalt  }
0x7d: {  	_ =	shalt  }
0x7e: {  	_ =	shalt  }
0x7f: {  	_ =	shalt  }
0x80: {  	_ =	shalt  }
0x81: {  	_ =	shalt  }
0x82: {  	_ =	shalt  }
0x83: {  	_ =	shalt  }
0x84: {  	_ =	shalt  }
0x85: {  	_ =	shalt  }
0x86: {  	_ =	shalt  }
0x87: {  	_ =	shalt  }
.Lfunc_end0:
.L_simem_size_0:
called_computation.5_lowered:
.L_overlay_start_0:
0x88: {  	s2 =	sld [smem:$0x3FD9]  }
0x89: {  	s3 =	sld [smem:$0x3FFE];
	_ =	sdelay $0x1  }
0x8a: {  	s1 =	srdreg.scid  }
0x8b: {  	s0 =	sand.u32 $0x1, s1  }
0x8c: {  	s17 =	sshll.u32 s0, $0xA;
	s2 =	sadd.s32 s3, s2  }
0x8d: {  	s2 =	sadd.s32 s2, s17  }
0x8e: {  	[smem:$0x3FC1] =	sst s2  }
0x8f: {  	_ = 	snop  }
0x90: {  	(tm) =	ssettm $0x1  }
0x91: {  	s18 =	sld [smem:$0x3FFB];
	_ =	sdelay $0x3  }
0x92: {  	_ =	strace s18  }
0x93: {  	s2 =	sld [smem:$0x3FFC];
	_ =	sdelay $0x3  }
0x94: {  	_ =	strace s2  }
0x95: {  	s2 =	sld [smem:$0x3FFD];
	_ =	sdelay $0x3  }
0x96: {  	_ =	strace s2  }
0x97: {  	_ =	strace $0x8FFFFFFF  }
0x98: {  	s19 =	sld [smem:$0x3FDB];
	_ =	sdelay $0x1  }
0x99: {  	s20 =	simm.s32 $_scs_section_size  }
0x9a: {  	s4 =	simm.s32 $_size__tile_overlayer_lowered;
	s5 =	simm.s32 $_tile_overlayer_lowered  }
0x9b: {  	s6 =	simm.s32 $0x1BFF;
	s21 =	sshll.u32 s5, $0x1;
	s3 =	sadd.s32 s20, s19  }
0x9c: {  	s22 =	simm.s32 $0x0;
	s4 =	sshll.u32 s4, $0x1;
	s5 =	sadd.s32 s21, s3  }
0x9d: {  	[timem:s22], [sflag:s6] =	dma.local [hbm:s5], s4  }
0x9e: {  	_ =	swait.ge [sflag:s6], s4  }
0x9f: {  	s4 =	ssub.s32 $0x0, s4;
	[sflag:s6] =	ssyncset.done $0x0  }
0xa0: {  	[sflag:s6] =	ssyncadd.s32 s4;
	_ =	sdelay $0x1  }
0xa1: {  	s23 =	simm.s32 $0x1B8B  }
0xa2: {  	_ =	swait.ge [sflag:s23], $0x1  }
0xa3: {  	[sflag:s23] =	ssyncset.done $0x0  }
0xa4: {  	[sflag:s23] =	ssyncadd.s32 $0xFFFFFFFF  }
0xa5: {  	s4 =	sld [smem:$0x0]  }
0xa6: {  	s5 =	sand.u32 $0xFFFFFFFE, s1  }
0xa7: {  	p0 =	sne.s32 s1, s5  }
0xa8: {  	s5 =	sshll.u32 @p0 s5, $0xE  }
0xa9: {  	s5 =	sadd.s32 @p0 $0x11B8D, s5;
	s6 =	sshll.u32 @p0 s4, $0x11  }
0xaa: {  	s5 =	sor.u32 @p0 s6, s5  }
0xab: {  	[sflag:s5] =	ssyncadd.remote.s32 @p0 $0x1;
	_ =	sdelay $0x1  }
0xac: {  	s5 =	simm.s32 @p0 $0x1B8D  }
0xad: {  	_ =	swait.eq @p0 [sflag:s5], $0x1  }
0xae: {  	[sflag:s5] =	ssyncadd.s32 @p0 $0xFFFFFFFF  }
0xaf: {  	s6 =	sshll.u32 @!p0 s1, $0xE  }
0xb0: {  	s6 =	sor.u32 @!p0 $0x4000, s6;
	s5 =	simm.s32 @!p0 $0x1B8D  }
0xb1: {  	s4 =	sshll.u32 @!p0 s4, $0x11;
	s6 =	sadd.s32 @!p0 $0x11B8D, s6;
	_ =	swait.eq @!p0 [sflag:s5], $0x1  }
0xb2: {  	s4 =	sor.u32 @!p0 s4, s6;
	[sflag:s5] =	ssyncadd.s32 @!p0 $0xFFFFFFFF  }
0xb3: {  	s25 =	simm.s32 $0x1B8E;
	s24 =	sld [smem:$0x3FFE];
	[sflag:s4] =	ssyncadd.remote.s32 @!p0 $0x1  }
0xb4: {  	s26 =	simm.s32 $execute0_lowered;
	[smem:$0x3FD2] =	sst s25  }
0xb5: {  	s5 =	sshll.u32 s26, $0x1;
	_ =	strace $0x80000055;
	[dreg:$0x1] =	wrdreg $0xFFFFFFFF  }
0xb6: {  	s28 =	simm.s32 $_size_execute0_lowered;
	s3 =	sadd.s32 s3, s5;
	[dreg:$0x0] =	wrdreg $0x0  }
0xb7: {  	s5 =	sshll.u32 s28, $0x1;
	[dreg:$0x2] =	wrdreg s3  }
0xb8: {  	[dreg:$0x3] =	wrdreg s5  }
0xb9: {  	[dreg:$0x4] =	wrdreg $0xC0  }
0xba: {  	_ =	task [dreg:s22], $0x5FFFF  }
0xbb: {  	[dreg:$0x1] =	wrdreg $0xFFFFFFFF  }
0xbc: {  	[dreg:$0x0] =	wrdreg $0x60  }
0xbd: {  	[dreg:$0x2] =	wrdreg s24  }
0xbe: {  	[dreg:$0x3] =	wrdreg $0xF0000  }
0xbf: {  	[dreg:$0x4] =	wrdreg $0xA  }
0xc0: {  	_ =	task.clear_ibuf [dreg:s22], $0x5FFFF;
	_ =	strace $0x90000055  }
0xc1: {  	s29 =	simm.s32 $0xA;
	_ =	strace $0x80000057  }
0xc2: {  	_ =	swait.ge [sflag:s29], $0x1  }
0xc3: {  	[sflag:s29] =	ssyncadd.s32 $0xFFFFFFFF  }
0xc4: {  	_ =	strace $0x90000057  }
0xc5: {  	_ =	sfence  }
0xc6: {  	s30 =	sld [smem:$0x0];
	_ =	sdelay $0x2  }
0xc7: {  	s31 =	sshll.u32 s1, $0xD;
	s1 =	sshrl.u32 s1, $0x2  }
0xc8: {  	s4 =	sand.u32 $0x4000, s31;
	s1 =	sadd.s32 s1, s30  }
0xc9: {  	s0 =	sor.u32 s4, s0;
	s1 =	sshll.u32 s1, $0x11  }
0xca: {  	s0 =	sor.u32 s1, s0  }
0xcb: {  	s0 =	sadd.s32 $0x8F2B, s0  }
0xcc: {  	[sflag:s0] =	ssyncadd.remote.s32 $0x1  }
0xcd: {  	_ =	sfence.sel $0xFFFF  }
0xce: {  	[dreg:$0x0] =	wrdreg $0xFFFFFFFF;
	(pc) =	sbr.abs _section_cstart, $3  }
0xcf: {  	[dreg:$0x1] =	wrdreg $0xFFFFFFFF  }
0xd0: {  	_ =	task.clear_ibuf [dreg:s22], $0x2FFFF;
	_ =	strace $0x9FFFFFFF  }
0xd1: {  	(tm) =	ssettm $0x7FFFFFFF  }
tec
execute0_lowered:
.L_overlay_start_1:
0x0: {  	(tag) =	ssettag $0x1  }
0x1: {  	s1 =	srdreg.scid  }
0x2: {  	s0 =	stileid.u32;
	s6 =	rddreg [dreg:$0x0]  }
0x3: {  	s2 =	rddreg [dreg:$0x1];
	s3 =	simm.s32 $0x0;
	s14 =	simm.s32 $0x80  }
0x4: {  	s15 =	simm.s32 $0xD000;
	s16 =	simm.s32 $0xD800;
	s17 =	simm.s32 $0xE000  }
0x5: {  	s18 =	simm.s32 $0xE800;
	s19 =	simm.s32 $0x1;
	s20 =	simm.s32 $0x2  }
0x6: {  	s21 =	simm.s32 $0x3;
	s22 =	simm.s32 $0x4;
	s23 =	simm.s32 $0x0  }
0x7: {  	s5 =	sand.u32 $0x1, s1;
	s28 =	sshll.u32 s0, $0x1;
	s8 =	smul.u32 $0xC800, s0  }
0x8: {  	[smem:$0x7FF] =	sst s3;
	s4 =	sadd.s32 $0x66400, s6;
	s31 =	sshll.u32 s0, $0x6  }
0x9: {  	s1 =	sor.u32 s5, s28;
	s9 =	smul.u32 $0xC8000, s5;
	s5 =	ssub.s32 $0x2, s5  }
0xa: {  	s7 =	smul.u32 $0xD00, s1;
	s1 =	rddreg [dreg:$0x2];
	_ =	strace $0x80000056  }
0xb: {  	s30 =	sshrl.u32 s8, $0x3;
	s11 =	sshrl.u32 s5, $0x1;
	s13 =	sadd.s32 s8, s2  }
0xc: {  	s29 =	sadd.s32 s8, s9;
	s9 =	sadd.s32 s30, s6;
	s11 =	ssub.s32 s5, s11  }
0xd: {  	s10 =	sadd.s32 s7, s6;
	s7 =	sshrl.u32 s29, $0x3;
	s5 =	sadd.s32 $0x34400, s9  }
0xe: {  	s12 =	sadd.s32 s7, s6;
	s6 =	sor.u32 $0x1C05, s31;
	s7 =	sadd.s32 $0xFD400, s10  }
0xf: {  	s8 =	sadd.s32 $0x7F400, s10;
	s10 =	smax.u32 s11, $0x1;
	s11 =	sshrl.u32 s13, $0x3  }
0x10: {  	s13 =	simm.s32 $0x6800;
	s9 =	sadd.s32 $0x99400, s12;
	s12 =	simm.s32 $0x5  }
.LBB2_1:
0x11: {  	[spmem:s11], [sflag:s6] =	dma.local [hbm:s5], $0x1900  }
0x12: {  	_ =	swait.ge [sflag:s12], $0x1900  }
0x13: {  	[sflag:s12] =	ssyncset.done $0x0  }
0x14: {  	[sflag:s12] =	ssyncadd.s32 $0xFFFFE700  }
0x15: {  	[tilespmem:s3], [sflag:$0x5] =	stream.linear.gather [hbm4b:s7+s3], $0x6800, $0x38;
	[tilespmem:$0x1B800] =	vst v63  }
0x16: {  	_ =	swait.ge [sflag:s12], $0x6800  }
0x17: {  	[sflag:s12] =	ssyncset.done $0x0  }
0x18: {  	[sflag:s12] =	ssyncadd.s32 $0xFFFF9800  }
0x19: {  	[tilespmem:s13], [sflag:$0x5] =	stream.linear.gather [hbm4b:s8+s3], $0x6800, $0x38;
	[tilespmem:$0x1B800] =	vst v63  }
0x1a: {  	_ =	swait.ge [sflag:s12], $0x6800  }
0x1b: {  	[sflag:s12] =	ssyncset.done $0x0  }
0x1c: {  	[sflag:s12] =	ssyncadd.s32 $0xFFFF9800  }
0x1d: {  	s24 =	simm.s32 $0x0;
	[bflag:$0x0] =	sbarrier.arrive $0xFFFF  }
0x1e: {  	[tilespmem:s15], [sflag:$0x1] =	stream.indirect.gather [hbm4b:s4+s14], $0x10, s24, s14, $0xb8;
	[tilespmem:$0x1B800] =	vst v63  }
0x1f: {  	s30 =	simm.s32 $0x80  }
0x20: {  	[tilespmem:s16], [sflag:$0x2] =	stream.indirect.gather [hbm4b:s4+s14], $0x10, s30, s14, $0xb8;
	[tilespmem:$0x1B800] =	vst v63  }
0x21: {  	s31 =	simm.s32 $0x100  }
0x22: {  	[tilespmem:s17], [sflag:$0x3] =	stream.indirect.gather [hbm4b:s4+s14], $0x10, s31, s14, $0xb8;
	[tilespmem:$0x1B800] =	vst v63  }
0x23: {  	s25 =	simm.s32 $0x180  }
0x24: {  	[tilespmem:s18], [sflag:$0x4] =	stream.indirect.gather [hbm4b:s4+s14], $0x10, s25, s14, $0xb8;
	[tilespmem:$0x1B800] =	vst v63  }
0x25: {  	_ =	swait.ge [sflag:s19], $0x800  }
0x26: {  	[sflag:s19] =	ssyncset.done $0x0  }
0x27: {  	s26 =	simm.s32 $0x6800;
	[sflag:s19] =	ssyncadd.s32 $0xFFFFF800  }
0x28: {  	[spmem:s2] =	stream.indirect.scatter.add.f32 [tilespmem:s15], [sflag:$0x5], $0x10, s26, s14, $0xb8;
	[tilespmem:$0x1B800] =	vst v63  }
0x29: {  	_ =	swait.ge [sflag:s12], $0x800  }
0x2a: {  	[sflag:s12] =	ssyncset.done $0x0  }
0x2b: {  	[sflag:s12] =	ssyncadd.s32 $0xFFFFF800  }
0x2c: {  	_ =	swait.ge [sflag:s20], $0x800  }
0x2d: {  	[sflag:s20] =	ssyncset.done $0x0  }
0x2e: {  	s29 =	simm.s32 $0x6880;
	[sflag:s20] =	ssyncadd.s32 $0xFFFFF800  }
0x2f: {  	[spmem:s2] =	stream.indirect.scatter.add.f32 [tilespmem:s16], [sflag:$0x5], $0x10, s29, s14, $0xb8;
	[tilespmem:$0x1B800] =	vst v63  }
0x30: {  	_ =	swait.ge [sflag:s12], $0x800  }
0x31: {  	[sflag:s12] =	ssyncset.done $0x0  }
0x32: {  	[sflag:s12] =	ssyncadd.s32 $0xFFFFF800  }
0x33: {  	_ =	swait.ge [sflag:s21], $0x800  }
0x34: {  	[sflag:s21] =	ssyncset.done $0x0  }
0x35: {  	s30 =	simm.s32 $0x6900;
	[sflag:s21] =	ssyncadd.s32 $0xFFFFF800  }
0x36: {  	[spmem:s2] =	stream.indirect.scatter.add.f32 [tilespmem:s17], [sflag:$0x5], $0x10, s30, s14, $0xb8;
	[tilespmem:$0x1B800] =	vst v63  }
0x37: {  	_ =	swait.ge [sflag:s12], $0x800  }
0x38: {  	[sflag:s12] =	ssyncset.done $0x0  }
0x39: {  	[sflag:s12] =	ssyncadd.s32 $0xFFFFF800  }
0x3a: {  	_ =	swait.ge [sflag:s22], $0x800  }
0x3b: {  	[sflag:s22] =	ssyncset.done $0x0  }
0x3c: {  	s31 =	simm.s32 $0x6980;
	[sflag:s22] =	ssyncadd.s32 $0xFFFFF800  }
0x3d: {  	[spmem:s2] =	stream.indirect.scatter.add.f32 [tilespmem:s18], [sflag:$0x5], $0x10, s31, s14, $0xb8;
	[tilespmem:$0x1B800] =	vst v63  }
0x3e: {  	_ =	swait.ge [sflag:s12], $0x800  }
0x3f: {  	s28 =	simm.s32 $0x1000;
	s24 =	simm.s32 $0x800;
	[sflag:s12] =	ssyncset.done $0x0  }
.LBB2_2:
0x40: {  	s26 =	sshra.s32 s24, $0x2  }
0x41: {  	[sflag:s12] =	ssyncadd.s32 $0xFFFFF800;
	s24 =	smov.u32 s28;
	s25 =	sadd.s32 $0x800, s28  }
0x42: {  	[tilespmem:s15], [sflag:$0x1] =	stream.indirect.gather [hbm4b:s4+s14], $0x10, s26, s14, $0xb8;
	[tilespmem:$0x1B800] =	vst v63  }
0x43: {  	p0 =	sne.s32 s28, $0x19800;
	s28 =	sadd.s32 $0x80, s26  }
0x44: {  	[tilespmem:s16], [sflag:$0x2] =	stream.indirect.gather [hbm4b:s4+s14], $0x10, s28, s14, $0xb8;
	[tilespmem:$0x1B800] =	vst v63  }
0x45: {  	s28 =	sadd.s32 $0x100, s26  }
0x46: {  	[tilespmem:s17], [sflag:$0x3] =	stream.indirect.gather [hbm4b:s4+s14], $0x10, s28, s14, $0xb8;
	[tilespmem:$0x1B800] =	vst v63  }
0x47: {  	s28 =	sadd.s32 $0x180, s26  }
0x48: {  	[tilespmem:s18], [sflag:$0x4] =	stream.indirect.gather [hbm4b:s4+s14], $0x10, s28, s14, $0xb8;
	[tilespmem:$0x1B800] =	vst v63  }
0x49: {  	_ =	swait.ge [sflag:s19], $0x800  }
0x4a: {  	[sflag:s19] =	ssyncset.done $0x0  }
0x4b: {  	s28 =	sadd.s32 $0x6800, s26;
	[sflag:s19] =	ssyncadd.s32 $0xFFFFF800  }
0x4c: {  	[spmem:s2] =	stream.indirect.scatter.add.f32 [tilespmem:s15], [sflag:$0x5], $0x10, s28, s14, $0xb8;
	[tilespmem:$0x1B800] =	vst v63  }
0x4d: {  	_ =	swait.ge [sflag:s12], $0x800  }
0x4e: {  	[sflag:s12] =	ssyncset.done $0x0  }
0x4f: {  	[sflag:s12] =	ssyncadd.s32 $0xFFFFF800  }
0x50: {  	_ =	swait.ge [sflag:s20], $0x800  }
0x51: {  	[sflag:s20] =	ssyncset.done $0x0  }
0x52: {  	s28 =	sadd.s32 $0x6880, s26;
	[sflag:s20] =	ssyncadd.s32 $0xFFFFF800  }
0x53: {  	[spmem:s2] =	stream.indirect.scatter.add.f32 [tilespmem:s16], [sflag:$0x5], $0x10, s28, s14, $0xb8;
	[tilespmem:$0x1B800] =	vst v63  }
0x54: {  	_ =	swait.ge [sflag:s12], $0x800  }
0x55: {  	[sflag:s12] =	ssyncset.done $0x0  }
0x56: {  	[sflag:s12] =	ssyncadd.s32 $0xFFFFF800  }
0x57: {  	_ =	swait.ge [sflag:s21], $0x800  }
0x58: {  	[sflag:s21] =	ssyncset.done $0x0  }
0x59: {  	s28 =	sadd.s32 $0x6900, s26;
	[sflag:s21] =	ssyncadd.s32 $0xFFFFF800  }
0x5a: {  	[spmem:s2] =	stream.indirect.scatter.add.f32 [tilespmem:s17], [sflag:$0x5], $0x10, s28, s14, $0xb8;
	[tilespmem:$0x1B800] =	vst v63  }
0x5b: {  	_ =	swait.ge [sflag:s12], $0x800  }
0x5c: {  	[sflag:s12] =	ssyncset.done $0x0  }
0x5d: {  	[sflag:s12] =	ssyncadd.s32 $0xFFFFF800  }
0x5e: {  	_ =	swait.ge [sflag:s22], $0x800  }
.Ltmp0:
0x5f: {  	[sflag:s22] =	ssyncset.done $0x0;
	(pc) =	sbr.rel @p0 .LBB2_2-.Ltmp0, $4  }
0x60: {  	s26 =	sadd.s32 $0x6980, s26;
	[sflag:s22] =	ssyncadd.s32 $0xFFFFF800  }
0x61: {  	[spmem:s2] =	stream.indirect.scatter.add.f32 [tilespmem:s18], [sflag:$0x5], $0x10, s26, s14, $0xb8;
	[tilespmem:$0x1B800] =	vst v63  }
0x62: {  	_ =	swait.ge [sflag:s12], $0x800  }
0x63: {  	s28 =	smov.u32 s25;
	[sflag:s12] =	ssyncset.done $0x0  }
0x64: {  	s24 =	sshra.s32 s24, $0x2;
	[sflag:s12] =	ssyncadd.s32 $0xFFFFF800  }
0x65: {  	[tilespmem:s15], [sflag:$0x1] =	stream.indirect.gather [hbm4b:s4+s14], $0x10, s24, s14, $0xb8;
	[tilespmem:$0x1B800] =	vst v63  }
0x66: {  	s25 =	sadd.s32 $0x80, s24  }
0x67: {  	[tilespmem:s16], [sflag:$0x2] =	stream.indirect.gather [hbm4b:s4+s14], $0x10, s25, s14, $0xb8;
	[tilespmem:$0x1B800] =	vst v63  }
0x68: {  	s26 =	sadd.s32 $0x100, s24  }
0x69: {  	[tilespmem:s17], [sflag:$0x3] =	stream.indirect.gather [hbm4b:s4+s14], $0x10, s26, s14, $0xb8;
	[tilespmem:$0x1B800] =	vst v63  }
0x6a: {  	s28 =	sadd.s32 $0x180, s24  }
0x6b: {  	[tilespmem:s18], [sflag:$0x4] =	stream.indirect.gather [hbm4b:s4+s14], $0x10, s28, s14, $0xb8;
	[tilespmem:$0x1B800] =	vst v63  }
0x6c: {  	_ =	swait.ge [sflag:s19], $0x800  }
0x6d: {  	[sflag:s19] =	ssyncset.done $0x0  }
0x6e: {  	s29 =	sadd.s32 $0x6800, s24;
	[sflag:s19] =	ssyncadd.s32 $0xFFFFF800  }
0x6f: {  	[spmem:s2] =	stream.indirect.scatter.add.f32 [tilespmem:s15], [sflag:$0x5], $0x10, s29, s14, $0xb8;
	[tilespmem:$0x1B800] =	vst v63  }
0x70: {  	_ =	swait.ge [sflag:s12], $0x800  }
0x71: {  	[sflag:s12] =	ssyncset.done $0x0  }
0x72: {  	[sflag:s12] =	ssyncadd.s32 $0xFFFFF800  }
0x73: {  	_ =	swait.ge [sflag:s20], $0x800  }
0x74: {  	[sflag:s20] =	ssyncset.done $0x0  }
0x75: {  	s30 =	sadd.s32 $0x6880, s24;
	[sflag:s20] =	ssyncadd.s32 $0xFFFFF800  }
0x76: {  	[spmem:s2] =	stream.indirect.scatter.add.f32 [tilespmem:s16], [sflag:$0x5], $0x10, s30, s14, $0xb8;
	[tilespmem:$0x1B800] =	vst v63  }
0x77: {  	_ =	swait.ge [sflag:s12], $0x800  }
0x78: {  	[sflag:s12] =	ssyncset.done $0x0  }
0x79: {  	[sflag:s12] =	ssyncadd.s32 $0xFFFFF800  }
0x7a: {  	_ =	swait.ge [sflag:s21], $0x800  }
0x7b: {  	[sflag:s21] =	ssyncset.done $0x0  }
0x7c: {  	s31 =	sadd.s32 $0x6900, s24;
	[sflag:s21] =	ssyncadd.s32 $0xFFFFF800  }
0x7d: {  	[spmem:s2] =	stream.indirect.scatter.add.f32 [tilespmem:s17], [sflag:$0x5], $0x10, s31, s14, $0xb8;
	[tilespmem:$0x1B800] =	vst v63  }
0x7e: {  	_ =	swait.ge [sflag:s12], $0x800  }
0x7f: {  	[sflag:s12] =	ssyncset.done $0x0  }
0x80: {  	[sflag:s12] =	ssyncadd.s32 $0xFFFFF800  }
0x81: {  	_ =	swait.ge [sflag:s22], $0x800  }
0x82: {  	[sflag:s22] =	ssyncset.done $0x0  }
0x83: {  	s24 =	sadd.s32 $0x6980, s24;
	[sflag:s22] =	ssyncadd.s32 $0xFFFFF800  }
0x84: {  	[spmem:s2] =	stream.indirect.scatter.add.f32 [tilespmem:s18], [sflag:$0x5], $0x10, s24, s14, $0xb8;
	[tilespmem:$0x1B800] =	vst v63  }
0x85: {  	_ =	swait.ge [sflag:s12], $0x800  }
0x86: {  	s23 =	sadd.s32 $0x1, s23;
	[sflag:s12] =	ssyncset.done $0x0  }
0x87: {  	p0 =	sne.s32 s23, s10;
	[sflag:s12] =	ssyncadd.s32 $0xFFFFF800  }
.Ltmp1:
0x88: {  	[bflag:$0x0] =	sbarrier.arrive $0xFFFF;
	(pc) =	sbr.rel @p0 .LBB2_1-.Ltmp1, $4  }
0x89: {  	[hbm:s9], [sflag:s6] =	dma.local [spmem:s11], $0x1900  }
0x8a: {  	_ =	swait.ge [sflag:s12], $0x1900  }
0x8b: {  	[sflag:s12] =	ssyncset.done $0x0  }
0x8c: {  	[sflag:s12] =	ssyncadd.s32 $0xFFFFE700  }
0x8d: {  	_ =	sfence.sel $0x180000  }
0x8e: {  	[bflag:$0x0] =	sbarrier.arrive $0xFFFF  }
0x8f: {  	p0 =	sne.s32 s0, $0x0;
	_ =	strace $0x90000056  }
0x90: {  	s0 =	sadd.s32 @!p0 $0x100000, s1;
	[bflag:$0x2] =	sbarrier.arrive $0xFFFF  }
0x91: {  	[sflag:s0] =	ssyncadd.tile.s32 @!p0 $0x1;
	_ =	shalt  }
.Lfunc_end2:
_tile_overlayer_lowered:
.L_overlay_start_2:
0x92: {  	(tag) =	ssettag $0x2  }
0x93: {  	s0 =	rddreg [dreg:$0x0];
	s2 =	stileid.u32  }
0x94: {  	s1 =	rddreg [dreg:$0x1];
	p0 =	sne.s32 s2, $0x0  }
0x95: {  	s3 =	rddreg [dreg:$0x2];
	[bflag:$0x3] =	sbarrier.arrive $0xFFFF;
	s2 =	simm.s32 @!p0 $0x1C05  }
0x96: {  	[timem:s3], [sflag:s2] =	dma.local @!p0 [hbm:s0], s1  }
0x97: {  	s0 =	simm.s32 @!p0 $0x5  }
0x98: {  	_ =	swait.ge @!p0 [sflag:s0], s1  }
0x99: {  	s1 =	ssub.s32 @!p0 $0x0, s1;
	[sflag:s0] =	ssyncset.done @!p0 $0x0  }
0x9a: {  	[sflag:s0] =	ssyncadd.s32 @!p0 s1  }
0x9b: {  	[bflag:$0x3] =	sbarrier.arrive $0xFFFF  }
0x9c: {  	_ =	shalt  }

</sc_bundles>
